<compile_context>
chip_gen: v7x
topology: tpu7x:2x2x1
jax: 0.10.2.dev20260603
libtpu: 0.0.44.dev20260713+nightly
codegen_flags: <defaults>
</compile_context>

<pallas_src>
import functools

import jax
import jax.numpy as jnp
from jax import lax
from jax.experimental import pallas as pl
from jax.experimental.pallas import tpu as pltpu
from jax.experimental.pallas import tpu_sc as plsc

N = 10000
F = 128
E = 320000
NHID = 128
GDIM = 32

NC = 2
NS = 16
NT = NC * NS
CHUNK = 128
CH0 = 152
CH1 = 8
PH = 40
NPH = -(-CH0 // PH)
TOTAL_CH = NS * (CH0 + CH1)
EPAD = (TOTAL_CH + NPH * PH) * CHUNK
ROWS_PER_TILE = 632
NPAD = NS * ROWS_PER_TILE
DW = 128
BN = 1000
GRID = N // BN

_f32 = jnp.float32
_i32 = jnp.int32


def _seg_body(h_hbm, srcp, dstp, aggp, src_v, dst_v,
              rows0, rows1, agg_sh, g0, g1):
  cid = lax.axis_index("c")
  sid = lax.axis_index("s")

  is0 = cid == 0
  nch = jnp.where(is0, CH0, CH1)
  base_c = jnp.where(is0, sid * CH0, NS * CH0 + sid * CH1)

  zeros16 = jnp.zeros((16,), _f32)

  def _zrow(i, carry):
    for l in range(8):
      rows0[i, pl.ds(l * 16, 16)] = zeros16
    return carry

  lax.fori_loop(0, CHUNK, _zrow, 0)

  base = sid * ROWS_PER_TILE
  for k in range(4):
    pltpu.sync_copy(rows0, agg_sh.at[pl.ds(base + k * CHUNK, CHUNK)])
  pltpu.sync_copy(rows0.at[pl.ds(0, ROWS_PER_TILE - 4 * CHUNK)],
                  agg_sh.at[pl.ds(base + 4 * CHUNK, ROWS_PER_TILE - 4 * CHUNK)])

  plsc.subcore_barrier()

  for ph in range(NPH):
    off = ph * PH
    n_ph = jnp.clip(nch - off, 0, PH)
    pltpu.sync_copy(srcp.at[pl.ds(base_c + off, PH)], src_v)
    pltpu.sync_copy(dstp.at[pl.ds(base_c + off, PH)], dst_v)

    def _pair(k, carry):
      j0 = 2 * k
      j1 = 2 * k + 1
      cp0 = pltpu.async_copy(h_hbm.at[src_v.at[j0]], rows0, g0)
      cp1 = pltpu.async_copy(h_hbm.at[src_v.at[j1]], rows1, g1)
      cp0.wait()
      pltpu.sync_copy(rows0, agg_sh.at[dst_v.at[j0]], add=True)
      cp1.wait()
      pltpu.sync_copy(rows1, agg_sh.at[dst_v.at[j1]], add=True)
      return carry

    lax.fori_loop(0, n_ph // 2, _pair, 0)

  plsc.subcore_barrier()

  pltpu.sync_copy(agg_sh.at[pl.ds(base, ROWS_PER_TILE)],
                  aggp.at[cid, pl.ds(base, ROWS_PER_TILE)])


_seg_call = pl.kernel(
    _seg_body,
    out_type=(jax.ShapeDtypeStruct((NC, NPAD, NHID), _f32),),
    mesh=plsc.VectorSubcoreMesh(core_axis_name="c", subcore_axis_name="s"),
    scratch_types=(
        pltpu.VMEM((PH, CHUNK), _i32),
        pltpu.VMEM((PH, CHUNK), _i32),
        pltpu.VMEM((CHUNK, NHID), _f32),
        pltpu.VMEM((CHUNK, NHID), _f32),
        pltpu.VMEM_SHARED((NPAD, NHID), _f32),
        pltpu.SemaphoreType.DMA,
        pltpu.SemaphoreType.DMA,
    ),
)


DCH = TOTAL_CH // NT


def _deg_body(dstp, degp, dst_v, ones_v, z_v, deg_sh, sem):
  cid = lax.axis_index("c")
  sid = lax.axis_index("s")
  wid = cid * NS + sid

  pltpu.sync_copy(dstp.at[pl.ds(wid * DCH, DCH)], dst_v)

  zeros16 = jnp.zeros((16,), _f32)
  ones16 = jnp.full((16,), 1.0, _f32)

  def _zrow(i, carry):
    for l in range(8):
      ones_v[i, pl.ds(l * 16, 16)] = ones16
      z_v[i, pl.ds(l * 16, 16)] = zeros16
    return carry

  lax.fori_loop(0, CHUNK, _zrow, 0)

  base = sid * ROWS_PER_TILE
  for k in range(4):
    pltpu.sync_copy(z_v, deg_sh.at[pl.ds(base + k * CHUNK, CHUNK)])
  pltpu.sync_copy(z_v.at[pl.ds(0, ROWS_PER_TILE - 4 * CHUNK)],
                  deg_sh.at[pl.ds(base + 4 * CHUNK, ROWS_PER_TILE - 4 * CHUNK)])

  plsc.subcore_barrier()

  def _chunk(j, carry):
    pltpu.sync_copy(ones_v, deg_sh.at[dst_v.at[j]], add=True)
    return carry

  lax.fori_loop(0, DCH, _chunk, 0)

  plsc.subcore_barrier()

  pltpu.sync_copy(deg_sh.at[pl.ds(base, ROWS_PER_TILE)],
                  degp.at[cid, pl.ds(base, ROWS_PER_TILE)])


_deg_call = pl.kernel(
    _deg_body,
    out_type=(jax.ShapeDtypeStruct((NC, NPAD, DW), _f32),),
    mesh=plsc.VectorSubcoreMesh(core_axis_name="c", subcore_axis_name="s"),
    scratch_types=(
        pltpu.VMEM((DCH, CHUNK), _i32),
        pltpu.VMEM((CHUNK, DW), _f32),
        pltpu.VMEM((CHUNK, DW), _f32),
        pltpu.VMEM_SHARED((NPAD, DW), _f32),
        pltpu.SemaphoreType.DMA,
    ),
)


def _layer_body(h_ref, aggp_ref, degp_ref, ws_ref, wn_ref, b_ref,
                out_ref, rmax_ref, rsum_ref):
  i = pl.program_id(0)
  h = h_ref[...]
  agg = aggp_ref[0] + aggp_ref[1]
  deg = degp_ref[0, :, 0:1] + degp_ref[1, :, 0:1]
  scale = 1.0 / jnp.maximum(deg, 1.0)
  a = agg * scale
  hp = jnp.dot(h, ws_ref[...], preferred_element_type=_f32)
  hp += jnp.dot(a, wn_ref[...], preferred_element_type=_f32)
  hp = jnp.maximum(hp + b_ref[...], 0.0)
  out_ref[...] = hp
  bmax = jnp.broadcast_to(jnp.max(hp, axis=0), (8, NHID))
  bsum = jnp.broadcast_to(jnp.sum(hp, axis=0), (8, NHID))

  @pl.when(i == 0)
  def _():
    rmax_ref[...] = bmax
    rsum_ref[...] = bsum

  @pl.when(i > 0)
  def _():
    rmax_ref[...] = jnp.maximum(rmax_ref[...], bmax)
    rsum_ref[...] = rsum_ref[...] + bsum


_layer_call = pl.pallas_call(
    _layer_body,
    grid=(GRID,),
    in_specs=[
        pl.BlockSpec((BN, NHID), lambda i: (i, 0)),
        pl.BlockSpec((NC, BN, NHID), lambda i: (0, i, 0)),
        pl.BlockSpec((NC, BN, DW), lambda i: (0, i, 0)),
        pl.BlockSpec((NHID, NHID), lambda i: (0, 0)),
        pl.BlockSpec((NHID, NHID), lambda i: (0, 0)),
        pl.BlockSpec((1, NHID), lambda i: (0, 0)),
    ],
    out_specs=[
        pl.BlockSpec((BN, NHID), lambda i: (i, 0)),
        pl.BlockSpec((8, NHID), lambda i: (0, 0)),
        pl.BlockSpec((8, NHID), lambda i: (0, 0)),
    ],
    out_shape=[
        jax.ShapeDtypeStruct((N, NHID), _f32),
        jax.ShapeDtypeStruct((8, NHID), _f32),
        jax.ShapeDtypeStruct((8, NHID), _f32),
    ],
)


def _head_body(m1, s1, m2, s2, m3, s3, wl1, bl1, wl2, bl2, out_ref):
  rmax = m1[0:1] + m2[0:1] + m3[0:1]
  rmean = (s1[0:1] + s2[0:1] + s3[0:1]) * (1.0 / N)
  r = jnp.concatenate([rmax, rmean], axis=1)
  z = jnp.dot(r, wl1[...], preferred_element_type=_f32) + bl1[...]
  z = jnp.maximum(z, 0.0)
  z = jnp.dot(z, wl2[...], preferred_element_type=_f32) + bl2[...]
  out_ref[...] = jnp.maximum(z, 0.0)


_head_call = pl.pallas_call(
    _head_body,
    out_shape=jax.ShapeDtypeStruct((1, GDIM), _f32),
)


@jax.jit
def kernel(x, edge_index, W1s, W1n, b1, W2s, W2n, b2, W3s, W3n, b3,
           Wl1, bl1, Wl2, bl2):
  src = edge_index[0]
  dst = edge_index[1]
  pad = EPAD - E
  src_p = jnp.concatenate([src, jnp.zeros((pad,), _i32)])
  src_p = src_p.reshape(EPAD // CHUNK, CHUNK)
  dst_p = jnp.concatenate([dst, jnp.full((pad,), N, _i32)])
  dst_p = dst_p.reshape(EPAD // CHUNK, CHUNK)

  b1r = b1.reshape(1, NHID)
  b2r = b2.reshape(1, NHID)
  b3r = b3.reshape(1, NHID)

  (degp,) = _deg_call(dst_p)
  (agg1p,) = _seg_call(x, src_p, dst_p)
  h1, m1, s1 = _layer_call(x, agg1p, degp, W1s, W1n, b1r)
  (agg2p,) = _seg_call(h1, src_p, dst_p)
  h2, m2, s2 = _layer_call(h1, agg2p, degp, W2s, W2n, b2r)
  (agg3p,) = _seg_call(h2, src_p, dst_p)
  _, m3, s3 = _layer_call(h2, agg3p, degp, W3s, W3n, b3r)
  return _head_call(m1, s1, m2, s2, m3, s3, Wl1, bl1.reshape(1, NHID),
                    Wl2, bl2.reshape(1, GDIM))

# --- scband reference (transcript-rebuilt; emitter-appended) ---
"""Pipeline reference for scband-pathomic-graph-net-33457795236062 (READ-ONLY COPY).

The authoritative reference and input builder live on the scoring server;
editing this copy changes nothing except your own understanding.
"""

import jax, jax.numpy as jnp
import numpy as np

N = 10000
E = 320000
F = 128
NHID = 128
GDIM = 32


def setup_inputs(seed: int = 0) -> dict:
    key = jax.random.key(seed)
    ks = jax.random.split(key, 20)
    x = jax.random.normal(ks[0], (N, F), dtype=jnp.float32)
    edge_index = jax.random.randint(ks[1], (2, E), 0, N, dtype=jnp.int32)
    s = 0.05
    inp = {
        'x': x,
        'edge_index': edge_index,
        'W1s': jax.random.normal(ks[2], (F, NHID), dtype=jnp.float32) * s,
        'W1n': jax.random.normal(ks[3], (F, NHID), dtype=jnp.float32) * s,
        'b1': jnp.zeros((NHID,), dtype=jnp.float32),
        'W2s': jax.random.normal(ks[4], (NHID, NHID), dtype=jnp.float32) * s,
        'W2n': jax.random.normal(ks[5], (NHID, NHID), dtype=jnp.float32) * s,
        'b2': jnp.zeros((NHID,), dtype=jnp.float32),
        'W3s': jax.random.normal(ks[6], (NHID, NHID), dtype=jnp.float32) * s,
        'W3n': jax.random.normal(ks[7], (NHID, NHID), dtype=jnp.float32) * s,
        'b3': jnp.zeros((NHID,), dtype=jnp.float32),
        'Wl1': jax.random.normal(ks[8], (2 * NHID, NHID), dtype=jnp.float32) * s,
        'bl1': jnp.zeros((NHID,), dtype=jnp.float32),
        'Wl2': jax.random.normal(ks[9], (NHID, GDIM), dtype=jnp.float32) * s,
        'bl2': jnp.zeros((GDIM,), dtype=jnp.float32),
    }
    return inp


def _sage_conv(h, src, dst, Ws, Wn, b):
    # GraphSAGE with mean aggregator: h_i' = W_s h_i + W_n mean_{j->i} h_j + b
    ones = jnp.ones((src.shape[0],), dtype=h.dtype)
    deg = jax.ops.segment_sum(ones, dst, num_segments=N)
    msg = jnp.take(h, src, axis=0)
    agg = jax.ops.segment_sum(msg, dst, num_segments=N)
    agg = agg / jnp.clip(deg, 1.0)[:, None]
    return h @ Ws + agg @ Wn + b


def _readout(h):
    # global max pool + global mean pool (single graph in batch)
    return jnp.concatenate([jnp.max(h, axis=0), jnp.mean(h, axis=0)], axis=0)


def reference(x, edge_index, W1s, W1n, b1, W2s, W2n, b2, W3s, W3n, b3, Wl1, bl1, Wl2, bl2):
    src = edge_index[0]
    dst = edge_index[1]
    h1 = jax.nn.relu(_sage_conv(x, src, dst, W1s, W1n, b1))
    r1 = _readout(h1)
    h2 = jax.nn.relu(_sage_conv(h1, src, dst, W2s, W2n, b2))
    r2 = _readout(h2)
    h3 = jax.nn.relu(_sage_conv(h2, src, dst, W3s, W3n, b3))
    r3 = _readout(h3)
    r = r1 + r2 + r3  # jumping-knowledge style sum of per-layer readouts
    z = jax.nn.relu(r @ Wl1 + bl1)
    z = jax.nn.relu(z @ Wl2 + bl2)
    return z[None, :]  # [1, GDIM] graph embedding

if __name__ == "__main__":
    import jax
    _d = setup_inputs()
    print(jax.jit(kernel)(*tuple(_d.values())))

</pallas_src>

<mosaic_0001>
#map = affine_map<(d0, d1) -> (0, 0)>
#map1 = affine_map<(d0, d1) -> (0, 0, 0)>
module attributes {stable_mosaic.version = 14 : i64} {
  func.func @_seg_body(%arg0: i32, %arg1: i32, %arg2: memref<10000x128xf32, #tpu.memory_space<hbm>>, %arg3: memref<2720x128xi32, #tpu.memory_space<hbm>>, %arg4: memref<2720x128xi32, #tpu.memory_space<hbm>>, %arg5: memref<2x10112x128xf32, #tpu.memory_space<hbm>>, %arg6: memref<40x128xi32, #tpu.memory_space<vmem>>, %arg7: memref<40x128xi32, #tpu.memory_space<vmem>>, %arg8: memref<128x128xf32, #tpu.memory_space<vmem>>, %arg9: memref<128x128xf32, #tpu.memory_space<vmem>>, %arg10: memref<10112x128xf32, #tpu.memory_space<vmem_shared>>, %arg11: memref<!tpu.dma_semaphore, #tpu.memory_space<semaphore_mem>>, %arg12: memref<!tpu.dma_semaphore, #tpu.memory_space<semaphore_mem>>) attributes {dimension_semantics = [#tpu.dimension_semantics<core_parallel>, #tpu.dimension_semantics<subcore_parallel>], iteration_bounds = array<i64: 2, 16>, scalar_prefetch = 0 : i64, scratch_operands = 7 : i64, tpu.core_type = #tpu.core_type<sc_vector_subcore>, window_params = [{transform_indices = #map}, {transform_indices = #map}, {transform_indices = #map}, {transform_indices = #map1}]} {
    %eq3A = arith.constant 0 : i32
    %eq3A_0 = arith.cmpi eq, %arg0, %eq3A : i32
    %jit3A = arith.constant 152 : i32
    %jit3A_1 = arith.constant 8 : i32
    %select_n3A = arith.select %eq3A_0, %jit3A, %jit3A_1 : i32
    %mul3A = arith.constant 152 : i32
    %mul3A_2 = arith.muli %arg1, %mul3A : i32
    %mul3A_3 = arith.constant 8 : i32
    %mul3A_4 = arith.muli %arg1, %mul3A_3 : i32
    %add3A = arith.constant 2432 : i32
    %add3A_5 = arith.addi %add3A, %mul3A_4 : i32
    %select_n3A_6 = arith.select %eq3A_0, %mul3A_2, %add3A_5 : i32
    %broadcast_in_dim3A = arith.constant 0.000000e+00 : f32
    %broadcast_in_dim3A_7 = vector.broadcast %broadcast_in_dim3A : f32 to vector<16xf32>
    %scan3A = arith.constant 0 : i32
    %scan3A_8 = arith.constant 0 : i32
    %scan3A_9 = arith.constant 128 : i32
    %scan3A_10 = arith.addi %scan3A_8, %scan3A_9 : i32
    %scan3A_11 = arith.constant 1 : i32
    scf.for %scan3A_193 = %scan3A_8 to %scan3A_10 step %scan3A_11  : i32 {
      %swap3A = arith.index_cast %scan3A_193 : i32 to index
      %swap3A_194 = arith.constant 0 : index
      %swap3A_195 = tpu.vector_load %arg8[%swap3A, %swap3A_194] {strides = array<i32>} : memref<128x128xf32, #tpu.memory_space<vmem>>, vector<1x16xf32>,
      %swap3A_196 = vector.shape_cast %swap3A_195 : vector<1x16xf32> to vector<16xf32>
      %swap3A_197 = vector.shape_cast %broadcast_in_dim3A_7 : vector<16xf32> to vector<1x16xf32>
      tpu.vector_store %arg8[%swap3A, %swap3A_194], %swap3A_197 {strides = array<i32>} : memref<128x128xf32, #tpu.memory_space<vmem>>, vector<1x16xf32>,
      %swap3A_198 = arith.index_cast %scan3A_193 : i32 to index
      %swap3A_199 = arith.constant 16 : index
      %swap3A_200 = tpu.vector_load %arg8[%swap3A_198, %swap3A_199] {strides = array<i32>} : memref<128x128xf32, #tpu.memory_space<vmem>>, vector<1x16xf32>,
      %swap3A_201 = vector.shape_cast %swap3A_200 : vector<1x16xf32> to vector<16xf32>
      %swap3A_202 = vector.shape_cast %broadcast_in_dim3A_7 : vector<16xf32> to vector<1x16xf32>
      tpu.vector_store %arg8[%swap3A_198, %swap3A_199], %swap3A_202 {strides = array<i32>} : memref<128x128xf32, #tpu.memory_space<vmem>>, vector<1x16xf32>,
      %swap3A_203 = arith.index_cast %scan3A_193 : i32 to index
      %swap3A_204 = arith.constant 32 : index
      %swap3A_205 = tpu.vector_load %arg8[%swap3A_203, %swap3A_204] {strides = array<i32>} : memref<128x128xf32, #tpu.memory_space<vmem>>, vector<1x16xf32>,
      %swap3A_206 = vector.shape_cast %swap3A_205 : vector<1x16xf32> to vector<16xf32>
      %swap3A_207 = vector.shape_cast %broadcast_in_dim3A_7 : vector<16xf32> to vector<1x16xf32>
      tpu.vector_store %arg8[%swap3A_203, %swap3A_204], %swap3A_207 {strides = array<i32>} : memref<128x128xf32, #tpu.memory_space<vmem>>, vector<1x16xf32>,
      %swap3A_208 = arith.index_cast %scan3A_193 : i32 to index
      %swap3A_209 = arith.constant 48 : index
      %swap3A_210 = tpu.vector_load %arg8[%swap3A_208, %swap3A_209] {strides = array<i32>} : memref<128x128xf32, #tpu.memory_space<vmem>>, vector<1x16xf32>,
      %swap3A_211 = vector.shape_cast %swap3A_210 : vector<1x16xf32> to vector<16xf32>
      %swap3A_212 = vector.shape_cast %broadcast_in_dim3A_7 : vector<16xf32> to vector<1x16xf32>
      tpu.vector_store %arg8[%swap3A_208, %swap3A_209], %swap3A_212 {strides = array<i32>} : memref<128x128xf32, #tpu.memory_space<vmem>>, vector<1x16xf32>,
      %swap3A_213 = arith.index_cast %scan3A_193 : i32 to index
      %swap3A_214 = arith.constant 64 : index
      %swap3A_215 = tpu.vector_load %arg8[%swap3A_213, %swap3A_214] {strides = array<i32>} : memref<128x128xf32, #tpu.memory_space<vmem>>, vector<1x16xf32>,
      %swap3A_216 = vector.shape_cast %swap3A_215 : vector<1x16xf32> to vector<16xf32>
      %swap3A_217 = vector.shape_cast %broadcast_in_dim3A_7 : vector<16xf32> to vector<1x16xf32>
      tpu.vector_store %arg8[%swap3A_213, %swap3A_214], %swap3A_217 {strides = array<i32>} : memref<128x128xf32, #tpu.memory_space<vmem>>, vector<1x16xf32>,
      %swap3A_218 = arith.index_cast %scan3A_193 : i32 to index
      %swap3A_219 = arith.constant 80 : index
      %swap3A_220 = tpu.vector_load %arg8[%swap3A_218, %swap3A_219] {strides = array<i32>} : memref<128x128xf32, #tpu.memory_space<vmem>>, vector<1x16xf32>,
      %swap3A_221 = vector.shape_cast %swap3A_220 : vector<1x16xf32> to vector<16xf32>
      %swap3A_222 = vector.shape_cast %broadcast_in_dim3A_7 : vector<16xf32> to vector<1x16xf32>
      tpu.vector_store %arg8[%swap3A_218, %swap3A_219], %swap3A_222 {strides = array<i32>} : memref<128x128xf32, #tpu.memory_space<vmem>>, vector<1x16xf32>,
      %swap3A_223 = arith.index_cast %scan3A_193 : i32 to index
      %swap3A_224 = arith.constant 96 : index
      %swap3A_225 = tpu.vector_load %arg8[%swap3A_223, %swap3A_224] {strides = array<i32>} : memref<128x128xf32, #tpu.memory_space<vmem>>, vector<1x16xf32>,
      %swap3A_226 = vector.shape_cast %swap3A_225 : vector<1x16xf32> to vector<16xf32>
      %swap3A_227 = vector.shape_cast %broadcast_in_dim3A_7 : vector<16xf32> to vector<1x16xf32>
      tpu.vector_store %arg8[%swap3A_223, %swap3A_224], %swap3A_227 {strides = array<i32>} : memref<128x128xf32, #tpu.memory_space<vmem>>, vector<1x16xf32>,
      %swap3A_228 = arith.index_cast %scan3A_193 : i32 to index
      %swap3A_229 = arith.constant 112 : index
      %swap3A_230 = tpu.vector_load %arg8[%swap3A_228, %swap3A_229] {strides = array<i32>} : memref<128x128xf32, #tpu.memory_space<vmem>>, vector<1x16xf32>,
      %swap3A_231 = vector.shape_cast %swap3A_230 : vector<1x16xf32> to vector<16xf32>
      %swap3A_232 = vector.shape_cast %broadcast_in_dim3A_7 : vector<16xf32> to vector<1x16xf32>
      tpu.vector_store %arg8[%swap3A_228, %swap3A_229], %swap3A_232 {strides = array<i32>} : memref<128x128xf32, #tpu.memory_space<vmem>>, vector<1x16xf32>,
    }
    %scan3A_12 = arith.constant 128 : i32
    %mul3A_13 = arith.constant 632 : i32
    %mul3A_14 = arith.muli %arg1, %mul3A_13 : i32
    %add3A_15 = arith.constant 0 : i32
    %add3A_16 = arith.addi %mul3A_14, %add3A_15 : i32
    "tpu.region"() ({
      %run_scoped3A = tpu.sem_alloc : memref<!tpu.dma_semaphore, #tpu.memory_space<semaphore_mem>>
      %dma_start3A = arith.constant 0 : i32
      %dma_start3A_193 = tpu.memref_slice %arg10[%add3A_16, %dma_start3A] : memref<10112x128xf32, #tpu.memory_space<vmem_shared>> -> memref<128x128xf32, #tpu.memory_space<vmem_shared>>
      %dma_start3A_194 = arith.constant 0 : i32
      %dma_start3A_195 = tpu.memref_slice %arg10[%add3A_16, %dma_start3A_194] : memref<10112x128xf32, #tpu.memory_space<vmem_shared>> -> memref<128x128xf32, #tpu.memory_space<vmem_shared>>
      tpu.enqueue_dma source(%arg8 : memref<128x128xf32, #tpu.memory_space<vmem>>) target(%dma_start3A_195 : memref<128x128xf32, #tpu.memory_space<vmem_shared>>) target_semaphore(%run_scoped3A : memref<!tpu.dma_semaphore, #tpu.memory_space<semaphore_mem>>)
      %dma_wait3A = arith.constant 0 : i32
      %dma_wait3A_196 = tpu.memref_slice %arg10[%add3A_16, %dma_wait3A] : memref<10112x128xf32, #tpu.memory_space<vmem_shared>> -> memref<128x128xf32, #tpu.memory_space<vmem_shared>>
      %dma_wait3A_197 = arith.constant 0 : i32
      %dma_wait3A_198 = tpu.memref_slice %arg10[%add3A_16, %dma_wait3A_197] : memref<10112x128xf32, #tpu.memory_space<vmem_shared>> -> memref<128x128xf32, #tpu.memory_space<vmem_shared>>
      tpu.wait_dma2 semaphore(%run_scoped3A : memref<!tpu.dma_semaphore, #tpu.memory_space<semaphore_mem>>) src(%arg8 : memref<128x128xf32, #tpu.memory_space<vmem>>) dst(%dma_wait3A_198 : memref<128x128xf32, #tpu.memory_space<vmem_shared>>)
      tpu.yield
    }) : () -> ()
    %add3A_17 = arith.constant 128 : i32
    %add3A_18 = arith.addi %mul3A_14, %add3A_17 : i32
    "tpu.region"() ({
      %run_scoped3A = tpu.sem_alloc : memref<!tpu.dma_semaphore, #tpu.memory_space<semaphore_mem>>
      %dma_start3A = arith.constant 0 : i32
      %dma_start3A_193 = tpu.memref_slice %arg10[%add3A_18, %dma_start3A] : memref<10112x128xf32, #tpu.memory_space<vmem_shared>> -> memref<128x128xf32, #tpu.memory_space<vmem_shared>>
      %dma_start3A_194 = arith.constant 0 : i32
      %dma_start3A_195 = tpu.memref_slice %arg10[%add3A_18, %dma_start3A_194] : memref<10112x128xf32, #tpu.memory_space<vmem_shared>> -> memref<128x128xf32, #tpu.memory_space<vmem_shared>>
      tpu.enqueue_dma source(%arg8 : memref<128x128xf32, #tpu.memory_space<vmem>>) target(%dma_start3A_195 : memref<128x128xf32, #tpu.memory_space<vmem_shared>>) target_semaphore(%run_scoped3A : memref<!tpu.dma_semaphore, #tpu.memory_space<semaphore_mem>>)
      %dma_wait3A = arith.constant 0 : i32
      %dma_wait3A_196 = tpu.memref_slice %arg10[%add3A_18, %dma_wait3A] : memref<10112x128xf32, #tpu.memory_space<vmem_shared>> -> memref<128x128xf32, #tpu.memory_space<vmem_shared>>
      %dma_wait3A_197 = arith.constant 0 : i32
      %dma_wait3A_198 = tpu.memref_slice %arg10[%add3A_18, %dma_wait3A_197] : memref<10112x128xf32, #tpu.memory_space<vmem_shared>> -> memref<128x128xf32, #tpu.memory_space<vmem_shared>>
      tpu.wait_dma2 semaphore(%run_scoped3A : memref<!tpu.dma_semaphore, #tpu.memory_space<semaphore_mem>>) src(%arg8 : memref<128x128xf32, #tpu.memory_space<vmem>>) dst(%dma_wait3A_198 : memref<128x128xf32, #tpu.memory_space<vmem_shared>>)
      tpu.yield
    }) : () -> ()
    %add3A_19 = arith.constant 256 : i32
    %add3A_20 = arith.addi %mul3A_14, %add3A_19 : i32
    "tpu.region"() ({
      %run_scoped3A = tpu.sem_alloc : memref<!tpu.dma_semaphore, #tpu.memory_space<semaphore_mem>>
      %dma_start3A = arith.constant 0 : i32
      %dma_start3A_193 = tpu.memref_slice %arg10[%add3A_20, %dma_start3A] : memref<10112x128xf32, #tpu.memory_space<vmem_shared>> -> memref<128x128xf32, #tpu.memory_space<vmem_shared>>
      %dma_start3A_194 = arith.constant 0 : i32
      %dma_start3A_195 = tpu.memref_slice %arg10[%add3A_20, %dma_start3A_194] : memref<10112x128xf32, #tpu.memory_space<vmem_shared>> -> memref<128x128xf32, #tpu.memory_space<vmem_shared>>
      tpu.enqueue_dma source(%arg8 : memref<128x128xf32, #tpu.memory_space<vmem>>) target(%dma_start3A_195 : memref<128x128xf32, #tpu.memory_space<vmem_shared>>) target_semaphore(%run_scoped3A : memref<!tpu.dma_semaphore, #tpu.memory_space<semaphore_mem>>)
      %dma_wait3A = arith.constant 0 : i32
      %dma_wait3A_196 = tpu.memref_slice %arg10[%add3A_20, %dma_wait3A] : memref<10112x128xf32, #tpu.memory_space<vmem_shared>> -> memref<128x128xf32, #tpu.memory_space<vmem_shared>>
      %dma_wait3A_197 = arith.constant 0 : i32
      %dma_wait3A_198 = tpu.memref_slice %arg10[%add3A_20, %dma_wait3A_197] : memref<10112x128xf32, #tpu.memory_space<vmem_shared>> -> memref<128x128xf32, #tpu.memory_space<vmem_shared>>
      tpu.wait_dma2 semaphore(%run_scoped3A : memref<!tpu.dma_semaphore, #tpu.memory_space<semaphore_mem>>) src(%arg8 : memref<128x128xf32, #tpu.memory_space<vmem>>) dst(%dma_wait3A_198 : memref<128x128xf32, #tpu.memory_space<vmem_shared>>)
      tpu.yield
    }) : () -> ()
    %add3A_21 = arith.constant 384 : i32
    %add3A_22 = arith.addi %mul3A_14, %add3A_21 : i32
    "tpu.region"() ({
      %run_scoped3A = tpu.sem_alloc : memref<!tpu.dma_semaphore, #tpu.memory_space<semaphore_mem>>
      %dma_start3A = arith.constant 0 : i32
      %dma_start3A_193 = tpu.memref_slice %arg10[%add3A_22, %dma_start3A] : memref<10112x128xf32, #tpu.memory_space<vmem_shared>> -> memref<128x128xf32, #tpu.memory_space<vmem_shared>>
      %dma_start3A_194 = arith.constant 0 : i32
      %dma_start3A_195 = tpu.memref_slice %arg10[%add3A_22, %dma_start3A_194] : memref<10112x128xf32, #tpu.memory_space<vmem_shared>> -> memref<128x128xf32, #tpu.memory_space<vmem_shared>>
      tpu.enqueue_dma source(%arg8 : memref<128x128xf32, #tpu.memory_space<vmem>>) target(%dma_start3A_195 : memref<128x128xf32, #tpu.memory_space<vmem_shared>>) target_semaphore(%run_scoped3A : memref<!tpu.dma_semaphore, #tpu.memory_space<semaphore_mem>>)
      %dma_wait3A = arith.constant 0 : i32
      %dma_wait3A_196 = tpu.memref_slice %arg10[%add3A_22, %dma_wait3A] : memref<10112x128xf32, #tpu.memory_space<vmem_shared>> -> memref<128x128xf32, #tpu.memory_space<vmem_shared>>
      %dma_wait3A_197 = arith.constant 0 : i32
      %dma_wait3A_198 = tpu.memref_slice %arg10[%add3A_22, %dma_wait3A_197] : memref<10112x128xf32, #tpu.memory_space<vmem_shared>> -> memref<128x128xf32, #tpu.memory_space<vmem_shared>>
      tpu.wait_dma2 semaphore(%run_scoped3A : memref<!tpu.dma_semaphore, #tpu.memory_space<semaphore_mem>>) src(%arg8 : memref<128x128xf32, #tpu.memory_space<vmem>>) dst(%dma_wait3A_198 : memref<128x128xf32, #tpu.memory_space<vmem_shared>>)
      tpu.yield
    }) : () -> ()
    %add3A_23 = arith.constant 512 : i32
    %add3A_24 = arith.addi %mul3A_14, %add3A_23 : i32
    "tpu.region"() ({
      %run_scoped3A = tpu.sem_alloc : memref<!tpu.dma_semaphore, #tpu.memory_space<semaphore_mem>>
      %dma_start3A = arith.constant 0 : i32
      %dma_start3A_193 = arith.constant 0 : i32
      %dma_start3A_194 = tpu.memref_slice %arg8[%dma_start3A, %dma_start3A_193] : memref<128x128xf32, #tpu.memory_space<vmem>> -> memref<120x128xf32, #tpu.memory_space<vmem>>
      %dma_start3A_195 = arith.constant 0 : i32
      %dma_start3A_196 = tpu.memref_slice %arg10[%add3A_24, %dma_start3A_195] : memref<10112x128xf32, #tpu.memory_space<vmem_shared>> -> memref<120x128xf32, #tpu.memory_space<vmem_shared>>
      %dma_start3A_197 = arith.constant 0 : i32
      %dma_start3A_198 = tpu.memref_slice %arg10[%add3A_24, %dma_start3A_197] : memref<10112x128xf32, #tpu.memory_space<vmem_shared>> -> memref<120x128xf32, #tpu.memory_space<vmem_shared>>
      %dma_start3A_199 = arith.constant 0 : i32
      %dma_start3A_200 = arith.constant 0 : i32
      %dma_start3A_201 = tpu.memref_slice %arg8[%dma_start3A_199, %dma_start3A_200] : memref<128x128xf32, #tpu.memory_space<vmem>> -> memref<120x128xf32, #tpu.memory_space<vmem>>
      tpu.enqueue_dma source(%dma_start3A_201 : memref<120x128xf32, #tpu.memory_space<vmem>>) target(%dma_start3A_198 : memref<120x128xf32, #tpu.memory_space<vmem_shared>>) target_semaphore(%run_scoped3A : memref<!tpu.dma_semaphore, #tpu.memory_space<semaphore_mem>>)
      %dma_wait3A = arith.constant 0 : i32
      %dma_wait3A_202 = arith.constant 0 : i32
      %dma_wait3A_203 = tpu.memref_slice %arg8[%dma_wait3A, %dma_wait3A_202] : memref<128x128xf32, #tpu.memory_space<vmem>> -> memref<120x128xf32, #tpu.memory_space<vmem>>
      %dma_wait3A_204 = arith.constant 0 : i32
      %dma_wait3A_205 = tpu.memref_slice %arg10[%add3A_24, %dma_wait3A_204] : memref<10112x128xf32, #tpu.memory_space<vmem_shared>> -> memref<120x128xf32, #tpu.memory_space<vmem_shared>>
      %dma_wait3A_206 = arith.constant 0 : i32
      %dma_wait3A_207 = tpu.memref_slice %arg10[%add3A_24, %dma_wait3A_206] : memref<10112x128xf32, #tpu.memory_space<vmem_shared>> -> memref<120x128xf32, #tpu.memory_space<vmem_shared>>
      %dma_wait3A_208 = arith.constant 0 : i32
      %dma_wait3A_209 = arith.constant 0 : i32
      %dma_wait3A_210 = tpu.memref_slice %arg8[%dma_wait3A_208, %dma_wait3A_209] : memref<128x128xf32, #tpu.memory_space<vmem>> -> memref<120x128xf32, #tpu.memory_space<vmem>>
      tpu.wait_dma2 semaphore(%run_scoped3A : memref<!tpu.dma_semaphore, #tpu.memory_space<semaphore_mem>>) src(%dma_wait3A_210 : memref<120x128xf32, #tpu.memory_space<vmem>>) dst(%dma_wait3A_207 : memref<120x128xf32, #tpu.memory_space<vmem_shared>>)
      tpu.yield
    }) : () -> ()
    %barrier3A = arith.constant 0 : index
    tpu.barrier barrier_id(%barrier3A)
    %sub3A = arith.constant 0 : i32
    %sub3A_25 = arith.subi %select_n3A, %sub3A : i32
    %jit3A_26 = arith.constant 0 : i32
    %jit3A_27 = arith.constant 40 : i32
    %max3A = arith.maxsi %jit3A_26, %sub3A_25 : i32
    %min3A = arith.minsi %jit3A_27, %max3A : i32
    %add3A_28 = arith.constant 0 : i32
    %add3A_29 = arith.addi %select_n3A_6, %add3A_28 : i32
    "tpu.region"() ({
      %run_scoped3A = tpu.sem_alloc : memref<!tpu.dma_semaphore, #tpu.memory_space<semaphore_mem>>
      %dma_start3A = arith.constant 0 : i32
      %dma_start3A_193 = tpu.memref_slice %arg3[%add3A_29, %dma_start3A] : memref<2720x128xi32, #tpu.memory_space<hbm>> -> memref<40x128xi32, #tpu.memory_space<hbm>>
      %dma_start3A_194 = arith.constant 0 : i32
      %dma_start3A_195 = tpu.memref_slice %arg3[%add3A_29, %dma_start3A_194] : memref<2720x128xi32, #tpu.memory_space<hbm>> -> memref<40x128xi32, #tpu.memory_space<hbm>>
      tpu.enqueue_dma source(%dma_start3A_195 : memref<40x128xi32, #tpu.memory_space<hbm>>) target(%arg6 : memref<40x128xi32, #tpu.memory_space<vmem>>) target_semaphore(%run_scoped3A : memref<!tpu.dma_semaphore, #tpu.memory_space<semaphore_mem>>)
      %dma_wait3A = arith.constant 0 : i32
      %dma_wait3A_196 = tpu.memref_slice %arg3[%add3A_29, %dma_wait3A] : memref<2720x128xi32, #tpu.memory_space<hbm>> -> memref<40x128xi32, #tpu.memory_space<hbm>>
      %dma_wait3A_197 = arith.constant 0 : i32
      %dma_wait3A_198 = tpu.memref_slice %arg3[%add3A_29, %dma_wait3A_197] : memref<2720x128xi32, #tpu.memory_space<hbm>> -> memref<40x128xi32, #tpu.memory_space<hbm>>
      tpu.wait_dma2 semaphore(%run_scoped3A : memref<!tpu.dma_semaphore, #tpu.memory_space<semaphore_mem>>) src(%dma_wait3A_198 : memref<40x128xi32, #tpu.memory_space<hbm>>) dst(%arg6 : memref<40x128xi32, #tpu.memory_space<vmem>>)
      tpu.yield
    }) : () -> ()
    %add3A_30 = arith.constant 0 : i32
    %add3A_31 = arith.addi %select_n3A_6, %add3A_30 : i32
    "tpu.region"() ({
      %run_scoped3A = tpu.sem_alloc : memref<!tpu.dma_semaphore, #tpu.memory_space<semaphore_mem>>
      %dma_start3A = arith.constant 0 : i32
      %dma_start3A_193 = tpu.memref_slice %arg4[%add3A_31, %dma_start3A] : memref<2720x128xi32, #tpu.memory_space<hbm>> -> memref<40x128xi32, #tpu.memory_space<hbm>>
      %dma_start3A_194 = arith.constant 0 : i32
      %dma_start3A_195 = tpu.memref_slice %arg4[%add3A_31, %dma_start3A_194] : memref<2720x128xi32, #tpu.memory_space<hbm>> -> memref<40x128xi32, #tpu.memory_space<hbm>>
      tpu.enqueue_dma source(%dma_start3A_195 : memref<40x128xi32, #tpu.memory_space<hbm>>) target(%arg7 : memref<40x128xi32, #tpu.memory_space<vmem>>) target_semaphore(%run_scoped3A : memref<!tpu.dma_semaphore, #tpu.memory_space<semaphore_mem>>)
      %dma_wait3A = arith.constant 0 : i32
      %dma_wait3A_196 = tpu.memref_slice %arg4[%add3A_31, %dma_wait3A] : memref<2720x128xi32, #tpu.memory_space<hbm>> -> memref<40x128xi32, #tpu.memory_space<hbm>>
      %dma_wait3A_197 = arith.constant 0 : i32
      %dma_wait3A_198 = tpu.memref_slice %arg4[%add3A_31, %dma_wait3A_197] : memref<2720x128xi32, #tpu.memory_space<hbm>> -> memref<40x128xi32, #tpu.memory_space<hbm>>
      tpu.wait_dma2 semaphore(%run_scoped3A : memref<!tpu.dma_semaphore, #tpu.memory_space<semaphore_mem>>) src(%dma_wait3A_198 : memref<40x128xi32, #tpu.memory_space<hbm>>) dst(%arg7 : memref<40x128xi32, #tpu.memory_space<vmem>>)
      tpu.yield
    }) : () -> ()
    %jit3A_32 = arith.constant 2 : i32
    %div3A = arith.divsi %min3A, %jit3A_32 : i32
    %sign3A = arith.constant 0 : i32
    %sign3A_33 = arith.cmpi sgt, %min3A, %sign3A : i32
    %sign3A_34 = arith.extui %sign3A_33 : i1 to i32
    %sign3A_35 = arith.constant 0 : i32
    %sign3A_36 = arith.cmpi slt, %min3A, %sign3A_35 : i32
    %sign3A_37 = arith.extui %sign3A_36 : i1 to i32
    %sign3A_38 = arith.subi %sign3A_34, %sign3A_37 : i32
    %sign3A_39 = arith.constant 0 : i32
    %sign3A_40 = arith.cmpi sgt, %jit3A_32, %sign3A_39 : i32
    %sign3A_41 = arith.extui %sign3A_40 : i1 to i32
    %sign3A_42 = arith.constant 0 : i32
    %sign3A_43 = arith.cmpi slt, %jit3A_32, %sign3A_42 : i32
    %sign3A_44 = arith.extui %sign3A_43 : i1 to i32
    %sign3A_45 = arith.subi %sign3A_41, %sign3A_44 : i32
    %ne3A = arith.cmpi ne, %sign3A_38, %sign3A_45 : i32
    %rem3A = arith.remsi %min3A, %jit3A_32 : i32
    %ne3A_46 = arith.constant 0 : i32
    %ne3A_47 = arith.cmpi ne, %rem3A, %ne3A_46 : i32
    %and3A = arith.andi %ne3A, %ne3A_47 : i1
    %sub3A_48 = arith.constant 1 : i32
    %sub3A_49 = arith.subi %div3A, %sub3A_48 : i32
    %select_n3A_50 = arith.select %and3A, %sub3A_49, %div3A : i32
    %while3A = arith.constant 0 : i32
    %while3A_51 = arith.constant 0 : i32
    %while3A_52 = arith.subi %select_n3A_50, %while3A_51 : i32
    %while3A_53 = arith.addi %while3A_51, %while3A_52 : i32
    %while3A_54 = arith.constant 1 : i32
    %while3A_55 = arith.divsi %while3A_52, %while3A_54 : i32
    %while3A_56 = arith.muli %while3A_55, %while3A_54 : i32
    %while3A_57 = arith.addi %while3A_51, %while3A_56 : i32
    %while3A_58 = arith.constant 1 : i32
    scf.for %while3A_193 = %while3A_51 to %while3A_57 step %while3A_58  : i32 {
      %mul3A_194 = arith.constant 2 : i32
      %mul3A_195 = arith.muli %mul3A_194, %while3A_193 : i32
      %mul3A_196 = arith.constant 2 : i32
      %mul3A_197 = arith.muli %mul3A_196, %while3A_193 : i32
      %add3A_198 = arith.constant 1 : i32
      %add3A_199 = arith.addi %mul3A_197, %add3A_198 : i32
      %dma_start3A = arith.constant 0 : i32
      %dma_start3A_200 = tpu.memref_slice %arg6[%mul3A_195, %dma_start3A] : memref<40x128xi32, #tpu.memory_space<vmem>> -> memref<1x128xi32, #tpu.memory_space<vmem>>
      %dma_start3A_201 = tpu.memref_squeeze %dma_start3A_200 : memref<1x128xi32, #tpu.memory_space<vmem>> -> memref<128xi32, #tpu.memory_space<vmem>>
      %dma_start3A_202 = arith.constant 0 : i32
      %dma_start3A_203 = arith.constant 0 : i32
      %dma_start3A_204 = tpu.memref_slice %arg2[%dma_start3A_202, %dma_start3A_203] : memref<10000x128xf32, #tpu.memory_space<hbm>> -> memref<10000x128xf32, #tpu.memory_space<hbm>>
      tpu.enqueue_indirect_dma source(%dma_start3A_204 : memref<10000x128xf32, #tpu.memory_space<hbm>>) target(%arg8 : memref<128x128xf32, #tpu.memory_space<vmem>>) offsets(%dma_start3A_201 : memref<128xi32, #tpu.memory_space<vmem>>) semaphore(%arg11 : memref<!tpu.dma_semaphore, #tpu.memory_space<semaphore_mem>>)
      %dma_start3A_205 = arith.constant 0 : i32
      %dma_start3A_206 = tpu.memref_slice %arg6[%add3A_199, %dma_start3A_205] : memref<40x128xi32, #tpu.memory_space<vmem>> -> memref<1x128xi32, #tpu.memory_space<vmem>>
      %dma_start3A_207 = tpu.memref_squeeze %dma_start3A_206 : memref<1x128xi32, #tpu.memory_space<vmem>> -> memref<128xi32, #tpu.memory_space<vmem>>
      %dma_start3A_208 = arith.constant 0 : i32
      %dma_start3A_209 = arith.constant 0 : i32
      %dma_start3A_210 = tpu.memref_slice %arg2[%dma_start3A_208, %dma_start3A_209] : memref<10000x128xf32, #tpu.memory_space<hbm>> -> memref<10000x128xf32, #tpu.memory_space<hbm>>
      tpu.enqueue_indirect_dma source(%dma_start3A_210 : memref<10000x128xf32, #tpu.memory_space<hbm>>) target(%arg9 : memref<128x128xf32, #tpu.memory_space<vmem>>) offsets(%dma_start3A_207 : memref<128xi32, #tpu.memory_space<vmem>>) semaphore(%arg12 : memref<!tpu.dma_semaphore, #tpu.memory_space<semaphore_mem>>)
      %dma_wait3A = arith.constant 0 : i32
      %dma_wait3A_211 = tpu.memref_slice %arg6[%mul3A_195, %dma_wait3A] : memref<40x128xi32, #tpu.memory_space<vmem>> -> memref<1x128xi32, #tpu.memory_space<vmem>>
      %dma_wait3A_212 = tpu.memref_squeeze %dma_wait3A_211 : memref<1x128xi32, #tpu.memory_space<vmem>> -> memref<128xi32, #tpu.memory_space<vmem>>
      %dma_wait3A_213 = arith.constant 0 : i32
      %dma_wait3A_214 = arith.constant 0 : i32
      %dma_wait3A_215 = tpu.memref_slice %arg2[%dma_wait3A_213, %dma_wait3A_214] : memref<10000x128xf32, #tpu.memory_space<hbm>> -> memref<10000x128xf32, #tpu.memory_space<hbm>>
      tpu.wait_indirect_dma semaphore(%arg11 : memref<!tpu.dma_semaphore, #tpu.memory_space<semaphore_mem>>) src(%dma_wait3A_215 : memref<10000x128xf32, #tpu.memory_space<hbm>>) dst(%arg8 : memref<128x128xf32, #tpu.memory_space<vmem>>)
      "tpu.region"() ({
        %run_scoped3A = tpu.sem_alloc : memref<!tpu.dma_semaphore, #tpu.memory_space<semaphore_mem>>
        %dma_start3A_222 = arith.constant 0 : i32
        %dma_start3A_223 = tpu.memref_slice %arg7[%mul3A_195, %dma_start3A_222] : memref<40x128xi32, #tpu.memory_space<vmem>> -> memref<1x128xi32, #tpu.memory_space<vmem>>
        %dma_start3A_224 = tpu.memref_squeeze %dma_start3A_223 : memref<1x128xi32, #tpu.memory_space<vmem>> -> memref<128xi32, #tpu.memory_space<vmem>>
        %dma_start3A_225 = arith.constant 0 : i32
        %dma_start3A_226 = arith.constant 0 : i32
        %dma_start3A_227 = tpu.memref_slice %arg10[%dma_start3A_225, %dma_start3A_226] : memref<10112x128xf32, #tpu.memory_space<vmem_shared>> -> memref<10112x128xf32, #tpu.memory_space<vmem_shared>>
        tpu.enqueue_indirect_dma source(%arg8 : memref<128x128xf32, #tpu.memory_space<vmem>>) target(%dma_start3A_227 : memref<10112x128xf32, #tpu.memory_space<vmem_shared>>) offsets(%dma_start3A_224 : memref<128xi32, #tpu.memory_space<vmem>>) semaphore(%run_scoped3A : memref<!tpu.dma_semaphore, #tpu.memory_space<semaphore_mem>>) {add = true}
        %dma_wait3A_228 = arith.constant 0 : i32
        %dma_wait3A_229 = tpu.memref_slice %arg7[%mul3A_195, %dma_wait3A_228] : memref<40x128xi32, #tpu.memory_space<vmem>> -> memref<1x128xi32, #tpu.memory_space<vmem>>
        %dma_wait3A_230 = tpu.memref_squeeze %dma_wait3A_229 : memref<1x128xi32, #tpu.memory_space<vmem>> -> memref<128xi32, #tpu.memory_space<vmem>>
        %dma_wait3A_231 = arith.constant 0 : i32
        %dma_wait3A_232 = arith.constant 0 : i32
        %dma_wait3A_233 = tpu.memref_slice %arg10[%dma_wait3A_231, %dma_wait3A_232] : memref<10112x128xf32, #tpu.memory_space<vmem_shared>> -> memref<10112x128xf32, #tpu.memory_space<vmem_shared>>
        tpu.wait_indirect_dma semaphore(%run_scoped3A : memref<!tpu.dma_semaphore, #tpu.memory_space<semaphore_mem>>) src(%arg8 : memref<128x128xf32, #tpu.memory_space<vmem>>) dst(%dma_wait3A_233 : memref<10112x128xf32, #tpu.memory_space<vmem_shared>>)
        tpu.yield
      }) : () -> ()
      %dma_wait3A_216 = arith.constant 0 : i32
      %dma_wait3A_217 = tpu.memref_slice %arg6[%add3A_199, %dma_wait3A_216] : memref<40x128xi32, #tpu.memory_space<vmem>> -> memref<1x128xi32, #tpu.memory_space<vmem>>
      %dma_wait3A_218 = tpu.memref_squeeze %dma_wait3A_217 : memref<1x128xi32, #tpu.memory_space<vmem>> -> memref<128xi32, #tpu.memory_space<vmem>>
      %dma_wait3A_219 = arith.constant 0 : i32
      %dma_wait3A_220 = arith.constant 0 : i32
      %dma_wait3A_221 = tpu.memref_slice %arg2[%dma_wait3A_219, %dma_wait3A_220] : memref<10000x128xf32, #tpu.memory_space<hbm>> -> memref<10000x128xf32, #tpu.memory_space<hbm>>
      tpu.wait_indirect_dma semaphore(%arg12 : memref<!tpu.dma_semaphore, #tpu.memory_space<semaphore_mem>>) src(%dma_wait3A_221 : memref<10000x128xf32, #tpu.memory_space<hbm>>) dst(%arg9 : memref<128x128xf32, #tpu.memory_space<vmem>>)
      "tpu.region"() ({
        %run_scoped3A = tpu.sem_alloc : memref<!tpu.dma_semaphore, #tpu.memory_space<semaphore_mem>>
        %dma_start3A_222 = arith.constant 0 : i32
        %dma_start3A_223 = tpu.memref_slice %arg7[%add3A_199, %dma_start3A_222] : memref<40x128xi32, #tpu.memory_space<vmem>> -> memref<1x128xi32, #tpu.memory_space<vmem>>
        %dma_start3A_224 = tpu.memref_squeeze %dma_start3A_223 : memref<1x128xi32, #tpu.memory_space<vmem>> -> memref<128xi32, #tpu.memory_space<vmem>>
        %dma_start3A_225 = arith.constant 0 : i32
        %dma_start3A_226 = arith.constant 0 : i32
        %dma_start3A_227 = tpu.memref_slice %arg10[%dma_start3A_225, %dma_start3A_226] : memref<10112x128xf32, #tpu.memory_space<vmem_shared>> -> memref<10112x128xf32, #tpu.memory_space<vmem_shared>>
        tpu.enqueue_indirect_dma source(%arg9 : memref<128x128xf32, #tpu.memory_space<vmem>>) target(%dma_start3A_227 : memref<10112x128xf32, #tpu.memory_space<vmem_shared>>) offsets(%dma_start3A_224 : memref<128xi32, #tpu.memory_space<vmem>>) semaphore(%run_scoped3A : memref<!tpu.dma_semaphore, #tpu.memory_space<semaphore_mem>>) {add = true}
        %dma_wait3A_228 = arith.constant 0 : i32
        %dma_wait3A_229 = tpu.memref_slice %arg7[%add3A_199, %dma_wait3A_228] : memref<40x128xi32, #tpu.memory_space<vmem>> -> memref<1x128xi32, #tpu.memory_space<vmem>>
        %dma_wait3A_230 = tpu.memref_squeeze %dma_wait3A_229 : memref<1x128xi32, #tpu.memory_space<vmem>> -> memref<128xi32, #tpu.memory_space<vmem>>
        %dma_wait3A_231 = arith.constant 0 : i32
        %dma_wait3A_232 = arith.constant 0 : i32
        %dma_wait3A_233 = tpu.memref_slice %arg10[%dma_wait3A_231, %dma_wait3A_232] : memref<10112x128xf32, #tpu.memory_space<vmem_shared>> -> memref<10112x128xf32, #tpu.memory_space<vmem_shared>>
        tpu.wait_indirect_dma semaphore(%run_scoped3A : memref<!tpu.dma_semaphore, #tpu.memory_space<semaphore_mem>>) src(%arg9 : memref<128x128xf32, #tpu.memory_space<vmem>>) dst(%dma_wait3A_233 : memref<10112x128xf32, #tpu.memory_space<vmem_shared>>)
        tpu.yield
      }) : () -> ()
    }
    %while3A_59 = arith.constant 1 : i32
    scf.for %while3A_193 = %while3A_57 to %while3A_53 step %while3A_59  : i32 {
      %mul3A_194 = arith.constant 2 : i32
      %mul3A_195 = arith.muli %mul3A_194, %while3A_193 : i32
      %mul3A_196 = arith.constant 2 : i32
      %mul3A_197 = arith.muli %mul3A_196, %while3A_193 : i32
      %add3A_198 = arith.constant 1 : i32
      %add3A_199 = arith.addi %mul3A_197, %add3A_198 : i32
      %dma_start3A = arith.constant 0 : i32
      %dma_start3A_200 = tpu.memref_slice %arg6[%mul3A_195, %dma_start3A] : memref<40x128xi32, #tpu.memory_space<vmem>> -> memref<1x128xi32, #tpu.memory_space<vmem>>
      %dma_start3A_201 = tpu.memref_squeeze %dma_start3A_200 : memref<1x128xi32, #tpu.memory_space<vmem>> -> memref<128xi32, #tpu.memory_space<vmem>>
      %dma_start3A_202 = arith.constant 0 : i32
      %dma_start3A_203 = arith.constant 0 : i32
      %dma_start3A_204 = tpu.memref_slice %arg2[%dma_start3A_202, %dma_start3A_203] : memref<10000x128xf32, #tpu.memory_space<hbm>> -> memref<10000x128xf32, #tpu.memory_space<hbm>>
      tpu.enqueue_indirect_dma source(%dma_start3A_204 : memref<10000x128xf32, #tpu.memory_space<hbm>>) target(%arg8 : memref<128x128xf32, #tpu.memory_space<vmem>>) offsets(%dma_start3A_201 : memref<128xi32, #tpu.memory_space<vmem>>) semaphore(%arg11 : memref<!tpu.dma_semaphore, #tpu.memory_space<semaphore_mem>>)
      %dma_start3A_205 = arith.constant 0 : i32
      %dma_start3A_206 = tpu.memref_slice %arg6[%add3A_199, %dma_start3A_205] : memref<40x128xi32, #tpu.memory_space<vmem>> -> memref<1x128xi32, #tpu.memory_space<vmem>>
      %dma_start3A_207 = tpu.memref_squeeze %dma_start3A_206 : memref<1x128xi32, #tpu.memory_space<vmem>> -> memref<128xi32, #tpu.memory_space<vmem>>
      %dma_start3A_208 = arith.constant 0 : i32
      %dma_start3A_209 = arith.constant 0 : i32
      %dma_start3A_210 = tpu.memref_slice %arg2[%dma_start3A_208, %dma_start3A_209] : memref<10000x128xf32, #tpu.memory_space<hbm>> -> memref<10000x128xf32, #tpu.memory_space<hbm>>
      tpu.enqueue_indirect_dma source(%dma_start3A_210 : memref<10000x128xf32, #tpu.memory_space<hbm>>) target(%arg9 : memref<128x128xf32, #tpu.memory_space<vmem>>) offsets(%dma_start3A_207 : memref<128xi32, #tpu.memory_space<vmem>>) semaphore(%arg12 : memref<!tpu.dma_semaphore, #tpu.memory_space<semaphore_mem>>)
      %dma_wait3A = arith.constant 0 : i32
      %dma_wait3A_211 = tpu.memref_slice %arg6[%mul3A_195, %dma_wait3A] : memref<40x128xi32, #tpu.memory_space<vmem>> -> memref<1x128xi32, #tpu.memory_space<vmem>>
      %dma_wait3A_212 = tpu.memref_squeeze %dma_wait3A_211 : memref<1x128xi32, #tpu.memory_space<vmem>> -> memref<128xi32, #tpu.memory_space<vmem>>
      %dma_wait3A_213 = arith.constant 0 : i32
      %dma_wait3A_214 = arith.constant 0 : i32
      %dma_wait3A_215 = tpu.memref_slice %arg2[%dma_wait3A_213, %dma_wait3A_214] : memref<10000x128xf32, #tpu.memory_space<hbm>> -> memref<10000x128xf32, #tpu.memory_space<hbm>>
      tpu.wait_indirect_dma semaphore(%arg11 : memref<!tpu.dma_semaphore, #tpu.memory_space<semaphore_mem>>) src(%dma_wait3A_215 : memref<10000x128xf32, #tpu.memory_space<hbm>>) dst(%arg8 : memref<128x128xf32, #tpu.memory_space<vmem>>)
      "tpu.region"() ({
        %run_scoped3A = tpu.sem_alloc : memref<!tpu.dma_semaphore, #tpu.memory_space<semaphore_mem>>
        %dma_start3A_222 = arith.constant 0 : i32
        %dma_start3A_223 = tpu.memref_slice %arg7[%mul3A_195, %dma_start3A_222] : memref<40x128xi32, #tpu.memory_space<vmem>> -> memref<1x128xi32, #tpu.memory_space<vmem>>
        %dma_start3A_224 = tpu.memref_squeeze %dma_start3A_223 : memref<1x128xi32, #tpu.memory_space<vmem>> -> memref<128xi32, #tpu.memory_space<vmem>>
        %dma_start3A_225 = arith.constant 0 : i32
        %dma_start3A_226 = arith.constant 0 : i32
        %dma_start3A_227 = tpu.memref_slice %arg10[%dma_start3A_225, %dma_start3A_226] : memref<10112x128xf32, #tpu.memory_space<vmem_shared>> -> memref<10112x128xf32, #tpu.memory_space<vmem_shared>>
        tpu.enqueue_indirect_dma source(%arg8 : memref<128x128xf32, #tpu.memory_space<vmem>>) target(%dma_start3A_227 : memref<10112x128xf32, #tpu.memory_space<vmem_shared>>) offsets(%dma_start3A_224 : memref<128xi32, #tpu.memory_space<vmem>>) semaphore(%run_scoped3A : memref<!tpu.dma_semaphore, #tpu.memory_space<semaphore_mem>>) {add = true}
        %dma_wait3A_228 = arith.constant 0 : i32
        %dma_wait3A_229 = tpu.memref_slice %arg7[%mul3A_195, %dma_wait3A_228] : memref<40x128xi32, #tpu.memory_space<vmem>> -> memref<1x128xi32, #tpu.memory_space<vmem>>
        %dma_wait3A_230 = tpu.memref_squeeze %dma_wait3A_229 : memref<1x128xi32, #tpu.memory_space<vmem>> -> memref<128xi32, #tpu.memory_space<vmem>>
        %dma_wait3A_231 = arith.constant 0 : i32
        %dma_wait3A_232 = arith.constant 0 : i32
        %dma_wait3A_233 = tpu.memref_slice %arg10[%dma_wait3A_231, %dma_wait3A_232] : memref<10112x128xf32, #tpu.memory_space<vmem_shared>> -> memref<10112x128xf32, #tpu.memory_space<vmem_shared>>
        tpu.wait_indirect_dma semaphore(%run_scoped3A : memref<!tpu.dma_semaphore, #tpu.memory_space<semaphore_mem>>) src(%arg8 : memref<128x128xf32, #tpu.memory_space<vmem>>) dst(%dma_wait3A_233 : memref<10112x128xf32, #tpu.memory_space<vmem_shared>>)
        tpu.yield
      }) : () -> ()
      %dma_wait3A_216 = arith.constant 0 : i32
      %dma_wait3A_217 = tpu.memref_slice %arg6[%add3A_199, %dma_wait3A_216] : memref<40x128xi32, #tpu.memory_space<vmem>> -> memref<1x128xi32, #tpu.memory_space<vmem>>
      %dma_wait3A_218 = tpu.memref_squeeze %dma_wait3A_217 : memref<1x128xi32, #tpu.memory_space<vmem>> -> memref<128xi32, #tpu.memory_space<vmem>>
      %dma_wait3A_219 = arith.constant 0 : i32
      %dma_wait3A_220 = arith.constant 0 : i32
      %dma_wait3A_221 = tpu.memref_slice %arg2[%dma_wait3A_219, %dma_wait3A_220] : memref<10000x128xf32, #tpu.memory_space<hbm>> -> memref<10000x128xf32, #tpu.memory_space<hbm>>
      tpu.wait_indirect_dma semaphore(%arg12 : memref<!tpu.dma_semaphore, #tpu.memory_space<semaphore_mem>>) src(%dma_wait3A_221 : memref<10000x128xf32, #tpu.memory_space<hbm>>) dst(%arg9 : memref<128x128xf32, #tpu.memory_space<vmem>>)
      "tpu.region"() ({
        %run_scoped3A = tpu.sem_alloc : memref<!tpu.dma_semaphore, #tpu.memory_space<semaphore_mem>>
        %dma_start3A_222 = arith.constant 0 : i32
        %dma_start3A_223 = tpu.memref_slice %arg7[%add3A_199, %dma_start3A_222] : memref<40x128xi32, #tpu.memory_space<vmem>> -> memref<1x128xi32, #tpu.memory_space<vmem>>
        %dma_start3A_224 = tpu.memref_squeeze %dma_start3A_223 : memref<1x128xi32, #tpu.memory_space<vmem>> -> memref<128xi32, #tpu.memory_space<vmem>>
        %dma_start3A_225 = arith.constant 0 : i32
        %dma_start3A_226 = arith.constant 0 : i32
        %dma_start3A_227 = tpu.memref_slice %arg10[%dma_start3A_225, %dma_start3A_226] : memref<10112x128xf32, #tpu.memory_space<vmem_shared>> -> memref<10112x128xf32, #tpu.memory_space<vmem_shared>>
        tpu.enqueue_indirect_dma source(%arg9 : memref<128x128xf32, #tpu.memory_space<vmem>>) target(%dma_start3A_227 : memref<10112x128xf32, #tpu.memory_space<vmem_shared>>) offsets(%dma_start3A_224 : memref<128xi32, #tpu.memory_space<vmem>>) semaphore(%run_scoped3A : memref<!tpu.dma_semaphore, #tpu.memory_space<semaphore_mem>>) {add = true}
        %dma_wait3A_228 = arith.constant 0 : i32
        %dma_wait3A_229 = tpu.memref_slice %arg7[%add3A_199, %dma_wait3A_228] : memref<40x128xi32, #tpu.memory_space<vmem>> -> memref<1x128xi32, #tpu.memory_space<vmem>>
        %dma_wait3A_230 = tpu.memref_squeeze %dma_wait3A_229 : memref<1x128xi32, #tpu.memory_space<vmem>> -> memref<128xi32, #tpu.memory_space<vmem>>
        %dma_wait3A_231 = arith.constant 0 : i32
        %dma_wait3A_232 = arith.constant 0 : i32
        %dma_wait3A_233 = tpu.memref_slice %arg10[%dma_wait3A_231, %dma_wait3A_232] : memref<10112x128xf32, #tpu.memory_space<vmem_shared>> -> memref<10112x128xf32, #tpu.memory_space<vmem_shared>>
        tpu.wait_indirect_dma semaphore(%run_scoped3A : memref<!tpu.dma_semaphore, #tpu.memory_space<semaphore_mem>>) src(%arg9 : memref<128x128xf32, #tpu.memory_space<vmem>>) dst(%dma_wait3A_233 : memref<10112x128xf32, #tpu.memory_space<vmem_shared>>)
        tpu.yield
      }) : () -> ()
    }
    %sub3A_60 = arith.constant 40 : i32
    %sub3A_61 = arith.subi %select_n3A, %sub3A_60 : i32
    %jit3A_62 = arith.constant 0 : i32
    %jit3A_63 = arith.constant 40 : i32
    %max3A_64 = arith.maxsi %jit3A_62, %sub3A_61 : i32
    %min3A_65 = arith.minsi %jit3A_63, %max3A_64 : i32
    %add3A_66 = arith.constant 40 : i32
    %add3A_67 = arith.addi %select_n3A_6, %add3A_66 : i32
    "tpu.region"() ({
      %run_scoped3A = tpu.sem_alloc : memref<!tpu.dma_semaphore, #tpu.memory_space<semaphore_mem>>
      %dma_start3A = arith.constant 0 : i32
      %dma_start3A_193 = tpu.memref_slice %arg3[%add3A_67, %dma_start3A] : memref<2720x128xi32, #tpu.memory_space<hbm>> -> memref<40x128xi32, #tpu.memory_space<hbm>>
      %dma_start3A_194 = arith.constant 0 : i32
      %dma_start3A_195 = tpu.memref_slice %arg3[%add3A_67, %dma_start3A_194] : memref<2720x128xi32, #tpu.memory_space<hbm>> -> memref<40x128xi32, #tpu.memory_space<hbm>>
      tpu.enqueue_dma source(%dma_start3A_195 : memref<40x128xi32, #tpu.memory_space<hbm>>) target(%arg6 : memref<40x128xi32, #tpu.memory_space<vmem>>) target_semaphore(%run_scoped3A : memref<!tpu.dma_semaphore, #tpu.memory_space<semaphore_mem>>)
      %dma_wait3A = arith.constant 0 : i32
      %dma_wait3A_196 = tpu.memref_slice %arg3[%add3A_67, %dma_wait3A] : memref<2720x128xi32, #tpu.memory_space<hbm>> -> memref<40x128xi32, #tpu.memory_space<hbm>>
      %dma_wait3A_197 = arith.constant 0 : i32
      %dma_wait3A_198 = tpu.memref_slice %arg3[%add3A_67, %dma_wait3A_197] : memref<2720x128xi32, #tpu.memory_space<hbm>> -> memref<40x128xi32, #tpu.memory_space<hbm>>
      tpu.wait_dma2 semaphore(%run_scoped3A : memref<!tpu.dma_semaphore, #tpu.memory_space<semaphore_mem>>) src(%dma_wait3A_198 : memref<40x128xi32, #tpu.memory_space<hbm>>) dst(%arg6 : memref<40x128xi32, #tpu.memory_space<vmem>>)
      tpu.yield
    }) : () -> ()
    %add3A_68 = arith.constant 40 : i32
    %add3A_69 = arith.addi %select_n3A_6, %add3A_68 : i32
    "tpu.region"() ({
      %run_scoped3A = tpu.sem_alloc : memref<!tpu.dma_semaphore, #tpu.memory_space<semaphore_mem>>
      %dma_start3A = arith.constant 0 : i32
      %dma_start3A_193 = tpu.memref_slice %arg4[%add3A_69, %dma_start3A] : memref<2720x128xi32, #tpu.memory_space<hbm>> -> memref<40x128xi32, #tpu.memory_space<hbm>>
      %dma_start3A_194 = arith.constant 0 : i32
      %dma_start3A_195 = tpu.memref_slice %arg4[%add3A_69, %dma_start3A_194] : memref<2720x128xi32, #tpu.memory_space<hbm>> -> memref<40x128xi32, #tpu.memory_space<hbm>>
      tpu.enqueue_dma source(%dma_start3A_195 : memref<40x128xi32, #tpu.memory_space<hbm>>) target(%arg7 : memref<40x128xi32, #tpu.memory_space<vmem>>) target_semaphore(%run_scoped3A : memref<!tpu.dma_semaphore, #tpu.memory_space<semaphore_mem>>)
      %dma_wait3A = arith.constant 0 : i32
      %dma_wait3A_196 = tpu.memref_slice %arg4[%add3A_69, %dma_wait3A] : memref<2720x128xi32, #tpu.memory_space<hbm>> -> memref<40x128xi32, #tpu.memory_space<hbm>>
      %dma_wait3A_197 = arith.constant 0 : i32
      %dma_wait3A_198 = tpu.memref_slice %arg4[%add3A_69, %dma_wait3A_197] : memref<2720x128xi32, #tpu.memory_space<hbm>> -> memref<40x128xi32, #tpu.memory_space<hbm>>
      tpu.wait_dma2 semaphore(%run_scoped3A : memref<!tpu.dma_semaphore, #tpu.memory_space<semaphore_mem>>) src(%dma_wait3A_198 : memref<40x128xi32, #tpu.memory_space<hbm>>) dst(%arg7 : memref<40x128xi32, #tpu.memory_space<vmem>>)
      tpu.yield
    }) : () -> ()
    %jit3A_70 = arith.constant 2 : i32
    %div3A_71 = arith.divsi %min3A_65, %jit3A_70 : i32
    %sign3A_72 = arith.constant 0 : i32
    %sign3A_73 = arith.cmpi sgt, %min3A_65, %sign3A_72 : i32
    %sign3A_74 = arith.extui %sign3A_73 : i1 to i32
    %sign3A_75 = arith.constant 0 : i32
    %sign3A_76 = arith.cmpi slt, %min3A_65, %sign3A_75 : i32
    %sign3A_77 = arith.extui %sign3A_76 : i1 to i32
    %sign3A_78 = arith.subi %sign3A_74, %sign3A_77 : i32
    %sign3A_79 = arith.constant 0 : i32
    %sign3A_80 = arith.cmpi sgt, %jit3A_70, %sign3A_79 : i32
    %sign3A_81 = arith.extui %sign3A_80 : i1 to i32
    %sign3A_82 = arith.constant 0 : i32
    %sign3A_83 = arith.cmpi slt, %jit3A_70, %sign3A_82 : i32
    %sign3A_84 = arith.extui %sign3A_83 : i1 to i32
    %sign3A_85 = arith.subi %sign3A_81, %sign3A_84 : i32
    %ne3A_86 = arith.cmpi ne, %sign3A_78, %sign3A_85 : i32
    %rem3A_87 = arith.remsi %min3A_65, %jit3A_70 : i32
    %ne3A_88 = arith.constant 0 : i32
    %ne3A_89 = arith.cmpi ne, %rem3A_87, %ne3A_88 : i32
    %and3A_90 = arith.andi %ne3A_86, %ne3A_89 : i1
    %sub3A_91 = arith.constant 1 : i32
    %sub3A_92 = arith.subi %div3A_71, %sub3A_91 : i32
    %select_n3A_93 = arith.select %and3A_90, %sub3A_92, %div3A_71 : i32
    %while3A_94 = arith.constant 0 : i32
    %while3A_95 = arith.constant 0 : i32
    %while3A_96 = arith.subi %select_n3A_93, %while3A_95 : i32
    %while3A_97 = arith.addi %while3A_95, %while3A_96 : i32
    %while3A_98 = arith.constant 1 : i32
    %while3A_99 = arith.divsi %while3A_96, %while3A_98 : i32
    %while3A_100 = arith.muli %while3A_99, %while3A_98 : i32
    %while3A_101 = arith.addi %while3A_95, %while3A_100 : i32
    %while3A_102 = arith.constant 1 : i32
    scf.for %while3A_193 = %while3A_95 to %while3A_101 step %while3A_102  : i32 {
      %mul3A_194 = arith.constant 2 : i32
      %mul3A_195 = arith.muli %mul3A_194, %while3A_193 : i32
      %mul3A_196 = arith.constant 2 : i32
      %mul3A_197 = arith.muli %mul3A_196, %while3A_193 : i32
      %add3A_198 = arith.constant 1 : i32
      %add3A_199 = arith.addi %mul3A_197, %add3A_198 : i32
      %dma_start3A = arith.constant 0 : i32
      %dma_start3A_200 = tpu.memref_slice %arg6[%mul3A_195, %dma_start3A] : memref<40x128xi32, #tpu.memory_space<vmem>> -> memref<1x128xi32, #tpu.memory_space<vmem>>
      %dma_start3A_201 = tpu.memref_squeeze %dma_start3A_200 : memref<1x128xi32, #tpu.memory_space<vmem>> -> memref<128xi32, #tpu.memory_space<vmem>>
      %dma_start3A_202 = arith.constant 0 : i32
      %dma_start3A_203 = arith.constant 0 : i32
      %dma_start3A_204 = tpu.memref_slice %arg2[%dma_start3A_202, %dma_start3A_203] : memref<10000x128xf32, #tpu.memory_space<hbm>> -> memref<10000x128xf32, #tpu.memory_space<hbm>>
      tpu.enqueue_indirect_dma source(%dma_start3A_204 : memref<10000x128xf32, #tpu.memory_space<hbm>>) target(%arg8 : memref<128x128xf32, #tpu.memory_space<vmem>>) offsets(%dma_start3A_201 : memref<128xi32, #tpu.memory_space<vmem>>) semaphore(%arg11 : memref<!tpu.dma_semaphore, #tpu.memory_space<semaphore_mem>>)
      %dma_start3A_205 = arith.constant 0 : i32
      %dma_start3A_206 = tpu.memref_slice %arg6[%add3A_199, %dma_start3A_205] : memref<40x128xi32, #tpu.memory_space<vmem>> -> memref<1x128xi32, #tpu.memory_space<vmem>>
      %dma_start3A_207 = tpu.memref_squeeze %dma_start3A_206 : memref<1x128xi32, #tpu.memory_space<vmem>> -> memref<128xi32, #tpu.memory_space<vmem>>
      %dma_start3A_208 = arith.constant 0 : i32
      %dma_start3A_209 = arith.constant 0 : i32
      %dma_start3A_210 = tpu.memref_slice %arg2[%dma_start3A_208, %dma_start3A_209] : memref<10000x128xf32, #tpu.memory_space<hbm>> -> memref<10000x128xf32, #tpu.memory_space<hbm>>
      tpu.enqueue_indirect_dma source(%dma_start3A_210 : memref<10000x128xf32, #tpu.memory_space<hbm>>) target(%arg9 : memref<128x128xf32, #tpu.memory_space<vmem>>) offsets(%dma_start3A_207 : memref<128xi32, #tpu.memory_space<vmem>>) semaphore(%arg12 : memref<!tpu.dma_semaphore, #tpu.memory_space<semaphore_mem>>)
      %dma_wait3A = arith.constant 0 : i32
      %dma_wait3A_211 = tpu.memref_slice %arg6[%mul3A_195, %dma_wait3A] : memref<40x128xi32, #tpu.memory_space<vmem>> -> memref<1x128xi32, #tpu.memory_space<vmem>>
      %dma_wait3A_212 = tpu.memref_squeeze %dma_wait3A_211 : memref<1x128xi32, #tpu.memory_space<vmem>> -> memref<128xi32, #tpu.memory_space<vmem>>
      %dma_wait3A_213 = arith.constant 0 : i32
      %dma_wait3A_214 = arith.constant 0 : i32
      %dma_wait3A_215 = tpu.memref_slice %arg2[%dma_wait3A_213, %dma_wait3A_214] : memref<10000x128xf32, #tpu.memory_space<hbm>> -> memref<10000x128xf32, #tpu.memory_space<hbm>>
      tpu.wait_indirect_dma semaphore(%arg11 : memref<!tpu.dma_semaphore, #tpu.memory_space<semaphore_mem>>) src(%dma_wait3A_215 : memref<10000x128xf32, #tpu.memory_space<hbm>>) dst(%arg8 : memref<128x128xf32, #tpu.memory_space<vmem>>)
      "tpu.region"() ({
        %run_scoped3A = tpu.sem_alloc : memref<!tpu.dma_semaphore, #tpu.memory_space<semaphore_mem>>
        %dma_start3A_222 = arith.constant 0 : i32
        %dma_start3A_223 = tpu.memref_slice %arg7[%mul3A_195, %dma_start3A_222] : memref<40x128xi32, #tpu.memory_space<vmem>> -> memref<1x128xi32, #tpu.memory_space<vmem>>
        %dma_start3A_224 = tpu.memref_squeeze %dma_start3A_223 : memref<1x128xi32, #tpu.memory_space<vmem>> -> memref<128xi32, #tpu.memory_space<vmem>>
        %dma_start3A_225 = arith.constant 0 : i32
        %dma_start3A_226 = arith.constant 0 : i32
        %dma_start3A_227 = tpu.memref_slice %arg10[%dma_start3A_225, %dma_start3A_226] : memref<10112x128xf32, #tpu.memory_space<vmem_shared>> -> memref<10112x128xf32, #tpu.memory_space<vmem_shared>>
        tpu.enqueue_indirect_dma source(%arg8 : memref<128x128xf32, #tpu.memory_space<vmem>>) target(%dma_start3A_227 : memref<10112x128xf32, #tpu.memory_space<vmem_shared>>) offsets(%dma_start3A_224 : memref<128xi32, #tpu.memory_space<vmem>>) semaphore(%run_scoped3A : memref<!tpu.dma_semaphore, #tpu.memory_space<semaphore_mem>>) {add = true}
        %dma_wait3A_228 = arith.constant 0 : i32
        %dma_wait3A_229 = tpu.memref_slice %arg7[%mul3A_195, %dma_wait3A_228] : memref<40x128xi32, #tpu.memory_space<vmem>> -> memref<1x128xi32, #tpu.memory_space<vmem>>
        %dma_wait3A_230 = tpu.memref_squeeze %dma_wait3A_229 : memref<1x128xi32, #tpu.memory_space<vmem>> -> memref<128xi32, #tpu.memory_space<vmem>>
        %dma_wait3A_231 = arith.constant 0 : i32
        %dma_wait3A_232 = arith.constant 0 : i32
        %dma_wait3A_233 = tpu.memref_slice %arg10[%dma_wait3A_231, %dma_wait3A_232] : memref<10112x128xf32, #tpu.memory_space<vmem_shared>> -> memref<10112x128xf32, #tpu.memory_space<vmem_shared>>
        tpu.wait_indirect_dma semaphore(%run_scoped3A : memref<!tpu.dma_semaphore, #tpu.memory_space<semaphore_mem>>) src(%arg8 : memref<128x128xf32, #tpu.memory_space<vmem>>) dst(%dma_wait3A_233 : memref<10112x128xf32, #tpu.memory_space<vmem_shared>>)
        tpu.yield
      }) : () -> ()
      %dma_wait3A_216 = arith.constant 0 : i32
      %dma_wait3A_217 = tpu.memref_slice %arg6[%add3A_199, %dma_wait3A_216] : memref<40x128xi32, #tpu.memory_space<vmem>> -> memref<1x128xi32, #tpu.memory_space<vmem>>
      %dma_wait3A_218 = tpu.memref_squeeze %dma_wait3A_217 : memref<1x128xi32, #tpu.memory_space<vmem>> -> memref<128xi32, #tpu.memory_space<vmem>>
      %dma_wait3A_219 = arith.constant 0 : i32
      %dma_wait3A_220 = arith.constant 0 : i32
      %dma_wait3A_221 = tpu.memref_slice %arg2[%dma_wait3A_219, %dma_wait3A_220] : memref<10000x128xf32, #tpu.memory_space<hbm>> -> memref<10000x128xf32, #tpu.memory_space<hbm>>
      tpu.wait_indirect_dma semaphore(%arg12 : memref<!tpu.dma_semaphore, #tpu.memory_space<semaphore_mem>>) src(%dma_wait3A_221 : memref<10000x128xf32, #tpu.memory_space<hbm>>) dst(%arg9 : memref<128x128xf32, #tpu.memory_space<vmem>>)
      "tpu.region"() ({
        %run_scoped3A = tpu.sem_alloc : memref<!tpu.dma_semaphore, #tpu.memory_space<semaphore_mem>>
        %dma_start3A_222 = arith.constant 0 : i32
        %dma_start3A_223 = tpu.memref_slice %arg7[%add3A_199, %dma_start3A_222] : memref<40x128xi32, #tpu.memory_space<vmem>> -> memref<1x128xi32, #tpu.memory_space<vmem>>
        %dma_start3A_224 = tpu.memref_squeeze %dma_start3A_223 : memref<1x128xi32, #tpu.memory_space<vmem>> -> memref<128xi32, #tpu.memory_space<vmem>>
        %dma_start3A_225 = arith.constant 0 : i32
        %dma_start3A_226 = arith.constant 0 : i32
        %dma_start3A_227 = tpu.memref_slice %arg10[%dma_start3A_225, %dma_start3A_226] : memref<10112x128xf32, #tpu.memory_space<vmem_shared>> -> memref<10112x128xf32, #tpu.memory_space<vmem_shared>>
        tpu.enqueue_indirect_dma source(%arg9 : memref<128x128xf32, #tpu.memory_space<vmem>>) target(%dma_start3A_227 : memref<10112x128xf32, #tpu.memory_space<vmem_shared>>) offsets(%dma_start3A_224 : memref<128xi32, #tpu.memory_space<vmem>>) semaphore(%run_scoped3A : memref<!tpu.dma_semaphore, #tpu.memory_space<semaphore_mem>>) {add = true}
        %dma_wait3A_228 = arith.constant 0 : i32
        %dma_wait3A_229 = tpu.memref_slice %arg7[%add3A_199, %dma_wait3A_228] : memref<40x128xi32, #tpu.memory_space<vmem>> -> memref<1x128xi32, #tpu.memory_space<vmem>>
        %dma_wait3A_230 = tpu.memref_squeeze %dma_wait3A_229 : memref<1x128xi32, #tpu.memory_space<vmem>> -> memref<128xi32, #tpu.memory_space<vmem>>
        %dma_wait3A_231 = arith.constant 0 : i32
        %dma_wait3A_232 = arith.constant 0 : i32
        %dma_wait3A_233 = tpu.memref_slice %arg10[%dma_wait3A_231, %dma_wait3A_232] : memref<10112x128xf32, #tpu.memory_space<vmem_shared>> -> memref<10112x128xf32, #tpu.memory_space<vmem_shared>>
        tpu.wait_indirect_dma semaphore(%run_scoped3A : memref<!tpu.dma_semaphore, #tpu.memory_space<semaphore_mem>>) src(%arg9 : memref<128x128xf32, #tpu.memory_space<vmem>>) dst(%dma_wait3A_233 : memref<10112x128xf32, #tpu.memory_space<vmem_shared>>)
        tpu.yield
      }) : () -> ()
    }
    %while3A_103 = arith.constant 1 : i32
    scf.for %while3A_193 = %while3A_101 to %while3A_97 step %while3A_103  : i32 {
      %mul3A_194 = arith.constant 2 : i32
      %mul3A_195 = arith.muli %mul3A_194, %while3A_193 : i32
      %mul3A_196 = arith.constant 2 : i32
      %mul3A_197 = arith.muli %mul3A_196, %while3A_193 : i32
      %add3A_198 = arith.constant 1 : i32
      %add3A_199 = arith.addi %mul3A_197, %add3A_198 : i32
      %dma_start3A = arith.constant 0 : i32
      %dma_start3A_200 = tpu.memref_slice %arg6[%mul3A_195, %dma_start3A] : memref<40x128xi32, #tpu.memory_space<vmem>> -> memref<1x128xi32, #tpu.memory_space<vmem>>
      %dma_start3A_201 = tpu.memref_squeeze %dma_start3A_200 : memref<1x128xi32, #tpu.memory_space<vmem>> -> memref<128xi32, #tpu.memory_space<vmem>>
      %dma_start3A_202 = arith.constant 0 : i32
      %dma_start3A_203 = arith.constant 0 : i32
      %dma_start3A_204 = tpu.memref_slice %arg2[%dma_start3A_202, %dma_start3A_203] : memref<10000x128xf32, #tpu.memory_space<hbm>> -> memref<10000x128xf32, #tpu.memory_space<hbm>>
      tpu.enqueue_indirect_dma source(%dma_start3A_204 : memref<10000x128xf32, #tpu.memory_space<hbm>>) target(%arg8 : memref<128x128xf32, #tpu.memory_space<vmem>>) offsets(%dma_start3A_201 : memref<128xi32, #tpu.memory_space<vmem>>) semaphore(%arg11 : memref<!tpu.dma_semaphore, #tpu.memory_space<semaphore_mem>>)
      %dma_start3A_205 = arith.constant 0 : i32
      %dma_start3A_206 = tpu.memref_slice %arg6[%add3A_199, %dma_start3A_205] : memref<40x128xi32, #tpu.memory_space<vmem>> -> memref<1x128xi32, #tpu.memory_space<vmem>>
      %dma_start3A_207 = tpu.memref_squeeze %dma_start3A_206 : memref<1x128xi32, #tpu.memory_space<vmem>> -> memref<128xi32, #tpu.memory_space<vmem>>
      %dma_start3A_208 = arith.constant 0 : i32
      %dma_start3A_209 = arith.constant 0 : i32
      %dma_start3A_210 = tpu.memref_slice %arg2[%dma_start3A_208, %dma_start3A_209] : memref<10000x128xf32, #tpu.memory_space<hbm>> -> memref<10000x128xf32, #tpu.memory_space<hbm>>
      tpu.enqueue_indirect_dma source(%dma_start3A_210 : memref<10000x128xf32, #tpu.memory_space<hbm>>) target(%arg9 : memref<128x128xf32, #tpu.memory_space<vmem>>) offsets(%dma_start3A_207 : memref<128xi32, #tpu.memory_space<vmem>>) semaphore(%arg12 : memref<!tpu.dma_semaphore, #tpu.memory_space<semaphore_mem>>)
      %dma_wait3A = arith.constant 0 : i32
      %dma_wait3A_211 = tpu.memref_slice %arg6[%mul3A_195, %dma_wait3A] : memref<40x128xi32, #tpu.memory_space<vmem>> -> memref<1x128xi32, #tpu.memory_space<vmem>>
      %dma_wait3A_212 = tpu.memref_squeeze %dma_wait3A_211 : memref<1x128xi32, #tpu.memory_space<vmem>> -> memref<128xi32, #tpu.memory_space<vmem>>
      %dma_wait3A_213 = arith.constant 0 : i32
      %dma_wait3A_214 = arith.constant 0 : i32
      %dma_wait3A_215 = tpu.memref_slice %arg2[%dma_wait3A_213, %dma_wait3A_214] : memref<10000x128xf32, #tpu.memory_space<hbm>> -> memref<10000x128xf32, #tpu.memory_space<hbm>>
      tpu.wait_indirect_dma semaphore(%arg11 : memref<!tpu.dma_semaphore, #tpu.memory_space<semaphore_mem>>) src(%dma_wait3A_215 : memref<10000x128xf32, #tpu.memory_space<hbm>>) dst(%arg8 : memref<128x128xf32, #tpu.memory_space<vmem>>)
      "tpu.region"() ({
        %run_scoped3A = tpu.sem_alloc : memref<!tpu.dma_semaphore, #tpu.memory_space<semaphore_mem>>
        %dma_start3A_222 = arith.constant 0 : i32
        %dma_start3A_223 = tpu.memref_slice %arg7[%mul3A_195, %dma_start3A_222] : memref<40x128xi32, #tpu.memory_space<vmem>> -> memref<1x128xi32, #tpu.memory_space<vmem>>
        %dma_start3A_224 = tpu.memref_squeeze %dma_start3A_223 : memref<1x128xi32, #tpu.memory_space<vmem>> -> memref<128xi32, #tpu.memory_space<vmem>>
        %dma_start3A_225 = arith.constant 0 : i32
        %dma_start3A_226 = arith.constant 0 : i32
        %dma_start3A_227 = tpu.memref_slice %arg10[%dma_start3A_225, %dma_start3A_226] : memref<10112x128xf32, #tpu.memory_space<vmem_shared>> -> memref<10112x128xf32, #tpu.memory_space<vmem_shared>>
        tpu.enqueue_indirect_dma source(%arg8 : memref<128x128xf32, #tpu.memory_space<vmem>>) target(%dma_start3A_227 : memref<10112x128xf32, #tpu.memory_space<vmem_shared>>) offsets(%dma_start3A_224 : memref<128xi32, #tpu.memory_space<vmem>>) semaphore(%run_scoped3A : memref<!tpu.dma_semaphore, #tpu.memory_space<semaphore_mem>>) {add = true}
        %dma_wait3A_228 = arith.constant 0 : i32
        %dma_wait3A_229 = tpu.memref_slice %arg7[%mul3A_195, %dma_wait3A_228] : memref<40x128xi32, #tpu.memory_space<vmem>> -> memref<1x128xi32, #tpu.memory_space<vmem>>
        %dma_wait3A_230 = tpu.memref_squeeze %dma_wait3A_229 : memref<1x128xi32, #tpu.memory_space<vmem>> -> memref<128xi32, #tpu.memory_space<vmem>>
        %dma_wait3A_231 = arith.constant 0 : i32
        %dma_wait3A_232 = arith.constant 0 : i32
        %dma_wait3A_233 = tpu.memref_slice %arg10[%dma_wait3A_231, %dma_wait3A_232] : memref<10112x128xf32, #tpu.memory_space<vmem_shared>> -> memref<10112x128xf32, #tpu.memory_space<vmem_shared>>
        tpu.wait_indirect_dma semaphore(%run_scoped3A : memref<!tpu.dma_semaphore, #tpu.memory_space<semaphore_mem>>) src(%arg8 : memref<128x128xf32, #tpu.memory_space<vmem>>) dst(%dma_wait3A_233 : memref<10112x128xf32, #tpu.memory_space<vmem_shared>>)
        tpu.yield
      }) : () -> ()
      %dma_wait3A_216 = arith.constant 0 : i32
      %dma_wait3A_217 = tpu.memref_slice %arg6[%add3A_199, %dma_wait3A_216] : memref<40x128xi32, #tpu.memory_space<vmem>> -> memref<1x128xi32, #tpu.memory_space<vmem>>
      %dma_wait3A_218 = tpu.memref_squeeze %dma_wait3A_217 : memref<1x128xi32, #tpu.memory_space<vmem>> -> memref<128xi32, #tpu.memory_space<vmem>>
      %dma_wait3A_219 = arith.constant 0 : i32
      %dma_wait3A_220 = arith.constant 0 : i32
      %dma_wait3A_221 = tpu.memref_slice %arg2[%dma_wait3A_219, %dma_wait3A_220] : memref<10000x128xf32, #tpu.memory_space<hbm>> -> memref<10000x128xf32, #tpu.memory_space<hbm>>
      tpu.wait_indirect_dma semaphore(%arg12 : memref<!tpu.dma_semaphore, #tpu.memory_space<semaphore_mem>>) src(%dma_wait3A_221 : memref<10000x128xf32, #tpu.memory_space<hbm>>) dst(%arg9 : memref<128x128xf32, #tpu.memory_space<vmem>>)
      "tpu.region"() ({
        %run_scoped3A = tpu.sem_alloc : memref<!tpu.dma_semaphore, #tpu.memory_space<semaphore_mem>>
        %dma_start3A_222 = arith.constant 0 : i32
        %dma_start3A_223 = tpu.memref_slice %arg7[%add3A_199, %dma_start3A_222] : memref<40x128xi32, #tpu.memory_space<vmem>> -> memref<1x128xi32, #tpu.memory_space<vmem>>
        %dma_start3A_224 = tpu.memref_squeeze %dma_start3A_223 : memref<1x128xi32, #tpu.memory_space<vmem>> -> memref<128xi32, #tpu.memory_space<vmem>>
        %dma_start3A_225 = arith.constant 0 : i32
        %dma_start3A_226 = arith.constant 0 : i32
        %dma_start3A_227 = tpu.memref_slice %arg10[%dma_start3A_225, %dma_start3A_226] : memref<10112x128xf32, #tpu.memory_space<vmem_shared>> -> memref<10112x128xf32, #tpu.memory_space<vmem_shared>>
        tpu.enqueue_indirect_dma source(%arg9 : memref<128x128xf32, #tpu.memory_space<vmem>>) target(%dma_start3A_227 : memref<10112x128xf32, #tpu.memory_space<vmem_shared>>) offsets(%dma_start3A_224 : memref<128xi32, #tpu.memory_space<vmem>>) semaphore(%run_scoped3A : memref<!tpu.dma_semaphore, #tpu.memory_space<semaphore_mem>>) {add = true}
        %dma_wait3A_228 = arith.constant 0 : i32
        %dma_wait3A_229 = tpu.memref_slice %arg7[%add3A_199, %dma_wait3A_228] : memref<40x128xi32, #tpu.memory_space<vmem>> -> memref<1x128xi32, #tpu.memory_space<vmem>>
        %dma_wait3A_230 = tpu.memref_squeeze %dma_wait3A_229 : memref<1x128xi32, #tpu.memory_space<vmem>> -> memref<128xi32, #tpu.memory_space<vmem>>
        %dma_wait3A_231 = arith.constant 0 : i32
        %dma_wait3A_232 = arith.constant 0 : i32
        %dma_wait3A_233 = tpu.memref_slice %arg10[%dma_wait3A_231, %dma_wait3A_232] : memref<10112x128xf32, #tpu.memory_space<vmem_shared>> -> memref<10112x128xf32, #tpu.memory_space<vmem_shared>>
        tpu.wait_indirect_dma semaphore(%run_scoped3A : memref<!tpu.dma_semaphore, #tpu.memory_space<semaphore_mem>>) src(%arg9 : memref<128x128xf32, #tpu.memory_space<vmem>>) dst(%dma_wait3A_233 : memref<10112x128xf32, #tpu.memory_space<vmem_shared>>)
        tpu.yield
      }) : () -> ()
    }
    %sub3A_104 = arith.constant 80 : i32
    %sub3A_105 = arith.subi %select_n3A, %sub3A_104 : i32
    %jit3A_106 = arith.constant 0 : i32
    %jit3A_107 = arith.constant 40 : i32
    %max3A_108 = arith.maxsi %jit3A_106, %sub3A_105 : i32
    %min3A_109 = arith.minsi %jit3A_107, %max3A_108 : i32
    %add3A_110 = arith.constant 80 : i32
    %add3A_111 = arith.addi %select_n3A_6, %add3A_110 : i32
    "tpu.region"() ({
      %run_scoped3A = tpu.sem_alloc : memref<!tpu.dma_semaphore, #tpu.memory_space<semaphore_mem>>
      %dma_start3A = arith.constant 0 : i32
      %dma_start3A_193 = tpu.memref_slice %arg3[%add3A_111, %dma_start3A] : memref<2720x128xi32, #tpu.memory_space<hbm>> -> memref<40x128xi32, #tpu.memory_space<hbm>>
      %dma_start3A_194 = arith.constant 0 : i32
      %dma_start3A_195 = tpu.memref_slice %arg3[%add3A_111, %dma_start3A_194] : memref<2720x128xi32, #tpu.memory_space<hbm>> -> memref<40x128xi32, #tpu.memory_space<hbm>>
      tpu.enqueue_dma source(%dma_start3A_195 : memref<40x128xi32, #tpu.memory_space<hbm>>) target(%arg6 : memref<40x128xi32, #tpu.memory_space<vmem>>) target_semaphore(%run_scoped3A : memref<!tpu.dma_semaphore, #tpu.memory_space<semaphore_mem>>)
      %dma_wait3A = arith.constant 0 : i32
      %dma_wait3A_196 = tpu.memref_slice %arg3[%add3A_111, %dma_wait3A] : memref<2720x128xi32, #tpu.memory_space<hbm>> -> memref<40x128xi32, #tpu.memory_space<hbm>>
      %dma_wait3A_197 = arith.constant 0 : i32
      %dma_wait3A_198 = tpu.memref_slice %arg3[%add3A_111, %dma_wait3A_197] : memref<2720x128xi32, #tpu.memory_space<hbm>> -> memref<40x128xi32, #tpu.memory_space<hbm>>
      tpu.wait_dma2 semaphore(%run_scoped3A : memref<!tpu.dma_semaphore, #tpu.memory_space<semaphore_mem>>) src(%dma_wait3A_198 : memref<40x128xi32, #tpu.memory_space<hbm>>) dst(%arg6 : memref<40x128xi32, #tpu.memory_space<vmem>>)
      tpu.yield
    }) : () -> ()
    %add3A_112 = arith.constant 80 : i32
    %add3A_113 = arith.addi %select_n3A_6, %add3A_112 : i32
    "tpu.region"() ({
      %run_scoped3A = tpu.sem_alloc : memref<!tpu.dma_semaphore, #tpu.memory_space<semaphore_mem>>
      %dma_start3A = arith.constant 0 : i32
      %dma_start3A_193 = tpu.memref_slice %arg4[%add3A_113, %dma_start3A] : memref<2720x128xi32, #tpu.memory_space<hbm>> -> memref<40x128xi32, #tpu.memory_space<hbm>>
      %dma_start3A_194 = arith.constant 0 : i32
      %dma_start3A_195 = tpu.memref_slice %arg4[%add3A_113, %dma_start3A_194] : memref<2720x128xi32, #tpu.memory_space<hbm>> -> memref<40x128xi32, #tpu.memory_space<hbm>>
      tpu.enqueue_dma source(%dma_start3A_195 : memref<40x128xi32, #tpu.memory_space<hbm>>) target(%arg7 : memref<40x128xi32, #tpu.memory_space<vmem>>) target_semaphore(%run_scoped3A : memref<!tpu.dma_semaphore, #tpu.memory_space<semaphore_mem>>)
      %dma_wait3A = arith.constant 0 : i32
      %dma_wait3A_196 = tpu.memref_slice %arg4[%add3A_113, %dma_wait3A] : memref<2720x128xi32, #tpu.memory_space<hbm>> -> memref<40x128xi32, #tpu.memory_space<hbm>>
      %dma_wait3A_197 = arith.constant 0 : i32
      %dma_wait3A_198 = tpu.memref_slice %arg4[%add3A_113, %dma_wait3A_197] : memref<2720x128xi32, #tpu.memory_space<hbm>> -> memref<40x128xi32, #tpu.memory_space<hbm>>
      tpu.wait_dma2 semaphore(%run_scoped3A : memref<!tpu.dma_semaphore, #tpu.memory_space<semaphore_mem>>) src(%dma_wait3A_198 : memref<40x128xi32, #tpu.memory_space<hbm>>) dst(%arg7 : memref<40x128xi32, #tpu.memory_space<vmem>>)
      tpu.yield
    }) : () -> ()
    %jit3A_114 = arith.constant 2 : i32
    %div3A_115 = arith.divsi %min3A_109, %jit3A_114 : i32
    %sign3A_116 = arith.constant 0 : i32
    %sign3A_117 = arith.cmpi sgt, %min3A_109, %sign3A_116 : i32
    %sign3A_118 = arith.extui %sign3A_117 : i1 to i32
    %sign3A_119 = arith.constant 0 : i32
    %sign3A_120 = arith.cmpi slt, %min3A_109, %sign3A_119 : i32
    %sign3A_121 = arith.extui %sign3A_120 : i1 to i32
    %sign3A_122 = arith.subi %sign3A_118, %sign3A_121 : i32
    %sign3A_123 = arith.constant 0 : i32
    %sign3A_124 = arith.cmpi sgt, %jit3A_114, %sign3A_123 : i32
    %sign3A_125 = arith.extui %sign3A_124 : i1 to i32
    %sign3A_126 = arith.constant 0 : i32
    %sign3A_127 = arith.cmpi slt, %jit3A_114, %sign3A_126 : i32
    %sign3A_128 = arith.extui %sign3A_127 : i1 to i32
    %sign3A_129 = arith.subi %sign3A_125, %sign3A_128 : i32
    %ne3A_130 = arith.cmpi ne, %sign3A_122, %sign3A_129 : i32
    %rem3A_131 = arith.remsi %min3A_109, %jit3A_114 : i32
    %ne3A_132 = arith.constant 0 : i32
    %ne3A_133 = arith.cmpi ne, %rem3A_131, %ne3A_132 : i32
    %and3A_134 = arith.andi %ne3A_130, %ne3A_133 : i1
    %sub3A_135 = arith.constant 1 : i32
    %sub3A_136 = arith.subi %div3A_115, %sub3A_135 : i32
    %select_n3A_137 = arith.select %and3A_134, %sub3A_136, %div3A_115 : i32
    %while3A_138 = arith.constant 0 : i32
    %while3A_139 = arith.constant 0 : i32
    %while3A_140 = arith.subi %select_n3A_137, %while3A_139 : i32
    %while3A_141 = arith.addi %while3A_139, %while3A_140 : i32
    %while3A_142 = arith.constant 1 : i32
    %while3A_143 = arith.divsi %while3A_140, %while3A_142 : i32
    %while3A_144 = arith.muli %while3A_143, %while3A_142 : i32
    %while3A_145 = arith.addi %while3A_139, %while3A_144 : i32
    %while3A_146 = arith.constant 1 : i32
    scf.for %while3A_193 = %while3A_139 to %while3A_145 step %while3A_146  : i32 {
      %mul3A_194 = arith.constant 2 : i32
      %mul3A_195 = arith.muli %mul3A_194, %while3A_193 : i32
      %mul3A_196 = arith.constant 2 : i32
      %mul3A_197 = arith.muli %mul3A_196, %while3A_193 : i32
      %add3A_198 = arith.constant 1 : i32
      %add3A_199 = arith.addi %mul3A_197, %add3A_198 : i32
      %dma_start3A = arith.constant 0 : i32
      %dma_start3A_200 = tpu.memref_slice %arg6[%mul3A_195, %dma_start3A] : memref<40x128xi32, #tpu.memory_space<vmem>> -> memref<1x128xi32, #tpu.memory_space<vmem>>
      %dma_start3A_201 = tpu.memref_squeeze %dma_start3A_200 : memref<1x128xi32, #tpu.memory_space<vmem>> -> memref<128xi32, #tpu.memory_space<vmem>>
      %dma_start3A_202 = arith.constant 0 : i32
      %dma_start3A_203 = arith.constant 0 : i32
      %dma_start3A_204 = tpu.memref_slice %arg2[%dma_start3A_202, %dma_start3A_203] : memref<10000x128xf32, #tpu.memory_space<hbm>> -> memref<10000x128xf32, #tpu.memory_space<hbm>>
      tpu.enqueue_indirect_dma source(%dma_start3A_204 : memref<10000x128xf32, #tpu.memory_space<hbm>>) target(%arg8 : memref<128x128xf32, #tpu.memory_space<vmem>>) offsets(%dma_start3A_201 : memref<128xi32, #tpu.memory_space<vmem>>) semaphore(%arg11 : memref<!tpu.dma_semaphore, #tpu.memory_space<semaphore_mem>>)
      %dma_start3A_205 = arith.constant 0 : i32
      %dma_start3A_206 = tpu.memref_slice %arg6[%add3A_199, %dma_start3A_205] : memref<40x128xi32, #tpu.memory_space<vmem>> -> memref<1x128xi32, #tpu.memory_space<vmem>>
      %dma_start3A_207 = tpu.memref_squeeze %dma_start3A_206 : memref<1x128xi32, #tpu.memory_space<vmem>> -> memref<128xi32, #tpu.memory_space<vmem>>
      %dma_start3A_208 = arith.constant 0 : i32
      %dma_start3A_209 = arith.constant 0 : i32
      %dma_start3A_210 = tpu.memref_slice %arg2[%dma_start3A_208, %dma_start3A_209] : memref<10000x128xf32, #tpu.memory_space<hbm>> -> memref<10000x128xf32, #tpu.memory_space<hbm>>
      tpu.enqueue_indirect_dma source(%dma_start3A_210 : memref<10000x128xf32, #tpu.memory_space<hbm>>) target(%arg9 : memref<128x128xf32, #tpu.memory_space<vmem>>) offsets(%dma_start3A_207 : memref<128xi32, #tpu.memory_space<vmem>>) semaphore(%arg12 : memref<!tpu.dma_semaphore, #tpu.memory_space<semaphore_mem>>)
      %dma_wait3A = arith.constant 0 : i32
      %dma_wait3A_211 = tpu.memref_slice %arg6[%mul3A_195, %dma_wait3A] : memref<40x128xi32, #tpu.memory_space<vmem>> -> memref<1x128xi32, #tpu.memory_space<vmem>>
      %dma_wait3A_212 = tpu.memref_squeeze %dma_wait3A_211 : memref<1x128xi32, #tpu.memory_space<vmem>> -> memref<128xi32, #tpu.memory_space<vmem>>
      %dma_wait3A_213 = arith.constant 0 : i32
      %dma_wait3A_214 = arith.constant 0 : i32
      %dma_wait3A_215 = tpu.memref_slice %arg2[%dma_wait3A_213, %dma_wait3A_214] : memref<10000x128xf32, #tpu.memory_space<hbm>> -> memref<10000x128xf32, #tpu.memory_space<hbm>>
      tpu.wait_indirect_dma semaphore(%arg11 : memref<!tpu.dma_semaphore, #tpu.memory_space<semaphore_mem>>) src(%dma_wait3A_215 : memref<10000x128xf32, #tpu.memory_space<hbm>>) dst(%arg8 : memref<128x128xf32, #tpu.memory_space<vmem>>)
      "tpu.region"() ({
        %run_scoped3A = tpu.sem_alloc : memref<!tpu.dma_semaphore, #tpu.memory_space<semaphore_mem>>
        %dma_start3A_222 = arith.constant 0 : i32
        %dma_start3A_223 = tpu.memref_slice %arg7[%mul3A_195, %dma_start3A_222] : memref<40x128xi32, #tpu.memory_space<vmem>> -> memref<1x128xi32, #tpu.memory_space<vmem>>
        %dma_start3A_224 = tpu.memref_squeeze %dma_start3A_223 : memref<1x128xi32, #tpu.memory_space<vmem>> -> memref<128xi32, #tpu.memory_space<vmem>>
        %dma_start3A_225 = arith.constant 0 : i32
        %dma_start3A_226 = arith.constant 0 : i32
        %dma_start3A_227 = tpu.memref_slice %arg10[%dma_start3A_225, %dma_start3A_226] : memref<10112x128xf32, #tpu.memory_space<vmem_shared>> -> memref<10112x128xf32, #tpu.memory_space<vmem_shared>>
        tpu.enqueue_indirect_dma source(%arg8 : memref<128x128xf32, #tpu.memory_space<vmem>>) target(%dma_start3A_227 : memref<10112x128xf32, #tpu.memory_space<vmem_shared>>) offsets(%dma_start3A_224 : memref<128xi32, #tpu.memory_space<vmem>>) semaphore(%run_scoped3A : memref<!tpu.dma_semaphore, #tpu.memory_space<semaphore_mem>>) {add = true}
        %dma_wait3A_228 = arith.constant 0 : i32
        %dma_wait3A_229 = tpu.memref_slice %arg7[%mul3A_195, %dma_wait3A_228] : memref<40x128xi32, #tpu.memory_space<vmem>> -> memref<1x128xi32, #tpu.memory_space<vmem>>
        %dma_wait3A_230 = tpu.memref_squeeze %dma_wait3A_229 : memref<1x128xi32, #tpu.memory_space<vmem>> -> memref<128xi32, #tpu.memory_space<vmem>>
        %dma_wait3A_231 = arith.constant 0 : i32
        %dma_wait3A_232 = arith.constant 0 : i32
        %dma_wait3A_233 = tpu.memref_slice %arg10[%dma_wait3A_231, %dma_wait3A_232] : memref<10112x128xf32, #tpu.memory_space<vmem_shared>> -> memref<10112x128xf32, #tpu.memory_space<vmem_shared>>
        tpu.wait_indirect_dma semaphore(%run_scoped3A : memref<!tpu.dma_semaphore, #tpu.memory_space<semaphore_mem>>) src(%arg8 : memref<128x128xf32, #tpu.memory_space<vmem>>) dst(%dma_wait3A_233 : memref<10112x128xf32, #tpu.memory_space<vmem_shared>>)
        tpu.yield
      }) : () -> ()
      %dma_wait3A_216 = arith.constant 0 : i32
      %dma_wait3A_217 = tpu.memref_slice %arg6[%add3A_199, %dma_wait3A_216] : memref<40x128xi32, #tpu.memory_space<vmem>> -> memref<1x128xi32, #tpu.memory_space<vmem>>
      %dma_wait3A_218 = tpu.memref_squeeze %dma_wait3A_217 : memref<1x128xi32, #tpu.memory_space<vmem>> -> memref<128xi32, #tpu.memory_space<vmem>>
      %dma_wait3A_219 = arith.constant 0 : i32
      %dma_wait3A_220 = arith.constant 0 : i32
      %dma_wait3A_221 = tpu.memref_slice %arg2[%dma_wait3A_219, %dma_wait3A_220] : memref<10000x128xf32, #tpu.memory_space<hbm>> -> memref<10000x128xf32, #tpu.memory_space<hbm>>
      tpu.wait_indirect_dma semaphore(%arg12 : memref<!tpu.dma_semaphore, #tpu.memory_space<semaphore_mem>>) src(%dma_wait3A_221 : memref<10000x128xf32, #tpu.memory_space<hbm>>) dst(%arg9 : memref<128x128xf32, #tpu.memory_space<vmem>>)
      "tpu.region"() ({
        %run_scoped3A = tpu.sem_alloc : memref<!tpu.dma_semaphore, #tpu.memory_space<semaphore_mem>>
        %dma_start3A_222 = arith.constant 0 : i32
        %dma_start3A_223 = tpu.memref_slice %arg7[%add3A_199, %dma_start3A_222] : memref<40x128xi32, #tpu.memory_space<vmem>> -> memref<1x128xi32, #tpu.memory_space<vmem>>
        %dma_start3A_224 = tpu.memref_squeeze %dma_start3A_223 : memref<1x128xi32, #tpu.memory_space<vmem>> -> memref<128xi32, #tpu.memory_space<vmem>>
        %dma_start3A_225 = arith.constant 0 : i32
        %dma_start3A_226 = arith.constant 0 : i32
        %dma_start3A_227 = tpu.memref_slice %arg10[%dma_start3A_225, %dma_start3A_226] : memref<10112x128xf32, #tpu.memory_space<vmem_shared>> -> memref<10112x128xf32, #tpu.memory_space<vmem_shared>>
        tpu.enqueue_indirect_dma source(%arg9 : memref<128x128xf32, #tpu.memory_space<vmem>>) target(%dma_start3A_227 : memref<10112x128xf32, #tpu.memory_space<vmem_shared>>) offsets(%dma_start3A_224 : memref<128xi32, #tpu.memory_space<vmem>>) semaphore(%run_scoped3A : memref<!tpu.dma_semaphore, #tpu.memory_space<semaphore_mem>>) {add = true}
        %dma_wait3A_228 = arith.constant 0 : i32
        %dma_wait3A_229 = tpu.memref_slice %arg7[%add3A_199, %dma_wait3A_228] : memref<40x128xi32, #tpu.memory_space<vmem>> -> memref<1x128xi32, #tpu.memory_space<vmem>>
        %dma_wait3A_230 = tpu.memref_squeeze %dma_wait3A_229 : memref<1x128xi32, #tpu.memory_space<vmem>> -> memref<128xi32, #tpu.memory_space<vmem>>
        %dma_wait3A_231 = arith.constant 0 : i32
        %dma_wait3A_232 = arith.constant 0 : i32
        %dma_wait3A_233 = tpu.memref_slice %arg10[%dma_wait3A_231, %dma_wait3A_232] : memref<10112x128xf32, #tpu.memory_space<vmem_shared>> -> memref<10112x128xf32, #tpu.memory_space<vmem_shared>>
        tpu.wait_indirect_dma semaphore(%run_scoped3A : memref<!tpu.dma_semaphore, #tpu.memory_space<semaphore_mem>>) src(%arg9 : memref<128x128xf32, #tpu.memory_space<vmem>>) dst(%dma_wait3A_233 : memref<10112x128xf32, #tpu.memory_space<vmem_shared>>)
        tpu.yield
      }) : () -> ()
    }
    %while3A_147 = arith.constant 1 : i32
    scf.for %while3A_193 = %while3A_145 to %while3A_141 step %while3A_147  : i32 {
      %mul3A_194 = arith.constant 2 : i32
      %mul3A_195 = arith.muli %mul3A_194, %while3A_193 : i32
      %mul3A_196 = arith.constant 2 : i32
      %mul3A_197 = arith.muli %mul3A_196, %while3A_193 : i32
      %add3A_198 = arith.constant 1 : i32
      %add3A_199 = arith.addi %mul3A_197, %add3A_198 : i32
      %dma_start3A = arith.constant 0 : i32
      %dma_start3A_200 = tpu.memref_slice %arg6[%mul3A_195, %dma_start3A] : memref<40x128xi32, #tpu.memory_space<vmem>> -> memref<1x128xi32, #tpu.memory_space<vmem>>
      %dma_start3A_201 = tpu.memref_squeeze %dma_start3A_200 : memref<1x128xi32, #tpu.memory_space<vmem>> -> memref<128xi32, #tpu.memory_space<vmem>>
      %dma_start3A_202 = arith.constant 0 : i32
      %dma_start3A_203 = arith.constant 0 : i32
      %dma_start3A_204 = tpu.memref_slice %arg2[%dma_start3A_202, %dma_start3A_203] : memref<10000x128xf32, #tpu.memory_space<hbm>> -> memref<10000x128xf32, #tpu.memory_space<hbm>>
      tpu.enqueue_indirect_dma source(%dma_start3A_204 : memref<10000x128xf32, #tpu.memory_space<hbm>>) target(%arg8 : memref<128x128xf32, #tpu.memory_space<vmem>>) offsets(%dma_start3A_201 : memref<128xi32, #tpu.memory_space<vmem>>) semaphore(%arg11 : memref<!tpu.dma_semaphore, #tpu.memory_space<semaphore_mem>>)
      %dma_start3A_205 = arith.constant 0 : i32
      %dma_start3A_206 = tpu.memref_slice %arg6[%add3A_199, %dma_start3A_205] : memref<40x128xi32, #tpu.memory_space<vmem>> -> memref<1x128xi32, #tpu.memory_space<vmem>>
      %dma_start3A_207 = tpu.memref_squeeze %dma_start3A_206 : memref<1x128xi32, #tpu.memory_space<vmem>> -> memref<128xi32, #tpu.memory_space<vmem>>
      %dma_start3A_208 = arith.constant 0 : i32
      %dma_start3A_209 = arith.constant 0 : i32
      %dma_start3A_210 = tpu.memref_slice %arg2[%dma_start3A_208, %dma_start3A_209] : memref<10000x128xf32, #tpu.memory_space<hbm>> -> memref<10000x128xf32, #tpu.memory_space<hbm>>
      tpu.enqueue_indirect_dma source(%dma_start3A_210 : memref<10000x128xf32, #tpu.memory_space<hbm>>) target(%arg9 : memref<128x128xf32, #tpu.memory_space<vmem>>) offsets(%dma_start3A_207 : memref<128xi32, #tpu.memory_space<vmem>>) semaphore(%arg12 : memref<!tpu.dma_semaphore, #tpu.memory_space<semaphore_mem>>)
      %dma_wait3A = arith.constant 0 : i32
      %dma_wait3A_211 = tpu.memref_slice %arg6[%mul3A_195, %dma_wait3A] : memref<40x128xi32, #tpu.memory_space<vmem>> -> memref<1x128xi32, #tpu.memory_space<vmem>>
      %dma_wait3A_212 = tpu.memref_squeeze %dma_wait3A_211 : memref<1x128xi32, #tpu.memory_space<vmem>> -> memref<128xi32, #tpu.memory_space<vmem>>
      %dma_wait3A_213 = arith.constant 0 : i32
      %dma_wait3A_214 = arith.constant 0 : i32
      %dma_wait3A_215 = tpu.memref_slice %arg2[%dma_wait3A_213, %dma_wait3A_214] : memref<10000x128xf32, #tpu.memory_space<hbm>> -> memref<10000x128xf32, #tpu.memory_space<hbm>>
      tpu.wait_indirect_dma semaphore(%arg11 : memref<!tpu.dma_semaphore, #tpu.memory_space<semaphore_mem>>) src(%dma_wait3A_215 : memref<10000x128xf32, #tpu.memory_space<hbm>>) dst(%arg8 : memref<128x128xf32, #tpu.memory_space<vmem>>)
      "tpu.region"() ({
        %run_scoped3A = tpu.sem_alloc : memref<!tpu.dma_semaphore, #tpu.memory_space<semaphore_mem>>
        %dma_start3A_222 = arith.constant 0 : i32
        %dma_start3A_223 = tpu.memref_slice %arg7[%mul3A_195, %dma_start3A_222] : memref<40x128xi32, #tpu.memory_space<vmem>> -> memref<1x128xi32, #tpu.memory_space<vmem>>
        %dma_start3A_224 = tpu.memref_squeeze %dma_start3A_223 : memref<1x128xi32, #tpu.memory_space<vmem>> -> memref<128xi32, #tpu.memory_space<vmem>>
        %dma_start3A_225 = arith.constant 0 : i32
        %dma_start3A_226 = arith.constant 0 : i32
        %dma_start3A_227 = tpu.memref_slice %arg10[%dma_start3A_225, %dma_start3A_226] : memref<10112x128xf32, #tpu.memory_space<vmem_shared>> -> memref<10112x128xf32, #tpu.memory_space<vmem_shared>>
        tpu.enqueue_indirect_dma source(%arg8 : memref<128x128xf32, #tpu.memory_space<vmem>>) target(%dma_start3A_227 : memref<10112x128xf32, #tpu.memory_space<vmem_shared>>) offsets(%dma_start3A_224 : memref<128xi32, #tpu.memory_space<vmem>>) semaphore(%run_scoped3A : memref<!tpu.dma_semaphore, #tpu.memory_space<semaphore_mem>>) {add = true}
        %dma_wait3A_228 = arith.constant 0 : i32
        %dma_wait3A_229 = tpu.memref_slice %arg7[%mul3A_195, %dma_wait3A_228] : memref<40x128xi32, #tpu.memory_space<vmem>> -> memref<1x128xi32, #tpu.memory_space<vmem>>
        %dma_wait3A_230 = tpu.memref_squeeze %dma_wait3A_229 : memref<1x128xi32, #tpu.memory_space<vmem>> -> memref<128xi32, #tpu.memory_space<vmem>>
        %dma_wait3A_231 = arith.constant 0 : i32
        %dma_wait3A_232 = arith.constant 0 : i32
        %dma_wait3A_233 = tpu.memref_slice %arg10[%dma_wait3A_231, %dma_wait3A_232] : memref<10112x128xf32, #tpu.memory_space<vmem_shared>> -> memref<10112x128xf32, #tpu.memory_space<vmem_shared>>
        tpu.wait_indirect_dma semaphore(%run_scoped3A : memref<!tpu.dma_semaphore, #tpu.memory_space<semaphore_mem>>) src(%arg8 : memref<128x128xf32, #tpu.memory_space<vmem>>) dst(%dma_wait3A_233 : memref<10112x128xf32, #tpu.memory_space<vmem_shared>>)
        tpu.yield
      }) : () -> ()
      %dma_wait3A_216 = arith.constant 0 : i32
      %dma_wait3A_217 = tpu.memref_slice %arg6[%add3A_199, %dma_wait3A_216] : memref<40x128xi32, #tpu.memory_space<vmem>> -> memref<1x128xi32, #tpu.memory_space<vmem>>
      %dma_wait3A_218 = tpu.memref_squeeze %dma_wait3A_217 : memref<1x128xi32, #tpu.memory_space<vmem>> -> memref<128xi32, #tpu.memory_space<vmem>>
      %dma_wait3A_219 = arith.constant 0 : i32
      %dma_wait3A_220 = arith.constant 0 : i32
      %dma_wait3A_221 = tpu.memref_slice %arg2[%dma_wait3A_219, %dma_wait3A_220] : memref<10000x128xf32, #tpu.memory_space<hbm>> -> memref<10000x128xf32, #tpu.memory_space<hbm>>
      tpu.wait_indirect_dma semaphore(%arg12 : memref<!tpu.dma_semaphore, #tpu.memory_space<semaphore_mem>>) src(%dma_wait3A_221 : memref<10000x128xf32, #tpu.memory_space<hbm>>) dst(%arg9 : memref<128x128xf32, #tpu.memory_space<vmem>>)
      "tpu.region"() ({
        %run_scoped3A = tpu.sem_alloc : memref<!tpu.dma_semaphore, #tpu.memory_space<semaphore_mem>>
        %dma_start3A_222 = arith.constant 0 : i32
        %dma_start3A_223 = tpu.memref_slice %arg7[%add3A_199, %dma_start3A_222] : memref<40x128xi32, #tpu.memory_space<vmem>> -> memref<1x128xi32, #tpu.memory_space<vmem>>
        %dma_start3A_224 = tpu.memref_squeeze %dma_start3A_223 : memref<1x128xi32, #tpu.memory_space<vmem>> -> memref<128xi32, #tpu.memory_space<vmem>>
        %dma_start3A_225 = arith.constant 0 : i32
        %dma_start3A_226 = arith.constant 0 : i32
        %dma_start3A_227 = tpu.memref_slice %arg10[%dma_start3A_225, %dma_start3A_226] : memref<10112x128xf32, #tpu.memory_space<vmem_shared>> -> memref<10112x128xf32, #tpu.memory_space<vmem_shared>>
        tpu.enqueue_indirect_dma source(%arg9 : memref<128x128xf32, #tpu.memory_space<vmem>>) target(%dma_start3A_227 : memref<10112x128xf32, #tpu.memory_space<vmem_shared>>) offsets(%dma_start3A_224 : memref<128xi32, #tpu.memory_space<vmem>>) semaphore(%run_scoped3A : memref<!tpu.dma_semaphore, #tpu.memory_space<semaphore_mem>>) {add = true}
        %dma_wait3A_228 = arith.constant 0 : i32
        %dma_wait3A_229 = tpu.memref_slice %arg7[%add3A_199, %dma_wait3A_228] : memref<40x128xi32, #tpu.memory_space<vmem>> -> memref<1x128xi32, #tpu.memory_space<vmem>>
        %dma_wait3A_230 = tpu.memref_squeeze %dma_wait3A_229 : memref<1x128xi32, #tpu.memory_space<vmem>> -> memref<128xi32, #tpu.memory_space<vmem>>
        %dma_wait3A_231 = arith.constant 0 : i32
        %dma_wait3A_232 = arith.constant 0 : i32
        %dma_wait3A_233 = tpu.memref_slice %arg10[%dma_wait3A_231, %dma_wait3A_232] : memref<10112x128xf32, #tpu.memory_space<vmem_shared>> -> memref<10112x128xf32, #tpu.memory_space<vmem_shared>>
        tpu.wait_indirect_dma semaphore(%run_scoped3A : memref<!tpu.dma_semaphore, #tpu.memory_space<semaphore_mem>>) src(%arg9 : memref<128x128xf32, #tpu.memory_space<vmem>>) dst(%dma_wait3A_233 : memref<10112x128xf32, #tpu.memory_space<vmem_shared>>)
        tpu.yield
      }) : () -> ()
    }
    %sub3A_148 = arith.constant 120 : i32
    %sub3A_149 = arith.subi %select_n3A, %sub3A_148 : i32
    %jit3A_150 = arith.constant 0 : i32
    %jit3A_151 = arith.constant 40 : i32
    %max3A_152 = arith.maxsi %jit3A_150, %sub3A_149 : i32
    %min3A_153 = arith.minsi %jit3A_151, %max3A_152 : i32
    %add3A_154 = arith.constant 120 : i32
    %add3A_155 = arith.addi %select_n3A_6, %add3A_154 : i32
    "tpu.region"() ({
      %run_scoped3A = tpu.sem_alloc : memref<!tpu.dma_semaphore, #tpu.memory_space<semaphore_mem>>
      %dma_start3A = arith.constant 0 : i32
      %dma_start3A_193 = tpu.memref_slice %arg3[%add3A_155, %dma_start3A] : memref<2720x128xi32, #tpu.memory_space<hbm>> -> memref<40x128xi32, #tpu.memory_space<hbm>>
      %dma_start3A_194 = arith.constant 0 : i32
      %dma_start3A_195 = tpu.memref_slice %arg3[%add3A_155, %dma_start3A_194] : memref<2720x128xi32, #tpu.memory_space<hbm>> -> memref<40x128xi32, #tpu.memory_space<hbm>>
      tpu.enqueue_dma source(%dma_start3A_195 : memref<40x128xi32, #tpu.memory_space<hbm>>) target(%arg6 : memref<40x128xi32, #tpu.memory_space<vmem>>) target_semaphore(%run_scoped3A : memref<!tpu.dma_semaphore, #tpu.memory_space<semaphore_mem>>)
      %dma_wait3A = arith.constant 0 : i32
      %dma_wait3A_196 = tpu.memref_slice %arg3[%add3A_155, %dma_wait3A] : memref<2720x128xi32, #tpu.memory_space<hbm>> -> memref<40x128xi32, #tpu.memory_space<hbm>>
      %dma_wait3A_197 = arith.constant 0 : i32
      %dma_wait3A_198 = tpu.memref_slice %arg3[%add3A_155, %dma_wait3A_197] : memref<2720x128xi32, #tpu.memory_space<hbm>> -> memref<40x128xi32, #tpu.memory_space<hbm>>
      tpu.wait_dma2 semaphore(%run_scoped3A : memref<!tpu.dma_semaphore, #tpu.memory_space<semaphore_mem>>) src(%dma_wait3A_198 : memref<40x128xi32, #tpu.memory_space<hbm>>) dst(%arg6 : memref<40x128xi32, #tpu.memory_space<vmem>>)
      tpu.yield
    }) : () -> ()
    %add3A_156 = arith.constant 120 : i32
    %add3A_157 = arith.addi %select_n3A_6, %add3A_156 : i32
    "tpu.region"() ({
      %run_scoped3A = tpu.sem_alloc : memref<!tpu.dma_semaphore, #tpu.memory_space<semaphore_mem>>
      %dma_start3A = arith.constant 0 : i32
      %dma_start3A_193 = tpu.memref_slice %arg4[%add3A_157, %dma_start3A] : memref<2720x128xi32, #tpu.memory_space<hbm>> -> memref<40x128xi32, #tpu.memory_space<hbm>>
      %dma_start3A_194 = arith.constant 0 : i32
      %dma_start3A_195 = tpu.memref_slice %arg4[%add3A_157, %dma_start3A_194] : memref<2720x128xi32, #tpu.memory_space<hbm>> -> memref<40x128xi32, #tpu.memory_space<hbm>>
      tpu.enqueue_dma source(%dma_start3A_195 : memref<40x128xi32, #tpu.memory_space<hbm>>) target(%arg7 : memref<40x128xi32, #tpu.memory_space<vmem>>) target_semaphore(%run_scoped3A : memref<!tpu.dma_semaphore, #tpu.memory_space<semaphore_mem>>)
      %dma_wait3A = arith.constant 0 : i32
      %dma_wait3A_196 = tpu.memref_slice %arg4[%add3A_157, %dma_wait3A] : memref<2720x128xi32, #tpu.memory_space<hbm>> -> memref<40x128xi32, #tpu.memory_space<hbm>>
      %dma_wait3A_197 = arith.constant 0 : i32
      %dma_wait3A_198 = tpu.memref_slice %arg4[%add3A_157, %dma_wait3A_197] : memref<2720x128xi32, #tpu.memory_space<hbm>> -> memref<40x128xi32, #tpu.memory_space<hbm>>
      tpu.wait_dma2 semaphore(%run_scoped3A : memref<!tpu.dma_semaphore, #tpu.memory_space<semaphore_mem>>) src(%dma_wait3A_198 : memref<40x128xi32, #tpu.memory_space<hbm>>) dst(%arg7 : memref<40x128xi32, #tpu.memory_space<vmem>>)
      tpu.yield
    }) : () -> ()
    %jit3A_158 = arith.constant 2 : i32
    %div3A_159 = arith.divsi %min3A_153, %jit3A_158 : i32
    %sign3A_160 = arith.constant 0 : i32
    %sign3A_161 = arith.cmpi sgt, %min3A_153, %sign3A_160 : i32
    %sign3A_162 = arith.extui %sign3A_161 : i1 to i32
    %sign3A_163 = arith.constant 0 : i32
    %sign3A_164 = arith.cmpi slt, %min3A_153, %sign3A_163 : i32
    %sign3A_165 = arith.extui %sign3A_164 : i1 to i32
    %sign3A_166 = arith.subi %sign3A_162, %sign3A_165 : i32
    %sign3A_167 = arith.constant 0 : i32
    %sign3A_168 = arith.cmpi sgt, %jit3A_158, %sign3A_167 : i32
    %sign3A_169 = arith.extui %sign3A_168 : i1 to i32
    %sign3A_170 = arith.constant 0 : i32
    %sign3A_171 = arith.cmpi slt, %jit3A_158, %sign3A_170 : i32
    %sign3A_172 = arith.extui %sign3A_171 : i1 to i32
    %sign3A_173 = arith.subi %sign3A_169, %sign3A_172 : i32
    %ne3A_174 = arith.cmpi ne, %sign3A_166, %sign3A_173 : i32
    %rem3A_175 = arith.remsi %min3A_153, %jit3A_158 : i32
    %ne3A_176 = arith.constant 0 : i32
    %ne3A_177 = arith.cmpi ne, %rem3A_175, %ne3A_176 : i32
    %and3A_178 = arith.andi %ne3A_174, %ne3A_177 : i1
    %sub3A_179 = arith.constant 1 : i32
    %sub3A_180 = arith.subi %div3A_159, %sub3A_179 : i32
    %select_n3A_181 = arith.select %and3A_178, %sub3A_180, %div3A_159 : i32
    %while3A_182 = arith.constant 0 : i32
    %while3A_183 = arith.constant 0 : i32
    %while3A_184 = arith.subi %select_n3A_181, %while3A_183 : i32
    %while3A_185 = arith.addi %while3A_183, %while3A_184 : i32
    %while3A_186 = arith.constant 1 : i32
    %while3A_187 = arith.divsi %while3A_184, %while3A_186 : i32
    %while3A_188 = arith.muli %while3A_187, %while3A_186 : i32
    %while3A_189 = arith.addi %while3A_183, %while3A_188 : i32
    %while3A_190 = arith.constant 1 : i32
    scf.for %while3A_193 = %while3A_183 to %while3A_189 step %while3A_190  : i32 {
      %mul3A_194 = arith.constant 2 : i32
      %mul3A_195 = arith.muli %mul3A_194, %while3A_193 : i32
      %mul3A_196 = arith.constant 2 : i32
      %mul3A_197 = arith.muli %mul3A_196, %while3A_193 : i32
      %add3A_198 = arith.constant 1 : i32
      %add3A_199 = arith.addi %mul3A_197, %add3A_198 : i32
      %dma_start3A = arith.constant 0 : i32
      %dma_start3A_200 = tpu.memref_slice %arg6[%mul3A_195, %dma_start3A] : memref<40x128xi32, #tpu.memory_space<vmem>> -> memref<1x128xi32, #tpu.memory_space<vmem>>
      %dma_start3A_201 = tpu.memref_squeeze %dma_start3A_200 : memref<1x128xi32, #tpu.memory_space<vmem>> -> memref<128xi32, #tpu.memory_space<vmem>>
      %dma_start3A_202 = arith.constant 0 : i32
      %dma_start3A_203 = arith.constant 0 : i32
      %dma_start3A_204 = tpu.memref_slice %arg2[%dma_start3A_202, %dma_start3A_203] : memref<10000x128xf32, #tpu.memory_space<hbm>> -> memref<10000x128xf32, #tpu.memory_space<hbm>>
      tpu.enqueue_indirect_dma source(%dma_start3A_204 : memref<10000x128xf32, #tpu.memory_space<hbm>>) target(%arg8 : memref<128x128xf32, #tpu.memory_space<vmem>>) offsets(%dma_start3A_201 : memref<128xi32, #tpu.memory_space<vmem>>) semaphore(%arg11 : memref<!tpu.dma_semaphore, #tpu.memory_space<semaphore_mem>>)
      %dma_start3A_205 = arith.constant 0 : i32
      %dma_start3A_206 = tpu.memref_slice %arg6[%add3A_199, %dma_start3A_205] : memref<40x128xi32, #tpu.memory_space<vmem>> -> memref<1x128xi32, #tpu.memory_space<vmem>>
      %dma_start3A_207 = tpu.memref_squeeze %dma_start3A_206 : memref<1x128xi32, #tpu.memory_space<vmem>> -> memref<128xi32, #tpu.memory_space<vmem>>
      %dma_start3A_208 = arith.constant 0 : i32
      %dma_start3A_209 = arith.constant 0 : i32
      %dma_start3A_210 = tpu.memref_slice %arg2[%dma_start3A_208, %dma_start3A_209] : memref<10000x128xf32, #tpu.memory_space<hbm>> -> memref<10000x128xf32, #tpu.memory_space<hbm>>
      tpu.enqueue_indirect_dma source(%dma_start3A_210 : memref<10000x128xf32, #tpu.memory_space<hbm>>) target(%arg9 : memref<128x128xf32, #tpu.memory_space<vmem>>) offsets(%dma_start3A_207 : memref<128xi32, #tpu.memory_space<vmem>>) semaphore(%arg12 : memref<!tpu.dma_semaphore, #tpu.memory_space<semaphore_mem>>)
      %dma_wait3A = arith.constant 0 : i32
      %dma_wait3A_211 = tpu.memref_slice %arg6[%mul3A_195, %dma_wait3A] : memref<40x128xi32, #tpu.memory_space<vmem>> -> memref<1x128xi32, #tpu.memory_space<vmem>>
      %dma_wait3A_212 = tpu.memref_squeeze %dma_wait3A_211 : memref<1x128xi32, #tpu.memory_space<vmem>> -> memref<128xi32, #tpu.memory_space<vmem>>
      %dma_wait3A_213 = arith.constant 0 : i32
      %dma_wait3A_214 = arith.constant 0 : i32
      %dma_wait3A_215 = tpu.memref_slice %arg2[%dma_wait3A_213, %dma_wait3A_214] : memref<10000x128xf32, #tpu.memory_space<hbm>> -> memref<10000x128xf32, #tpu.memory_space<hbm>>
      tpu.wait_indirect_dma semaphore(%arg11 : memref<!tpu.dma_semaphore, #tpu.memory_space<semaphore_mem>>) src(%dma_wait3A_215 : memref<10000x128xf32, #tpu.memory_space<hbm>>) dst(%arg8 : memref<128x128xf32, #tpu.memory_space<vmem>>)
      "tpu.region"() ({
        %run_scoped3A = tpu.sem_alloc : memref<!tpu.dma_semaphore, #tpu.memory_space<semaphore_mem>>
        %dma_start3A_222 = arith.constant 0 : i32
        %dma_start3A_223 = tpu.memref_slice %arg7[%mul3A_195, %dma_start3A_222] : memref<40x128xi32, #tpu.memory_space<vmem>> -> memref<1x128xi32, #tpu.memory_space<vmem>>
        %dma_start3A_224 = tpu.memref_squeeze %dma_start3A_223 : memref<1x128xi32, #tpu.memory_space<vmem>> -> memref<128xi32, #tpu.memory_space<vmem>>
        %dma_start3A_225 = arith.constant 0 : i32
        %dma_start3A_226 = arith.constant 0 : i32
        %dma_start3A_227 = tpu.memref_slice %arg10[%dma_start3A_225, %dma_start3A_226] : memref<10112x128xf32, #tpu.memory_space<vmem_shared>> -> memref<10112x128xf32, #tpu.memory_space<vmem_shared>>
        tpu.enqueue_indirect_dma source(%arg8 : memref<128x128xf32, #tpu.memory_space<vmem>>) target(%dma_start3A_227 : memref<10112x128xf32, #tpu.memory_space<vmem_shared>>) offsets(%dma_start3A_224 : memref<128xi32, #tpu.memory_space<vmem>>) semaphore(%run_scoped3A : memref<!tpu.dma_semaphore, #tpu.memory_space<semaphore_mem>>) {add = true}
        %dma_wait3A_228 = arith.constant 0 : i32
        %dma_wait3A_229 = tpu.memref_slice %arg7[%mul3A_195, %dma_wait3A_228] : memref<40x128xi32, #tpu.memory_space<vmem>> -> memref<1x128xi32, #tpu.memory_space<vmem>>
        %dma_wait3A_230 = tpu.memref_squeeze %dma_wait3A_229 : memref<1x128xi32, #tpu.memory_space<vmem>> -> memref<128xi32, #tpu.memory_space<vmem>>
        %dma_wait3A_231 = arith.constant 0 : i32
        %dma_wait3A_232 = arith.constant 0 : i32
        %dma_wait3A_233 = tpu.memref_slice %arg10[%dma_wait3A_231, %dma_wait3A_232] : memref<10112x128xf32, #tpu.memory_space<vmem_shared>> -> memref<10112x128xf32, #tpu.memory_space<vmem_shared>>
        tpu.wait_indirect_dma semaphore(%run_scoped3A : memref<!tpu.dma_semaphore, #tpu.memory_space<semaphore_mem>>) src(%arg8 : memref<128x128xf32, #tpu.memory_space<vmem>>) dst(%dma_wait3A_233 : memref<10112x128xf32, #tpu.memory_space<vmem_shared>>)
        tpu.yield
      }) : () -> ()
      %dma_wait3A_216 = arith.constant 0 : i32
      %dma_wait3A_217 = tpu.memref_slice %arg6[%add3A_199, %dma_wait3A_216] : memref<40x128xi32, #tpu.memory_space<vmem>> -> memref<1x128xi32, #tpu.memory_space<vmem>>
      %dma_wait3A_218 = tpu.memref_squeeze %dma_wait3A_217 : memref<1x128xi32, #tpu.memory_space<vmem>> -> memref<128xi32, #tpu.memory_space<vmem>>
      %dma_wait3A_219 = arith.constant 0 : i32
      %dma_wait3A_220 = arith.constant 0 : i32
      %dma_wait3A_221 = tpu.memref_slice %arg2[%dma_wait3A_219, %dma_wait3A_220] : memref<10000x128xf32, #tpu.memory_space<hbm>> -> memref<10000x128xf32, #tpu.memory_space<hbm>>
      tpu.wait_indirect_dma semaphore(%arg12 : memref<!tpu.dma_semaphore, #tpu.memory_space<semaphore_mem>>) src(%dma_wait3A_221 : memref<10000x128xf32, #tpu.memory_space<hbm>>) dst(%arg9 : memref<128x128xf32, #tpu.memory_space<vmem>>)
      "tpu.region"() ({
        %run_scoped3A = tpu.sem_alloc : memref<!tpu.dma_semaphore, #tpu.memory_space<semaphore_mem>>
        %dma_start3A_222 = arith.constant 0 : i32
        %dma_start3A_223 = tpu.memref_slice %arg7[%add3A_199, %dma_start3A_222] : memref<40x128xi32, #tpu.memory_space<vmem>> -> memref<1x128xi32, #tpu.memory_space<vmem>>
        %dma_start3A_224 = tpu.memref_squeeze %dma_start3A_223 : memref<1x128xi32, #tpu.memory_space<vmem>> -> memref<128xi32, #tpu.memory_space<vmem>>
        %dma_start3A_225 = arith.constant 0 : i32
        %dma_start3A_226 = arith.constant 0 : i32
        %dma_start3A_227 = tpu.memref_slice %arg10[%dma_start3A_225, %dma_start3A_226] : memref<10112x128xf32, #tpu.memory_space<vmem_shared>> -> memref<10112x128xf32, #tpu.memory_space<vmem_shared>>
        tpu.enqueue_indirect_dma source(%arg9 : memref<128x128xf32, #tpu.memory_space<vmem>>) target(%dma_start3A_227 : memref<10112x128xf32, #tpu.memory_space<vmem_shared>>) offsets(%dma_start3A_224 : memref<128xi32, #tpu.memory_space<vmem>>) semaphore(%run_scoped3A : memref<!tpu.dma_semaphore, #tpu.memory_space<semaphore_mem>>) {add = true}
        %dma_wait3A_228 = arith.constant 0 : i32
        %dma_wait3A_229 = tpu.memref_slice %arg7[%add3A_199, %dma_wait3A_228] : memref<40x128xi32, #tpu.memory_space<vmem>> -> memref<1x128xi32, #tpu.memory_space<vmem>>
        %dma_wait3A_230 = tpu.memref_squeeze %dma_wait3A_229 : memref<1x128xi32, #tpu.memory_space<vmem>> -> memref<128xi32, #tpu.memory_space<vmem>>
        %dma_wait3A_231 = arith.constant 0 : i32
        %dma_wait3A_232 = arith.constant 0 : i32
        %dma_wait3A_233 = tpu.memref_slice %arg10[%dma_wait3A_231, %dma_wait3A_232] : memref<10112x128xf32, #tpu.memory_space<vmem_shared>> -> memref<10112x128xf32, #tpu.memory_space<vmem_shared>>
        tpu.wait_indirect_dma semaphore(%run_scoped3A : memref<!tpu.dma_semaphore, #tpu.memory_space<semaphore_mem>>) src(%arg9 : memref<128x128xf32, #tpu.memory_space<vmem>>) dst(%dma_wait3A_233 : memref<10112x128xf32, #tpu.memory_space<vmem_shared>>)
        tpu.yield
      }) : () -> ()
    }
    %while3A_191 = arith.constant 1 : i32
    scf.for %while3A_193 = %while3A_189 to %while3A_185 step %while3A_191  : i32 {
      %mul3A_194 = arith.constant 2 : i32
      %mul3A_195 = arith.muli %mul3A_194, %while3A_193 : i32
      %mul3A_196 = arith.constant 2 : i32
      %mul3A_197 = arith.muli %mul3A_196, %while3A_193 : i32
      %add3A_198 = arith.constant 1 : i32
      %add3A_199 = arith.addi %mul3A_197, %add3A_198 : i32
      %dma_start3A = arith.constant 0 : i32
      %dma_start3A_200 = tpu.memref_slice %arg6[%mul3A_195, %dma_start3A] : memref<40x128xi32, #tpu.memory_space<vmem>> -> memref<1x128xi32, #tpu.memory_space<vmem>>
      %dma_start3A_201 = tpu.memref_squeeze %dma_start3A_200 : memref<1x128xi32, #tpu.memory_space<vmem>> -> memref<128xi32, #tpu.memory_space<vmem>>
      %dma_start3A_202 = arith.constant 0 : i32
      %dma_start3A_203 = arith.constant 0 : i32
      %dma_start3A_204 = tpu.memref_slice %arg2[%dma_start3A_202, %dma_start3A_203] : memref<10000x128xf32, #tpu.memory_space<hbm>> -> memref<10000x128xf32, #tpu.memory_space<hbm>>
      tpu.enqueue_indirect_dma source(%dma_start3A_204 : memref<10000x128xf32, #tpu.memory_space<hbm>>) target(%arg8 : memref<128x128xf32, #tpu.memory_space<vmem>>) offsets(%dma_start3A_201 : memref<128xi32, #tpu.memory_space<vmem>>) semaphore(%arg11 : memref<!tpu.dma_semaphore, #tpu.memory_space<semaphore_mem>>)
      %dma_start3A_205 = arith.constant 0 : i32
      %dma_start3A_206 = tpu.memref_slice %arg6[%add3A_199, %dma_start3A_205] : memref<40x128xi32, #tpu.memory_space<vmem>> -> memref<1x128xi32, #tpu.memory_space<vmem>>
      %dma_start3A_207 = tpu.memref_squeeze %dma_start3A_206 : memref<1x128xi32, #tpu.memory_space<vmem>> -> memref<128xi32, #tpu.memory_space<vmem>>
      %dma_start3A_208 = arith.constant 0 : i32
      %dma_start3A_209 = arith.constant 0 : i32
      %dma_start3A_210 = tpu.memref_slice %arg2[%dma_start3A_208, %dma_start3A_209] : memref<10000x128xf32, #tpu.memory_space<hbm>> -> memref<10000x128xf32, #tpu.memory_space<hbm>>
      tpu.enqueue_indirect_dma source(%dma_start3A_210 : memref<10000x128xf32, #tpu.memory_space<hbm>>) target(%arg9 : memref<128x128xf32, #tpu.memory_space<vmem>>) offsets(%dma_start3A_207 : memref<128xi32, #tpu.memory_space<vmem>>) semaphore(%arg12 : memref<!tpu.dma_semaphore, #tpu.memory_space<semaphore_mem>>)
      %dma_wait3A = arith.constant 0 : i32
      %dma_wait3A_211 = tpu.memref_slice %arg6[%mul3A_195, %dma_wait3A] : memref<40x128xi32, #tpu.memory_space<vmem>> -> memref<1x128xi32, #tpu.memory_space<vmem>>
      %dma_wait3A_212 = tpu.memref_squeeze %dma_wait3A_211 : memref<1x128xi32, #tpu.memory_space<vmem>> -> memref<128xi32, #tpu.memory_space<vmem>>
      %dma_wait3A_213 = arith.constant 0 : i32
      %dma_wait3A_214 = arith.constant 0 : i32
      %dma_wait3A_215 = tpu.memref_slice %arg2[%dma_wait3A_213, %dma_wait3A_214] : memref<10000x128xf32, #tpu.memory_space<hbm>> -> memref<10000x128xf32, #tpu.memory_space<hbm>>
      tpu.wait_indirect_dma semaphore(%arg11 : memref<!tpu.dma_semaphore, #tpu.memory_space<semaphore_mem>>) src(%dma_wait3A_215 : memref<10000x128xf32, #tpu.memory_space<hbm>>) dst(%arg8 : memref<128x128xf32, #tpu.memory_space<vmem>>)
      "tpu.region"() ({
        %run_scoped3A = tpu.sem_alloc : memref<!tpu.dma_semaphore, #tpu.memory_space<semaphore_mem>>
        %dma_start3A_222 = arith.constant 0 : i32
        %dma_start3A_223 = tpu.memref_slice %arg7[%mul3A_195, %dma_start3A_222] : memref<40x128xi32, #tpu.memory_space<vmem>> -> memref<1x128xi32, #tpu.memory_space<vmem>>
        %dma_start3A_224 = tpu.memref_squeeze %dma_start3A_223 : memref<1x128xi32, #tpu.memory_space<vmem>> -> memref<128xi32, #tpu.memory_space<vmem>>
        %dma_start3A_225 = arith.constant 0 : i32
        %dma_start3A_226 = arith.constant 0 : i32
        %dma_start3A_227 = tpu.memref_slice %arg10[%dma_start3A_225, %dma_start3A_226] : memref<10112x128xf32, #tpu.memory_space<vmem_shared>> -> memref<10112x128xf32, #tpu.memory_space<vmem_shared>>
        tpu.enqueue_indirect_dma source(%arg8 : memref<128x128xf32, #tpu.memory_space<vmem>>) target(%dma_start3A_227 : memref<10112x128xf32, #tpu.memory_space<vmem_shared>>) offsets(%dma_start3A_224 : memref<128xi32, #tpu.memory_space<vmem>>) semaphore(%run_scoped3A : memref<!tpu.dma_semaphore, #tpu.memory_space<semaphore_mem>>) {add = true}
        %dma_wait3A_228 = arith.constant 0 : i32
        %dma_wait3A_229 = tpu.memref_slice %arg7[%mul3A_195, %dma_wait3A_228] : memref<40x128xi32, #tpu.memory_space<vmem>> -> memref<1x128xi32, #tpu.memory_space<vmem>>
        %dma_wait3A_230 = tpu.memref_squeeze %dma_wait3A_229 : memref<1x128xi32, #tpu.memory_space<vmem>> -> memref<128xi32, #tpu.memory_space<vmem>>
        %dma_wait3A_231 = arith.constant 0 : i32
        %dma_wait3A_232 = arith.constant 0 : i32
        %dma_wait3A_233 = tpu.memref_slice %arg10[%dma_wait3A_231, %dma_wait3A_232] : memref<10112x128xf32, #tpu.memory_space<vmem_shared>> -> memref<10112x128xf32, #tpu.memory_space<vmem_shared>>
        tpu.wait_indirect_dma semaphore(%run_scoped3A : memref<!tpu.dma_semaphore, #tpu.memory_space<semaphore_mem>>) src(%arg8 : memref<128x128xf32, #tpu.memory_space<vmem>>) dst(%dma_wait3A_233 : memref<10112x128xf32, #tpu.memory_space<vmem_shared>>)
        tpu.yield
      }) : () -> ()
      %dma_wait3A_216 = arith.constant 0 : i32
      %dma_wait3A_217 = tpu.memref_slice %arg6[%add3A_199, %dma_wait3A_216] : memref<40x128xi32, #tpu.memory_space<vmem>> -> memref<1x128xi32, #tpu.memory_space<vmem>>
      %dma_wait3A_218 = tpu.memref_squeeze %dma_wait3A_217 : memref<1x128xi32, #tpu.memory_space<vmem>> -> memref<128xi32, #tpu.memory_space<vmem>>
      %dma_wait3A_219 = arith.constant 0 : i32
      %dma_wait3A_220 = arith.constant 0 : i32
      %dma_wait3A_221 = tpu.memref_slice %arg2[%dma_wait3A_219, %dma_wait3A_220] : memref<10000x128xf32, #tpu.memory_space<hbm>> -> memref<10000x128xf32, #tpu.memory_space<hbm>>
      tpu.wait_indirect_dma semaphore(%arg12 : memref<!tpu.dma_semaphore, #tpu.memory_space<semaphore_mem>>) src(%dma_wait3A_221 : memref<10000x128xf32, #tpu.memory_space<hbm>>) dst(%arg9 : memref<128x128xf32, #tpu.memory_space<vmem>>)
      "tpu.region"() ({
        %run_scoped3A = tpu.sem_alloc : memref<!tpu.dma_semaphore, #tpu.memory_space<semaphore_mem>>
        %dma_start3A_222 = arith.constant 0 : i32
        %dma_start3A_223 = tpu.memref_slice %arg7[%add3A_199, %dma_start3A_222] : memref<40x128xi32, #tpu.memory_space<vmem>> -> memref<1x128xi32, #tpu.memory_space<vmem>>
        %dma_start3A_224 = tpu.memref_squeeze %dma_start3A_223 : memref<1x128xi32, #tpu.memory_space<vmem>> -> memref<128xi32, #tpu.memory_space<vmem>>
        %dma_start3A_225 = arith.constant 0 : i32
        %dma_start3A_226 = arith.constant 0 : i32
        %dma_start3A_227 = tpu.memref_slice %arg10[%dma_start3A_225, %dma_start3A_226] : memref<10112x128xf32, #tpu.memory_space<vmem_shared>> -> memref<10112x128xf32, #tpu.memory_space<vmem_shared>>
        tpu.enqueue_indirect_dma source(%arg9 : memref<128x128xf32, #tpu.memory_space<vmem>>) target(%dma_start3A_227 : memref<10112x128xf32, #tpu.memory_space<vmem_shared>>) offsets(%dma_start3A_224 : memref<128xi32, #tpu.memory_space<vmem>>) semaphore(%run_scoped3A : memref<!tpu.dma_semaphore, #tpu.memory_space<semaphore_mem>>) {add = true}
        %dma_wait3A_228 = arith.constant 0 : i32
        %dma_wait3A_229 = tpu.memref_slice %arg7[%add3A_199, %dma_wait3A_228] : memref<40x128xi32, #tpu.memory_space<vmem>> -> memref<1x128xi32, #tpu.memory_space<vmem>>
        %dma_wait3A_230 = tpu.memref_squeeze %dma_wait3A_229 : memref<1x128xi32, #tpu.memory_space<vmem>> -> memref<128xi32, #tpu.memory_space<vmem>>
        %dma_wait3A_231 = arith.constant 0 : i32
        %dma_wait3A_232 = arith.constant 0 : i32
        %dma_wait3A_233 = tpu.memref_slice %arg10[%dma_wait3A_231, %dma_wait3A_232] : memref<10112x128xf32, #tpu.memory_space<vmem_shared>> -> memref<10112x128xf32, #tpu.memory_space<vmem_shared>>
        tpu.wait_indirect_dma semaphore(%run_scoped3A : memref<!tpu.dma_semaphore, #tpu.memory_space<semaphore_mem>>) src(%arg9 : memref<128x128xf32, #tpu.memory_space<vmem>>) dst(%dma_wait3A_233 : memref<10112x128xf32, #tpu.memory_space<vmem_shared>>)
        tpu.yield
      }) : () -> ()
    }
    %barrier3A_192 = arith.constant 0 : index
    tpu.barrier barrier_id(%barrier3A_192)
    "tpu.region"() ({
      %run_scoped3A = tpu.sem_alloc : memref<!tpu.dma_semaphore, #tpu.memory_space<semaphore_mem>>
      %dma_start3A = arith.constant 0 : i32
      %dma_start3A_193 = tpu.memref_slice %arg5[%arg0, %mul3A_14, %dma_start3A] : memref<2x10112x128xf32, #tpu.memory_space<hbm>> -> memref<1x632x128xf32, #tpu.memory_space<hbm>>
      %dma_start3A_194 = tpu.memref_squeeze %dma_start3A_193 : memref<1x632x128xf32, #tpu.memory_space<hbm>> -> memref<632x128xf32, #tpu.memory_space<hbm>>
      %dma_start3A_195 = arith.constant 0 : i32
      %dma_start3A_196 = tpu.memref_slice %arg10[%mul3A_14, %dma_start3A_195] : memref<10112x128xf32, #tpu.memory_space<vmem_shared>> -> memref<632x128xf32, #tpu.memory_space<vmem_shared>>
      tpu.enqueue_dma source(%dma_start3A_196 : memref<632x128xf32, #tpu.memory_space<vmem_shared>>) target(%dma_start3A_194 : memref<632x128xf32, #tpu.memory_space<hbm>>) target_semaphore(%run_scoped3A : memref<!tpu.dma_semaphore, #tpu.memory_space<semaphore_mem>>)
      %dma_wait3A = arith.constant 0 : i32
      %dma_wait3A_197 = tpu.memref_slice %arg5[%arg0, %mul3A_14, %dma_wait3A] : memref<2x10112x128xf32, #tpu.memory_space<hbm>> -> memref<1x632x128xf32, #tpu.memory_space<hbm>>
      %dma_wait3A_198 = tpu.memref_squeeze %dma_wait3A_197 : memref<1x632x128xf32, #tpu.memory_space<hbm>> -> memref<632x128xf32, #tpu.memory_space<hbm>>
      %dma_wait3A_199 = arith.constant 0 : i32
      %dma_wait3A_200 = tpu.memref_slice %arg10[%mul3A_14, %dma_wait3A_199] : memref<10112x128xf32, #tpu.memory_space<vmem_shared>> -> memref<632x128xf32, #tpu.memory_space<vmem_shared>>
      tpu.wait_dma2 semaphore(%run_scoped3A : memref<!tpu.dma_semaphore, #tpu.memory_space<semaphore_mem>>) src(%dma_wait3A_200 : memref<632x128xf32, #tpu.memory_space<vmem_shared>>) dst(%dma_wait3A_198 : memref<632x128xf32, #tpu.memory_space<hbm>>)
      tpu.yield
    }) : () -> ()
    return
  }
}

#map = affine_map<(d0, d1) -> (0, 0)>
#map1 = affine_map<(d0, d1) -> (0, 0, 0)>
module attributes {stable_mosaic.version = 14 : i64} {
  func.func @_deg_body(%arg0: i32, %arg1: i32, %arg2: memref<2720x128xi32, #tpu.memory_space<hbm>>, %arg3: memref<2x10112x128xf32, #tpu.memory_space<hbm>>, %arg4: memref<80x128xi32, #tpu.memory_space<vmem>>, %arg5: memref<128x128xf32, #tpu.memory_space<vmem>>, %arg6: memref<128x128xf32, #tpu.memory_space<vmem>>, %arg7: memref<10112x128xf32, #tpu.memory_space<vmem_shared>>, %arg8: memref<!tpu.dma_semaphore, #tpu.memory_space<semaphore_mem>>) attributes {dimension_semantics = [#tpu.dimension_semantics<core_parallel>, #tpu.dimension_semantics<subcore_parallel>], iteration_bounds = array<i64: 2, 16>, scalar_prefetch = 0 : i64, scratch_operands = 5 : i64, tpu.core_type = #tpu.core_type<sc_vector_subcore>, window_params = [{transform_indices = #map}, {transform_indices = #map1}]} {
    %mul3A = arith.constant 16 : i32
    %mul3A_0 = arith.muli %arg0, %mul3A : i32
    %add3A = arith.addi %mul3A_0, %arg1 : i32
    %mul3A_1 = arith.constant 80 : i32
    %mul3A_2 = arith.muli %add3A, %mul3A_1 : i32
    "tpu.region"() ({
      %run_scoped3A = tpu.sem_alloc : memref<!tpu.dma_semaphore, #tpu.memory_space<semaphore_mem>>
      %dma_start3A = arith.constant 0 : i32
      %dma_start3A_30 = tpu.memref_slice %arg2[%mul3A_2, %dma_start3A] : memref<2720x128xi32, #tpu.memory_space<hbm>> -> memref<80x128xi32, #tpu.memory_space<hbm>>
      %dma_start3A_31 = arith.constant 0 : i32
      %dma_start3A_32 = tpu.memref_slice %arg2[%mul3A_2, %dma_start3A_31] : memref<2720x128xi32, #tpu.memory_space<hbm>> -> memref<80x128xi32, #tpu.memory_space<hbm>>
      tpu.enqueue_dma source(%dma_start3A_32 : memref<80x128xi32, #tpu.memory_space<hbm>>) target(%arg4 : memref<80x128xi32, #tpu.memory_space<vmem>>) target_semaphore(%run_scoped3A : memref<!tpu.dma_semaphore, #tpu.memory_space<semaphore_mem>>)
      %dma_wait3A = arith.constant 0 : i32
      %dma_wait3A_33 = tpu.memref_slice %arg2[%mul3A_2, %dma_wait3A] : memref<2720x128xi32, #tpu.memory_space<hbm>> -> memref<80x128xi32, #tpu.memory_space<hbm>>
      %dma_wait3A_34 = arith.constant 0 : i32
      %dma_wait3A_35 = tpu.memref_slice %arg2[%mul3A_2, %dma_wait3A_34] : memref<2720x128xi32, #tpu.memory_space<hbm>> -> memref<80x128xi32, #tpu.memory_space<hbm>>
      tpu.wait_dma2 semaphore(%run_scoped3A : memref<!tpu.dma_semaphore, #tpu.memory_space<semaphore_mem>>) src(%dma_wait3A_35 : memref<80x128xi32, #tpu.memory_space<hbm>>) dst(%arg4 : memref<80x128xi32, #tpu.memory_space<vmem>>)
      tpu.yield
    }) : () -> ()
    %broadcast_in_dim3A = arith.constant 0.000000e+00 : f32
    %broadcast_in_dim3A_3 = vector.broadcast %broadcast_in_dim3A : f32 to vector<16xf32>
    %broadcast_in_dim3A_4 = arith.constant 1.000000e+00 : f32
    %broadcast_in_dim3A_5 = vector.broadcast %broadcast_in_dim3A_4 : f32 to vector<16xf32>
    %scan3A = arith.constant 0 : i32
    %scan3A_6 = arith.constant 0 : i32
    %scan3A_7 = arith.constant 128 : i32
    %scan3A_8 = arith.addi %scan3A_6, %scan3A_7 : i32
    %scan3A_9 = arith.constant 1 : i32
    scf.for %scan3A_30 = %scan3A_6 to %scan3A_8 step %scan3A_9  : i32 {
      %swap3A = arith.index_cast %scan3A_30 : i32 to index
      %swap3A_31 = arith.constant 0 : index
      %swap3A_32 = tpu.vector_load %arg5[%swap3A, %swap3A_31] {strides = array<i32>} : memref<128x128xf32, #tpu.memory_space<vmem>>, vector<1x16xf32>,
      %swap3A_33 = vector.shape_cast %swap3A_32 : vector<1x16xf32> to vector<16xf32>
      %swap3A_34 = vector.shape_cast %broadcast_in_dim3A_5 : vector<16xf32> to vector<1x16xf32>
      tpu.vector_store %arg5[%swap3A, %swap3A_31], %swap3A_34 {strides = array<i32>} : memref<128x128xf32, #tpu.memory_space<vmem>>, vector<1x16xf32>,
      %swap3A_35 = arith.index_cast %scan3A_30 : i32 to index
      %swap3A_36 = arith.constant 0 : index
      %swap3A_37 = tpu.vector_load %arg6[%swap3A_35, %swap3A_36] {strides = array<i32>} : memref<128x128xf32, #tpu.memory_space<vmem>>, vector<1x16xf32>,
      %swap3A_38 = vector.shape_cast %swap3A_37 : vector<1x16xf32> to vector<16xf32>
      %swap3A_39 = vector.shape_cast %broadcast_in_dim3A_3 : vector<16xf32> to vector<1x16xf32>
      tpu.vector_store %arg6[%swap3A_35, %swap3A_36], %swap3A_39 {strides = array<i32>} : memref<128x128xf32, #tpu.memory_space<vmem>>, vector<1x16xf32>,
      %swap3A_40 = arith.index_cast %scan3A_30 : i32 to index
      %swap3A_41 = arith.constant 16 : index
      %swap3A_42 = tpu.vector_load %arg5[%swap3A_40, %swap3A_41] {strides = array<i32>} : memref<128x128xf32, #tpu.memory_space<vmem>>, vector<1x16xf32>,
      %swap3A_43 = vector.shape_cast %swap3A_42 : vector<1x16xf32> to vector<16xf32>
      %swap3A_44 = vector.shape_cast %broadcast_in_dim3A_5 : vector<16xf32> to vector<1x16xf32>
      tpu.vector_store %arg5[%swap3A_40, %swap3A_41], %swap3A_44 {strides = array<i32>} : memref<128x128xf32, #tpu.memory_space<vmem>>, vector<1x16xf32>,
      %swap3A_45 = arith.index_cast %scan3A_30 : i32 to index
      %swap3A_46 = arith.constant 16 : index
      %swap3A_47 = tpu.vector_load %arg6[%swap3A_45, %swap3A_46] {strides = array<i32>} : memref<128x128xf32, #tpu.memory_space<vmem>>, vector<1x16xf32>,
      %swap3A_48 = vector.shape_cast %swap3A_47 : vector<1x16xf32> to vector<16xf32>
      %swap3A_49 = vector.shape_cast %broadcast_in_dim3A_3 : vector<16xf32> to vector<1x16xf32>
      tpu.vector_store %arg6[%swap3A_45, %swap3A_46], %swap3A_49 {strides = array<i32>} : memref<128x128xf32, #tpu.memory_space<vmem>>, vector<1x16xf32>,
      %swap3A_50 = arith.index_cast %scan3A_30 : i32 to index
      %swap3A_51 = arith.constant 32 : index
      %swap3A_52 = tpu.vector_load %arg5[%swap3A_50, %swap3A_51] {strides = array<i32>} : memref<128x128xf32, #tpu.memory_space<vmem>>, vector<1x16xf32>,
      %swap3A_53 = vector.shape_cast %swap3A_52 : vector<1x16xf32> to vector<16xf32>
      %swap3A_54 = vector.shape_cast %broadcast_in_dim3A_5 : vector<16xf32> to vector<1x16xf32>
      tpu.vector_store %arg5[%swap3A_50, %swap3A_51], %swap3A_54 {strides = array<i32>} : memref<128x128xf32, #tpu.memory_space<vmem>>, vector<1x16xf32>,
      %swap3A_55 = arith.index_cast %scan3A_30 : i32 to index
      %swap3A_56 = arith.constant 32 : index
      %swap3A_57 = tpu.vector_load %arg6[%swap3A_55, %swap3A_56] {strides = array<i32>} : memref<128x128xf32, #tpu.memory_space<vmem>>, vector<1x16xf32>,
      %swap3A_58 = vector.shape_cast %swap3A_57 : vector<1x16xf32> to vector<16xf32>
      %swap3A_59 = vector.shape_cast %broadcast_in_dim3A_3 : vector<16xf32> to vector<1x16xf32>
      tpu.vector_store %arg6[%swap3A_55, %swap3A_56], %swap3A_59 {strides = array<i32>} : memref<128x128xf32, #tpu.memory_space<vmem>>, vector<1x16xf32>,
      %swap3A_60 = arith.index_cast %scan3A_30 : i32 to index
      %swap3A_61 = arith.constant 48 : index
      %swap3A_62 = tpu.vector_load %arg5[%swap3A_60, %swap3A_61] {strides = array<i32>} : memref<128x128xf32, #tpu.memory_space<vmem>>, vector<1x16xf32>,
      %swap3A_63 = vector.shape_cast %swap3A_62 : vector<1x16xf32> to vector<16xf32>
      %swap3A_64 = vector.shape_cast %broadcast_in_dim3A_5 : vector<16xf32> to vector<1x16xf32>
      tpu.vector_store %arg5[%swap3A_60, %swap3A_61], %swap3A_64 {strides = array<i32>} : memref<128x128xf32, #tpu.memory_space<vmem>>, vector<1x16xf32>,
      %swap3A_65 = arith.index_cast %scan3A_30 : i32 to index
      %swap3A_66 = arith.constant 48 : index
      %swap3A_67 = tpu.vector_load %arg6[%swap3A_65, %swap3A_66] {strides = array<i32>} : memref<128x128xf32, #tpu.memory_space<vmem>>, vector<1x16xf32>,
      %swap3A_68 = vector.shape_cast %swap3A_67 : vector<1x16xf32> to vector<16xf32>
      %swap3A_69 = vector.shape_cast %broadcast_in_dim3A_3 : vector<16xf32> to vector<1x16xf32>
      tpu.vector_store %arg6[%swap3A_65, %swap3A_66], %swap3A_69 {strides = array<i32>} : memref<128x128xf32, #tpu.memory_space<vmem>>, vector<1x16xf32>,
      %swap3A_70 = arith.index_cast %scan3A_30 : i32 to index
      %swap3A_71 = arith.constant 64 : index
      %swap3A_72 = tpu.vector_load %arg5[%swap3A_70, %swap3A_71] {strides = array<i32>} : memref<128x128xf32, #tpu.memory_space<vmem>>, vector<1x16xf32>,
      %swap3A_73 = vector.shape_cast %swap3A_72 : vector<1x16xf32> to vector<16xf32>
      %swap3A_74 = vector.shape_cast %broadcast_in_dim3A_5 : vector<16xf32> to vector<1x16xf32>
      tpu.vector_store %arg5[%swap3A_70, %swap3A_71], %swap3A_74 {strides = array<i32>} : memref<128x128xf32, #tpu.memory_space<vmem>>, vector<1x16xf32>,
      %swap3A_75 = arith.index_cast %scan3A_30 : i32 to index
      %swap3A_76 = arith.constant 64 : index
      %swap3A_77 = tpu.vector_load %arg6[%swap3A_75, %swap3A_76] {strides = array<i32>} : memref<128x128xf32, #tpu.memory_space<vmem>>, vector<1x16xf32>,
      %swap3A_78 = vector.shape_cast %swap3A_77 : vector<1x16xf32> to vector<16xf32>
      %swap3A_79 = vector.shape_cast %broadcast_in_dim3A_3 : vector<16xf32> to vector<1x16xf32>
      tpu.vector_store %arg6[%swap3A_75, %swap3A_76], %swap3A_79 {strides = array<i32>} : memref<128x128xf32, #tpu.memory_space<vmem>>, vector<1x16xf32>,
      %swap3A_80 = arith.index_cast %scan3A_30 : i32 to index
      %swap3A_81 = arith.constant 80 : index
      %swap3A_82 = tpu.vector_load %arg5[%swap3A_80, %swap3A_81] {strides = array<i32>} : memref<128x128xf32, #tpu.memory_space<vmem>>, vector<1x16xf32>,
      %swap3A_83 = vector.shape_cast %swap3A_82 : vector<1x16xf32> to vector<16xf32>
      %swap3A_84 = vector.shape_cast %broadcast_in_dim3A_5 : vector<16xf32> to vector<1x16xf32>
      tpu.vector_store %arg5[%swap3A_80, %swap3A_81], %swap3A_84 {strides = array<i32>} : memref<128x128xf32, #tpu.memory_space<vmem>>, vector<1x16xf32>,
      %swap3A_85 = arith.index_cast %scan3A_30 : i32 to index
      %swap3A_86 = arith.constant 80 : index
      %swap3A_87 = tpu.vector_load %arg6[%swap3A_85, %swap3A_86] {strides = array<i32>} : memref<128x128xf32, #tpu.memory_space<vmem>>, vector<1x16xf32>,
      %swap3A_88 = vector.shape_cast %swap3A_87 : vector<1x16xf32> to vector<16xf32>
      %swap3A_89 = vector.shape_cast %broadcast_in_dim3A_3 : vector<16xf32> to vector<1x16xf32>
      tpu.vector_store %arg6[%swap3A_85, %swap3A_86], %swap3A_89 {strides = array<i32>} : memref<128x128xf32, #tpu.memory_space<vmem>>, vector<1x16xf32>,
      %swap3A_90 = arith.index_cast %scan3A_30 : i32 to index
      %swap3A_91 = arith.constant 96 : index
      %swap3A_92 = tpu.vector_load %arg5[%swap3A_90, %swap3A_91] {strides = array<i32>} : memref<128x128xf32, #tpu.memory_space<vmem>>, vector<1x16xf32>,
      %swap3A_93 = vector.shape_cast %swap3A_92 : vector<1x16xf32> to vector<16xf32>
      %swap3A_94 = vector.shape_cast %broadcast_in_dim3A_5 : vector<16xf32> to vector<1x16xf32>
      tpu.vector_store %arg5[%swap3A_90, %swap3A_91], %swap3A_94 {strides = array<i32>} : memref<128x128xf32, #tpu.memory_space<vmem>>, vector<1x16xf32>,
      %swap3A_95 = arith.index_cast %scan3A_30 : i32 to index
      %swap3A_96 = arith.constant 96 : index
      %swap3A_97 = tpu.vector_load %arg6[%swap3A_95, %swap3A_96] {strides = array<i32>} : memref<128x128xf32, #tpu.memory_space<vmem>>, vector<1x16xf32>,
      %swap3A_98 = vector.shape_cast %swap3A_97 : vector<1x16xf32> to vector<16xf32>
      %swap3A_99 = vector.shape_cast %broadcast_in_dim3A_3 : vector<16xf32> to vector<1x16xf32>
      tpu.vector_store %arg6[%swap3A_95, %swap3A_96], %swap3A_99 {strides = array<i32>} : memref<128x128xf32, #tpu.memory_space<vmem>>, vector<1x16xf32>,
      %swap3A_100 = arith.index_cast %scan3A_30 : i32 to index
      %swap3A_101 = arith.constant 112 : index
      %swap3A_102 = tpu.vector_load %arg5[%swap3A_100, %swap3A_101] {strides = array<i32>} : memref<128x128xf32, #tpu.memory_space<vmem>>, vector<1x16xf32>,
      %swap3A_103 = vector.shape_cast %swap3A_102 : vector<1x16xf32> to vector<16xf32>
      %swap3A_104 = vector.shape_cast %broadcast_in_dim3A_5 : vector<16xf32> to vector<1x16xf32>
      tpu.vector_store %arg5[%swap3A_100, %swap3A_101], %swap3A_104 {strides = array<i32>} : memref<128x128xf32, #tpu.memory_space<vmem>>, vector<1x16xf32>,
      %swap3A_105 = arith.index_cast %scan3A_30 : i32 to index
      %swap3A_106 = arith.constant 112 : index
      %swap3A_107 = tpu.vector_load %arg6[%swap3A_105, %swap3A_106] {strides = array<i32>} : memref<128x128xf32, #tpu.memory_space<vmem>>, vector<1x16xf32>,
      %swap3A_108 = vector.shape_cast %swap3A_107 : vector<1x16xf32> to vector<16xf32>
      %swap3A_109 = vector.shape_cast %broadcast_in_dim3A_3 : vector<16xf32> to vector<1x16xf32>
      tpu.vector_store %arg6[%swap3A_105, %swap3A_106], %swap3A_109 {strides = array<i32>} : memref<128x128xf32, #tpu.memory_space<vmem>>, vector<1x16xf32>,
    }
    %scan3A_10 = arith.constant 128 : i32
    %mul3A_11 = arith.constant 632 : i32
    %mul3A_12 = arith.muli %arg1, %mul3A_11 : i32
    %add3A_13 = arith.constant 0 : i32
    %add3A_14 = arith.addi %mul3A_12, %add3A_13 : i32
    "tpu.region"() ({
      %run_scoped3A = tpu.sem_alloc : memref<!tpu.dma_semaphore, #tpu.memory_space<semaphore_mem>>
      %dma_start3A = arith.constant 0 : i32
      %dma_start3A_30 = tpu.memref_slice %arg7[%add3A_14, %dma_start3A] : memref<10112x128xf32, #tpu.memory_space<vmem_shared>> -> memref<128x128xf32, #tpu.memory_space<vmem_shared>>
      %dma_start3A_31 = arith.constant 0 : i32
      %dma_start3A_32 = tpu.memref_slice %arg7[%add3A_14, %dma_start3A_31] : memref<10112x128xf32, #tpu.memory_space<vmem_shared>> -> memref<128x128xf32, #tpu.memory_space<vmem_shared>>
      tpu.enqueue_dma source(%arg6 : memref<128x128xf32, #tpu.memory_space<vmem>>) target(%dma_start3A_32 : memref<128x128xf32, #tpu.memory_space<vmem_shared>>) target_semaphore(%run_scoped3A : memref<!tpu.dma_semaphore, #tpu.memory_space<semaphore_mem>>)
      %dma_wait3A = arith.constant 0 : i32
      %dma_wait3A_33 = tpu.memref_slice %arg7[%add3A_14, %dma_wait3A] : memref<10112x128xf32, #tpu.memory_space<vmem_shared>> -> memref<128x128xf32, #tpu.memory_space<vmem_shared>>
      %dma_wait3A_34 = arith.constant 0 : i32
      %dma_wait3A_35 = tpu.memref_slice %arg7[%add3A_14, %dma_wait3A_34] : memref<10112x128xf32, #tpu.memory_space<vmem_shared>> -> memref<128x128xf32, #tpu.memory_space<vmem_shared>>
      tpu.wait_dma2 semaphore(%run_scoped3A : memref<!tpu.dma_semaphore, #tpu.memory_space<semaphore_mem>>) src(%arg6 : memref<128x128xf32, #tpu.memory_space<vmem>>) dst(%dma_wait3A_35 : memref<128x128xf32, #tpu.memory_space<vmem_shared>>)
      tpu.yield
    }) : () -> ()
    %add3A_15 = arith.constant 128 : i32
    %add3A_16 = arith.addi %mul3A_12, %add3A_15 : i32
    "tpu.region"() ({
      %run_scoped3A = tpu.sem_alloc : memref<!tpu.dma_semaphore, #tpu.memory_space<semaphore_mem>>
      %dma_start3A = arith.constant 0 : i32
      %dma_start3A_30 = tpu.memref_slice %arg7[%add3A_16, %dma_start3A] : memref<10112x128xf32, #tpu.memory_space<vmem_shared>> -> memref<128x128xf32, #tpu.memory_space<vmem_shared>>
      %dma_start3A_31 = arith.constant 0 : i32
      %dma_start3A_32 = tpu.memref_slice %arg7[%add3A_16, %dma_start3A_31] : memref<10112x128xf32, #tpu.memory_space<vmem_shared>> -> memref<128x128xf32, #tpu.memory_space<vmem_shared>>
      tpu.enqueue_dma source(%arg6 : memref<128x128xf32, #tpu.memory_space<vmem>>) target(%dma_start3A_32 : memref<128x128xf32, #tpu.memory_space<vmem_shared>>) target_semaphore(%run_scoped3A : memref<!tpu.dma_semaphore, #tpu.memory_space<semaphore_mem>>)
      %dma_wait3A = arith.constant 0 : i32
      %dma_wait3A_33 = tpu.memref_slice %arg7[%add3A_16, %dma_wait3A] : memref<10112x128xf32, #tpu.memory_space<vmem_shared>> -> memref<128x128xf32, #tpu.memory_space<vmem_shared>>
      %dma_wait3A_34 = arith.constant 0 : i32
      %dma_wait3A_35 = tpu.memref_slice %arg7[%add3A_16, %dma_wait3A_34] : memref<10112x128xf32, #tpu.memory_space<vmem_shared>> -> memref<128x128xf32, #tpu.memory_space<vmem_shared>>
      tpu.wait_dma2 semaphore(%run_scoped3A : memref<!tpu.dma_semaphore, #tpu.memory_space<semaphore_mem>>) src(%arg6 : memref<128x128xf32, #tpu.memory_space<vmem>>) dst(%dma_wait3A_35 : memref<128x128xf32, #tpu.memory_space<vmem_shared>>)
      tpu.yield
    }) : () -> ()
    %add3A_17 = arith.constant 256 : i32
    %add3A_18 = arith.addi %mul3A_12, %add3A_17 : i32
    "tpu.region"() ({
      %run_scoped3A = tpu.sem_alloc : memref<!tpu.dma_semaphore, #tpu.memory_space<semaphore_mem>>
      %dma_start3A = arith.constant 0 : i32
      %dma_start3A_30 = tpu.memref_slice %arg7[%add3A_18, %dma_start3A] : memref<10112x128xf32, #tpu.memory_space<vmem_shared>> -> memref<128x128xf32, #tpu.memory_space<vmem_shared>>
      %dma_start3A_31 = arith.constant 0 : i32
      %dma_start3A_32 = tpu.memref_slice %arg7[%add3A_18, %dma_start3A_31] : memref<10112x128xf32, #tpu.memory_space<vmem_shared>> -> memref<128x128xf32, #tpu.memory_space<vmem_shared>>
      tpu.enqueue_dma source(%arg6 : memref<128x128xf32, #tpu.memory_space<vmem>>) target(%dma_start3A_32 : memref<128x128xf32, #tpu.memory_space<vmem_shared>>) target_semaphore(%run_scoped3A : memref<!tpu.dma_semaphore, #tpu.memory_space<semaphore_mem>>)
      %dma_wait3A = arith.constant 0 : i32
      %dma_wait3A_33 = tpu.memref_slice %arg7[%add3A_18, %dma_wait3A] : memref<10112x128xf32, #tpu.memory_space<vmem_shared>> -> memref<128x128xf32, #tpu.memory_space<vmem_shared>>
      %dma_wait3A_34 = arith.constant 0 : i32
      %dma_wait3A_35 = tpu.memref_slice %arg7[%add3A_18, %dma_wait3A_34] : memref<10112x128xf32, #tpu.memory_space<vmem_shared>> -> memref<128x128xf32, #tpu.memory_space<vmem_shared>>
      tpu.wait_dma2 semaphore(%run_scoped3A : memref<!tpu.dma_semaphore, #tpu.memory_space<semaphore_mem>>) src(%arg6 : memref<128x128xf32, #tpu.memory_space<vmem>>) dst(%dma_wait3A_35 : memref<128x128xf32, #tpu.memory_space<vmem_shared>>)
      tpu.yield
    }) : () -> ()
    %add3A_19 = arith.constant 384 : i32
    %add3A_20 = arith.addi %mul3A_12, %add3A_19 : i32
    "tpu.region"() ({
      %run_scoped3A = tpu.sem_alloc : memref<!tpu.dma_semaphore, #tpu.memory_space<semaphore_mem>>
      %dma_start3A = arith.constant 0 : i32
      %dma_start3A_30 = tpu.memref_slice %arg7[%add3A_20, %dma_start3A] : memref<10112x128xf32, #tpu.memory_space<vmem_shared>> -> memref<128x128xf32, #tpu.memory_space<vmem_shared>>
      %dma_start3A_31 = arith.constant 0 : i32
      %dma_start3A_32 = tpu.memref_slice %arg7[%add3A_20, %dma_start3A_31] : memref<10112x128xf32, #tpu.memory_space<vmem_shared>> -> memref<128x128xf32, #tpu.memory_space<vmem_shared>>
      tpu.enqueue_dma source(%arg6 : memref<128x128xf32, #tpu.memory_space<vmem>>) target(%dma_start3A_32 : memref<128x128xf32, #tpu.memory_space<vmem_shared>>) target_semaphore(%run_scoped3A : memref<!tpu.dma_semaphore, #tpu.memory_space<semaphore_mem>>)
      %dma_wait3A = arith.constant 0 : i32
      %dma_wait3A_33 = tpu.memref_slice %arg7[%add3A_20, %dma_wait3A] : memref<10112x128xf32, #tpu.memory_space<vmem_shared>> -> memref<128x128xf32, #tpu.memory_space<vmem_shared>>
      %dma_wait3A_34 = arith.constant 0 : i32
      %dma_wait3A_35 = tpu.memref_slice %arg7[%add3A_20, %dma_wait3A_34] : memref<10112x128xf32, #tpu.memory_space<vmem_shared>> -> memref<128x128xf32, #tpu.memory_space<vmem_shared>>
      tpu.wait_dma2 semaphore(%run_scoped3A : memref<!tpu.dma_semaphore, #tpu.memory_space<semaphore_mem>>) src(%arg6 : memref<128x128xf32, #tpu.memory_space<vmem>>) dst(%dma_wait3A_35 : memref<128x128xf32, #tpu.memory_space<vmem_shared>>)
      tpu.yield
    }) : () -> ()
    %add3A_21 = arith.constant 512 : i32
    %add3A_22 = arith.addi %mul3A_12, %add3A_21 : i32
    "tpu.region"() ({
      %run_scoped3A = tpu.sem_alloc : memref<!tpu.dma_semaphore, #tpu.memory_space<semaphore_mem>>
      %dma_start3A = arith.constant 0 : i32
      %dma_start3A_30 = arith.constant 0 : i32
      %dma_start3A_31 = tpu.memref_slice %arg6[%dma_start3A, %dma_start3A_30] : memref<128x128xf32, #tpu.memory_space<vmem>> -> memref<120x128xf32, #tpu.memory_space<vmem>>
      %dma_start3A_32 = arith.constant 0 : i32
      %dma_start3A_33 = tpu.memref_slice %arg7[%add3A_22, %dma_start3A_32] : memref<10112x128xf32, #tpu.memory_space<vmem_shared>> -> memref<120x128xf32, #tpu.memory_space<vmem_shared>>
      %dma_start3A_34 = arith.constant 0 : i32
      %dma_start3A_35 = tpu.memref_slice %arg7[%add3A_22, %dma_start3A_34] : memref<10112x128xf32, #tpu.memory_space<vmem_shared>> -> memref<120x128xf32, #tpu.memory_space<vmem_shared>>
      %dma_start3A_36 = arith.constant 0 : i32
      %dma_start3A_37 = arith.constant 0 : i32
      %dma_start3A_38 = tpu.memref_slice %arg6[%dma_start3A_36, %dma_start3A_37] : memref<128x128xf32, #tpu.memory_space<vmem>> -> memref<120x128xf32, #tpu.memory_space<vmem>>
      tpu.enqueue_dma source(%dma_start3A_38 : memref<120x128xf32, #tpu.memory_space<vmem>>) target(%dma_start3A_35 : memref<120x128xf32, #tpu.memory_space<vmem_shared>>) target_semaphore(%run_scoped3A : memref<!tpu.dma_semaphore, #tpu.memory_space<semaphore_mem>>)
      %dma_wait3A = arith.constant 0 : i32
      %dma_wait3A_39 = arith.constant 0 : i32
      %dma_wait3A_40 = tpu.memref_slice %arg6[%dma_wait3A, %dma_wait3A_39] : memref<128x128xf32, #tpu.memory_space<vmem>> -> memref<120x128xf32, #tpu.memory_space<vmem>>
      %dma_wait3A_41 = arith.constant 0 : i32
      %dma_wait3A_42 = tpu.memref_slice %arg7[%add3A_22, %dma_wait3A_41] : memref<10112x128xf32, #tpu.memory_space<vmem_shared>> -> memref<120x128xf32, #tpu.memory_space<vmem_shared>>
      %dma_wait3A_43 = arith.constant 0 : i32
      %dma_wait3A_44 = tpu.memref_slice %arg7[%add3A_22, %dma_wait3A_43] : memref<10112x128xf32, #tpu.memory_space<vmem_shared>> -> memref<120x128xf32, #tpu.memory_space<vmem_shared>>
      %dma_wait3A_45 = arith.constant 0 : i32
      %dma_wait3A_46 = arith.constant 0 : i32
      %dma_wait3A_47 = tpu.memref_slice %arg6[%dma_wait3A_45, %dma_wait3A_46] : memref<128x128xf32, #tpu.memory_space<vmem>> -> memref<120x128xf32, #tpu.memory_space<vmem>>
      tpu.wait_dma2 semaphore(%run_scoped3A : memref<!tpu.dma_semaphore, #tpu.memory_space<semaphore_mem>>) src(%dma_wait3A_47 : memref<120x128xf32, #tpu.memory_space<vmem>>) dst(%dma_wait3A_44 : memref<120x128xf32, #tpu.memory_space<vmem_shared>>)
      tpu.yield
    }) : () -> ()
    %barrier3A = arith.constant 0 : index
    tpu.barrier barrier_id(%barrier3A)
    %scan3A_23 = arith.constant 0 : i32
    %scan3A_24 = arith.constant 0 : i32
    %scan3A_25 = arith.constant 80 : i32
    %scan3A_26 = arith.addi %scan3A_24, %scan3A_25 : i32
    %scan3A_27 = arith.constant 1 : i32
    scf.for %scan3A_30 = %scan3A_24 to %scan3A_26 step %scan3A_27  : i32 {
      "tpu.region"() ({
        %run_scoped3A = tpu.sem_alloc : memref<!tpu.dma_semaphore, #tpu.memory_space<semaphore_mem>>
        %dma_start3A = arith.constant 0 : i32
        %dma_start3A_31 = tpu.memref_slice %arg4[%scan3A_30, %dma_start3A] : memref<80x128xi32, #tpu.memory_space<vmem>> -> memref<1x128xi32, #tpu.memory_space<vmem>>
        %dma_start3A_32 = tpu.memref_squeeze %dma_start3A_31 : memref<1x128xi32, #tpu.memory_space<vmem>> -> memref<128xi32, #tpu.memory_space<vmem>>
        %dma_start3A_33 = arith.constant 0 : i32
        %dma_start3A_34 = arith.constant 0 : i32
        %dma_start3A_35 = tpu.memref_slice %arg7[%dma_start3A_33, %dma_start3A_34] : memref<10112x128xf32, #tpu.memory_space<vmem_shared>> -> memref<10112x128xf32, #tpu.memory_space<vmem_shared>>
        tpu.enqueue_indirect_dma source(%arg5 : memref<128x128xf32, #tpu.memory_space<vmem>>) target(%dma_start3A_35 : memref<10112x128xf32, #tpu.memory_space<vmem_shared>>) offsets(%dma_start3A_32 : memref<128xi32, #tpu.memory_space<vmem>>) semaphore(%run_scoped3A : memref<!tpu.dma_semaphore, #tpu.memory_space<semaphore_mem>>) {add = true}
        %dma_wait3A = arith.constant 0 : i32
        %dma_wait3A_36 = tpu.memref_slice %arg4[%scan3A_30, %dma_wait3A] : memref<80x128xi32, #tpu.memory_space<vmem>> -> memref<1x128xi32, #tpu.memory_space<vmem>>
        %dma_wait3A_37 = tpu.memref_squeeze %dma_wait3A_36 : memref<1x128xi32, #tpu.memory_space<vmem>> -> memref<128xi32, #tpu.memory_space<vmem>>
        %dma_wait3A_38 = arith.constant 0 : i32
        %dma_wait3A_39 = arith.constant 0 : i32
        %dma_wait3A_40 = tpu.memref_slice %arg7[%dma_wait3A_38, %dma_wait3A_39] : memref<10112x128xf32, #tpu.memory_space<vmem_shared>> -> memref<10112x128xf32, #tpu.memory_space<vmem_shared>>
        tpu.wait_indirect_dma semaphore(%run_scoped3A : memref<!tpu.dma_semaphore, #tpu.memory_space<semaphore_mem>>) src(%arg5 : memref<128x128xf32, #tpu.memory_space<vmem>>) dst(%dma_wait3A_40 : memref<10112x128xf32, #tpu.memory_space<vmem_shared>>)
        tpu.yield
      }) : () -> ()
    }
    %scan3A_28 = arith.constant 80 : i32
    %barrier3A_29 = arith.constant 0 : index
    tpu.barrier barrier_id(%barrier3A_29)
    "tpu.region"() ({
      %run_scoped3A = tpu.sem_alloc : memref<!tpu.dma_semaphore, #tpu.memory_space<semaphore_mem>>
      %dma_start3A = arith.constant 0 : i32
      %dma_start3A_30 = tpu.memref_slice %arg3[%arg0, %mul3A_12, %dma_start3A] : memref<2x10112x128xf32, #tpu.memory_space<hbm>> -> memref<1x632x128xf32, #tpu.memory_space<hbm>>
      %dma_start3A_31 = tpu.memref_squeeze %dma_start3A_30 : memref<1x632x128xf32, #tpu.memory_space<hbm>> -> memref<632x128xf32, #tpu.memory_space<hbm>>
      %dma_start3A_32 = arith.constant 0 : i32
      %dma_start3A_33 = tpu.memref_slice %arg7[%mul3A_12, %dma_start3A_32] : memref<10112x128xf32, #tpu.memory_space<vmem_shared>> -> memref<632x128xf32, #tpu.memory_space<vmem_shared>>
      tpu.enqueue_dma source(%dma_start3A_33 : memref<632x128xf32, #tpu.memory_space<vmem_shared>>) target(%dma_start3A_31 : memref<632x128xf32, #tpu.memory_space<hbm>>) target_semaphore(%run_scoped3A : memref<!tpu.dma_semaphore, #tpu.memory_space<semaphore_mem>>)
      %dma_wait3A = arith.constant 0 : i32
      %dma_wait3A_34 = tpu.memref_slice %arg3[%arg0, %mul3A_12, %dma_wait3A] : memref<2x10112x128xf32, #tpu.memory_space<hbm>> -> memref<1x632x128xf32, #tpu.memory_space<hbm>>
      %dma_wait3A_35 = tpu.memref_squeeze %dma_wait3A_34 : memref<1x632x128xf32, #tpu.memory_space<hbm>> -> memref<632x128xf32, #tpu.memory_space<hbm>>
      %dma_wait3A_36 = arith.constant 0 : i32
      %dma_wait3A_37 = tpu.memref_slice %arg7[%mul3A_12, %dma_wait3A_36] : memref<10112x128xf32, #tpu.memory_space<vmem_shared>> -> memref<632x128xf32, #tpu.memory_space<vmem_shared>>
      tpu.wait_dma2 semaphore(%run_scoped3A : memref<!tpu.dma_semaphore, #tpu.memory_space<semaphore_mem>>) src(%dma_wait3A_37 : memref<632x128xf32, #tpu.memory_space<vmem_shared>>) dst(%dma_wait3A_35 : memref<632x128xf32, #tpu.memory_space<hbm>>)
      tpu.yield
    }) : () -> ()
    return
  }
}

#map = affine_map<(d0, d1) -> (0, 0)>
#map1 = affine_map<(d0, d1) -> (0, 0, 0)>
module attributes {stable_mosaic.version = 14 : i64} {
  func.func @_seg_body(%arg0: i32, %arg1: i32, %arg2: memref<10000x128xf32, #tpu.memory_space<hbm>>, %arg3: memref<2720x128xi32, #tpu.memory_space<hbm>>, %arg4: memref<2720x128xi32, #tpu.memory_space<hbm>>, %arg5: memref<2x10112x128xf32, #tpu.memory_space<hbm>>, %arg6: memref<40x128xi32, #tpu.memory_space<vmem>>, %arg7: memref<40x128xi32, #tpu.memory_space<vmem>>, %arg8: memref<128x128xf32, #tpu.memory_space<vmem>>, %arg9: memref<128x128xf32, #tpu.memory_space<vmem>>, %arg10: memref<10112x128xf32, #tpu.memory_space<vmem_shared>>, %arg11: memref<!tpu.dma_semaphore, #tpu.memory_space<semaphore_mem>>, %arg12: memref<!tpu.dma_semaphore, #tpu.memory_space<semaphore_mem>>) attributes {dimension_semantics = [#tpu.dimension_semantics<core_parallel>, #tpu.dimension_semantics<subcore_parallel>], iteration_bounds = array<i64: 2, 16>, scalar_prefetch = 0 : i64, scratch_operands = 7 : i64, tpu.core_type = #tpu.core_type<sc_vector_subcore>, window_params = [{transform_indices = #map}, {transform_indices = #map}, {transform_indices = #map}, {transform_indices = #map1}]} {
    %eq3A = arith.constant 0 : i32
    %eq3A_0 = arith.cmpi eq, %arg0, %eq3A : i32
    %jit3A = arith.constant 152 : i32
    %jit3A_1 = arith.constant 8 : i32
    %select_n3A = arith.select %eq3A_0, %jit3A, %jit3A_1 : i32
    %mul3A = arith.constant 152 : i32
    %mul3A_2 = arith.muli %arg1, %mul3A : i32
    %mul3A_3 = arith.constant 8 : i32
    %mul3A_4 = arith.muli %arg1, %mul3A_3 : i32
    %add3A = arith.constant 2432 : i32
    %add3A_5 = arith.addi %add3A, %mul3A_4 : i32
    %select_n3A_6 = arith.select %eq3A_0, %mul3A_2, %add3A_5 : i32
    %broadcast_in_dim3A = arith.constant 0.000000e+00 : f32
    %broadcast_in_dim3A_7 = vector.broadcast %broadcast_in_dim3A : f32 to vector<16xf32>
    %scan3A = arith.constant 0 : i32
    %scan3A_8 = arith.constant 0 : i32
    %scan3A_9 = arith.constant 128 : i32
    %scan3A_10 = arith.addi %scan3A_8, %scan3A_9 : i32
    %scan3A_11 = arith.constant 1 : i32
    scf.for %scan3A_193 = %scan3A_8 to %scan3A_10 step %scan3A_11  : i32 {
      %swap3A = arith.index_cast %scan3A_193 : i32 to index
      %swap3A_194 = arith.constant 0 : index
      %swap3A_195 = tpu.vector_load %arg8[%swap3A, %swap3A_194] {strides = array<i32>} : memref<128x128xf32, #tpu.memory_space<vmem>>, vector<1x16xf32>,
      %swap3A_196 = vector.shape_cast %swap3A_195 : vector<1x16xf32> to vector<16xf32>
      %swap3A_197 = vector.shape_cast %broadcast_in_dim3A_7 : vector<16xf32> to vector<1x16xf32>
      tpu.vector_store %arg8[%swap3A, %swap3A_194], %swap3A_197 {strides = array<i32>} : memref<128x128xf32, #tpu.memory_space<vmem>>, vector<1x16xf32>,
      %swap3A_198 = arith.index_cast %scan3A_193 : i32 to index
      %swap3A_199 = arith.constant 16 : index
      %swap3A_200 = tpu.vector_load %arg8[%swap3A_198, %swap3A_199] {strides = array<i32>} : memref<128x128xf32, #tpu.memory_space<vmem>>, vector<1x16xf32>,
      %swap3A_201 = vector.shape_cast %swap3A_200 : vector<1x16xf32> to vector<16xf32>
      %swap3A_202 = vector.shape_cast %broadcast_in_dim3A_7 : vector<16xf32> to vector<1x16xf32>
      tpu.vector_store %arg8[%swap3A_198, %swap3A_199], %swap3A_202 {strides = array<i32>} : memref<128x128xf32, #tpu.memory_space<vmem>>, vector<1x16xf32>,
      %swap3A_203 = arith.index_cast %scan3A_193 : i32 to index
      %swap3A_204 = arith.constant 32 : index
      %swap3A_205 = tpu.vector_load %arg8[%swap3A_203, %swap3A_204] {strides = array<i32>} : memref<128x128xf32, #tpu.memory_space<vmem>>, vector<1x16xf32>,
      %swap3A_206 = vector.shape_cast %swap3A_205 : vector<1x16xf32> to vector<16xf32>
      %swap3A_207 = vector.shape_cast %broadcast_in_dim3A_7 : vector<16xf32> to vector<1x16xf32>
      tpu.vector_store %arg8[%swap3A_203, %swap3A_204], %swap3A_207 {strides = array<i32>} : memref<128x128xf32, #tpu.memory_space<vmem>>, vector<1x16xf32>,
      %swap3A_208 = arith.index_cast %scan3A_193 : i32 to index
      %swap3A_209 = arith.constant 48 : index
      %swap3A_210 = tpu.vector_load %arg8[%swap3A_208, %swap3A_209] {strides = array<i32>} : memref<128x128xf32, #tpu.memory_space<vmem>>, vector<1x16xf32>,
      %swap3A_211 = vector.shape_cast %swap3A_210 : vector<1x16xf32> to vector<16xf32>
      %swap3A_212 = vector.shape_cast %broadcast_in_dim3A_7 : vector<16xf32> to vector<1x16xf32>
      tpu.vector_store %arg8[%swap3A_208, %swap3A_209], %swap3A_212 {strides = array<i32>} : memref<128x128xf32, #tpu.memory_space<vmem>>, vector<1x16xf32>,
      %swap3A_213 = arith.index_cast %scan3A_193 : i32 to index
      %swap3A_214 = arith.constant 64 : index
      %swap3A_215 = tpu.vector_load %arg8[%swap3A_213, %swap3A_214] {strides = array<i32>} : memref<128x128xf32, #tpu.memory_space<vmem>>, vector<1x16xf32>,
      %swap3A_216 = vector.shape_cast %swap3A_215 : vector<1x16xf32> to vector<16xf32>
      %swap3A_217 = vector.shape_cast %broadcast_in_dim3A_7 : vector<16xf32> to vector<1x16xf32>
      tpu.vector_store %arg8[%swap3A_213, %swap3A_214], %swap3A_217 {strides = array<i32>} : memref<128x128xf32, #tpu.memory_space<vmem>>, vector<1x16xf32>,
      %swap3A_218 = arith.index_cast %scan3A_193 : i32 to index
      %swap3A_219 = arith.constant 80 : index
      %swap3A_220 = tpu.vector_load %arg8[%swap3A_218, %swap3A_219] {strides = array<i32>} : memref<128x128xf32, #tpu.memory_space<vmem>>, vector<1x16xf32>,
      %swap3A_221 = vector.shape_cast %swap3A_220 : vector<1x16xf32> to vector<16xf32>
      %swap3A_222 = vector.shape_cast %broadcast_in_dim3A_7 : vector<16xf32> to vector<1x16xf32>
      tpu.vector_store %arg8[%swap3A_218, %swap3A_219], %swap3A_222 {strides = array<i32>} : memref<128x128xf32, #tpu.memory_space<vmem>>, vector<1x16xf32>,
      %swap3A_223 = arith.index_cast %scan3A_193 : i32 to index
      %swap3A_224 = arith.constant 96 : index
      %swap3A_225 = tpu.vector_load %arg8[%swap3A_223, %swap3A_224] {strides = array<i32>} : memref<128x128xf32, #tpu.memory_space<vmem>>, vector<1x16xf32>,
      %swap3A_226 = vector.shape_cast %swap3A_225 : vector<1x16xf32> to vector<16xf32>
      %swap3A_227 = vector.shape_cast %broadcast_in_dim3A_7 : vector<16xf32> to vector<1x16xf32>
      tpu.vector_store %arg8[%swap3A_223, %swap3A_224], %swap3A_227 {strides = array<i32>} : memref<128x128xf32, #tpu.memory_space<vmem>>, vector<1x16xf32>,
      %swap3A_228 = arith.index_cast %scan3A_193 : i32 to index
      %swap3A_229 = arith.constant 112 : index
      %swap3A_230 = tpu.vector_load %arg8[%swap3A_228, %swap3A_229] {strides = array<i32>} : memref<128x128xf32, #tpu.memory_space<vmem>>, vector<1x16xf32>,
      %swap3A_231 = vector.shape_cast %swap3A_230 : vector<1x16xf32> to vector<16xf32>
      %swap3A_232 = vector.shape_cast %broadcast_in_dim3A_7 : vector<16xf32> to vector<1x16xf32>
      tpu.vector_store %arg8[%swap3A_228, %swap3A_229], %swap3A_232 {strides = array<i32>} : memref<128x128xf32, #tpu.memory_space<vmem>>, vector<1x16xf32>,
    }
    %scan3A_12 = arith.constant 128 : i32
    %mul3A_13 = arith.constant 632 : i32
    %mul3A_14 = arith.muli %arg1, %mul3A_13 : i32
    %add3A_15 = arith.constant 0 : i32
    %add3A_16 = arith.addi %mul3A_14, %add3A_15 : i32
    "tpu.region"() ({
      %run_scoped3A = tpu.sem_alloc : memref<!tpu.dma_semaphore, #tpu.memory_space<semaphore_mem>>
      %dma_start3A = arith.constant 0 : i32
      %dma_start3A_193 = tpu.memref_slice %arg10[%add3A_16, %dma_start3A] : memref<10112x128xf32, #tpu.memory_space<vmem_shared>> -> memref<128x128xf32, #tpu.memory_space<vmem_shared>>
      %dma_start3A_194 = arith.constant 0 : i32
      %dma_start3A_195 = tpu.memref_slice %arg10[%add3A_16, %dma_start3A_194] : memref<10112x128xf32, #tpu.memory_space<vmem_shared>> -> memref<128x128xf32, #tpu.memory_space<vmem_shared>>
      tpu.enqueue_dma source(%arg8 : memref<128x128xf32, #tpu.memory_space<vmem>>) target(%dma_start3A_195 : memref<128x128xf32, #tpu.memory_space<vmem_shared>>) target_semaphore(%run_scoped3A : memref<!tpu.dma_semaphore, #tpu.memory_space<semaphore_mem>>)
      %dma_wait3A = arith.constant 0 : i32
      %dma_wait3A_196 = tpu.memref_slice %arg10[%add3A_16, %dma_wait3A] : memref<10112x128xf32, #tpu.memory_space<vmem_shared>> -> memref<128x128xf32, #tpu.memory_space<vmem_shared>>
      %dma_wait3A_197 = arith.constant 0 : i32
      %dma_wait3A_198 = tpu.memref_slice %arg10[%add3A_16, %dma_wait3A_197] : memref<10112x128xf32, #tpu.memory_space<vmem_shared>> -> memref<128x128xf32, #tpu.memory_space<vmem_shared>>
      tpu.wait_dma2 semaphore(%run_scoped3A : memref<!tpu.dma_semaphore, #tpu.memory_space<semaphore_mem>>) src(%arg8 : memref<128x128xf32, #tpu.memory_space<vmem>>) dst(%dma_wait3A_198 : memref<128x128xf32, #tpu.memory_space<vmem_shared>>)
      tpu.yield
    }) : () -> ()
    %add3A_17 = arith.constant 128 : i32
    %add3A_18 = arith.addi %mul3A_14, %add3A_17 : i32
    "tpu.region"() ({
      %run_scoped3A = tpu.sem_alloc : memref<!tpu.dma_semaphore, #tpu.memory_space<semaphore_mem>>
      %dma_start3A = arith.constant 0 : i32
      %dma_start3A_193 = tpu.memref_slice %arg10[%add3A_18, %dma_start3A] : memref<10112x128xf32, #tpu.memory_space<vmem_shared>> -> memref<128x128xf32, #tpu.memory_space<vmem_shared>>
      %dma_start3A_194 = arith.constant 0 : i32
      %dma_start3A_195 = tpu.memref_slice %arg10[%add3A_18, %dma_start3A_194] : memref<10112x128xf32, #tpu.memory_space<vmem_shared>> -> memref<128x128xf32, #tpu.memory_space<vmem_shared>>
      tpu.enqueue_dma source(%arg8 : memref<128x128xf32, #tpu.memory_space<vmem>>) target(%dma_start3A_195 : memref<128x128xf32, #tpu.memory_space<vmem_shared>>) target_semaphore(%run_scoped3A : memref<!tpu.dma_semaphore, #tpu.memory_space<semaphore_mem>>)
      %dma_wait3A = arith.constant 0 : i32
      %dma_wait3A_196 = tpu.memref_slice %arg10[%add3A_18, %dma_wait3A] : memref<10112x128xf32, #tpu.memory_space<vmem_shared>> -> memref<128x128xf32, #tpu.memory_space<vmem_shared>>
      %dma_wait3A_197 = arith.constant 0 : i32
      %dma_wait3A_198 = tpu.memref_slice %arg10[%add3A_18, %dma_wait3A_197] : memref<10112x128xf32, #tpu.memory_space<vmem_shared>> -> memref<128x128xf32, #tpu.memory_space<vmem_shared>>
      tpu.wait_dma2 semaphore(%run_scoped3A : memref<!tpu.dma_semaphore, #tpu.memory_space<semaphore_mem>>) src(%arg8 : memref<128x128xf32, #tpu.memory_space<vmem>>) dst(%dma_wait3A_198 : memref<128x128xf32, #tpu.memory_space<vmem_shared>>)
      tpu.yield
    }) : () -> ()
    %add3A_19 = arith.constant 256 : i32
    %add3A_20 = arith.addi %mul3A_14, %add3A_19 : i32
    "tpu.region"() ({
      %run_scoped3A = tpu.sem_alloc : memref<!tpu.dma_semaphore, #tpu.memory_space<semaphore_mem>>
      %dma_start3A = arith.constant 0 : i32
      %dma_start3A_193 = tpu.memref_slice %arg10[%add3A_20, %dma_start3A] : memref<10112x128xf32, #tpu.memory_space<vmem_shared>> -> memref<128x128xf32, #tpu.memory_space<vmem_shared>>
      %dma_start3A_194 = arith.constant 0 : i32
      %dma_start3A_195 = tpu.memref_slice %arg10[%add3A_20, %dma_start3A_194] : memref<10112x128xf32, #tpu.memory_space<vmem_shared>> -> memref<128x128xf32, #tpu.memory_space<vmem_shared>>
      tpu.enqueue_dma source(%arg8 : memref<128x128xf32, #tpu.memory_space<vmem>>) target(%dma_start3A_195 : memref<128x128xf32, #tpu.memory_space<vmem_shared>>) target_semaphore(%run_scoped3A : memref<!tpu.dma_semaphore, #tpu.memory_space<semaphore_mem>>)
      %dma_wait3A = arith.constant 0 : i32
      %dma_wait3A_196 = tpu.memref_slice %arg10[%add3A_20, %dma_wait3A] : memref<10112x128xf32, #tpu.memory_space<vmem_shared>> -> memref<128x128xf32, #tpu.memory_space<vmem_shared>>
      %dma_wait3A_197 = arith.constant 0 : i32
      %dma_wait3A_198 = tpu.memref_slice %arg10[%add3A_20, %dma_wait3A_197] : memref<10112x128xf32, #tpu.memory_space<vmem_shared>> -> memref<128x128xf32, #tpu.memory_space<vmem_shared>>
      tpu.wait_dma2 semaphore(%run_scoped3A : memref<!tpu.dma_semaphore, #tpu.memory_space<semaphore_mem>>) src(%arg8 : memref<128x128xf32, #tpu.memory_space<vmem>>) dst(%dma_wait3A_198 : memref<128x128xf32, #tpu.memory_space<vmem_shared>>)
      tpu.yield
    }) : () -> ()
    %add3A_21 = arith.constant 384 : i32
    %add3A_22 = arith.addi %mul3A_14, %add3A_21 : i32
    "tpu.region"() ({
      %run_scoped3A = tpu.sem_alloc : memref<!tpu.dma_semaphore, #tpu.memory_space<semaphore_mem>>
      %dma_start3A = arith.constant 0 : i32
      %dma_start3A_193 = tpu.memref_slice %arg10[%add3A_22, %dma_start3A] : memref<10112x128xf32, #tpu.memory_space<vmem_shared>> -> memref<128x128xf32, #tpu.memory_space<vmem_shared>>
      %dma_start3A_194 = arith.constant 0 : i32
      %dma_start3A_195 = tpu.memref_slice %arg10[%add3A_22, %dma_start3A_194] : memref<10112x128xf32, #tpu.memory_space<vmem_shared>> -> memref<128x128xf32, #tpu.memory_space<vmem_shared>>
      tpu.enqueue_dma source(%arg8 : memref<128x128xf32, #tpu.memory_space<vmem>>) target(%dma_start3A_195 : memref<128x128xf32, #tpu.memory_space<vmem_shared>>) target_semaphore(%run_scoped3A : memref<!tpu.dma_semaphore, #tpu.memory_space<semaphore_mem>>)
      %dma_wait3A = arith.constant 0 : i32
      %dma_wait3A_196 = tpu.memref_slice %arg10[%add3A_22, %dma_wait3A] : memref<10112x128xf32, #tpu.memory_space<vmem_shared>> -> memref<128x128xf32, #tpu.memory_space<vmem_shared>>
      %dma_wait3A_197 = arith.constant 0 : i32
      %dma_wait3A_198 = tpu.memref_slice %arg10[%add3A_22, %dma_wait3A_197] : memref<10112x128xf32, #tpu.memory_space<vmem_shared>> -> memref<128x128xf32, #tpu.memory_space<vmem_shared>>
      tpu.wait_dma2 semaphore(%run_scoped3A : memref<!tpu.dma_semaphore, #tpu.memory_space<semaphore_mem>>) src(%arg8 : memref<128x128xf32, #tpu.memory_space<vmem>>) dst(%dma_wait3A_198 : memref<128x128xf32, #tpu.memory_space<vmem_shared>>)
      tpu.yield
    }) : () -> ()
    %add3A_23 = arith.constant 512 : i32
    %add3A_24 = arith.addi %mul3A_14, %add3A_23 : i32
    "tpu.region"() ({
      %run_scoped3A = tpu.sem_alloc : memref<!tpu.dma_semaphore, #tpu.memory_space<semaphore_mem>>
      %dma_start3A = arith.constant 0 : i32
      %dma_start3A_193 = arith.constant 0 : i32
      %dma_start3A_194 = tpu.memref_slice %arg8[%dma_start3A, %dma_start3A_193] : memref<128x128xf32, #tpu.memory_space<vmem>> -> memref<120x128xf32, #tpu.memory_space<vmem>>
      %dma_start3A_195 = arith.constant 0 : i32
      %dma_start3A_196 = tpu.memref_slice %arg10[%add3A_24, %dma_start3A_195] : memref<10112x128xf32, #tpu.memory_space<vmem_shared>> -> memref<120x128xf32, #tpu.memory_space<vmem_shared>>
      %dma_start3A_197 = arith.constant 0 : i32
      %dma_start3A_198 = tpu.memref_slice %arg10[%add3A_24, %dma_start3A_197] : memref<10112x128xf32, #tpu.memory_space<vmem_shared>> -> memref<120x128xf32, #tpu.memory_space<vmem_shared>>
      %dma_start3A_199 = arith.constant 0 : i32
      %dma_start3A_200 = arith.constant 0 : i32
      %dma_start3A_201 = tpu.memref_slice %arg8[%dma_start3A_199, %dma_start3A_200] : memref<128x128xf32, #tpu.memory_space<vmem>> -> memref<120x128xf32, #tpu.memory_space<vmem>>
      tpu.enqueue_dma source(%dma_start3A_201 : memref<120x128xf32, #tpu.memory_space<vmem>>) target(%dma_start3A_198 : memref<120x128xf32, #tpu.memory_space<vmem_shared>>) target_semaphore(%run_scoped3A : memref<!tpu.dma_semaphore, #tpu.memory_space<semaphore_mem>>)
      %dma_wait3A = arith.constant 0 : i32
      %dma_wait3A_202 = arith.constant 0 : i32
      %dma_wait3A_203 = tpu.memref_slice %arg8[%dma_wait3A, %dma_wait3A_202] : memref<128x128xf32, #tpu.memory_space<vmem>> -> memref<120x128xf32, #tpu.memory_space<vmem>>
      %dma_wait3A_204 = arith.constant 0 : i32
      %dma_wait3A_205 = tpu.memref_slice %arg10[%add3A_24, %dma_wait3A_204] : memref<10112x128xf32, #tpu.memory_space<vmem_shared>> -> memref<120x128xf32, #tpu.memory_space<vmem_shared>>
      %dma_wait3A_206 = arith.constant 0 : i32
      %dma_wait3A_207 = tpu.memref_slice %arg10[%add3A_24, %dma_wait3A_206] : memref<10112x128xf32, #tpu.memory_space<vmem_shared>> -> memref<120x128xf32, #tpu.memory_space<vmem_shared>>
      %dma_wait3A_208 = arith.constant 0 : i32
      %dma_wait3A_209 = arith.constant 0 : i32
      %dma_wait3A_210 = tpu.memref_slice %arg8[%dma_wait3A_208, %dma_wait3A_209] : memref<128x128xf32, #tpu.memory_space<vmem>> -> memref<120x128xf32, #tpu.memory_space<vmem>>
      tpu.wait_dma2 semaphore(%run_scoped3A : memref<!tpu.dma_semaphore, #tpu.memory_space<semaphore_mem>>) src(%dma_wait3A_210 : memref<120x128xf32, #tpu.memory_space<vmem>>) dst(%dma_wait3A_207 : memref<120x128xf32, #tpu.memory_space<vmem_shared>>)
      tpu.yield
    }) : () -> ()
    %barrier3A = arith.constant 0 : index
    tpu.barrier barrier_id(%barrier3A)
    %sub3A = arith.constant 0 : i32
    %sub3A_25 = arith.subi %select_n3A, %sub3A : i32
    %jit3A_26 = arith.constant 0 : i32
    %jit3A_27 = arith.constant 40 : i32
    %max3A = arith.maxsi %jit3A_26, %sub3A_25 : i32
    %min3A = arith.minsi %jit3A_27, %max3A : i32
    %add3A_28 = arith.constant 0 : i32
    %add3A_29 = arith.addi %select_n3A_6, %add3A_28 : i32
    "tpu.region"() ({
      %run_scoped3A = tpu.sem_alloc : memref<!tpu.dma_semaphore, #tpu.memory_space<semaphore_mem>>
      %dma_start3A = arith.constant 0 : i32
      %dma_start3A_193 = tpu.memref_slice %arg3[%add3A_29, %dma_start3A] : memref<2720x128xi32, #tpu.memory_space<hbm>> -> memref<40x128xi32, #tpu.memory_space<hbm>>
      %dma_start3A_194 = arith.constant 0 : i32
      %dma_start3A_195 = tpu.memref_slice %arg3[%add3A_29, %dma_start3A_194] : memref<2720x128xi32, #tpu.memory_space<hbm>> -> memref<40x128xi32, #tpu.memory_space<hbm>>
      tpu.enqueue_dma source(%dma_start3A_195 : memref<40x128xi32, #tpu.memory_space<hbm>>) target(%arg6 : memref<40x128xi32, #tpu.memory_space<vmem>>) target_semaphore(%run_scoped3A : memref<!tpu.dma_semaphore, #tpu.memory_space<semaphore_mem>>)
      %dma_wait3A = arith.constant 0 : i32
      %dma_wait3A_196 = tpu.memref_slice %arg3[%add3A_29, %dma_wait3A] : memref<2720x128xi32, #tpu.memory_space<hbm>> -> memref<40x128xi32, #tpu.memory_space<hbm>>
      %dma_wait3A_197 = arith.constant 0 : i32
      %dma_wait3A_198 = tpu.memref_slice %arg3[%add3A_29, %dma_wait3A_197] : memref<2720x128xi32, #tpu.memory_space<hbm>> -> memref<40x128xi32, #tpu.memory_space<hbm>>
      tpu.wait_dma2 semaphore(%run_scoped3A : memref<!tpu.dma_semaphore, #tpu.memory_space<semaphore_mem>>) src(%dma_wait3A_198 : memref<40x128xi32, #tpu.memory_space<hbm>>) dst(%arg6 : memref<40x128xi32, #tpu.memory_space<vmem>>)
      tpu.yield
    }) : () -> ()
    %add3A_30 = arith.constant 0 : i32
    %add3A_31 = arith.addi %select_n3A_6, %add3A_30 : i32
    "tpu.region"() ({
      %run_scoped3A = tpu.sem_alloc : memref<!tpu.dma_semaphore, #tpu.memory_space<semaphore_mem>>
      %dma_start3A = arith.constant 0 : i32
      %dma_start3A_193 = tpu.memref_slice %arg4[%add3A_31, %dma_start3A] : memref<2720x128xi32, #tpu.memory_space<hbm>> -> memref<40x128xi32, #tpu.memory_space<hbm>>
      %dma_start3A_194 = arith.constant 0 : i32
      %dma_start3A_195 = tpu.memref_slice %arg4[%add3A_31, %dma_start3A_194] : memref<2720x128xi32, #tpu.memory_space<hbm>> -> memref<40x128xi32, #tpu.memory_space<hbm>>
      tpu.enqueue_dma source(%dma_start3A_195 : memref<40x128xi32, #tpu.memory_space<hbm>>) target(%arg7 : memref<40x128xi32, #tpu.memory_space<vmem>>) target_semaphore(%run_scoped3A : memref<!tpu.dma_semaphore, #tpu.memory_space<semaphore_mem>>)
      %dma_wait3A = arith.constant 0 : i32
      %dma_wait3A_196 = tpu.memref_slice %arg4[%add3A_31, %dma_wait3A] : memref<2720x128xi32, #tpu.memory_space<hbm>> -> memref<40x128xi32, #tpu.memory_space<hbm>>
      %dma_wait3A_197 = arith.constant 0 : i32
      %dma_wait3A_198 = tpu.memref_slice %arg4[%add3A_31, %dma_wait3A_197] : memref<2720x128xi32, #tpu.memory_space<hbm>> -> memref<40x128xi32, #tpu.memory_space<hbm>>
      tpu.wait_dma2 semaphore(%run_scoped3A : memref<!tpu.dma_semaphore, #tpu.memory_space<semaphore_mem>>) src(%dma_wait3A_198 : memref<40x128xi32, #tpu.memory_space<hbm>>) dst(%arg7 : memref<40x128xi32, #tpu.memory_space<vmem>>)
      tpu.yield
    }) : () -> ()
    %jit3A_32 = arith.constant 2 : i32
    %div3A = arith.divsi %min3A, %jit3A_32 : i32
    %sign3A = arith.constant 0 : i32
    %sign3A_33 = arith.cmpi sgt, %min3A, %sign3A : i32
    %sign3A_34 = arith.extui %sign3A_33 : i1 to i32
    %sign3A_35 = arith.constant 0 : i32
    %sign3A_36 = arith.cmpi slt, %min3A, %sign3A_35 : i32
    %sign3A_37 = arith.extui %sign3A_36 : i1 to i32
    %sign3A_38 = arith.subi %sign3A_34, %sign3A_37 : i32
    %sign3A_39 = arith.constant 0 : i32
    %sign3A_40 = arith.cmpi sgt, %jit3A_32, %sign3A_39 : i32
    %sign3A_41 = arith.extui %sign3A_40 : i1 to i32
    %sign3A_42 = arith.constant 0 : i32
    %sign3A_43 = arith.cmpi slt, %jit3A_32, %sign3A_42 : i32
    %sign3A_44 = arith.extui %sign3A_43 : i1 to i32
    %sign3A_45 = arith.subi %sign3A_41, %sign3A_44 : i32
    %ne3A = arith.cmpi ne, %sign3A_38, %sign3A_45 : i32
    %rem3A = arith.remsi %min3A, %jit3A_32 : i32
    %ne3A_46 = arith.constant 0 : i32
    %ne3A_47 = arith.cmpi ne, %rem3A, %ne3A_46 : i32
    %and3A = arith.andi %ne3A, %ne3A_47 : i1
    %sub3A_48 = arith.constant 1 : i32
    %sub3A_49 = arith.subi %div3A, %sub3A_48 : i32
    %select_n3A_50 = arith.select %and3A, %sub3A_49, %div3A : i32
    %while3A = arith.constant 0 : i32
    %while3A_51 = arith.constant 0 : i32
    %while3A_52 = arith.subi %select_n3A_50, %while3A_51 : i32
    %while3A_53 = arith.addi %while3A_51, %while3A_52 : i32
    %while3A_54 = arith.constant 1 : i32
    %while3A_55 = arith.divsi %while3A_52, %while3A_54 : i32
    %while3A_56 = arith.muli %while3A_55, %while3A_54 : i32
    %while3A_57 = arith.addi %while3A_51, %while3A_56 : i32
    %while3A_58 = arith.constant 1 : i32
    scf.for %while3A_193 = %while3A_51 to %while3A_57 step %while3A_58  : i32 {
      %mul3A_194 = arith.constant 2 : i32
      %mul3A_195 = arith.muli %mul3A_194, %while3A_193 : i32
      %mul3A_196 = arith.constant 2 : i32
      %mul3A_197 = arith.muli %mul3A_196, %while3A_193 : i32
      %add3A_198 = arith.constant 1 : i32
      %add3A_199 = arith.addi %mul3A_197, %add3A_198 : i32
      %dma_start3A = arith.constant 0 : i32
      %dma_start3A_200 = tpu.memref_slice %arg6[%mul3A_195, %dma_start3A] : memref<40x128xi32, #tpu.memory_space<vmem>> -> memref<1x128xi32, #tpu.memory_space<vmem>>
      %dma_start3A_201 = tpu.memref_squeeze %dma_start3A_200 : memref<1x128xi32, #tpu.memory_space<vmem>> -> memref<128xi32, #tpu.memory_space<vmem>>
      %dma_start3A_202 = arith.constant 0 : i32
      %dma_start3A_203 = arith.constant 0 : i32
      %dma_start3A_204 = tpu.memref_slice %arg2[%dma_start3A_202, %dma_start3A_203] : memref<10000x128xf32, #tpu.memory_space<hbm>> -> memref<10000x128xf32, #tpu.memory_space<hbm>>
      tpu.enqueue_indirect_dma source(%dma_start3A_204 : memref<10000x128xf32, #tpu.memory_space<hbm>>) target(%arg8 : memref<128x128xf32, #tpu.memory_space<vmem>>) offsets(%dma_start3A_201 : memref<128xi32, #tpu.memory_space<vmem>>) semaphore(%arg11 : memref<!tpu.dma_semaphore, #tpu.memory_space<semaphore_mem>>)
      %dma_start3A_205 = arith.constant 0 : i32
      %dma_start3A_206 = tpu.memref_slice %arg6[%add3A_199, %dma_start3A_205] : memref<40x128xi32, #tpu.memory_space<vmem>> -> memref<1x128xi32, #tpu.memory_space<vmem>>
      %dma_start3A_207 = tpu.memref_squeeze %dma_start3A_206 : memref<1x128xi32, #tpu.memory_space<vmem>> -> memref<128xi32, #tpu.memory_space<vmem>>
      %dma_start3A_208 = arith.constant 0 : i32
      %dma_start3A_209 = arith.constant 0 : i32
      %dma_start3A_210 = tpu.memref_slice %arg2[%dma_start3A_208, %dma_start3A_209] : memref<10000x128xf32, #tpu.memory_space<hbm>> -> memref<10000x128xf32, #tpu.memory_space<hbm>>
      tpu.enqueue_indirect_dma source(%dma_start3A_210 : memref<10000x128xf32, #tpu.memory_space<hbm>>) target(%arg9 : memref<128x128xf32, #tpu.memory_space<vmem>>) offsets(%dma_start3A_207 : memref<128xi32, #tpu.memory_space<vmem>>) semaphore(%arg12 : memref<!tpu.dma_semaphore, #tpu.memory_space<semaphore_mem>>)
      %dma_wait3A = arith.constant 0 : i32
      %dma_wait3A_211 = tpu.memref_slice %arg6[%mul3A_195, %dma_wait3A] : memref<40x128xi32, #tpu.memory_space<vmem>> -> memref<1x128xi32, #tpu.memory_space<vmem>>
      %dma_wait3A_212 = tpu.memref_squeeze %dma_wait3A_211 : memref<1x128xi32, #tpu.memory_space<vmem>> -> memref<128xi32, #tpu.memory_space<vmem>>
      %dma_wait3A_213 = arith.constant 0 : i32
      %dma_wait3A_214 = arith.constant 0 : i32
      %dma_wait3A_215 = tpu.memref_slice %arg2[%dma_wait3A_213, %dma_wait3A_214] : memref<10000x128xf32, #tpu.memory_space<hbm>> -> memref<10000x128xf32, #tpu.memory_space<hbm>>
      tpu.wait_indirect_dma semaphore(%arg11 : memref<!tpu.dma_semaphore, #tpu.memory_space<semaphore_mem>>) src(%dma_wait3A_215 : memref<10000x128xf32, #tpu.memory_space<hbm>>) dst(%arg8 : memref<128x128xf32, #tpu.memory_space<vmem>>)
      "tpu.region"() ({
        %run_scoped3A = tpu.sem_alloc : memref<!tpu.dma_semaphore, #tpu.memory_space<semaphore_mem>>
        %dma_start3A_222 = arith.constant 0 : i32
        %dma_start3A_223 = tpu.memref_slice %arg7[%mul3A_195, %dma_start3A_222] : memref<40x128xi32, #tpu.memory_space<vmem>> -> memref<1x128xi32, #tpu.memory_space<vmem>>
        %dma_start3A_224 = tpu.memref_squeeze %dma_start3A_223 : memref<1x128xi32, #tpu.memory_space<vmem>> -> memref<128xi32, #tpu.memory_space<vmem>>
        %dma_start3A_225 = arith.constant 0 : i32
        %dma_start3A_226 = arith.constant 0 : i32
        %dma_start3A_227 = tpu.memref_slice %arg10[%dma_start3A_225, %dma_start3A_226] : memref<10112x128xf32, #tpu.memory_space<vmem_shared>> -> memref<10112x128xf32, #tpu.memory_space<vmem_shared>>
        tpu.enqueue_indirect_dma source(%arg8 : memref<128x128xf32, #tpu.memory_space<vmem>>) target(%dma_start3A_227 : memref<10112x128xf32, #tpu.memory_space<vmem_shared>>) offsets(%dma_start3A_224 : memref<128xi32, #tpu.memory_space<vmem>>) semaphore(%run_scoped3A : memref<!tpu.dma_semaphore, #tpu.memory_space<semaphore_mem>>) {add = true}
        %dma_wait3A_228 = arith.constant 0 : i32
        %dma_wait3A_229 = tpu.memref_slice %arg7[%mul3A_195, %dma_wait3A_228] : memref<40x128xi32, #tpu.memory_space<vmem>> -> memref<1x128xi32, #tpu.memory_space<vmem>>
        %dma_wait3A_230 = tpu.memref_squeeze %dma_wait3A_229 : memref<1x128xi32, #tpu.memory_space<vmem>> -> memref<128xi32, #tpu.memory_space<vmem>>
        %dma_wait3A_231 = arith.constant 0 : i32
        %dma_wait3A_232 = arith.constant 0 : i32
        %dma_wait3A_233 = tpu.memref_slice %arg10[%dma_wait3A_231, %dma_wait3A_232] : memref<10112x128xf32, #tpu.memory_space<vmem_shared>> -> memref<10112x128xf32, #tpu.memory_space<vmem_shared>>
        tpu.wait_indirect_dma semaphore(%run_scoped3A : memref<!tpu.dma_semaphore, #tpu.memory_space<semaphore_mem>>) src(%arg8 : memref<128x128xf32, #tpu.memory_space<vmem>>) dst(%dma_wait3A_233 : memref<10112x128xf32, #tpu.memory_space<vmem_shared>>)
        tpu.yield
      }) : () -> ()
      %dma_wait3A_216 = arith.constant 0 : i32
      %dma_wait3A_217 = tpu.memref_slice %arg6[%add3A_199, %dma_wait3A_216] : memref<40x128xi32, #tpu.memory_space<vmem>> -> memref<1x128xi32, #tpu.memory_space<vmem>>
      %dma_wait3A_218 = tpu.memref_squeeze %dma_wait3A_217 : memref<1x128xi32, #tpu.memory_space<vmem>> -> memref<128xi32, #tpu.memory_space<vmem>>
      %dma_wait3A_219 = arith.constant 0 : i32
      %dma_wait3A_220 = arith.constant 0 : i32
      %dma_wait3A_221 = tpu.memref_slice %arg2[%dma_wait3A_219, %dma_wait3A_220] : memref<10000x128xf32, #tpu.memory_space<hbm>> -> memref<10000x128xf32, #tpu.memory_space<hbm>>
      tpu.wait_indirect_dma semaphore(%arg12 : memref<!tpu.dma_semaphore, #tpu.memory_space<semaphore_mem>>) src(%dma_wait3A_221 : memref<10000x128xf32, #tpu.memory_space<hbm>>) dst(%arg9 : memref<128x128xf32, #tpu.memory_space<vmem>>)
      "tpu.region"() ({
        %run_scoped3A = tpu.sem_alloc : memref<!tpu.dma_semaphore, #tpu.memory_space<semaphore_mem>>
        %dma_start3A_222 = arith.constant 0 : i32
        %dma_start3A_223 = tpu.memref_slice %arg7[%add3A_199, %dma_start3A_222] : memref<40x128xi32, #tpu.memory_space<vmem>> -> memref<1x128xi32, #tpu.memory_space<vmem>>
        %dma_start3A_224 = tpu.memref_squeeze %dma_start3A_223 : memref<1x128xi32, #tpu.memory_space<vmem>> -> memref<128xi32, #tpu.memory_space<vmem>>
        %dma_start3A_225 = arith.constant 0 : i32
        %dma_start3A_226 = arith.constant 0 : i32
        %dma_start3A_227 = tpu.memref_slice %arg10[%dma_start3A_225, %dma_start3A_226] : memref<10112x128xf32, #tpu.memory_space<vmem_shared>> -> memref<10112x128xf32, #tpu.memory_space<vmem_shared>>
        tpu.enqueue_indirect_dma source(%arg9 : memref<128x128xf32, #tpu.memory_space<vmem>>) target(%dma_start3A_227 : memref<10112x128xf32, #tpu.memory_space<vmem_shared>>) offsets(%dma_start3A_224 : memref<128xi32, #tpu.memory_space<vmem>>) semaphore(%run_scoped3A : memref<!tpu.dma_semaphore, #tpu.memory_space<semaphore_mem>>) {add = true}
        %dma_wait3A_228 = arith.constant 0 : i32
        %dma_wait3A_229 = tpu.memref_slice %arg7[%add3A_199, %dma_wait3A_228] : memref<40x128xi32, #tpu.memory_space<vmem>> -> memref<1x128xi32, #tpu.memory_space<vmem>>
        %dma_wait3A_230 = tpu.memref_squeeze %dma_wait3A_229 : memref<1x128xi32, #tpu.memory_space<vmem>> -> memref<128xi32, #tpu.memory_space<vmem>>
        %dma_wait3A_231 = arith.constant 0 : i32
        %dma_wait3A_232 = arith.constant 0 : i32
        %dma_wait3A_233 = tpu.memref_slice %arg10[%dma_wait3A_231, %dma_wait3A_232] : memref<10112x128xf32, #tpu.memory_space<vmem_shared>> -> memref<10112x128xf32, #tpu.memory_space<vmem_shared>>
        tpu.wait_indirect_dma semaphore(%run_scoped3A : memref<!tpu.dma_semaphore, #tpu.memory_space<semaphore_mem>>) src(%arg9 : memref<128x128xf32, #tpu.memory_space<vmem>>) dst(%dma_wait3A_233 : memref<10112x128xf32, #tpu.memory_space<vmem_shared>>)
        tpu.yield
      }) : () -> ()
    }
    %while3A_59 = arith.constant 1 : i32
    scf.for %while3A_193 = %while3A_57 to %while3A_53 step %while3A_59  : i32 {
      %mul3A_194 = arith.constant 2 : i32
      %mul3A_195 = arith.muli %mul3A_194, %while3A_193 : i32
      %mul3A_196 = arith.constant 2 : i32
      %mul3A_197 = arith.muli %mul3A_196, %while3A_193 : i32
      %add3A_198 = arith.constant 1 : i32
      %add3A_199 = arith.addi %mul3A_197, %add3A_198 : i32
      %dma_start3A = arith.constant 0 : i32
      %dma_start3A_200 = tpu.memref_slice %arg6[%mul3A_195, %dma_start3A] : memref<40x128xi32, #tpu.memory_space<vmem>> -> memref<1x128xi32, #tpu.memory_space<vmem>>
      %dma_start3A_201 = tpu.memref_squeeze %dma_start3A_200 : memref<1x128xi32, #tpu.memory_space<vmem>> -> memref<128xi32, #tpu.memory_space<vmem>>
      %dma_start3A_202 = arith.constant 0 : i32
      %dma_start3A_203 = arith.constant 0 : i32
      %dma_start3A_204 = tpu.memref_slice %arg2[%dma_start3A_202, %dma_start3A_203] : memref<10000x128xf32, #tpu.memory_space<hbm>> -> memref<10000x128xf32, #tpu.memory_space<hbm>>
      tpu.enqueue_indirect_dma source(%dma_start3A_204 : memref<10000x128xf32, #tpu.memory_space<hbm>>) target(%arg8 : memref<128x128xf32, #tpu.memory_space<vmem>>) offsets(%dma_start3A_201 : memref<128xi32, #tpu.memory_space<vmem>>) semaphore(%arg11 : memref<!tpu.dma_semaphore, #tpu.memory_space<semaphore_mem>>)
      %dma_start3A_205 = arith.constant 0 : i32
      %dma_start3A_206 = tpu.memref_slice %arg6[%add3A_199, %dma_start3A_205] : memref<40x128xi32, #tpu.memory_space<vmem>> -> memref<1x128xi32, #tpu.memory_space<vmem>>
      %dma_start3A_207 = tpu.memref_squeeze %dma_start3A_206 : memref<1x128xi32, #tpu.memory_space<vmem>> -> memref<128xi32, #tpu.memory_space<vmem>>
      %dma_start3A_208 = arith.constant 0 : i32
      %dma_start3A_209 = arith.constant 0 : i32
      %dma_start3A_210 = tpu.memref_slice %arg2[%dma_start3A_208, %dma_start3A_209] : memref<10000x128xf32, #tpu.memory_space<hbm>> -> memref<10000x128xf32, #tpu.memory_space<hbm>>
      tpu.enqueue_indirect_dma source(%dma_start3A_210 : memref<10000x128xf32, #tpu.memory_space<hbm>>) target(%arg9 : memref<128x128xf32, #tpu.memory_space<vmem>>) offsets(%dma_start3A_207 : memref<128xi32, #tpu.memory_space<vmem>>) semaphore(%arg12 : memref<!tpu.dma_semaphore, #tpu.memory_space<semaphore_mem>>)
      %dma_wait3A = arith.constant 0 : i32
      %dma_wait3A_211 = tpu.memref_slice %arg6[%mul3A_195, %dma_wait3A] : memref<40x128xi32, #tpu.memory_space<vmem>> -> memref<1x128xi32, #tpu.memory_space<vmem>>
      %dma_wait3A_212 = tpu.memref_squeeze %dma_wait3A_211 : memref<1x128xi32, #tpu.memory_space<vmem>> -> memref<128xi32, #tpu.memory_space<vmem>>
      %dma_wait3A_213 = arith.constant 0 : i32
      %dma_wait3A_214 = arith.constant 0 : i32
      %dma_wait3A_215 = tpu.memref_slice %arg2[%dma_wait3A_213, %dma_wait3A_214] : memref<10000x128xf32, #tpu.memory_space<hbm>> -> memref<10000x128xf32, #tpu.memory_space<hbm>>
      tpu.wait_indirect_dma semaphore(%arg11 : memref<!tpu.dma_semaphore, #tpu.memory_space<semaphore_mem>>) src(%dma_wait3A_215 : memref<10000x128xf32, #tpu.memory_space<hbm>>) dst(%arg8 : memref<128x128xf32, #tpu.memory_space<vmem>>)
      "tpu.region"() ({
        %run_scoped3A = tpu.sem_alloc : memref<!tpu.dma_semaphore, #tpu.memory_space<semaphore_mem>>
        %dma_start3A_222 = arith.constant 0 : i32
        %dma_start3A_223 = tpu.memref_slice %arg7[%mul3A_195, %dma_start3A_222] : memref<40x128xi32, #tpu.memory_space<vmem>> -> memref<1x128xi32, #tpu.memory_space<vmem>>
        %dma_start3A_224 = tpu.memref_squeeze %dma_start3A_223 : memref<1x128xi32, #tpu.memory_space<vmem>> -> memref<128xi32, #tpu.memory_space<vmem>>
        %dma_start3A_225 = arith.constant 0 : i32
        %dma_start3A_226 = arith.constant 0 : i32
        %dma_start3A_227 = tpu.memref_slice %arg10[%dma_start3A_225, %dma_start3A_226] : memref<10112x128xf32, #tpu.memory_space<vmem_shared>> -> memref<10112x128xf32, #tpu.memory_space<vmem_shared>>
        tpu.enqueue_indirect_dma source(%arg8 : memref<128x128xf32, #tpu.memory_space<vmem>>) target(%dma_start3A_227 : memref<10112x128xf32, #tpu.memory_space<vmem_shared>>) offsets(%dma_start3A_224 : memref<128xi32, #tpu.memory_space<vmem>>) semaphore(%run_scoped3A : memref<!tpu.dma_semaphore, #tpu.memory_space<semaphore_mem>>) {add = true}
        %dma_wait3A_228 = arith.constant 0 : i32
        %dma_wait3A_229 = tpu.memref_slice %arg7[%mul3A_195, %dma_wait3A_228] : memref<40x128xi32, #tpu.memory_space<vmem>> -> memref<1x128xi32, #tpu.memory_space<vmem>>
        %dma_wait3A_230 = tpu.memref_squeeze %dma_wait3A_229 : memref<1x128xi32, #tpu.memory_space<vmem>> -> memref<128xi32, #tpu.memory_space<vmem>>
        %dma_wait3A_231 = arith.constant 0 : i32
        %dma_wait3A_232 = arith.constant 0 : i32
        %dma_wait3A_233 = tpu.memref_slice %arg10[%dma_wait3A_231, %dma_wait3A_232] : memref<10112x128xf32, #tpu.memory_space<vmem_shared>> -> memref<10112x128xf32, #tpu.memory_space<vmem_shared>>
        tpu.wait_indirect_dma semaphore(%run_scoped3A : memref<!tpu.dma_semaphore, #tpu.memory_space<semaphore_mem>>) src(%arg8 : memref<128x128xf32, #tpu.memory_space<vmem>>) dst(%dma_wait3A_233 : memref<10112x128xf32, #tpu.memory_space<vmem_shared>>)
        tpu.yield
      }) : () -> ()
      %dma_wait3A_216 = arith.constant 0 : i32
      %dma_wait3A_217 = tpu.memref_slice %arg6[%add3A_199, %dma_wait3A_216] : memref<40x128xi32, #tpu.memory_space<vmem>> -> memref<1x128xi32, #tpu.memory_space<vmem>>
      %dma_wait3A_218 = tpu.memref_squeeze %dma_wait3A_217 : memref<1x128xi32, #tpu.memory_space<vmem>> -> memref<128xi32, #tpu.memory_space<vmem>>
      %dma_wait3A_219 = arith.constant 0 : i32
      %dma_wait3A_220 = arith.constant 0 : i32
      %dma_wait3A_221 = tpu.memref_slice %arg2[%dma_wait3A_219, %dma_wait3A_220] : memref<10000x128xf32, #tpu.memory_space<hbm>> -> memref<10000x128xf32, #tpu.memory_space<hbm>>
      tpu.wait_indirect_dma semaphore(%arg12 : memref<!tpu.dma_semaphore, #tpu.memory_space<semaphore_mem>>) src(%dma_wait3A_221 : memref<10000x128xf32, #tpu.memory_space<hbm>>) dst(%arg9 : memref<128x128xf32, #tpu.memory_space<vmem>>)
      "tpu.region"() ({
        %run_scoped3A = tpu.sem_alloc : memref<!tpu.dma_semaphore, #tpu.memory_space<semaphore_mem>>
        %dma_start3A_222 = arith.constant 0 : i32
        %dma_start3A_223 = tpu.memref_slice %arg7[%add3A_199, %dma_start3A_222] : memref<40x128xi32, #tpu.memory_space<vmem>> -> memref<1x128xi32, #tpu.memory_space<vmem>>
        %dma_start3A_224 = tpu.memref_squeeze %dma_start3A_223 : memref<1x128xi32, #tpu.memory_space<vmem>> -> memref<128xi32, #tpu.memory_space<vmem>>
        %dma_start3A_225 = arith.constant 0 : i32
        %dma_start3A_226 = arith.constant 0 : i32
        %dma_start3A_227 = tpu.memref_slice %arg10[%dma_start3A_225, %dma_start3A_226] : memref<10112x128xf32, #tpu.memory_space<vmem_shared>> -> memref<10112x128xf32, #tpu.memory_space<vmem_shared>>
        tpu.enqueue_indirect_dma source(%arg9 : memref<128x128xf32, #tpu.memory_space<vmem>>) target(%dma_start3A_227 : memref<10112x128xf32, #tpu.memory_space<vmem_shared>>) offsets(%dma_start3A_224 : memref<128xi32, #tpu.memory_space<vmem>>) semaphore(%run_scoped3A : memref<!tpu.dma_semaphore, #tpu.memory_space<semaphore_mem>>) {add = true}
        %dma_wait3A_228 = arith.constant 0 : i32
        %dma_wait3A_229 = tpu.memref_slice %arg7[%add3A_199, %dma_wait3A_228] : memref<40x128xi32, #tpu.memory_space<vmem>> -> memref<1x128xi32, #tpu.memory_space<vmem>>
        %dma_wait3A_230 = tpu.memref_squeeze %dma_wait3A_229 : memref<1x128xi32, #tpu.memory_space<vmem>> -> memref<128xi32, #tpu.memory_space<vmem>>
        %dma_wait3A_231 = arith.constant 0 : i32
        %dma_wait3A_232 = arith.constant 0 : i32
        %dma_wait3A_233 = tpu.memref_slice %arg10[%dma_wait3A_231, %dma_wait3A_232] : memref<10112x128xf32, #tpu.memory_space<vmem_shared>> -> memref<10112x128xf32, #tpu.memory_space<vmem_shared>>
        tpu.wait_indirect_dma semaphore(%run_scoped3A : memref<!tpu.dma_semaphore, #tpu.memory_space<semaphore_mem>>) src(%arg9 : memref<128x128xf32, #tpu.memory_space<vmem>>) dst(%dma_wait3A_233 : memref<10112x128xf32, #tpu.memory_space<vmem_shared>>)
        tpu.yield
      }) : () -> ()
    }
    %sub3A_60 = arith.constant 40 : i32
    %sub3A_61 = arith.subi %select_n3A, %sub3A_60 : i32
    %jit3A_62 = arith.constant 0 : i32
    %jit3A_63 = arith.constant 40 : i32
    %max3A_64 = arith.maxsi %jit3A_62, %sub3A_61 : i32
    %min3A_65 = arith.minsi %jit3A_63, %max3A_64 : i32
    %add3A_66 = arith.constant 40 : i32
    %add3A_67 = arith.addi %select_n3A_6, %add3A_66 : i32
    "tpu.region"() ({
      %run_scoped3A = tpu.sem_alloc : memref<!tpu.dma_semaphore, #tpu.memory_space<semaphore_mem>>
      %dma_start3A = arith.constant 0 : i32
      %dma_start3A_193 = tpu.memref_slice %arg3[%add3A_67, %dma_start3A] : memref<2720x128xi32, #tpu.memory_space<hbm>> -> memref<40x128xi32, #tpu.memory_space<hbm>>
      %dma_start3A_194 = arith.constant 0 : i32
      %dma_start3A_195 = tpu.memref_slice %arg3[%add3A_67, %dma_start3A_194] : memref<2720x128xi32, #tpu.memory_space<hbm>> -> memref<40x128xi32, #tpu.memory_space<hbm>>
      tpu.enqueue_dma source(%dma_start3A_195 : memref<40x128xi32, #tpu.memory_space<hbm>>) target(%arg6 : memref<40x128xi32, #tpu.memory_space<vmem>>) target_semaphore(%run_scoped3A : memref<!tpu.dma_semaphore, #tpu.memory_space<semaphore_mem>>)
      %dma_wait3A = arith.constant 0 : i32
      %dma_wait3A_196 = tpu.memref_slice %arg3[%add3A_67, %dma_wait3A] : memref<2720x128xi32, #tpu.memory_space<hbm>> -> memref<40x128xi32, #tpu.memory_space<hbm>>
      %dma_wait3A_197 = arith.constant 0 : i32
      %dma_wait3A_198 = tpu.memref_slice %arg3[%add3A_67, %dma_wait3A_197] : memref<2720x128xi32, #tpu.memory_space<hbm>> -> memref<40x128xi32, #tpu.memory_space<hbm>>
      tpu.wait_dma2 semaphore(%run_scoped3A : memref<!tpu.dma_semaphore, #tpu.memory_space<semaphore_mem>>) src(%dma_wait3A_198 : memref<40x128xi32, #tpu.memory_space<hbm>>) dst(%arg6 : memref<40x128xi32, #tpu.memory_space<vmem>>)
      tpu.yield
    }) : () -> ()
    %add3A_68 = arith.constant 40 : i32
    %add3A_69 = arith.addi %select_n3A_6, %add3A_68 : i32
    "tpu.region"() ({
      %run_scoped3A = tpu.sem_alloc : memref<!tpu.dma_semaphore, #tpu.memory_space<semaphore_mem>>
      %dma_start3A = arith.constant 0 : i32
      %dma_start3A_193 = tpu.memref_slice %arg4[%add3A_69, %dma_start3A] : memref<2720x128xi32, #tpu.memory_space<hbm>> -> memref<40x128xi32, #tpu.memory_space<hbm>>
      %dma_start3A_194 = arith.constant 0 : i32
      %dma_start3A_195 = tpu.memref_slice %arg4[%add3A_69, %dma_start3A_194] : memref<2720x128xi32, #tpu.memory_space<hbm>> -> memref<40x128xi32, #tpu.memory_space<hbm>>
      tpu.enqueue_dma source(%dma_start3A_195 : memref<40x128xi32, #tpu.memory_space<hbm>>) target(%arg7 : memref<40x128xi32, #tpu.memory_space<vmem>>) target_semaphore(%run_scoped3A : memref<!tpu.dma_semaphore, #tpu.memory_space<semaphore_mem>>)
      %dma_wait3A = arith.constant 0 : i32
      %dma_wait3A_196 = tpu.memref_slice %arg4[%add3A_69, %dma_wait3A] : memref<2720x128xi32, #tpu.memory_space<hbm>> -> memref<40x128xi32, #tpu.memory_space<hbm>>
      %dma_wait3A_197 = arith.constant 0 : i32
      %dma_wait3A_198 = tpu.memref_slice %arg4[%add3A_69, %dma_wait3A_197] : memref<2720x128xi32, #tpu.memory_space<hbm>> -> memref<40x128xi32, #tpu.memory_space<hbm>>
      tpu.wait_dma2 semaphore(%run_scoped3A : memref<!tpu.dma_semaphore, #tpu.memory_space<semaphore_mem>>) src(%dma_wait3A_198 : memref<40x128xi32, #tpu.memory_space<hbm>>) dst(%arg7 : memref<40x128xi32, #tpu.memory_space<vmem>>)
      tpu.yield
    }) : () -> ()
    %jit3A_70 = arith.constant 2 : i32
    %div3A_71 = arith.divsi %min3A_65, %jit3A_70 : i32
    %sign3A_72 = arith.constant 0 : i32
    %sign3A_73 = arith.cmpi sgt, %min3A_65, %sign3A_72 : i32
    %sign3A_74 = arith.extui %sign3A_73 : i1 to i32
    %sign3A_75 = arith.constant 0 : i32
    %sign3A_76 = arith.cmpi slt, %min3A_65, %sign3A_75 : i32
    %sign3A_77 = arith.extui %sign3A_76 : i1 to i32
    %sign3A_78 = arith.subi %sign3A_74, %sign3A_77 : i32
    %sign3A_79 = arith.constant 0 : i32
    %sign3A_80 = arith.cmpi sgt, %jit3A_70, %sign3A_79 : i32
    %sign3A_81 = arith.extui %sign3A_80 : i1 to i32
    %sign3A_82 = arith.constant 0 : i32
    %sign3A_83 = arith.cmpi slt, %jit3A_70, %sign3A_82 : i32
    %sign3A_84 = arith.extui %sign3A_83 : i1 to i32
    %sign3A_85 = arith.subi %sign3A_81, %sign3A_84 : i32
    %ne3A_86 = arith.cmpi ne, %sign3A_78, %sign3A_85 : i32
    %rem3A_87 = arith.remsi %min3A_65, %jit3A_70 : i32
    %ne3A_88 = arith.constant 0 : i32
    %ne3A_89 = arith.cmpi ne, %rem3A_87, %ne3A_88 : i32
    %and3A_90 = arith.andi %ne3A_86, %ne3A_89 : i1
    %sub3A_91 = arith.constant 1 : i32
    %sub3A_92 = arith.subi %div3A_71, %sub3A_91 : i32
    %select_n3A_93 = arith.select %and3A_90, %sub3A_92, %div3A_71 : i32
    %while3A_94 = arith.constant 0 : i32
    %while3A_95 = arith.constant 0 : i32
    %while3A_96 = arith.subi %select_n3A_93, %while3A_95 : i32
    %while3A_97 = arith.addi %while3A_95, %while3A_96 : i32
    %while3A_98 = arith.constant 1 : i32
    %while3A_99 = arith.divsi %while3A_96, %while3A_98 : i32
    %while3A_100 = arith.muli %while3A_99, %while3A_98 : i32
    %while3A_101 = arith.addi %while3A_95, %while3A_100 : i32
    %while3A_102 = arith.constant 1 : i32
    scf.for %while3A_193 = %while3A_95 to %while3A_101 step %while3A_102  : i32 {
      %mul3A_194 = arith.constant 2 : i32
      %mul3A_195 = arith.muli %mul3A_194, %while3A_193 : i32
      %mul3A_196 = arith.constant 2 : i32
      %mul3A_197 = arith.muli %mul3A_196, %while3A_193 : i32
      %add3A_198 = arith.constant 1 : i32
      %add3A_199 = arith.addi %mul3A_197, %add3A_198 : i32
      %dma_start3A = arith.constant 0 : i32
      %dma_start3A_200 = tpu.memref_slice %arg6[%mul3A_195, %dma_start3A] : memref<40x128xi32, #tpu.memory_space<vmem>> -> memref<1x128xi32, #tpu.memory_space<vmem>>
      %dma_start3A_201 = tpu.memref_squeeze %dma_start3A_200 : memref<1x128xi32, #tpu.memory_space<vmem>> -> memref<128xi32, #tpu.memory_space<vmem>>
      %dma_start3A_202 = arith.constant 0 : i32
      %dma_start3A_203 = arith.constant 0 : i32
      %dma_start3A_204 = tpu.memref_slice %arg2[%dma_start3A_202, %dma_start3A_203] : memref<10000x128xf32, #tpu.memory_space<hbm>> -> memref<10000x128xf32, #tpu.memory_space<hbm>>
      tpu.enqueue_indirect_dma source(%dma_start3A_204 : memref<10000x128xf32, #tpu.memory_space<hbm>>) target(%arg8 : memref<128x128xf32, #tpu.memory_space<vmem>>) offsets(%dma_start3A_201 : memref<128xi32, #tpu.memory_space<vmem>>) semaphore(%arg11 : memref<!tpu.dma_semaphore, #tpu.memory_space<semaphore_mem>>)
      %dma_start3A_205 = arith.constant 0 : i32
      %dma_start3A_206 = tpu.memref_slice %arg6[%add3A_199, %dma_start3A_205] : memref<40x128xi32, #tpu.memory_space<vmem>> -> memref<1x128xi32, #tpu.memory_space<vmem>>
      %dma_start3A_207 = tpu.memref_squeeze %dma_start3A_206 : memref<1x128xi32, #tpu.memory_space<vmem>> -> memref<128xi32, #tpu.memory_space<vmem>>
      %dma_start3A_208 = arith.constant 0 : i32
      %dma_start3A_209 = arith.constant 0 : i32
      %dma_start3A_210 = tpu.memref_slice %arg2[%dma_start3A_208, %dma_start3A_209] : memref<10000x128xf32, #tpu.memory_space<hbm>> -> memref<10000x128xf32, #tpu.memory_space<hbm>>
      tpu.enqueue_indirect_dma source(%dma_start3A_210 : memref<10000x128xf32, #tpu.memory_space<hbm>>) target(%arg9 : memref<128x128xf32, #tpu.memory_space<vmem>>) offsets(%dma_start3A_207 : memref<128xi32, #tpu.memory_space<vmem>>) semaphore(%arg12 : memref<!tpu.dma_semaphore, #tpu.memory_space<semaphore_mem>>)
      %dma_wait3A = arith.constant 0 : i32
      %dma_wait3A_211 = tpu.memref_slice %arg6[%mul3A_195, %dma_wait3A] : memref<40x128xi32, #tpu.memory_space<vmem>> -> memref<1x128xi32, #tpu.memory_space<vmem>>
      %dma_wait3A_212 = tpu.memref_squeeze %dma_wait3A_211 : memref<1x128xi32, #tpu.memory_space<vmem>> -> memref<128xi32, #tpu.memory_space<vmem>>
      %dma_wait3A_213 = arith.constant 0 : i32
      %dma_wait3A_214 = arith.constant 0 : i32
      %dma_wait3A_215 = tpu.memref_slice %arg2[%dma_wait3A_213, %dma_wait3A_214] : memref<10000x128xf32, #tpu.memory_space<hbm>> -> memref<10000x128xf32, #tpu.memory_space<hbm>>
      tpu.wait_indirect_dma semaphore(%arg11 : memref<!tpu.dma_semaphore, #tpu.memory_space<semaphore_mem>>) src(%dma_wait3A_215 : memref<10000x128xf32, #tpu.memory_space<hbm>>) dst(%arg8 : memref<128x128xf32, #tpu.memory_space<vmem>>)
      "tpu.region"() ({
        %run_scoped3A = tpu.sem_alloc : memref<!tpu.dma_semaphore, #tpu.memory_space<semaphore_mem>>
        %dma_start3A_222 = arith.constant 0 : i32
        %dma_start3A_223 = tpu.memref_slice %arg7[%mul3A_195, %dma_start3A_222] : memref<40x128xi32, #tpu.memory_space<vmem>> -> memref<1x128xi32, #tpu.memory_space<vmem>>
        %dma_start3A_224 = tpu.memref_squeeze %dma_start3A_223 : memref<1x128xi32, #tpu.memory_space<vmem>> -> memref<128xi32, #tpu.memory_space<vmem>>
        %dma_start3A_225 = arith.constant 0 : i32
        %dma_start3A_226 = arith.constant 0 : i32
        %dma_start3A_227 = tpu.memref_slice %arg10[%dma_start3A_225, %dma_start3A_226] : memref<10112x128xf32, #tpu.memory_space<vmem_shared>> -> memref<10112x128xf32, #tpu.memory_space<vmem_shared>>
        tpu.enqueue_indirect_dma source(%arg8 : memref<128x128xf32, #tpu.memory_space<vmem>>) target(%dma_start3A_227 : memref<10112x128xf32, #tpu.memory_space<vmem_shared>>) offsets(%dma_start3A_224 : memref<128xi32, #tpu.memory_space<vmem>>) semaphore(%run_scoped3A : memref<!tpu.dma_semaphore, #tpu.memory_space<semaphore_mem>>) {add = true}
        %dma_wait3A_228 = arith.constant 0 : i32
        %dma_wait3A_229 = tpu.memref_slice %arg7[%mul3A_195, %dma_wait3A_228] : memref<40x128xi32, #tpu.memory_space<vmem>> -> memref<1x128xi32, #tpu.memory_space<vmem>>
        %dma_wait3A_230 = tpu.memref_squeeze %dma_wait3A_229 : memref<1x128xi32, #tpu.memory_space<vmem>> -> memref<128xi32, #tpu.memory_space<vmem>>
        %dma_wait3A_231 = arith.constant 0 : i32
        %dma_wait3A_232 = arith.constant 0 : i32
        %dma_wait3A_233 = tpu.memref_slice %arg10[%dma_wait3A_231, %dma_wait3A_232] : memref<10112x128xf32, #tpu.memory_space<vmem_shared>> -> memref<10112x128xf32, #tpu.memory_space<vmem_shared>>
        tpu.wait_indirect_dma semaphore(%run_scoped3A : memref<!tpu.dma_semaphore, #tpu.memory_space<semaphore_mem>>) src(%arg8 : memref<128x128xf32, #tpu.memory_space<vmem>>) dst(%dma_wait3A_233 : memref<10112x128xf32, #tpu.memory_space<vmem_shared>>)
        tpu.yield
      }) : () -> ()
      %dma_wait3A_216 = arith.constant 0 : i32
      %dma_wait3A_217 = tpu.memref_slice %arg6[%add3A_199, %dma_wait3A_216] : memref<40x128xi32, #tpu.memory_space<vmem>> -> memref<1x128xi32, #tpu.memory_space<vmem>>
      %dma_wait3A_218 = tpu.memref_squeeze %dma_wait3A_217 : memref<1x128xi32, #tpu.memory_space<vmem>> -> memref<128xi32, #tpu.memory_space<vmem>>
      %dma_wait3A_219 = arith.constant 0 : i32
      %dma_wait3A_220 = arith.constant 0 : i32
      %dma_wait3A_221 = tpu.memref_slice %arg2[%dma_wait3A_219, %dma_wait3A_220] : memref<10000x128xf32, #tpu.memory_space<hbm>> -> memref<10000x128xf32, #tpu.memory_space<hbm>>
      tpu.wait_indirect_dma semaphore(%arg12 : memref<!tpu.dma_semaphore, #tpu.memory_space<semaphore_mem>>) src(%dma_wait3A_221 : memref<10000x128xf32, #tpu.memory_space<hbm>>) dst(%arg9 : memref<128x128xf32, #tpu.memory_space<vmem>>)
      "tpu.region"() ({
        %run_scoped3A = tpu.sem_alloc : memref<!tpu.dma_semaphore, #tpu.memory_space<semaphore_mem>>
        %dma_start3A_222 = arith.constant 0 : i32
        %dma_start3A_223 = tpu.memref_slice %arg7[%add3A_199, %dma_start3A_222] : memref<40x128xi32, #tpu.memory_space<vmem>> -> memref<1x128xi32, #tpu.memory_space<vmem>>
        %dma_start3A_224 = tpu.memref_squeeze %dma_start3A_223 : memref<1x128xi32, #tpu.memory_space<vmem>> -> memref<128xi32, #tpu.memory_space<vmem>>
        %dma_start3A_225 = arith.constant 0 : i32
        %dma_start3A_226 = arith.constant 0 : i32
        %dma_start3A_227 = tpu.memref_slice %arg10[%dma_start3A_225, %dma_start3A_226] : memref<10112x128xf32, #tpu.memory_space<vmem_shared>> -> memref<10112x128xf32, #tpu.memory_space<vmem_shared>>
        tpu.enqueue_indirect_dma source(%arg9 : memref<128x128xf32, #tpu.memory_space<vmem>>) target(%dma_start3A_227 : memref<10112x128xf32, #tpu.memory_space<vmem_shared>>) offsets(%dma_start3A_224 : memref<128xi32, #tpu.memory_space<vmem>>) semaphore(%run_scoped3A : memref<!tpu.dma_semaphore, #tpu.memory_space<semaphore_mem>>) {add = true}
        %dma_wait3A_228 = arith.constant 0 : i32
        %dma_wait3A_229 = tpu.memref_slice %arg7[%add3A_199, %dma_wait3A_228] : memref<40x128xi32, #tpu.memory_space<vmem>> -> memref<1x128xi32, #tpu.memory_space<vmem>>
        %dma_wait3A_230 = tpu.memref_squeeze %dma_wait3A_229 : memref<1x128xi32, #tpu.memory_space<vmem>> -> memref<128xi32, #tpu.memory_space<vmem>>
        %dma_wait3A_231 = arith.constant 0 : i32
        %dma_wait3A_232 = arith.constant 0 : i32
        %dma_wait3A_233 = tpu.memref_slice %arg10[%dma_wait3A_231, %dma_wait3A_232] : memref<10112x128xf32, #tpu.memory_space<vmem_shared>> -> memref<10112x128xf32, #tpu.memory_space<vmem_shared>>
        tpu.wait_indirect_dma semaphore(%run_scoped3A : memref<!tpu.dma_semaphore, #tpu.memory_space<semaphore_mem>>) src(%arg9 : memref<128x128xf32, #tpu.memory_space<vmem>>) dst(%dma_wait3A_233 : memref<10112x128xf32, #tpu.memory_space<vmem_shared>>)
        tpu.yield
      }) : () -> ()
    }
    %while3A_103 = arith.constant 1 : i32
    scf.for %while3A_193 = %while3A_101 to %while3A_97 step %while3A_103  : i32 {
      %mul3A_194 = arith.constant 2 : i32
      %mul3A_195 = arith.muli %mul3A_194, %while3A_193 : i32
      %mul3A_196 = arith.constant 2 : i32
      %mul3A_197 = arith.muli %mul3A_196, %while3A_193 : i32
      %add3A_198 = arith.constant 1 : i32
      %add3A_199 = arith.addi %mul3A_197, %add3A_198 : i32
      %dma_start3A = arith.constant 0 : i32
      %dma_start3A_200 = tpu.memref_slice %arg6[%mul3A_195, %dma_start3A] : memref<40x128xi32, #tpu.memory_space<vmem>> -> memref<1x128xi32, #tpu.memory_space<vmem>>
      %dma_start3A_201 = tpu.memref_squeeze %dma_start3A_200 : memref<1x128xi32, #tpu.memory_space<vmem>> -> memref<128xi32, #tpu.memory_space<vmem>>
      %dma_start3A_202 = arith.constant 0 : i32
      %dma_start3A_203 = arith.constant 0 : i32
      %dma_start3A_204 = tpu.memref_slice %arg2[%dma_start3A_202, %dma_start3A_203] : memref<10000x128xf32, #tpu.memory_space<hbm>> -> memref<10000x128xf32, #tpu.memory_space<hbm>>
      tpu.enqueue_indirect_dma source(%dma_start3A_204 : memref<10000x128xf32, #tpu.memory_space<hbm>>) target(%arg8 : memref<128x128xf32, #tpu.memory_space<vmem>>) offsets(%dma_start3A_201 : memref<128xi32, #tpu.memory_space<vmem>>) semaphore(%arg11 : memref<!tpu.dma_semaphore, #tpu.memory_space<semaphore_mem>>)
      %dma_start3A_205 = arith.constant 0 : i32
      %dma_start3A_206 = tpu.memref_slice %arg6[%add3A_199, %dma_start3A_205] : memref<40x128xi32, #tpu.memory_space<vmem>> -> memref<1x128xi32, #tpu.memory_space<vmem>>
      %dma_start3A_207 = tpu.memref_squeeze %dma_start3A_206 : memref<1x128xi32, #tpu.memory_space<vmem>> -> memref<128xi32, #tpu.memory_space<vmem>>
      %dma_start3A_208 = arith.constant 0 : i32
      %dma_start3A_209 = arith.constant 0 : i32
      %dma_start3A_210 = tpu.memref_slice %arg2[%dma_start3A_208, %dma_start3A_209] : memref<10000x128xf32, #tpu.memory_space<hbm>> -> memref<10000x128xf32, #tpu.memory_space<hbm>>
      tpu.enqueue_indirect_dma source(%dma_start3A_210 : memref<10000x128xf32, #tpu.memory_space<hbm>>) target(%arg9 : memref<128x128xf32, #tpu.memory_space<vmem>>) offsets(%dma_start3A_207 : memref<128xi32, #tpu.memory_space<vmem>>) semaphore(%arg12 : memref<!tpu.dma_semaphore, #tpu.memory_space<semaphore_mem>>)
      %dma_wait3A = arith.constant 0 : i32
      %dma_wait3A_211 = tpu.memref_slice %arg6[%mul3A_195, %dma_wait3A] : memref<40x128xi32, #tpu.memory_space<vmem>> -> memref<1x128xi32, #tpu.memory_space<vmem>>
      %dma_wait3A_212 = tpu.memref_squeeze %dma_wait3A_211 : memref<1x128xi32, #tpu.memory_space<vmem>> -> memref<128xi32, #tpu.memory_space<vmem>>
      %dma_wait3A_213 = arith.constant 0 : i32
      %dma_wait3A_214 = arith.constant 0 : i32
      %dma_wait3A_215 = tpu.memref_slice %arg2[%dma_wait3A_213, %dma_wait3A_214] : memref<10000x128xf32, #tpu.memory_space<hbm>> -> memref<10000x128xf32, #tpu.memory_space<hbm>>
      tpu.wait_indirect_dma semaphore(%arg11 : memref<!tpu.dma_semaphore, #tpu.memory_space<semaphore_mem>>) src(%dma_wait3A_215 : memref<10000x128xf32, #tpu.memory_space<hbm>>) dst(%arg8 : memref<128x128xf32, #tpu.memory_space<vmem>>)
      "tpu.region"() ({
        %run_scoped3A = tpu.sem_alloc : memref<!tpu.dma_semaphore, #tpu.memory_space<semaphore_mem>>
        %dma_start3A_222 = arith.constant 0 : i32
        %dma_start3A_223 = tpu.memref_slice %arg7[%mul3A_195, %dma_start3A_222] : memref<40x128xi32, #tpu.memory_space<vmem>> -> memref<1x128xi32, #tpu.memory_space<vmem>>
        %dma_start3A_224 = tpu.memref_squeeze %dma_start3A_223 : memref<1x128xi32, #tpu.memory_space<vmem>> -> memref<128xi32, #tpu.memory_space<vmem>>
        %dma_start3A_225 = arith.constant 0 : i32
        %dma_start3A_226 = arith.constant 0 : i32
        %dma_start3A_227 = tpu.memref_slice %arg10[%dma_start3A_225, %dma_start3A_226] : memref<10112x128xf32, #tpu.memory_space<vmem_shared>> -> memref<10112x128xf32, #tpu.memory_space<vmem_shared>>
        tpu.enqueue_indirect_dma source(%arg8 : memref<128x128xf32, #tpu.memory_space<vmem>>) target(%dma_start3A_227 : memref<10112x128xf32, #tpu.memory_space<vmem_shared>>) offsets(%dma_start3A_224 : memref<128xi32, #tpu.memory_space<vmem>>) semaphore(%run_scoped3A : memref<!tpu.dma_semaphore, #tpu.memory_space<semaphore_mem>>) {add = true}
        %dma_wait3A_228 = arith.constant 0 : i32
        %dma_wait3A_229 = tpu.memref_slice %arg7[%mul3A_195, %dma_wait3A_228] : memref<40x128xi32, #tpu.memory_space<vmem>> -> memref<1x128xi32, #tpu.memory_space<vmem>>
        %dma_wait3A_230 = tpu.memref_squeeze %dma_wait3A_229 : memref<1x128xi32, #tpu.memory_space<vmem>> -> memref<128xi32, #tpu.memory_space<vmem>>
        %dma_wait3A_231 = arith.constant 0 : i32
        %dma_wait3A_232 = arith.constant 0 : i32
        %dma_wait3A_233 = tpu.memref_slice %arg10[%dma_wait3A_231, %dma_wait3A_232] : memref<10112x128xf32, #tpu.memory_space<vmem_shared>> -> memref<10112x128xf32, #tpu.memory_space<vmem_shared>>
        tpu.wait_indirect_dma semaphore(%run_scoped3A : memref<!tpu.dma_semaphore, #tpu.memory_space<semaphore_mem>>) src(%arg8 : memref<128x128xf32, #tpu.memory_space<vmem>>) dst(%dma_wait3A_233 : memref<10112x128xf32, #tpu.memory_space<vmem_shared>>)
        tpu.yield
      }) : () -> ()
      %dma_wait3A_216 = arith.constant 0 : i32
      %dma_wait3A_217 = tpu.memref_slice %arg6[%add3A_199, %dma_wait3A_216] : memref<40x128xi32, #tpu.memory_space<vmem>> -> memref<1x128xi32, #tpu.memory_space<vmem>>
      %dma_wait3A_218 = tpu.memref_squeeze %dma_wait3A_217 : memref<1x128xi32, #tpu.memory_space<vmem>> -> memref<128xi32, #tpu.memory_space<vmem>>
      %dma_wait3A_219 = arith.constant 0 : i32
      %dma_wait3A_220 = arith.constant 0 : i32
      %dma_wait3A_221 = tpu.memref_slice %arg2[%dma_wait3A_219, %dma_wait3A_220] : memref<10000x128xf32, #tpu.memory_space<hbm>> -> memref<10000x128xf32, #tpu.memory_space<hbm>>
      tpu.wait_indirect_dma semaphore(%arg12 : memref<!tpu.dma_semaphore, #tpu.memory_space<semaphore_mem>>) src(%dma_wait3A_221 : memref<10000x128xf32, #tpu.memory_space<hbm>>) dst(%arg9 : memref<128x128xf32, #tpu.memory_space<vmem>>)
      "tpu.region"() ({
        %run_scoped3A = tpu.sem_alloc : memref<!tpu.dma_semaphore, #tpu.memory_space<semaphore_mem>>
        %dma_start3A_222 = arith.constant 0 : i32
        %dma_start3A_223 = tpu.memref_slice %arg7[%add3A_199, %dma_start3A_222] : memref<40x128xi32, #tpu.memory_space<vmem>> -> memref<1x128xi32, #tpu.memory_space<vmem>>
        %dma_start3A_224 = tpu.memref_squeeze %dma_start3A_223 : memref<1x128xi32, #tpu.memory_space<vmem>> -> memref<128xi32, #tpu.memory_space<vmem>>
        %dma_start3A_225 = arith.constant 0 : i32
        %dma_start3A_226 = arith.constant 0 : i32
        %dma_start3A_227 = tpu.memref_slice %arg10[%dma_start3A_225, %dma_start3A_226] : memref<10112x128xf32, #tpu.memory_space<vmem_shared>> -> memref<10112x128xf32, #tpu.memory_space<vmem_shared>>
        tpu.enqueue_indirect_dma source(%arg9 : memref<128x128xf32, #tpu.memory_space<vmem>>) target(%dma_start3A_227 : memref<10112x128xf32, #tpu.memory_space<vmem_shared>>) offsets(%dma_start3A_224 : memref<128xi32, #tpu.memory_space<vmem>>) semaphore(%run_scoped3A : memref<!tpu.dma_semaphore, #tpu.memory_space<semaphore_mem>>) {add = true}
        %dma_wait3A_228 = arith.constant 0 : i32
        %dma_wait3A_229 = tpu.memref_slice %arg7[%add3A_199, %dma_wait3A_228] : memref<40x128xi32, #tpu.memory_space<vmem>> -> memref<1x128xi32, #tpu.memory_space<vmem>>
        %dma_wait3A_230 = tpu.memref_squeeze %dma_wait3A_229 : memref<1x128xi32, #tpu.memory_space<vmem>> -> memref<128xi32, #tpu.memory_space<vmem>>
        %dma_wait3A_231 = arith.constant 0 : i32
        %dma_wait3A_232 = arith.constant 0 : i32
        %dma_wait3A_233 = tpu.memref_slice %arg10[%dma_wait3A_231, %dma_wait3A_232] : memref<10112x128xf32, #tpu.memory_space<vmem_shared>> -> memref<10112x128xf32, #tpu.memory_space<vmem_shared>>
        tpu.wait_indirect_dma semaphore(%run_scoped3A : memref<!tpu.dma_semaphore, #tpu.memory_space<semaphore_mem>>) src(%arg9 : memref<128x128xf32, #tpu.memory_space<vmem>>) dst(%dma_wait3A_233 : memref<10112x128xf32, #tpu.memory_space<vmem_shared>>)
        tpu.yield
      }) : () -> ()
    }
    %sub3A_104 = arith.constant 80 : i32
    %sub3A_105 = arith.subi %select_n3A, %sub3A_104 : i32
    %jit3A_106 = arith.constant 0 : i32
    %jit3A_107 = arith.constant 40 : i32
    %max3A_108 = arith.maxsi %jit3A_106, %sub3A_105 : i32
    %min3A_109 = arith.minsi %jit3A_107, %max3A_108 : i32
    %add3A_110 = arith.constant 80 : i32
    %add3A_111 = arith.addi %select_n3A_6, %add3A_110 : i32
    "tpu.region"() ({
      %run_scoped3A = tpu.sem_alloc : memref<!tpu.dma_semaphore, #tpu.memory_space<semaphore_mem>>
      %dma_start3A = arith.constant 0 : i32
      %dma_start3A_193 = tpu.memref_slice %arg3[%add3A_111, %dma_start3A] : memref<2720x128xi32, #tpu.memory_space<hbm>> -> memref<40x128xi32, #tpu.memory_space<hbm>>
      %dma_start3A_194 = arith.constant 0 : i32
      %dma_start3A_195 = tpu.memref_slice %arg3[%add3A_111, %dma_start3A_194] : memref<2720x128xi32, #tpu.memory_space<hbm>> -> memref<40x128xi32, #tpu.memory_space<hbm>>
      tpu.enqueue_dma source(%dma_start3A_195 : memref<40x128xi32, #tpu.memory_space<hbm>>) target(%arg6 : memref<40x128xi32, #tpu.memory_space<vmem>>) target_semaphore(%run_scoped3A : memref<!tpu.dma_semaphore, #tpu.memory_space<semaphore_mem>>)
      %dma_wait3A = arith.constant 0 : i32
      %dma_wait3A_196 = tpu.memref_slice %arg3[%add3A_111, %dma_wait3A] : memref<2720x128xi32, #tpu.memory_space<hbm>> -> memref<40x128xi32, #tpu.memory_space<hbm>>
      %dma_wait3A_197 = arith.constant 0 : i32
      %dma_wait3A_198 = tpu.memref_slice %arg3[%add3A_111, %dma_wait3A_197] : memref<2720x128xi32, #tpu.memory_space<hbm>> -> memref<40x128xi32, #tpu.memory_space<hbm>>
      tpu.wait_dma2 semaphore(%run_scoped3A : memref<!tpu.dma_semaphore, #tpu.memory_space<semaphore_mem>>) src(%dma_wait3A_198 : memref<40x128xi32, #tpu.memory_space<hbm>>) dst(%arg6 : memref<40x128xi32, #tpu.memory_space<vmem>>)
      tpu.yield
    }) : () -> ()
    %add3A_112 = arith.constant 80 : i32
    %add3A_113 = arith.addi %select_n3A_6, %add3A_112 : i32
    "tpu.region"() ({
      %run_scoped3A = tpu.sem_alloc : memref<!tpu.dma_semaphore, #tpu.memory_space<semaphore_mem>>
      %dma_start3A = arith.constant 0 : i32
      %dma_start3A_193 = tpu.memref_slice %arg4[%add3A_113, %dma_start3A] : memref<2720x128xi32, #tpu.memory_space<hbm>> -> memref<40x128xi32, #tpu.memory_space<hbm>>
      %dma_start3A_194 = arith.constant 0 : i32
      %dma_start3A_195 = tpu.memref_slice %arg4[%add3A_113, %dma_start3A_194] : memref<2720x128xi32, #tpu.memory_space<hbm>> -> memref<40x128xi32, #tpu.memory_space<hbm>>
      tpu.enqueue_dma source(%dma_start3A_195 : memref<40x128xi32, #tpu.memory_space<hbm>>) target(%arg7 : memref<40x128xi32, #tpu.memory_space<vmem>>) target_semaphore(%run_scoped3A : memref<!tpu.dma_semaphore, #tpu.memory_space<semaphore_mem>>)
      %dma_wait3A = arith.constant 0 : i32
      %dma_wait3A_196 = tpu.memref_slice %arg4[%add3A_113, %dma_wait3A] : memref<2720x128xi32, #tpu.memory_space<hbm>> -> memref<40x128xi32, #tpu.memory_space<hbm>>
      %dma_wait3A_197 = arith.constant 0 : i32
      %dma_wait3A_198 = tpu.memref_slice %arg4[%add3A_113, %dma_wait3A_197] : memref<2720x128xi32, #tpu.memory_space<hbm>> -> memref<40x128xi32, #tpu.memory_space<hbm>>
      tpu.wait_dma2 semaphore(%run_scoped3A : memref<!tpu.dma_semaphore, #tpu.memory_space<semaphore_mem>>) src(%dma_wait3A_198 : memref<40x128xi32, #tpu.memory_space<hbm>>) dst(%arg7 : memref<40x128xi32, #tpu.memory_space<vmem>>)
      tpu.yield
    }) : () -> ()
    %jit3A_114 = arith.constant 2 : i32
    %div3A_115 = arith.divsi %min3A_109, %jit3A_114 : i32
    %sign3A_116 = arith.constant 0 : i32
    %sign3A_117 = arith.cmpi sgt, %min3A_109, %sign3A_116 : i32
    %sign3A_118 = arith.extui %sign3A_117 : i1 to i32
    %sign3A_119 = arith.constant 0 : i32
    %sign3A_120 = arith.cmpi slt, %min3A_109, %sign3A_119 : i32
    %sign3A_121 = arith.extui %sign3A_120 : i1 to i32
    %sign3A_122 = arith.subi %sign3A_118, %sign3A_121 : i32
    %sign3A_123 = arith.constant 0 : i32
    %sign3A_124 = arith.cmpi sgt, %jit3A_114, %sign3A_123 : i32
    %sign3A_125 = arith.extui %sign3A_124 : i1 to i32
    %sign3A_126 = arith.constant 0 : i32
    %sign3A_127 = arith.cmpi slt, %jit3A_114, %sign3A_126 : i32
    %sign3A_128 = arith.extui %sign3A_127 : i1 to i32
    %sign3A_129 = arith.subi %sign3A_125, %sign3A_128 : i32
    %ne3A_130 = arith.cmpi ne, %sign3A_122, %sign3A_129 : i32
    %rem3A_131 = arith.remsi %min3A_109, %jit3A_114 : i32
    %ne3A_132 = arith.constant 0 : i32
    %ne3A_133 = arith.cmpi ne, %rem3A_131, %ne3A_132 : i32
    %and3A_134 = arith.andi %ne3A_130, %ne3A_133 : i1
    %sub3A_135 = arith.constant 1 : i32
    %sub3A_136 = arith.subi %div3A_115, %sub3A_135 : i32
    %select_n3A_137 = arith.select %and3A_134, %sub3A_136, %div3A_115 : i32
    %while3A_138 = arith.constant 0 : i32
    %while3A_139 = arith.constant 0 : i32
    %while3A_140 = arith.subi %select_n3A_137, %while3A_139 : i32
    %while3A_141 = arith.addi %while3A_139, %while3A_140 : i32
    %while3A_142 = arith.constant 1 : i32
    %while3A_143 = arith.divsi %while3A_140, %while3A_142 : i32
    %while3A_144 = arith.muli %while3A_143, %while3A_142 : i32
    %while3A_145 = arith.addi %while3A_139, %while3A_144 : i32
    %while3A_146 = arith.constant 1 : i32
    scf.for %while3A_193 = %while3A_139 to %while3A_145 step %while3A_146  : i32 {
      %mul3A_194 = arith.constant 2 : i32
      %mul3A_195 = arith.muli %mul3A_194, %while3A_193 : i32
      %mul3A_196 = arith.constant 2 : i32
      %mul3A_197 = arith.muli %mul3A_196, %while3A_193 : i32
      %add3A_198 = arith.constant 1 : i32
      %add3A_199 = arith.addi %mul3A_197, %add3A_198 : i32
      %dma_start3A = arith.constant 0 : i32
      %dma_start3A_200 = tpu.memref_slice %arg6[%mul3A_195, %dma_start3A] : memref<40x128xi32, #tpu.memory_space<vmem>> -> memref<1x128xi32, #tpu.memory_space<vmem>>
      %dma_start3A_201 = tpu.memref_squeeze %dma_start3A_200 : memref<1x128xi32, #tpu.memory_space<vmem>> -> memref<128xi32, #tpu.memory_space<vmem>>
      %dma_start3A_202 = arith.constant 0 : i32
      %dma_start3A_203 = arith.constant 0 : i32
      %dma_start3A_204 = tpu.memref_slice %arg2[%dma_start3A_202, %dma_start3A_203] : memref<10000x128xf32, #tpu.memory_space<hbm>> -> memref<10000x128xf32, #tpu.memory_space<hbm>>
      tpu.enqueue_indirect_dma source(%dma_start3A_204 : memref<10000x128xf32, #tpu.memory_space<hbm>>) target(%arg8 : memref<128x128xf32, #tpu.memory_space<vmem>>) offsets(%dma_start3A_201 : memref<128xi32, #tpu.memory_space<vmem>>) semaphore(%arg11 : memref<!tpu.dma_semaphore, #tpu.memory_space<semaphore_mem>>)
      %dma_start3A_205 = arith.constant 0 : i32
      %dma_start3A_206 = tpu.memref_slice %arg6[%add3A_199, %dma_start3A_205] : memref<40x128xi32, #tpu.memory_space<vmem>> -> memref<1x128xi32, #tpu.memory_space<vmem>>
      %dma_start3A_207 = tpu.memref_squeeze %dma_start3A_206 : memref<1x128xi32, #tpu.memory_space<vmem>> -> memref<128xi32, #tpu.memory_space<vmem>>
      %dma_start3A_208 = arith.constant 0 : i32
      %dma_start3A_209 = arith.constant 0 : i32
      %dma_start3A_210 = tpu.memref_slice %arg2[%dma_start3A_208, %dma_start3A_209] : memref<10000x128xf32, #tpu.memory_space<hbm>> -> memref<10000x128xf32, #tpu.memory_space<hbm>>
      tpu.enqueue_indirect_dma source(%dma_start3A_210 : memref<10000x128xf32, #tpu.memory_space<hbm>>) target(%arg9 : memref<128x128xf32, #tpu.memory_space<vmem>>) offsets(%dma_start3A_207 : memref<128xi32, #tpu.memory_space<vmem>>) semaphore(%arg12 : memref<!tpu.dma_semaphore, #tpu.memory_space<semaphore_mem>>)
      %dma_wait3A = arith.constant 0 : i32
      %dma_wait3A_211 = tpu.memref_slice %arg6[%mul3A_195, %dma_wait3A] : memref<40x128xi32, #tpu.memory_space<vmem>> -> memref<1x128xi32, #tpu.memory_space<vmem>>
      %dma_wait3A_212 = tpu.memref_squeeze %dma_wait3A_211 : memref<1x128xi32, #tpu.memory_space<vmem>> -> memref<128xi32, #tpu.memory_space<vmem>>
      %dma_wait3A_213 = arith.constant 0 : i32
      %dma_wait3A_214 = arith.constant 0 : i32
      %dma_wait3A_215 = tpu.memref_slice %arg2[%dma_wait3A_213, %dma_wait3A_214] : memref<10000x128xf32, #tpu.memory_space<hbm>> -> memref<10000x128xf32, #tpu.memory_space<hbm>>
      tpu.wait_indirect_dma semaphore(%arg11 : memref<!tpu.dma_semaphore, #tpu.memory_space<semaphore_mem>>) src(%dma_wait3A_215 : memref<10000x128xf32, #tpu.memory_space<hbm>>) dst(%arg8 : memref<128x128xf32, #tpu.memory_space<vmem>>)
      "tpu.region"() ({
        %run_scoped3A = tpu.sem_alloc : memref<!tpu.dma_semaphore, #tpu.memory_space<semaphore_mem>>
        %dma_start3A_222 = arith.constant 0 : i32
        %dma_start3A_223 = tpu.memref_slice %arg7[%mul3A_195, %dma_start3A_222] : memref<40x128xi32, #tpu.memory_space<vmem>> -> memref<1x128xi32, #tpu.memory_space<vmem>>
        %dma_start3A_224 = tpu.memref_squeeze %dma_start3A_223 : memref<1x128xi32, #tpu.memory_space<vmem>> -> memref<128xi32, #tpu.memory_space<vmem>>
        %dma_start3A_225 = arith.constant 0 : i32
        %dma_start3A_226 = arith.constant 0 : i32
        %dma_start3A_227 = tpu.memref_slice %arg10[%dma_start3A_225, %dma_start3A_226] : memref<10112x128xf32, #tpu.memory_space<vmem_shared>> -> memref<10112x128xf32, #tpu.memory_space<vmem_shared>>
        tpu.enqueue_indirect_dma source(%arg8 : memref<128x128xf32, #tpu.memory_space<vmem>>) target(%dma_start3A_227 : memref<10112x128xf32, #tpu.memory_space<vmem_shared>>) offsets(%dma_start3A_224 : memref<128xi32, #tpu.memory_space<vmem>>) semaphore(%run_scoped3A : memref<!tpu.dma_semaphore, #tpu.memory_space<semaphore_mem>>) {add = true}
        %dma_wait3A_228 = arith.constant 0 : i32
        %dma_wait3A_229 = tpu.memref_slice %arg7[%mul3A_195, %dma_wait3A_228] : memref<40x128xi32, #tpu.memory_space<vmem>> -> memref<1x128xi32, #tpu.memory_space<vmem>>
        %dma_wait3A_230 = tpu.memref_squeeze %dma_wait3A_229 : memref<1x128xi32, #tpu.memory_space<vmem>> -> memref<128xi32, #tpu.memory_space<vmem>>
        %dma_wait3A_231 = arith.constant 0 : i32
        %dma_wait3A_232 = arith.constant 0 : i32
        %dma_wait3A_233 = tpu.memref_slice %arg10[%dma_wait3A_231, %dma_wait3A_232] : memref<10112x128xf32, #tpu.memory_space<vmem_shared>> -> memref<10112x128xf32, #tpu.memory_space<vmem_shared>>
        tpu.wait_indirect_dma semaphore(%run_scoped3A : memref<!tpu.dma_semaphore, #tpu.memory_space<semaphore_mem>>) src(%arg8 : memref<128x128xf32, #tpu.memory_space<vmem>>) dst(%dma_wait3A_233 : memref<10112x128xf32, #tpu.memory_space<vmem_shared>>)
        tpu.yield
      }) : () -> ()
      %dma_wait3A_216 = arith.constant 0 : i32
      %dma_wait3A_217 = tpu.memref_slice %arg6[%add3A_199, %dma_wait3A_216] : memref<40x128xi32, #tpu.memory_space<vmem>> -> memref<1x128xi32, #tpu.memory_space<vmem>>
      %dma_wait3A_218 = tpu.memref_squeeze %dma_wait3A_217 : memref<1x128xi32, #tpu.memory_space<vmem>> -> memref<128xi32, #tpu.memory_space<vmem>>
      %dma_wait3A_219 = arith.constant 0 : i32
      %dma_wait3A_220 = arith.constant 0 : i32
      %dma_wait3A_221 = tpu.memref_slice %arg2[%dma_wait3A_219, %dma_wait3A_220] : memref<10000x128xf32, #tpu.memory_space<hbm>> -> memref<10000x128xf32, #tpu.memory_space<hbm>>
      tpu.wait_indirect_dma semaphore(%arg12 : memref<!tpu.dma_semaphore, #tpu.memory_space<semaphore_mem>>) src(%dma_wait3A_221 : memref<10000x128xf32, #tpu.memory_space<hbm>>) dst(%arg9 : memref<128x128xf32, #tpu.memory_space<vmem>>)
      "tpu.region"() ({
        %run_scoped3A = tpu.sem_alloc : memref<!tpu.dma_semaphore, #tpu.memory_space<semaphore_mem>>
        %dma_start3A_222 = arith.constant 0 : i32
        %dma_start3A_223 = tpu.memref_slice %arg7[%add3A_199, %dma_start3A_222] : memref<40x128xi32, #tpu.memory_space<vmem>> -> memref<1x128xi32, #tpu.memory_space<vmem>>
        %dma_start3A_224 = tpu.memref_squeeze %dma_start3A_223 : memref<1x128xi32, #tpu.memory_space<vmem>> -> memref<128xi32, #tpu.memory_space<vmem>>
        %dma_start3A_225 = arith.constant 0 : i32
        %dma_start3A_226 = arith.constant 0 : i32
        %dma_start3A_227 = tpu.memref_slice %arg10[%dma_start3A_225, %dma_start3A_226] : memref<10112x128xf32, #tpu.memory_space<vmem_shared>> -> memref<10112x128xf32, #tpu.memory_space<vmem_shared>>
        tpu.enqueue_indirect_dma source(%arg9 : memref<128x128xf32, #tpu.memory_space<vmem>>) target(%dma_start3A_227 : memref<10112x128xf32, #tpu.memory_space<vmem_shared>>) offsets(%dma_start3A_224 : memref<128xi32, #tpu.memory_space<vmem>>) semaphore(%run_scoped3A : memref<!tpu.dma_semaphore, #tpu.memory_space<semaphore_mem>>) {add = true}
        %dma_wait3A_228 = arith.constant 0 : i32
        %dma_wait3A_229 = tpu.memref_slice %arg7[%add3A_199, %dma_wait3A_228] : memref<40x128xi32, #tpu.memory_space<vmem>> -> memref<1x128xi32, #tpu.memory_space<vmem>>
        %dma_wait3A_230 = tpu.memref_squeeze %dma_wait3A_229 : memref<1x128xi32, #tpu.memory_space<vmem>> -> memref<128xi32, #tpu.memory_space<vmem>>
        %dma_wait3A_231 = arith.constant 0 : i32
        %dma_wait3A_232 = arith.constant 0 : i32
        %dma_wait3A_233 = tpu.memref_slice %arg10[%dma_wait3A_231, %dma_wait3A_232] : memref<10112x128xf32, #tpu.memory_space<vmem_shared>> -> memref<10112x128xf32, #tpu.memory_space<vmem_shared>>
        tpu.wait_indirect_dma semaphore(%run_scoped3A : memref<!tpu.dma_semaphore, #tpu.memory_space<semaphore_mem>>) src(%arg9 : memref<128x128xf32, #tpu.memory_space<vmem>>) dst(%dma_wait3A_233 : memref<10112x128xf32, #tpu.memory_space<vmem_shared>>)
        tpu.yield
      }) : () -> ()
    }
    %while3A_147 = arith.constant 1 : i32
    scf.for %while3A_193 = %while3A_145 to %while3A_141 step %while3A_147  : i32 {
      %mul3A_194 = arith.constant 2 : i32
      %mul3A_195 = arith.muli %mul3A_194, %while3A_193 : i32
      %mul3A_196 = arith.constant 2 : i32
      %mul3A_197 = arith.muli %mul3A_196, %while3A_193 : i32
      %add3A_198 = arith.constant 1 : i32
      %add3A_199 = arith.addi %mul3A_197, %add3A_198 : i32
      %dma_start3A = arith.constant 0 : i32
      %dma_start3A_200 = tpu.memref_slice %arg6[%mul3A_195, %dma_start3A] : memref<40x128xi32, #tpu.memory_space<vmem>> -> memref<1x128xi32, #tpu.memory_space<vmem>>
      %dma_start3A_201 = tpu.memref_squeeze %dma_start3A_200 : memref<1x128xi32, #tpu.memory_space<vmem>> -> memref<128xi32, #tpu.memory_space<vmem>>
      %dma_start3A_202 = arith.constant 0 : i32
      %dma_start3A_203 = arith.constant 0 : i32
      %dma_start3A_204 = tpu.memref_slice %arg2[%dma_start3A_202, %dma_start3A_203] : memref<10000x128xf32, #tpu.memory_space<hbm>> -> memref<10000x128xf32, #tpu.memory_space<hbm>>
      tpu.enqueue_indirect_dma source(%dma_start3A_204 : memref<10000x128xf32, #tpu.memory_space<hbm>>) target(%arg8 : memref<128x128xf32, #tpu.memory_space<vmem>>) offsets(%dma_start3A_201 : memref<128xi32, #tpu.memory_space<vmem>>) semaphore(%arg11 : memref<!tpu.dma_semaphore, #tpu.memory_space<semaphore_mem>>)
      %dma_start3A_205 = arith.constant 0 : i32
      %dma_start3A_206 = tpu.memref_slice %arg6[%add3A_199, %dma_start3A_205] : memref<40x128xi32, #tpu.memory_space<vmem>> -> memref<1x128xi32, #tpu.memory_space<vmem>>
      %dma_start3A_207 = tpu.memref_squeeze %dma_start3A_206 : memref<1x128xi32, #tpu.memory_space<vmem>> -> memref<128xi32, #tpu.memory_space<vmem>>
      %dma_start3A_208 = arith.constant 0 : i32
      %dma_start3A_209 = arith.constant 0 : i32
      %dma_start3A_210 = tpu.memref_slice %arg2[%dma_start3A_208, %dma_start3A_209] : memref<10000x128xf32, #tpu.memory_space<hbm>> -> memref<10000x128xf32, #tpu.memory_space<hbm>>
      tpu.enqueue_indirect_dma source(%dma_start3A_210 : memref<10000x128xf32, #tpu.memory_space<hbm>>) target(%arg9 : memref<128x128xf32, #tpu.memory_space<vmem>>) offsets(%dma_start3A_207 : memref<128xi32, #tpu.memory_space<vmem>>) semaphore(%arg12 : memref<!tpu.dma_semaphore, #tpu.memory_space<semaphore_mem>>)
      %dma_wait3A = arith.constant 0 : i32
      %dma_wait3A_211 = tpu.memref_slice %arg6[%mul3A_195, %dma_wait3A] : memref<40x128xi32, #tpu.memory_space<vmem>> -> memref<1x128xi32, #tpu.memory_space<vmem>>
      %dma_wait3A_212 = tpu.memref_squeeze %dma_wait3A_211 : memref<1x128xi32, #tpu.memory_space<vmem>> -> memref<128xi32, #tpu.memory_space<vmem>>
      %dma_wait3A_213 = arith.constant 0 : i32
      %dma_wait3A_214 = arith.constant 0 : i32
      %dma_wait3A_215 = tpu.memref_slice %arg2[%dma_wait3A_213, %dma_wait3A_214] : memref<10000x128xf32, #tpu.memory_space<hbm>> -> memref<10000x128xf32, #tpu.memory_space<hbm>>
      tpu.wait_indirect_dma semaphore(%arg11 : memref<!tpu.dma_semaphore, #tpu.memory_space<semaphore_mem>>) src(%dma_wait3A_215 : memref<10000x128xf32, #tpu.memory_space<hbm>>) dst(%arg8 : memref<128x128xf32, #tpu.memory_space<vmem>>)
      "tpu.region"() ({
        %run_scoped3A = tpu.sem_alloc : memref<!tpu.dma_semaphore, #tpu.memory_space<semaphore_mem>>
        %dma_start3A_222 = arith.constant 0 : i32
        %dma_start3A_223 = tpu.memref_slice %arg7[%mul3A_195, %dma_start3A_222] : memref<40x128xi32, #tpu.memory_space<vmem>> -> memref<1x128xi32, #tpu.memory_space<vmem>>
        %dma_start3A_224 = tpu.memref_squeeze %dma_start3A_223 : memref<1x128xi32, #tpu.memory_space<vmem>> -> memref<128xi32, #tpu.memory_space<vmem>>
        %dma_start3A_225 = arith.constant 0 : i32
        %dma_start3A_226 = arith.constant 0 : i32
        %dma_start3A_227 = tpu.memref_slice %arg10[%dma_start3A_225, %dma_start3A_226] : memref<10112x128xf32, #tpu.memory_space<vmem_shared>> -> memref<10112x128xf32, #tpu.memory_space<vmem_shared>>
        tpu.enqueue_indirect_dma source(%arg8 : memref<128x128xf32, #tpu.memory_space<vmem>>) target(%dma_start3A_227 : memref<10112x128xf32, #tpu.memory_space<vmem_shared>>) offsets(%dma_start3A_224 : memref<128xi32, #tpu.memory_space<vmem>>) semaphore(%run_scoped3A : memref<!tpu.dma_semaphore, #tpu.memory_space<semaphore_mem>>) {add = true}
        %dma_wait3A_228 = arith.constant 0 : i32
        %dma_wait3A_229 = tpu.memref_slice %arg7[%mul3A_195, %dma_wait3A_228] : memref<40x128xi32, #tpu.memory_space<vmem>> -> memref<1x128xi32, #tpu.memory_space<vmem>>
        %dma_wait3A_230 = tpu.memref_squeeze %dma_wait3A_229 : memref<1x128xi32, #tpu.memory_space<vmem>> -> memref<128xi32, #tpu.memory_space<vmem>>
        %dma_wait3A_231 = arith.constant 0 : i32
        %dma_wait3A_232 = arith.constant 0 : i32
        %dma_wait3A_233 = tpu.memref_slice %arg10[%dma_wait3A_231, %dma_wait3A_232] : memref<10112x128xf32, #tpu.memory_space<vmem_shared>> -> memref<10112x128xf32, #tpu.memory_space<vmem_shared>>
        tpu.wait_indirect_dma semaphore(%run_scoped3A : memref<!tpu.dma_semaphore, #tpu.memory_space<semaphore_mem>>) src(%arg8 : memref<128x128xf32, #tpu.memory_space<vmem>>) dst(%dma_wait3A_233 : memref<10112x128xf32, #tpu.memory_space<vmem_shared>>)
        tpu.yield
      }) : () -> ()
      %dma_wait3A_216 = arith.constant 0 : i32
      %dma_wait3A_217 = tpu.memref_slice %arg6[%add3A_199, %dma_wait3A_216] : memref<40x128xi32, #tpu.memory_space<vmem>> -> memref<1x128xi32, #tpu.memory_space<vmem>>
      %dma_wait3A_218 = tpu.memref_squeeze %dma_wait3A_217 : memref<1x128xi32, #tpu.memory_space<vmem>> -> memref<128xi32, #tpu.memory_space<vmem>>
      %dma_wait3A_219 = arith.constant 0 : i32
      %dma_wait3A_220 = arith.constant 0 : i32
      %dma_wait3A_221 = tpu.memref_slice %arg2[%dma_wait3A_219, %dma_wait3A_220] : memref<10000x128xf32, #tpu.memory_space<hbm>> -> memref<10000x128xf32, #tpu.memory_space<hbm>>
      tpu.wait_indirect_dma semaphore(%arg12 : memref<!tpu.dma_semaphore, #tpu.memory_space<semaphore_mem>>) src(%dma_wait3A_221 : memref<10000x128xf32, #tpu.memory_space<hbm>>) dst(%arg9 : memref<128x128xf32, #tpu.memory_space<vmem>>)
      "tpu.region"() ({
        %run_scoped3A = tpu.sem_alloc : memref<!tpu.dma_semaphore, #tpu.memory_space<semaphore_mem>>
        %dma_start3A_222 = arith.constant 0 : i32
        %dma_start3A_223 = tpu.memref_slice %arg7[%add3A_199, %dma_start3A_222] : memref<40x128xi32, #tpu.memory_space<vmem>> -> memref<1x128xi32, #tpu.memory_space<vmem>>
        %dma_start3A_224 = tpu.memref_squeeze %dma_start3A_223 : memref<1x128xi32, #tpu.memory_space<vmem>> -> memref<128xi32, #tpu.memory_space<vmem>>
        %dma_start3A_225 = arith.constant 0 : i32
        %dma_start3A_226 = arith.constant 0 : i32
        %dma_start3A_227 = tpu.memref_slice %arg10[%dma_start3A_225, %dma_start3A_226] : memref<10112x128xf32, #tpu.memory_space<vmem_shared>> -> memref<10112x128xf32, #tpu.memory_space<vmem_shared>>
        tpu.enqueue_indirect_dma source(%arg9 : memref<128x128xf32, #tpu.memory_space<vmem>>) target(%dma_start3A_227 : memref<10112x128xf32, #tpu.memory_space<vmem_shared>>) offsets(%dma_start3A_224 : memref<128xi32, #tpu.memory_space<vmem>>) semaphore(%run_scoped3A : memref<!tpu.dma_semaphore, #tpu.memory_space<semaphore_mem>>) {add = true}
        %dma_wait3A_228 = arith.constant 0 : i32
        %dma_wait3A_229 = tpu.memref_slice %arg7[%add3A_199, %dma_wait3A_228] : memref<40x128xi32, #tpu.memory_space<vmem>> -> memref<1x128xi32, #tpu.memory_space<vmem>>
        %dma_wait3A_230 = tpu.memref_squeeze %dma_wait3A_229 : memref<1x128xi32, #tpu.memory_space<vmem>> -> memref<128xi32, #tpu.memory_space<vmem>>
        %dma_wait3A_231 = arith.constant 0 : i32
        %dma_wait3A_232 = arith.constant 0 : i32
        %dma_wait3A_233 = tpu.memref_slice %arg10[%dma_wait3A_231, %dma_wait3A_232] : memref<10112x128xf32, #tpu.memory_space<vmem_shared>> -> memref<10112x128xf32, #tpu.memory_space<vmem_shared>>
        tpu.wait_indirect_dma semaphore(%run_scoped3A : memref<!tpu.dma_semaphore, #tpu.memory_space<semaphore_mem>>) src(%arg9 : memref<128x128xf32, #tpu.memory_space<vmem>>) dst(%dma_wait3A_233 : memref<10112x128xf32, #tpu.memory_space<vmem_shared>>)
        tpu.yield
      }) : () -> ()
    }
    %sub3A_148 = arith.constant 120 : i32
    %sub3A_149 = arith.subi %select_n3A, %sub3A_148 : i32
    %jit3A_150 = arith.constant 0 : i32
    %jit3A_151 = arith.constant 40 : i32
    %max3A_152 = arith.maxsi %jit3A_150, %sub3A_149 : i32
    %min3A_153 = arith.minsi %jit3A_151, %max3A_152 : i32
    %add3A_154 = arith.constant 120 : i32
    %add3A_155 = arith.addi %select_n3A_6, %add3A_154 : i32
    "tpu.region"() ({
      %run_scoped3A = tpu.sem_alloc : memref<!tpu.dma_semaphore, #tpu.memory_space<semaphore_mem>>
      %dma_start3A = arith.constant 0 : i32
      %dma_start3A_193 = tpu.memref_slice %arg3[%add3A_155, %dma_start3A] : memref<2720x128xi32, #tpu.memory_space<hbm>> -> memref<40x128xi32, #tpu.memory_space<hbm>>
      %dma_start3A_194 = arith.constant 0 : i32
      %dma_start3A_195 = tpu.memref_slice %arg3[%add3A_155, %dma_start3A_194] : memref<2720x128xi32, #tpu.memory_space<hbm>> -> memref<40x128xi32, #tpu.memory_space<hbm>>
      tpu.enqueue_dma source(%dma_start3A_195 : memref<40x128xi32, #tpu.memory_space<hbm>>) target(%arg6 : memref<40x128xi32, #tpu.memory_space<vmem>>) target_semaphore(%run_scoped3A : memref<!tpu.dma_semaphore, #tpu.memory_space<semaphore_mem>>)
      %dma_wait3A = arith.constant 0 : i32
      %dma_wait3A_196 = tpu.memref_slice %arg3[%add3A_155, %dma_wait3A] : memref<2720x128xi32, #tpu.memory_space<hbm>> -> memref<40x128xi32, #tpu.memory_space<hbm>>
      %dma_wait3A_197 = arith.constant 0 : i32
      %dma_wait3A_198 = tpu.memref_slice %arg3[%add3A_155, %dma_wait3A_197] : memref<2720x128xi32, #tpu.memory_space<hbm>> -> memref<40x128xi32, #tpu.memory_space<hbm>>
      tpu.wait_dma2 semaphore(%run_scoped3A : memref<!tpu.dma_semaphore, #tpu.memory_space<semaphore_mem>>) src(%dma_wait3A_198 : memref<40x128xi32, #tpu.memory_space<hbm>>) dst(%arg6 : memref<40x128xi32, #tpu.memory_space<vmem>>)
      tpu.yield
    }) : () -> ()
    %add3A_156 = arith.constant 120 : i32
    %add3A_157 = arith.addi %select_n3A_6, %add3A_156 : i32
    "tpu.region"() ({
      %run_scoped3A = tpu.sem_alloc : memref<!tpu.dma_semaphore, #tpu.memory_space<semaphore_mem>>
      %dma_start3A = arith.constant 0 : i32
      %dma_start3A_193 = tpu.memref_slice %arg4[%add3A_157, %dma_start3A] : memref<2720x128xi32, #tpu.memory_space<hbm>> -> memref<40x128xi32, #tpu.memory_space<hbm>>
      %dma_start3A_194 = arith.constant 0 : i32
      %dma_start3A_195 = tpu.memref_slice %arg4[%add3A_157, %dma_start3A_194] : memref<2720x128xi32, #tpu.memory_space<hbm>> -> memref<40x128xi32, #tpu.memory_space<hbm>>
      tpu.enqueue_dma source(%dma_start3A_195 : memref<40x128xi32, #tpu.memory_space<hbm>>) target(%arg7 : memref<40x128xi32, #tpu.memory_space<vmem>>) target_semaphore(%run_scoped3A : memref<!tpu.dma_semaphore, #tpu.memory_space<semaphore_mem>>)
      %dma_wait3A = arith.constant 0 : i32
      %dma_wait3A_196 = tpu.memref_slice %arg4[%add3A_157, %dma_wait3A] : memref<2720x128xi32, #tpu.memory_space<hbm>> -> memref<40x128xi32, #tpu.memory_space<hbm>>
      %dma_wait3A_197 = arith.constant 0 : i32
      %dma_wait3A_198 = tpu.memref_slice %arg4[%add3A_157, %dma_wait3A_197] : memref<2720x128xi32, #tpu.memory_space<hbm>> -> memref<40x128xi32, #tpu.memory_space<hbm>>
      tpu.wait_dma2 semaphore(%run_scoped3A : memref<!tpu.dma_semaphore, #tpu.memory_space<semaphore_mem>>) src(%dma_wait3A_198 : memref<40x128xi32, #tpu.memory_space<hbm>>) dst(%arg7 : memref<40x128xi32, #tpu.memory_space<vmem>>)
      tpu.yield
    }) : () -> ()
    %jit3A_158 = arith.constant 2 : i32
    %div3A_159 = arith.divsi %min3A_153, %jit3A_158 : i32
    %sign3A_160 = arith.constant 0 : i32
    %sign3A_161 = arith.cmpi sgt, %min3A_153, %sign3A_160 : i32
    %sign3A_162 = arith.extui %sign3A_161 : i1 to i32
    %sign3A_163 = arith.constant 0 : i32
    %sign3A_164 = arith.cmpi slt, %min3A_153, %sign3A_163 : i32
    %sign3A_165 = arith.extui %sign3A_164 : i1 to i32
    %sign3A_166 = arith.subi %sign3A_162, %sign3A_165 : i32
    %sign3A_167 = arith.constant 0 : i32
    %sign3A_168 = arith.cmpi sgt, %jit3A_158, %sign3A_167 : i32
    %sign3A_169 = arith.extui %sign3A_168 : i1 to i32
    %sign3A_170 = arith.constant 0 : i32
    %sign3A_171 = arith.cmpi slt, %jit3A_158, %sign3A_170 : i32
    %sign3A_172 = arith.extui %sign3A_171 : i1 to i32
    %sign3A_173 = arith.subi %sign3A_169, %sign3A_172 : i32
    %ne3A_174 = arith.cmpi ne, %sign3A_166, %sign3A_173 : i32
    %rem3A_175 = arith.remsi %min3A_153, %jit3A_158 : i32
    %ne3A_176 = arith.constant 0 : i32
    %ne3A_177 = arith.cmpi ne, %rem3A_175, %ne3A_176 : i32
    %and3A_178 = arith.andi %ne3A_174, %ne3A_177 : i1
    %sub3A_179 = arith.constant 1 : i32
    %sub3A_180 = arith.subi %div3A_159, %sub3A_179 : i32
    %select_n3A_181 = arith.select %and3A_178, %sub3A_180, %div3A_159 : i32
    %while3A_182 = arith.constant 0 : i32
    %while3A_183 = arith.constant 0 : i32
    %while3A_184 = arith.subi %select_n3A_181, %while3A_183 : i32
    %while3A_185 = arith.addi %while3A_183, %while3A_184 : i32
    %while3A_186 = arith.constant 1 : i32
    %while3A_187 = arith.divsi %while3A_184, %while3A_186 : i32
    %while3A_188 = arith.muli %while3A_187, %while3A_186 : i32
    %while3A_189 = arith.addi %while3A_183, %while3A_188 : i32
    %while3A_190 = arith.constant 1 : i32
    scf.for %while3A_193 = %while3A_183 to %while3A_189 step %while3A_190  : i32 {
      %mul3A_194 = arith.constant 2 : i32
      %mul3A_195 = arith.muli %mul3A_194, %while3A_193 : i32
      %mul3A_196 = arith.constant 2 : i32
      %mul3A_197 = arith.muli %mul3A_196, %while3A_193 : i32
      %add3A_198 = arith.constant 1 : i32
      %add3A_199 = arith.addi %mul3A_197, %add3A_198 : i32
      %dma_start3A = arith.constant 0 : i32
      %dma_start3A_200 = tpu.memref_slice %arg6[%mul3A_195, %dma_start3A] : memref<40x128xi32, #tpu.memory_space<vmem>> -> memref<1x128xi32, #tpu.memory_space<vmem>>
      %dma_start3A_201 = tpu.memref_squeeze %dma_start3A_200 : memref<1x128xi32, #tpu.memory_space<vmem>> -> memref<128xi32, #tpu.memory_space<vmem>>
      %dma_start3A_202 = arith.constant 0 : i32
      %dma_start3A_203 = arith.constant 0 : i32
      %dma_start3A_204 = tpu.memref_slice %arg2[%dma_start3A_202, %dma_start3A_203] : memref<10000x128xf32, #tpu.memory_space<hbm>> -> memref<10000x128xf32, #tpu.memory_space<hbm>>
      tpu.enqueue_indirect_dma source(%dma_start3A_204 : memref<10000x128xf32, #tpu.memory_space<hbm>>) target(%arg8 : memref<128x128xf32, #tpu.memory_space<vmem>>) offsets(%dma_start3A_201 : memref<128xi32, #tpu.memory_space<vmem>>) semaphore(%arg11 : memref<!tpu.dma_semaphore, #tpu.memory_space<semaphore_mem>>)
      %dma_start3A_205 = arith.constant 0 : i32
      %dma_start3A_206 = tpu.memref_slice %arg6[%add3A_199, %dma_start3A_205] : memref<40x128xi32, #tpu.memory_space<vmem>> -> memref<1x128xi32, #tpu.memory_space<vmem>>
      %dma_start3A_207 = tpu.memref_squeeze %dma_start3A_206 : memref<1x128xi32, #tpu.memory_space<vmem>> -> memref<128xi32, #tpu.memory_space<vmem>>
      %dma_start3A_208 = arith.constant 0 : i32
      %dma_start3A_209 = arith.constant 0 : i32
      %dma_start3A_210 = tpu.memref_slice %arg2[%dma_start3A_208, %dma_start3A_209] : memref<10000x128xf32, #tpu.memory_space<hbm>> -> memref<10000x128xf32, #tpu.memory_space<hbm>>
      tpu.enqueue_indirect_dma source(%dma_start3A_210 : memref<10000x128xf32, #tpu.memory_space<hbm>>) target(%arg9 : memref<128x128xf32, #tpu.memory_space<vmem>>) offsets(%dma_start3A_207 : memref<128xi32, #tpu.memory_space<vmem>>) semaphore(%arg12 : memref<!tpu.dma_semaphore, #tpu.memory_space<semaphore_mem>>)
      %dma_wait3A = arith.constant 0 : i32
      %dma_wait3A_211 = tpu.memref_slice %arg6[%mul3A_195, %dma_wait3A] : memref<40x128xi32, #tpu.memory_space<vmem>> -> memref<1x128xi32, #tpu.memory_space<vmem>>
      %dma_wait3A_212 = tpu.memref_squeeze %dma_wait3A_211 : memref<1x128xi32, #tpu.memory_space<vmem>> -> memref<128xi32, #tpu.memory_space<vmem>>
      %dma_wait3A_213 = arith.constant 0 : i32
      %dma_wait3A_214 = arith.constant 0 : i32
      %dma_wait3A_215 = tpu.memref_slice %arg2[%dma_wait3A_213, %dma_wait3A_214] : memref<10000x128xf32, #tpu.memory_space<hbm>> -> memref<10000x128xf32, #tpu.memory_space<hbm>>
      tpu.wait_indirect_dma semaphore(%arg11 : memref<!tpu.dma_semaphore, #tpu.memory_space<semaphore_mem>>) src(%dma_wait3A_215 : memref<10000x128xf32, #tpu.memory_space<hbm>>) dst(%arg8 : memref<128x128xf32, #tpu.memory_space<vmem>>)
      "tpu.region"() ({
        %run_scoped3A = tpu.sem_alloc : memref<!tpu.dma_semaphore, #tpu.memory_space<semaphore_mem>>
        %dma_start3A_222 = arith.constant 0 : i32
        %dma_start3A_223 = tpu.memref_slice %arg7[%mul3A_195, %dma_start3A_222] : memref<40x128xi32, #tpu.memory_space<vmem>> -> memref<1x128xi32, #tpu.memory_space<vmem>>
        %dma_start3A_224 = tpu.memref_squeeze %dma_start3A_223 : memref<1x128xi32, #tpu.memory_space<vmem>> -> memref<128xi32, #tpu.memory_space<vmem>>
        %dma_start3A_225 = arith.constant 0 : i32
        %dma_start3A_226 = arith.constant 0 : i32
        %dma_start3A_227 = tpu.memref_slice %arg10[%dma_start3A_225, %dma_start3A_226] : memref<10112x128xf32, #tpu.memory_space<vmem_shared>> -> memref<10112x128xf32, #tpu.memory_space<vmem_shared>>
        tpu.enqueue_indirect_dma source(%arg8 : memref<128x128xf32, #tpu.memory_space<vmem>>) target(%dma_start3A_227 : memref<10112x128xf32, #tpu.memory_space<vmem_shared>>) offsets(%dma_start3A_224 : memref<128xi32, #tpu.memory_space<vmem>>) semaphore(%run_scoped3A : memref<!tpu.dma_semaphore, #tpu.memory_space<semaphore_mem>>) {add = true}
        %dma_wait3A_228 = arith.constant 0 : i32
        %dma_wait3A_229 = tpu.memref_slice %arg7[%mul3A_195, %dma_wait3A_228] : memref<40x128xi32, #tpu.memory_space<vmem>> -> memref<1x128xi32, #tpu.memory_space<vmem>>
        %dma_wait3A_230 = tpu.memref_squeeze %dma_wait3A_229 : memref<1x128xi32, #tpu.memory_space<vmem>> -> memref<128xi32, #tpu.memory_space<vmem>>
        %dma_wait3A_231 = arith.constant 0 : i32
        %dma_wait3A_232 = arith.constant 0 : i32
        %dma_wait3A_233 = tpu.memref_slice %arg10[%dma_wait3A_231, %dma_wait3A_232] : memref<10112x128xf32, #tpu.memory_space<vmem_shared>> -> memref<10112x128xf32, #tpu.memory_space<vmem_shared>>
        tpu.wait_indirect_dma semaphore(%run_scoped3A : memref<!tpu.dma_semaphore, #tpu.memory_space<semaphore_mem>>) src(%arg8 : memref<128x128xf32, #tpu.memory_space<vmem>>) dst(%dma_wait3A_233 : memref<10112x128xf32, #tpu.memory_space<vmem_shared>>)
        tpu.yield
      }) : () -> ()
      %dma_wait3A_216 = arith.constant 0 : i32
      %dma_wait3A_217 = tpu.memref_slice %arg6[%add3A_199, %dma_wait3A_216] : memref<40x128xi32, #tpu.memory_space<vmem>> -> memref<1x128xi32, #tpu.memory_space<vmem>>
      %dma_wait3A_218 = tpu.memref_squeeze %dma_wait3A_217 : memref<1x128xi32, #tpu.memory_space<vmem>> -> memref<128xi32, #tpu.memory_space<vmem>>
      %dma_wait3A_219 = arith.constant 0 : i32
      %dma_wait3A_220 = arith.constant 0 : i32
      %dma_wait3A_221 = tpu.memref_slice %arg2[%dma_wait3A_219, %dma_wait3A_220] : memref<10000x128xf32, #tpu.memory_space<hbm>> -> memref<10000x128xf32, #tpu.memory_space<hbm>>
      tpu.wait_indirect_dma semaphore(%arg12 : memref<!tpu.dma_semaphore, #tpu.memory_space<semaphore_mem>>) src(%dma_wait3A_221 : memref<10000x128xf32, #tpu.memory_space<hbm>>) dst(%arg9 : memref<128x128xf32, #tpu.memory_space<vmem>>)
      "tpu.region"() ({
        %run_scoped3A = tpu.sem_alloc : memref<!tpu.dma_semaphore, #tpu.memory_space<semaphore_mem>>
        %dma_start3A_222 = arith.constant 0 : i32
        %dma_start3A_223 = tpu.memref_slice %arg7[%add3A_199, %dma_start3A_222] : memref<40x128xi32, #tpu.memory_space<vmem>> -> memref<1x128xi32, #tpu.memory_space<vmem>>
        %dma_start3A_224 = tpu.memref_squeeze %dma_start3A_223 : memref<1x128xi32, #tpu.memory_space<vmem>> -> memref<128xi32, #tpu.memory_space<vmem>>
        %dma_start3A_225 = arith.constant 0 : i32
        %dma_start3A_226 = arith.constant 0 : i32
        %dma_start3A_227 = tpu.memref_slice %arg10[%dma_start3A_225, %dma_start3A_226] : memref<10112x128xf32, #tpu.memory_space<vmem_shared>> -> memref<10112x128xf32, #tpu.memory_space<vmem_shared>>
        tpu.enqueue_indirect_dma source(%arg9 : memref<128x128xf32, #tpu.memory_space<vmem>>) target(%dma_start3A_227 : memref<10112x128xf32, #tpu.memory_space<vmem_shared>>) offsets(%dma_start3A_224 : memref<128xi32, #tpu.memory_space<vmem>>) semaphore(%run_scoped3A : memref<!tpu.dma_semaphore, #tpu.memory_space<semaphore_mem>>) {add = true}
        %dma_wait3A_228 = arith.constant 0 : i32
        %dma_wait3A_229 = tpu.memref_slice %arg7[%add3A_199, %dma_wait3A_228] : memref<40x128xi32, #tpu.memory_space<vmem>> -> memref<1x128xi32, #tpu.memory_space<vmem>>
        %dma_wait3A_230 = tpu.memref_squeeze %dma_wait3A_229 : memref<1x128xi32, #tpu.memory_space<vmem>> -> memref<128xi32, #tpu.memory_space<vmem>>
        %dma_wait3A_231 = arith.constant 0 : i32
        %dma_wait3A_232 = arith.constant 0 : i32
        %dma_wait3A_233 = tpu.memref_slice %arg10[%dma_wait3A_231, %dma_wait3A_232] : memref<10112x128xf32, #tpu.memory_space<vmem_shared>> -> memref<10112x128xf32, #tpu.memory_space<vmem_shared>>
        tpu.wait_indirect_dma semaphore(%run_scoped3A : memref<!tpu.dma_semaphore, #tpu.memory_space<semaphore_mem>>) src(%arg9 : memref<128x128xf32, #tpu.memory_space<vmem>>) dst(%dma_wait3A_233 : memref<10112x128xf32, #tpu.memory_space<vmem_shared>>)
        tpu.yield
      }) : () -> ()
    }
    %while3A_191 = arith.constant 1 : i32
    scf.for %while3A_193 = %while3A_189 to %while3A_185 step %while3A_191  : i32 {
      %mul3A_194 = arith.constant 2 : i32
      %mul3A_195 = arith.muli %mul3A_194, %while3A_193 : i32
      %mul3A_196 = arith.constant 2 : i32
      %mul3A_197 = arith.muli %mul3A_196, %while3A_193 : i32
      %add3A_198 = arith.constant 1 : i32
      %add3A_199 = arith.addi %mul3A_197, %add3A_198 : i32
      %dma_start3A = arith.constant 0 : i32
      %dma_start3A_200 = tpu.memref_slice %arg6[%mul3A_195, %dma_start3A] : memref<40x128xi32, #tpu.memory_space<vmem>> -> memref<1x128xi32, #tpu.memory_space<vmem>>
      %dma_start3A_201 = tpu.memref_squeeze %dma_start3A_200 : memref<1x128xi32, #tpu.memory_space<vmem>> -> memref<128xi32, #tpu.memory_space<vmem>>
      %dma_start3A_202 = arith.constant 0 : i32
      %dma_start3A_203 = arith.constant 0 : i32
      %dma_start3A_204 = tpu.memref_slice %arg2[%dma_start3A_202, %dma_start3A_203] : memref<10000x128xf32, #tpu.memory_space<hbm>> -> memref<10000x128xf32, #tpu.memory_space<hbm>>
      tpu.enqueue_indirect_dma source(%dma_start3A_204 : memref<10000x128xf32, #tpu.memory_space<hbm>>) target(%arg8 : memref<128x128xf32, #tpu.memory_space<vmem>>) offsets(%dma_start3A_201 : memref<128xi32, #tpu.memory_space<vmem>>) semaphore(%arg11 : memref<!tpu.dma_semaphore, #tpu.memory_space<semaphore_mem>>)
      %dma_start3A_205 = arith.constant 0 : i32
      %dma_start3A_206 = tpu.memref_slice %arg6[%add3A_199, %dma_start3A_205] : memref<40x128xi32, #tpu.memory_space<vmem>> -> memref<1x128xi32, #tpu.memory_space<vmem>>
      %dma_start3A_207 = tpu.memref_squeeze %dma_start3A_206 : memref<1x128xi32, #tpu.memory_space<vmem>> -> memref<128xi32, #tpu.memory_space<vmem>>
      %dma_start3A_208 = arith.constant 0 : i32
      %dma_start3A_209 = arith.constant 0 : i32
      %dma_start3A_210 = tpu.memref_slice %arg2[%dma_start3A_208, %dma_start3A_209] : memref<10000x128xf32, #tpu.memory_space<hbm>> -> memref<10000x128xf32, #tpu.memory_space<hbm>>
      tpu.enqueue_indirect_dma source(%dma_start3A_210 : memref<10000x128xf32, #tpu.memory_space<hbm>>) target(%arg9 : memref<128x128xf32, #tpu.memory_space<vmem>>) offsets(%dma_start3A_207 : memref<128xi32, #tpu.memory_space<vmem>>) semaphore(%arg12 : memref<!tpu.dma_semaphore, #tpu.memory_space<semaphore_mem>>)
      %dma_wait3A = arith.constant 0 : i32
      %dma_wait3A_211 = tpu.memref_slice %arg6[%mul3A_195, %dma_wait3A] : memref<40x128xi32, #tpu.memory_space<vmem>> -> memref<1x128xi32, #tpu.memory_space<vmem>>
      %dma_wait3A_212 = tpu.memref_squeeze %dma_wait3A_211 : memref<1x128xi32, #tpu.memory_space<vmem>> -> memref<128xi32, #tpu.memory_space<vmem>>
      %dma_wait3A_213 = arith.constant 0 : i32
      %dma_wait3A_214 = arith.constant 0 : i32
      %dma_wait3A_215 = tpu.memref_slice %arg2[%dma_wait3A_213, %dma_wait3A_214] : memref<10000x128xf32, #tpu.memory_space<hbm>> -> memref<10000x128xf32, #tpu.memory_space<hbm>>
      tpu.wait_indirect_dma semaphore(%arg11 : memref<!tpu.dma_semaphore, #tpu.memory_space<semaphore_mem>>) src(%dma_wait3A_215 : memref<10000x128xf32, #tpu.memory_space<hbm>>) dst(%arg8 : memref<128x128xf32, #tpu.memory_space<vmem>>)
      "tpu.region"() ({
        %run_scoped3A = tpu.sem_alloc : memref<!tpu.dma_semaphore, #tpu.memory_space<semaphore_mem>>
        %dma_start3A_222 = arith.constant 0 : i32
        %dma_start3A_223 = tpu.memref_slice %arg7[%mul3A_195, %dma_start3A_222] : memref<40x128xi32, #tpu.memory_space<vmem>> -> memref<1x128xi32, #tpu.memory_space<vmem>>
        %dma_start3A_224 = tpu.memref_squeeze %dma_start3A_223 : memref<1x128xi32, #tpu.memory_space<vmem>> -> memref<128xi32, #tpu.memory_space<vmem>>
        %dma_start3A_225 = arith.constant 0 : i32
        %dma_start3A_226 = arith.constant 0 : i32
        %dma_start3A_227 = tpu.memref_slice %arg10[%dma_start3A_225, %dma_start3A_226] : memref<10112x128xf32, #tpu.memory_space<vmem_shared>> -> memref<10112x128xf32, #tpu.memory_space<vmem_shared>>
        tpu.enqueue_indirect_dma source(%arg8 : memref<128x128xf32, #tpu.memory_space<vmem>>) target(%dma_start3A_227 : memref<10112x128xf32, #tpu.memory_space<vmem_shared>>) offsets(%dma_start3A_224 : memref<128xi32, #tpu.memory_space<vmem>>) semaphore(%run_scoped3A : memref<!tpu.dma_semaphore, #tpu.memory_space<semaphore_mem>>) {add = true}
        %dma_wait3A_228 = arith.constant 0 : i32
        %dma_wait3A_229 = tpu.memref_slice %arg7[%mul3A_195, %dma_wait3A_228] : memref<40x128xi32, #tpu.memory_space<vmem>> -> memref<1x128xi32, #tpu.memory_space<vmem>>
        %dma_wait3A_230 = tpu.memref_squeeze %dma_wait3A_229 : memref<1x128xi32, #tpu.memory_space<vmem>> -> memref<128xi32, #tpu.memory_space<vmem>>
        %dma_wait3A_231 = arith.constant 0 : i32
        %dma_wait3A_232 = arith.constant 0 : i32
        %dma_wait3A_233 = tpu.memref_slice %arg10[%dma_wait3A_231, %dma_wait3A_232] : memref<10112x128xf32, #tpu.memory_space<vmem_shared>> -> memref<10112x128xf32, #tpu.memory_space<vmem_shared>>
        tpu.wait_indirect_dma semaphore(%run_scoped3A : memref<!tpu.dma_semaphore, #tpu.memory_space<semaphore_mem>>) src(%arg8 : memref<128x128xf32, #tpu.memory_space<vmem>>) dst(%dma_wait3A_233 : memref<10112x128xf32, #tpu.memory_space<vmem_shared>>)
        tpu.yield
      }) : () -> ()
      %dma_wait3A_216 = arith.constant 0 : i32
      %dma_wait3A_217 = tpu.memref_slice %arg6[%add3A_199, %dma_wait3A_216] : memref<40x128xi32, #tpu.memory_space<vmem>> -> memref<1x128xi32, #tpu.memory_space<vmem>>
      %dma_wait3A_218 = tpu.memref_squeeze %dma_wait3A_217 : memref<1x128xi32, #tpu.memory_space<vmem>> -> memref<128xi32, #tpu.memory_space<vmem>>
      %dma_wait3A_219 = arith.constant 0 : i32
      %dma_wait3A_220 = arith.constant 0 : i32
      %dma_wait3A_221 = tpu.memref_slice %arg2[%dma_wait3A_219, %dma_wait3A_220] : memref<10000x128xf32, #tpu.memory_space<hbm>> -> memref<10000x128xf32, #tpu.memory_space<hbm>>
      tpu.wait_indirect_dma semaphore(%arg12 : memref<!tpu.dma_semaphore, #tpu.memory_space<semaphore_mem>>) src(%dma_wait3A_221 : memref<10000x128xf32, #tpu.memory_space<hbm>>) dst(%arg9 : memref<128x128xf32, #tpu.memory_space<vmem>>)
      "tpu.region"() ({
        %run_scoped3A = tpu.sem_alloc : memref<!tpu.dma_semaphore, #tpu.memory_space<semaphore_mem>>
        %dma_start3A_222 = arith.constant 0 : i32
        %dma_start3A_223 = tpu.memref_slice %arg7[%add3A_199, %dma_start3A_222] : memref<40x128xi32, #tpu.memory_space<vmem>> -> memref<1x128xi32, #tpu.memory_space<vmem>>
        %dma_start3A_224 = tpu.memref_squeeze %dma_start3A_223 : memref<1x128xi32, #tpu.memory_space<vmem>> -> memref<128xi32, #tpu.memory_space<vmem>>
        %dma_start3A_225 = arith.constant 0 : i32
        %dma_start3A_226 = arith.constant 0 : i32
        %dma_start3A_227 = tpu.memref_slice %arg10[%dma_start3A_225, %dma_start3A_226] : memref<10112x128xf32, #tpu.memory_space<vmem_shared>> -> memref<10112x128xf32, #tpu.memory_space<vmem_shared>>
        tpu.enqueue_indirect_dma source(%arg9 : memref<128x128xf32, #tpu.memory_space<vmem>>) target(%dma_start3A_227 : memref<10112x128xf32, #tpu.memory_space<vmem_shared>>) offsets(%dma_start3A_224 : memref<128xi32, #tpu.memory_space<vmem>>) semaphore(%run_scoped3A : memref<!tpu.dma_semaphore, #tpu.memory_space<semaphore_mem>>) {add = true}
        %dma_wait3A_228 = arith.constant 0 : i32
        %dma_wait3A_229 = tpu.memref_slice %arg7[%add3A_199, %dma_wait3A_228] : memref<40x128xi32, #tpu.memory_space<vmem>> -> memref<1x128xi32, #tpu.memory_space<vmem>>
        %dma_wait3A_230 = tpu.memref_squeeze %dma_wait3A_229 : memref<1x128xi32, #tpu.memory_space<vmem>> -> memref<128xi32, #tpu.memory_space<vmem>>
        %dma_wait3A_231 = arith.constant 0 : i32
        %dma_wait3A_232 = arith.constant 0 : i32
        %dma_wait3A_233 = tpu.memref_slice %arg10[%dma_wait3A_231, %dma_wait3A_232] : memref<10112x128xf32, #tpu.memory_space<vmem_shared>> -> memref<10112x128xf32, #tpu.memory_space<vmem_shared>>
        tpu.wait_indirect_dma semaphore(%run_scoped3A : memref<!tpu.dma_semaphore, #tpu.memory_space<semaphore_mem>>) src(%arg9 : memref<128x128xf32, #tpu.memory_space<vmem>>) dst(%dma_wait3A_233 : memref<10112x128xf32, #tpu.memory_space<vmem_shared>>)
        tpu.yield
      }) : () -> ()
    }
    %barrier3A_192 = arith.constant 0 : index
    tpu.barrier barrier_id(%barrier3A_192)
    "tpu.region"() ({
      %run_scoped3A = tpu.sem_alloc : memref<!tpu.dma_semaphore, #tpu.memory_space<semaphore_mem>>
      %dma_start3A = arith.constant 0 : i32
      %dma_start3A_193 = tpu.memref_slice %arg5[%arg0, %mul3A_14, %dma_start3A] : memref<2x10112x128xf32, #tpu.memory_space<hbm>> -> memref<1x632x128xf32, #tpu.memory_space<hbm>>
      %dma_start3A_194 = tpu.memref_squeeze %dma_start3A_193 : memref<1x632x128xf32, #tpu.memory_space<hbm>> -> memref<632x128xf32, #tpu.memory_space<hbm>>
      %dma_start3A_195 = arith.constant 0 : i32
      %dma_start3A_196 = tpu.memref_slice %arg10[%mul3A_14, %dma_start3A_195] : memref<10112x128xf32, #tpu.memory_space<vmem_shared>> -> memref<632x128xf32, #tpu.memory_space<vmem_shared>>
      tpu.enqueue_dma source(%dma_start3A_196 : memref<632x128xf32, #tpu.memory_space<vmem_shared>>) target(%dma_start3A_194 : memref<632x128xf32, #tpu.memory_space<hbm>>) target_semaphore(%run_scoped3A : memref<!tpu.dma_semaphore, #tpu.memory_space<semaphore_mem>>)
      %dma_wait3A = arith.constant 0 : i32
      %dma_wait3A_197 = tpu.memref_slice %arg5[%arg0, %mul3A_14, %dma_wait3A] : memref<2x10112x128xf32, #tpu.memory_space<hbm>> -> memref<1x632x128xf32, #tpu.memory_space<hbm>>
      %dma_wait3A_198 = tpu.memref_squeeze %dma_wait3A_197 : memref<1x632x128xf32, #tpu.memory_space<hbm>> -> memref<632x128xf32, #tpu.memory_space<hbm>>
      %dma_wait3A_199 = arith.constant 0 : i32
      %dma_wait3A_200 = tpu.memref_slice %arg10[%mul3A_14, %dma_wait3A_199] : memref<10112x128xf32, #tpu.memory_space<vmem_shared>> -> memref<632x128xf32, #tpu.memory_space<vmem_shared>>
      tpu.wait_dma2 semaphore(%run_scoped3A : memref<!tpu.dma_semaphore, #tpu.memory_space<semaphore_mem>>) src(%dma_wait3A_200 : memref<632x128xf32, #tpu.memory_space<vmem_shared>>) dst(%dma_wait3A_198 : memref<632x128xf32, #tpu.memory_space<hbm>>)
      tpu.yield
    }) : () -> ()
    return
  }
}

#map = affine_map<(d0, d1) -> (0, 0)>
#map1 = affine_map<(d0, d1) -> (0, 0, 0)>
module attributes {stable_mosaic.version = 14 : i64} {
  func.func @_seg_body(%arg0: i32, %arg1: i32, %arg2: memref<10000x128xf32, #tpu.memory_space<hbm>>, %arg3: memref<2720x128xi32, #tpu.memory_space<hbm>>, %arg4: memref<2720x128xi32, #tpu.memory_space<hbm>>, %arg5: memref<2x10112x128xf32, #tpu.memory_space<hbm>>, %arg6: memref<40x128xi32, #tpu.memory_space<vmem>>, %arg7: memref<40x128xi32, #tpu.memory_space<vmem>>, %arg8: memref<128x128xf32, #tpu.memory_space<vmem>>, %arg9: memref<128x128xf32, #tpu.memory_space<vmem>>, %arg10: memref<10112x128xf32, #tpu.memory_space<vmem_shared>>, %arg11: memref<!tpu.dma_semaphore, #tpu.memory_space<semaphore_mem>>, %arg12: memref<!tpu.dma_semaphore, #tpu.memory_space<semaphore_mem>>) attributes {dimension_semantics = [#tpu.dimension_semantics<core_parallel>, #tpu.dimension_semantics<subcore_parallel>], iteration_bounds = array<i64: 2, 16>, scalar_prefetch = 0 : i64, scratch_operands = 7 : i64, tpu.core_type = #tpu.core_type<sc_vector_subcore>, window_params = [{transform_indices = #map}, {transform_indices = #map}, {transform_indices = #map}, {transform_indices = #map1}]} {
    %eq3A = arith.constant 0 : i32
    %eq3A_0 = arith.cmpi eq, %arg0, %eq3A : i32
    %jit3A = arith.constant 152 : i32
    %jit3A_1 = arith.constant 8 : i32
    %select_n3A = arith.select %eq3A_0, %jit3A, %jit3A_1 : i32
    %mul3A = arith.constant 152 : i32
    %mul3A_2 = arith.muli %arg1, %mul3A : i32
    %mul3A_3 = arith.constant 8 : i32
    %mul3A_4 = arith.muli %arg1, %mul3A_3 : i32
    %add3A = arith.constant 2432 : i32
    %add3A_5 = arith.addi %add3A, %mul3A_4 : i32
    %select_n3A_6 = arith.select %eq3A_0, %mul3A_2, %add3A_5 : i32
    %broadcast_in_dim3A = arith.constant 0.000000e+00 : f32
    %broadcast_in_dim3A_7 = vector.broadcast %broadcast_in_dim3A : f32 to vector<16xf32>
    %scan3A = arith.constant 0 : i32
    %scan3A_8 = arith.constant 0 : i32
    %scan3A_9 = arith.constant 128 : i32
    %scan3A_10 = arith.addi %scan3A_8, %scan3A_9 : i32
    %scan3A_11 = arith.constant 1 : i32
    scf.for %scan3A_193 = %scan3A_8 to %scan3A_10 step %scan3A_11  : i32 {
      %swap3A = arith.index_cast %scan3A_193 : i32 to index
      %swap3A_194 = arith.constant 0 : index
      %swap3A_195 = tpu.vector_load %arg8[%swap3A, %swap3A_194] {strides = array<i32>} : memref<128x128xf32, #tpu.memory_space<vmem>>, vector<1x16xf32>,
      %swap3A_196 = vector.shape_cast %swap3A_195 : vector<1x16xf32> to vector<16xf32>
      %swap3A_197 = vector.shape_cast %broadcast_in_dim3A_7 : vector<16xf32> to vector<1x16xf32>
      tpu.vector_store %arg8[%swap3A, %swap3A_194], %swap3A_197 {strides = array<i32>} : memref<128x128xf32, #tpu.memory_space<vmem>>, vector<1x16xf32>,
      %swap3A_198 = arith.index_cast %scan3A_193 : i32 to index
      %swap3A_199 = arith.constant 16 : index
      %swap3A_200 = tpu.vector_load %arg8[%swap3A_198, %swap3A_199] {strides = array<i32>} : memref<128x128xf32, #tpu.memory_space<vmem>>, vector<1x16xf32>,
      %swap3A_201 = vector.shape_cast %swap3A_200 : vector<1x16xf32> to vector<16xf32>
      %swap3A_202 = vector.shape_cast %broadcast_in_dim3A_7 : vector<16xf32> to vector<1x16xf32>
      tpu.vector_store %arg8[%swap3A_198, %swap3A_199], %swap3A_202 {strides = array<i32>} : memref<128x128xf32, #tpu.memory_space<vmem>>, vector<1x16xf32>,
      %swap3A_203 = arith.index_cast %scan3A_193 : i32 to index
      %swap3A_204 = arith.constant 32 : index
      %swap3A_205 = tpu.vector_load %arg8[%swap3A_203, %swap3A_204] {strides = array<i32>} : memref<128x128xf32, #tpu.memory_space<vmem>>, vector<1x16xf32>,
      %swap3A_206 = vector.shape_cast %swap3A_205 : vector<1x16xf32> to vector<16xf32>
      %swap3A_207 = vector.shape_cast %broadcast_in_dim3A_7 : vector<16xf32> to vector<1x16xf32>
      tpu.vector_store %arg8[%swap3A_203, %swap3A_204], %swap3A_207 {strides = array<i32>} : memref<128x128xf32, #tpu.memory_space<vmem>>, vector<1x16xf32>,
      %swap3A_208 = arith.index_cast %scan3A_193 : i32 to index
      %swap3A_209 = arith.constant 48 : index
      %swap3A_210 = tpu.vector_load %arg8[%swap3A_208, %swap3A_209] {strides = array<i32>} : memref<128x128xf32, #tpu.memory_space<vmem>>, vector<1x16xf32>,
      %swap3A_211 = vector.shape_cast %swap3A_210 : vector<1x16xf32> to vector<16xf32>
      %swap3A_212 = vector.shape_cast %broadcast_in_dim3A_7 : vector<16xf32> to vector<1x16xf32>
      tpu.vector_store %arg8[%swap3A_208, %swap3A_209], %swap3A_212 {strides = array<i32>} : memref<128x128xf32, #tpu.memory_space<vmem>>, vector<1x16xf32>,
      %swap3A_213 = arith.index_cast %scan3A_193 : i32 to index
      %swap3A_214 = arith.constant 64 : index
      %swap3A_215 = tpu.vector_load %arg8[%swap3A_213, %swap3A_214] {strides = array<i32>} : memref<128x128xf32, #tpu.memory_space<vmem>>, vector<1x16xf32>,
      %swap3A_216 = vector.shape_cast %swap3A_215 : vector<1x16xf32> to vector<16xf32>
      %swap3A_217 = vector.shape_cast %broadcast_in_dim3A_7 : vector<16xf32> to vector<1x16xf32>
      tpu.vector_store %arg8[%swap3A_213, %swap3A_214], %swap3A_217 {strides = array<i32>} : memref<128x128xf32, #tpu.memory_space<vmem>>, vector<1x16xf32>,
      %swap3A_218 = arith.index_cast %scan3A_193 : i32 to index
      %swap3A_219 = arith.constant 80 : index
      %swap3A_220 = tpu.vector_load %arg8[%swap3A_218, %swap3A_219] {strides = array<i32>} : memref<128x128xf32, #tpu.memory_space<vmem>>, vector<1x16xf32>,
      %swap3A_221 = vector.shape_cast %swap3A_220 : vector<1x16xf32> to vector<16xf32>
      %swap3A_222 = vector.shape_cast %broadcast_in_dim3A_7 : vector<16xf32> to vector<1x16xf32>
      tpu.vector_store %arg8[%swap3A_218, %swap3A_219], %swap3A_222 {strides = array<i32>} : memref<128x128xf32, #tpu.memory_space<vmem>>, vector<1x16xf32>,
      %swap3A_223 = arith.index_cast %scan3A_193 : i32 to index
      %swap3A_224 = arith.constant 96 : index
      %swap3A_225 = tpu.vector_load %arg8[%swap3A_223, %swap3A_224] {strides = array<i32>} : memref<128x128xf32, #tpu.memory_space<vmem>>, vector<1x16xf32>,
      %swap3A_226 = vector.shape_cast %swap3A_225 : vector<1x16xf32> to vector<16xf32>
      %swap3A_227 = vector.shape_cast %broadcast_in_dim3A_7 : vector<16xf32> to vector<1x16xf32>
      tpu.vector_store %arg8[%swap3A_223, %swap3A_224], %swap3A_227 {strides = array<i32>} : memref<128x128xf32, #tpu.memory_space<vmem>>, vector<1x16xf32>,
      %swap3A_228 = arith.index_cast %scan3A_193 : i32 to index
      %swap3A_229 = arith.constant 112 : index
      %swap3A_230 = tpu.vector_load %arg8[%swap3A_228, %swap3A_229] {strides = array<i32>} : memref<128x128xf32, #tpu.memory_space<vmem>>, vector<1x16xf32>,
      %swap3A_231 = vector.shape_cast %swap3A_230 : vector<1x16xf32> to vector<16xf32>
      %swap3A_232 = vector.shape_cast %broadcast_in_dim3A_7 : vector<16xf32> to vector<1x16xf32>
      tpu.vector_store %arg8[%swap3A_228, %swap3A_229], %swap3A_232 {strides = array<i32>} : memref<128x128xf32, #tpu.memory_space<vmem>>, vector<1x16xf32>,
    }
    %scan3A_12 = arith.constant 128 : i32
    %mul3A_13 = arith.constant 632 : i32
    %mul3A_14 = arith.muli %arg1, %mul3A_13 : i32
    %add3A_15 = arith.constant 0 : i32
    %add3A_16 = arith.addi %mul3A_14, %add3A_15 : i32
    "tpu.region"() ({
      %run_scoped3A = tpu.sem_alloc : memref<!tpu.dma_semaphore, #tpu.memory_space<semaphore_mem>>
      %dma_start3A = arith.constant 0 : i32
      %dma_start3A_193 = tpu.memref_slice %arg10[%add3A_16, %dma_start3A] : memref<10112x128xf32, #tpu.memory_space<vmem_shared>> -> memref<128x128xf32, #tpu.memory_space<vmem_shared>>
      %dma_start3A_194 = arith.constant 0 : i32
      %dma_start3A_195 = tpu.memref_slice %arg10[%add3A_16, %dma_start3A_194] : memref<10112x128xf32, #tpu.memory_space<vmem_shared>> -> memref<128x128xf32, #tpu.memory_space<vmem_shared>>
      tpu.enqueue_dma source(%arg8 : memref<128x128xf32, #tpu.memory_space<vmem>>) target(%dma_start3A_195 : memref<128x128xf32, #tpu.memory_space<vmem_shared>>) target_semaphore(%run_scoped3A : memref<!tpu.dma_semaphore, #tpu.memory_space<semaphore_mem>>)
      %dma_wait3A = arith.constant 0 : i32
      %dma_wait3A_196 = tpu.memref_slice %arg10[%add3A_16, %dma_wait3A] : memref<10112x128xf32, #tpu.memory_space<vmem_shared>> -> memref<128x128xf32, #tpu.memory_space<vmem_shared>>
      %dma_wait3A_197 = arith.constant 0 : i32
      %dma_wait3A_198 = tpu.memref_slice %arg10[%add3A_16, %dma_wait3A_197] : memref<10112x128xf32, #tpu.memory_space<vmem_shared>> -> memref<128x128xf32, #tpu.memory_space<vmem_shared>>
      tpu.wait_dma2 semaphore(%run_scoped3A : memref<!tpu.dma_semaphore, #tpu.memory_space<semaphore_mem>>) src(%arg8 : memref<128x128xf32, #tpu.memory_space<vmem>>) dst(%dma_wait3A_198 : memref<128x128xf32, #tpu.memory_space<vmem_shared>>)
      tpu.yield
    }) : () -> ()
    %add3A_17 = arith.constant 128 : i32
    %add3A_18 = arith.addi %mul3A_14, %add3A_17 : i32
    "tpu.region"() ({
      %run_scoped3A = tpu.sem_alloc : memref<!tpu.dma_semaphore, #tpu.memory_space<semaphore_mem>>
      %dma_start3A = arith.constant 0 : i32
      %dma_start3A_193 = tpu.memref_slice %arg10[%add3A_18, %dma_start3A] : memref<10112x128xf32, #tpu.memory_space<vmem_shared>> -> memref<128x128xf32, #tpu.memory_space<vmem_shared>>
      %dma_start3A_194 = arith.constant 0 : i32
      %dma_start3A_195 = tpu.memref_slice %arg10[%add3A_18, %dma_start3A_194] : memref<10112x128xf32, #tpu.memory_space<vmem_shared>> -> memref<128x128xf32, #tpu.memory_space<vmem_shared>>
      tpu.enqueue_dma source(%arg8 : memref<128x128xf32, #tpu.memory_space<vmem>>) target(%dma_start3A_195 : memref<128x128xf32, #tpu.memory_space<vmem_shared>>) target_semaphore(%run_scoped3A : memref<!tpu.dma_semaphore, #tpu.memory_space<semaphore_mem>>)
      %dma_wait3A = arith.constant 0 : i32
      %dma_wait3A_196 = tpu.memref_slice %arg10[%add3A_18, %dma_wait3A] : memref<10112x128xf32, #tpu.memory_space<vmem_shared>> -> memref<128x128xf32, #tpu.memory_space<vmem_shared>>
      %dma_wait3A_197 = arith.constant 0 : i32
      %dma_wait3A_198 = tpu.memref_slice %arg10[%add3A_18, %dma_wait3A_197] : memref<10112x128xf32, #tpu.memory_space<vmem_shared>> -> memref<128x128xf32, #tpu.memory_space<vmem_shared>>
      tpu.wait_dma2 semaphore(%run_scoped3A : memref<!tpu.dma_semaphore, #tpu.memory_space<semaphore_mem>>) src(%arg8 : memref<128x128xf32, #tpu.memory_space<vmem>>) dst(%dma_wait3A_198 : memref<128x128xf32, #tpu.memory_space<vmem_shared>>)
      tpu.yield
    }) : () -> ()
    %add3A_19 = arith.constant 256 : i32
    %add3A_20 = arith.addi %mul3A_14, %add3A_19 : i32
    "tpu.region"() ({
      %run_scoped3A = tpu.sem_alloc : memref<!tpu.dma_semaphore, #tpu.memory_space<semaphore_mem>>
      %dma_start3A = arith.constant 0 : i32
      %dma_start3A_193 = tpu.memref_slice %arg10[%add3A_20, %dma_start3A] : memref<10112x128xf32, #tpu.memory_space<vmem_shared>> -> memref<128x128xf32, #tpu.memory_space<vmem_shared>>
      %dma_start3A_194 = arith.constant 0 : i32
      %dma_start3A_195 = tpu.memref_slice %arg10[%add3A_20, %dma_start3A_194] : memref<10112x128xf32, #tpu.memory_space<vmem_shared>> -> memref<128x128xf32, #tpu.memory_space<vmem_shared>>
      tpu.enqueue_dma source(%arg8 : memref<128x128xf32, #tpu.memory_space<vmem>>) target(%dma_start3A_195 : memref<128x128xf32, #tpu.memory_space<vmem_shared>>) target_semaphore(%run_scoped3A : memref<!tpu.dma_semaphore, #tpu.memory_space<semaphore_mem>>)
      %dma_wait3A = arith.constant 0 : i32
      %dma_wait3A_196 = tpu.memref_slice %arg10[%add3A_20, %dma_wait3A] : memref<10112x128xf32, #tpu.memory_space<vmem_shared>> -> memref<128x128xf32, #tpu.memory_space<vmem_shared>>
      %dma_wait3A_197 = arith.constant 0 : i32
      %dma_wait3A_198 = tpu.memref_slice %arg10[%add3A_20, %dma_wait3A_197] : memref<10112x128xf32, #tpu.memory_space<vmem_shared>> -> memref<128x128xf32, #tpu.memory_space<vmem_shared>>
      tpu.wait_dma2 semaphore(%run_scoped3A : memref<!tpu.dma_semaphore, #tpu.memory_space<semaphore_mem>>) src(%arg8 : memref<128x128xf32, #tpu.memory_space<vmem>>) dst(%dma_wait3A_198 : memref<128x128xf32, #tpu.memory_space<vmem_shared>>)
      tpu.yield
    }) : () -> ()
    %add3A_21 = arith.constant 384 : i32
    %add3A_22 = arith.addi %mul3A_14, %add3A_21 : i32
    "tpu.region"() ({
      %run_scoped3A = tpu.sem_alloc : memref<!tpu.dma_semaphore, #tpu.memory_space<semaphore_mem>>
      %dma_start3A = arith.constant 0 : i32
      %dma_start3A_193 = tpu.memref_slice %arg10[%add3A_22, %dma_start3A] : memref<10112x128xf32, #tpu.memory_space<vmem_shared>> -> memref<128x128xf32, #tpu.memory_space<vmem_shared>>
      %dma_start3A_194 = arith.constant 0 : i32
      %dma_start3A_195 = tpu.memref_slice %arg10[%add3A_22, %dma_start3A_194] : memref<10112x128xf32, #tpu.memory_space<vmem_shared>> -> memref<128x128xf32, #tpu.memory_space<vmem_shared>>
      tpu.enqueue_dma source(%arg8 : memref<128x128xf32, #tpu.memory_space<vmem>>) target(%dma_start3A_195 : memref<128x128xf32, #tpu.memory_space<vmem_shared>>) target_semaphore(%run_scoped3A : memref<!tpu.dma_semaphore, #tpu.memory_space<semaphore_mem>>)
      %dma_wait3A = arith.constant 0 : i32
      %dma_wait3A_196 = tpu.memref_slice %arg10[%add3A_22, %dma_wait3A] : memref<10112x128xf32, #tpu.memory_space<vmem_shared>> -> memref<128x128xf32, #tpu.memory_space<vmem_shared>>
      %dma_wait3A_197 = arith.constant 0 : i32
      %dma_wait3A_198 = tpu.memref_slice %arg10[%add3A_22, %dma_wait3A_197] : memref<10112x128xf32, #tpu.memory_space<vmem_shared>> -> memref<128x128xf32, #tpu.memory_space<vmem_shared>>
      tpu.wait_dma2 semaphore(%run_scoped3A : memref<!tpu.dma_semaphore, #tpu.memory_space<semaphore_mem>>) src(%arg8 : memref<128x128xf32, #tpu.memory_space<vmem>>) dst(%dma_wait3A_198 : memref<128x128xf32, #tpu.memory_space<vmem_shared>>)
      tpu.yield
    }) : () -> ()
    %add3A_23 = arith.constant 512 : i32
    %add3A_24 = arith.addi %mul3A_14, %add3A_23 : i32
    "tpu.region"() ({
      %run_scoped3A = tpu.sem_alloc : memref<!tpu.dma_semaphore, #tpu.memory_space<semaphore_mem>>
      %dma_start3A = arith.constant 0 : i32
      %dma_start3A_193 = arith.constant 0 : i32
      %dma_start3A_194 = tpu.memref_slice %arg8[%dma_start3A, %dma_start3A_193] : memref<128x128xf32, #tpu.memory_space<vmem>> -> memref<120x128xf32, #tpu.memory_space<vmem>>
      %dma_start3A_195 = arith.constant 0 : i32
      %dma_start3A_196 = tpu.memref_slice %arg10[%add3A_24, %dma_start3A_195] : memref<10112x128xf32, #tpu.memory_space<vmem_shared>> -> memref<120x128xf32, #tpu.memory_space<vmem_shared>>
      %dma_start3A_197 = arith.constant 0 : i32
      %dma_start3A_198 = tpu.memref_slice %arg10[%add3A_24, %dma_start3A_197] : memref<10112x128xf32, #tpu.memory_space<vmem_shared>> -> memref<120x128xf32, #tpu.memory_space<vmem_shared>>
      %dma_start3A_199 = arith.constant 0 : i32
      %dma_start3A_200 = arith.constant 0 : i32
      %dma_start3A_201 = tpu.memref_slice %arg8[%dma_start3A_199, %dma_start3A_200] : memref<128x128xf32, #tpu.memory_space<vmem>> -> memref<120x128xf32, #tpu.memory_space<vmem>>
      tpu.enqueue_dma source(%dma_start3A_201 : memref<120x128xf32, #tpu.memory_space<vmem>>) target(%dma_start3A_198 : memref<120x128xf32, #tpu.memory_space<vmem_shared>>) target_semaphore(%run_scoped3A : memref<!tpu.dma_semaphore, #tpu.memory_space<semaphore_mem>>)
      %dma_wait3A = arith.constant 0 : i32
      %dma_wait3A_202 = arith.constant 0 : i32
      %dma_wait3A_203 = tpu.memref_slice %arg8[%dma_wait3A, %dma_wait3A_202] : memref<128x128xf32, #tpu.memory_space<vmem>> -> memref<120x128xf32, #tpu.memory_space<vmem>>
      %dma_wait3A_204 = arith.constant 0 : i32
      %dma_wait3A_205 = tpu.memref_slice %arg10[%add3A_24, %dma_wait3A_204] : memref<10112x128xf32, #tpu.memory_space<vmem_shared>> -> memref<120x128xf32, #tpu.memory_space<vmem_shared>>
      %dma_wait3A_206 = arith.constant 0 : i32
      %dma_wait3A_207 = tpu.memref_slice %arg10[%add3A_24, %dma_wait3A_206] : memref<10112x128xf32, #tpu.memory_space<vmem_shared>> -> memref<120x128xf32, #tpu.memory_space<vmem_shared>>
      %dma_wait3A_208 = arith.constant 0 : i32
      %dma_wait3A_209 = arith.constant 0 : i32
      %dma_wait3A_210 = tpu.memref_slice %arg8[%dma_wait3A_208, %dma_wait3A_209] : memref<128x128xf32, #tpu.memory_space<vmem>> -> memref<120x128xf32, #tpu.memory_space<vmem>>
      tpu.wait_dma2 semaphore(%run_scoped3A : memref<!tpu.dma_semaphore, #tpu.memory_space<semaphore_mem>>) src(%dma_wait3A_210 : memref<120x128xf32, #tpu.memory_space<vmem>>) dst(%dma_wait3A_207 : memref<120x128xf32, #tpu.memory_space<vmem_shared>>)
      tpu.yield
    }) : () -> ()
    %barrier3A = arith.constant 0 : index
    tpu.barrier barrier_id(%barrier3A)
    %sub3A = arith.constant 0 : i32
    %sub3A_25 = arith.subi %select_n3A, %sub3A : i32
    %jit3A_26 = arith.constant 0 : i32
    %jit3A_27 = arith.constant 40 : i32
    %max3A = arith.maxsi %jit3A_26, %sub3A_25 : i32
    %min3A = arith.minsi %jit3A_27, %max3A : i32
    %add3A_28 = arith.constant 0 : i32
    %add3A_29 = arith.addi %select_n3A_6, %add3A_28 : i32
    "tpu.region"() ({
      %run_scoped3A = tpu.sem_alloc : memref<!tpu.dma_semaphore, #tpu.memory_space<semaphore_mem>>
      %dma_start3A = arith.constant 0 : i32
      %dma_start3A_193 = tpu.memref_slice %arg3[%add3A_29, %dma_start3A] : memref<2720x128xi32, #tpu.memory_space<hbm>> -> memref<40x128xi32, #tpu.memory_space<hbm>>
      %dma_start3A_194 = arith.constant 0 : i32
      %dma_start3A_195 = tpu.memref_slice %arg3[%add3A_29, %dma_start3A_194] : memref<2720x128xi32, #tpu.memory_space<hbm>> -> memref<40x128xi32, #tpu.memory_space<hbm>>
      tpu.enqueue_dma source(%dma_start3A_195 : memref<40x128xi32, #tpu.memory_space<hbm>>) target(%arg6 : memref<40x128xi32, #tpu.memory_space<vmem>>) target_semaphore(%run_scoped3A : memref<!tpu.dma_semaphore, #tpu.memory_space<semaphore_mem>>)
      %dma_wait3A = arith.constant 0 : i32
      %dma_wait3A_196 = tpu.memref_slice %arg3[%add3A_29, %dma_wait3A] : memref<2720x128xi32, #tpu.memory_space<hbm>> -> memref<40x128xi32, #tpu.memory_space<hbm>>
      %dma_wait3A_197 = arith.constant 0 : i32
      %dma_wait3A_198 = tpu.memref_slice %arg3[%add3A_29, %dma_wait3A_197] : memref<2720x128xi32, #tpu.memory_space<hbm>> -> memref<40x128xi32, #tpu.memory_space<hbm>>
      tpu.wait_dma2 semaphore(%run_scoped3A : memref<!tpu.dma_semaphore, #tpu.memory_space<semaphore_mem>>) src(%dma_wait3A_198 : memref<40x128xi32, #tpu.memory_space<hbm>>) dst(%arg6 : memref<40x128xi32, #tpu.memory_space<vmem>>)
      tpu.yield
    }) : () -> ()
    %add3A_30 = arith.constant 0 : i32
    %add3A_31 = arith.addi %select_n3A_6, %add3A_30 : i32
    "tpu.region"() ({
      %run_scoped3A = tpu.sem_alloc : memref<!tpu.dma_semaphore, #tpu.memory_space<semaphore_mem>>
      %dma_start3A = arith.constant 0 : i32
      %dma_start3A_193 = tpu.memref_slice %arg4[%add3A_31, %dma_start3A] : memref<2720x128xi32, #tpu.memory_space<hbm>> -> memref<40x128xi32, #tpu.memory_space<hbm>>
      %dma_start3A_194 = arith.constant 0 : i32
      %dma_start3A_195 = tpu.memref_slice %arg4[%add3A_31, %dma_start3A_194] : memref<2720x128xi32, #tpu.memory_space<hbm>> -> memref<40x128xi32, #tpu.memory_space<hbm>>
      tpu.enqueue_dma source(%dma_start3A_195 : memref<40x128xi32, #tpu.memory_space<hbm>>) target(%arg7 : memref<40x128xi32, #tpu.memory_space<vmem>>) target_semaphore(%run_scoped3A : memref<!tpu.dma_semaphore, #tpu.memory_space<semaphore_mem>>)
      %dma_wait3A = arith.constant 0 : i32
      %dma_wait3A_196 = tpu.memref_slice %arg4[%add3A_31, %dma_wait3A] : memref<2720x128xi32, #tpu.memory_space<hbm>> -> memref<40x128xi32, #tpu.memory_space<hbm>>
      %dma_wait3A_197 = arith.constant 0 : i32
      %dma_wait3A_198 = tpu.memref_slice %arg4[%add3A_31, %dma_wait3A_197] : memref<2720x128xi32, #tpu.memory_space<hbm>> -> memref<40x128xi32, #tpu.memory_space<hbm>>
      tpu.wait_dma2 semaphore(%run_scoped3A : memref<!tpu.dma_semaphore, #tpu.memory_space<semaphore_mem>>) src(%dma_wait3A_198 : memref<40x128xi32, #tpu.memory_space<hbm>>) dst(%arg7 : memref<40x128xi32, #tpu.memory_space<vmem>>)
      tpu.yield
    }) : () -> ()
    %jit3A_32 = arith.constant 2 : i32
    %div3A = arith.divsi %min3A, %jit3A_32 : i32
    %sign3A = arith.constant 0 : i32
    %sign3A_33 = arith.cmpi sgt, %min3A, %sign3A : i32
    %sign3A_34 = arith.extui %sign3A_33 : i1 to i32
    %sign3A_35 = arith.constant 0 : i32
    %sign3A_36 = arith.cmpi slt, %min3A, %sign3A_35 : i32
    %sign3A_37 = arith.extui %sign3A_36 : i1 to i32
    %sign3A_38 = arith.subi %sign3A_34, %sign3A_37 : i32
    %sign3A_39 = arith.constant 0 : i32
    %sign3A_40 = arith.cmpi sgt, %jit3A_32, %sign3A_39 : i32
    %sign3A_41 = arith.extui %sign3A_40 : i1 to i32
    %sign3A_42 = arith.constant 0 : i32
    %sign3A_43 = arith.cmpi slt, %jit3A_32, %sign3A_42 : i32
    %sign3A_44 = arith.extui %sign3A_43 : i1 to i32
    %sign3A_45 = arith.subi %sign3A_41, %sign3A_44 : i32
    %ne3A = arith.cmpi ne, %sign3A_38, %sign3A_45 : i32
    %rem3A = arith.remsi %min3A, %jit3A_32 : i32
    %ne3A_46 = arith.constant 0 : i32
    %ne3A_47 = arith.cmpi ne, %rem3A, %ne3A_46 : i32
    %and3A = arith.andi %ne3A, %ne3A_47 : i1
    %sub3A_48 = arith.constant 1 : i32
    %sub3A_49 = arith.subi %div3A, %sub3A_48 : i32
    %select_n3A_50 = arith.select %and3A, %sub3A_49, %div3A : i32
    %while3A = arith.constant 0 : i32
    %while3A_51 = arith.constant 0 : i32
    %while3A_52 = arith.subi %select_n3A_50, %while3A_51 : i32
    %while3A_53 = arith.addi %while3A_51, %while3A_52 : i32
    %while3A_54 = arith.constant 1 : i32
    %while3A_55 = arith.divsi %while3A_52, %while3A_54 : i32
    %while3A_56 = arith.muli %while3A_55, %while3A_54 : i32
    %while3A_57 = arith.addi %while3A_51, %while3A_56 : i32
    %while3A_58 = arith.constant 1 : i32
    scf.for %while3A_193 = %while3A_51 to %while3A_57 step %while3A_58  : i32 {
      %mul3A_194 = arith.constant 2 : i32
      %mul3A_195 = arith.muli %mul3A_194, %while3A_193 : i32
      %mul3A_196 = arith.constant 2 : i32
      %mul3A_197 = arith.muli %mul3A_196, %while3A_193 : i32
      %add3A_198 = arith.constant 1 : i32
      %add3A_199 = arith.addi %mul3A_197, %add3A_198 : i32
      %dma_start3A = arith.constant 0 : i32
      %dma_start3A_200 = tpu.memref_slice %arg6[%mul3A_195, %dma_start3A] : memref<40x128xi32, #tpu.memory_space<vmem>> -> memref<1x128xi32, #tpu.memory_space<vmem>>
      %dma_start3A_201 = tpu.memref_squeeze %dma_start3A_200 : memref<1x128xi32, #tpu.memory_space<vmem>> -> memref<128xi32, #tpu.memory_space<vmem>>
      %dma_start3A_202 = arith.constant 0 : i32
      %dma_start3A_203 = arith.constant 0 : i32
      %dma_start3A_204 = tpu.memref_slice %arg2[%dma_start3A_202, %dma_start3A_203] : memref<10000x128xf32, #tpu.memory_space<hbm>> -> memref<10000x128xf32, #tpu.memory_space<hbm>>
      tpu.enqueue_indirect_dma source(%dma_start3A_204 : memref<10000x128xf32, #tpu.memory_space<hbm>>) target(%arg8 : memref<128x128xf32, #tpu.memory_space<vmem>>) offsets(%dma_start3A_201 : memref<128xi32, #tpu.memory_space<vmem>>) semaphore(%arg11 : memref<!tpu.dma_semaphore, #tpu.memory_space<semaphore_mem>>)
      %dma_start3A_205 = arith.constant 0 : i32
      %dma_start3A_206 = tpu.memref_slice %arg6[%add3A_199, %dma_start3A_205] : memref<40x128xi32, #tpu.memory_space<vmem>> -> memref<1x128xi32, #tpu.memory_space<vmem>>
      %dma_start3A_207 = tpu.memref_squeeze %dma_start3A_206 : memref<1x128xi32, #tpu.memory_space<vmem>> -> memref<128xi32, #tpu.memory_space<vmem>>
      %dma_start3A_208 = arith.constant 0 : i32
      %dma_start3A_209 = arith.constant 0 : i32
      %dma_start3A_210 = tpu.memref_slice %arg2[%dma_start3A_208, %dma_start3A_209] : memref<10000x128xf32, #tpu.memory_space<hbm>> -> memref<10000x128xf32, #tpu.memory_space<hbm>>
      tpu.enqueue_indirect_dma source(%dma_start3A_210 : memref<10000x128xf32, #tpu.memory_space<hbm>>) target(%arg9 : memref<128x128xf32, #tpu.memory_space<vmem>>) offsets(%dma_start3A_207 : memref<128xi32, #tpu.memory_space<vmem>>) semaphore(%arg12 : memref<!tpu.dma_semaphore, #tpu.memory_space<semaphore_mem>>)
      %dma_wait3A = arith.constant 0 : i32
      %dma_wait3A_211 = tpu.memref_slice %arg6[%mul3A_195, %dma_wait3A] : memref<40x128xi32, #tpu.memory_space<vmem>> -> memref<1x128xi32, #tpu.memory_space<vmem>>
      %dma_wait3A_212 = tpu.memref_squeeze %dma_wait3A_211 : memref<1x128xi32, #tpu.memory_space<vmem>> -> memref<128xi32, #tpu.memory_space<vmem>>
      %dma_wait3A_213 = arith.constant 0 : i32
      %dma_wait3A_214 = arith.constant 0 : i32
      %dma_wait3A_215 = tpu.memref_slice %arg2[%dma_wait3A_213, %dma_wait3A_214] : memref<10000x128xf32, #tpu.memory_space<hbm>> -> memref<10000x128xf32, #tpu.memory_space<hbm>>
      tpu.wait_indirect_dma semaphore(%arg11 : memref<!tpu.dma_semaphore, #tpu.memory_space<semaphore_mem>>) src(%dma_wait3A_215 : memref<10000x128xf32, #tpu.memory_space<hbm>>) dst(%arg8 : memref<128x128xf32, #tpu.memory_space<vmem>>)
      "tpu.region"() ({
        %run_scoped3A = tpu.sem_alloc : memref<!tpu.dma_semaphore, #tpu.memory_space<semaphore_mem>>
        %dma_start3A_222 = arith.constant 0 : i32
        %dma_start3A_223 = tpu.memref_slice %arg7[%mul3A_195, %dma_start3A_222] : memref<40x128xi32, #tpu.memory_space<vmem>> -> memref<1x128xi32, #tpu.memory_space<vmem>>
        %dma_start3A_224 = tpu.memref_squeeze %dma_start3A_223 : memref<1x128xi32, #tpu.memory_space<vmem>> -> memref<128xi32, #tpu.memory_space<vmem>>
        %dma_start3A_225 = arith.constant 0 : i32
        %dma_start3A_226 = arith.constant 0 : i32
        %dma_start3A_227 = tpu.memref_slice %arg10[%dma_start3A_225, %dma_start3A_226] : memref<10112x128xf32, #tpu.memory_space<vmem_shared>> -> memref<10112x128xf32, #tpu.memory_space<vmem_shared>>
        tpu.enqueue_indirect_dma source(%arg8 : memref<128x128xf32, #tpu.memory_space<vmem>>) target(%dma_start3A_227 : memref<10112x128xf32, #tpu.memory_space<vmem_shared>>) offsets(%dma_start3A_224 : memref<128xi32, #tpu.memory_space<vmem>>) semaphore(%run_scoped3A : memref<!tpu.dma_semaphore, #tpu.memory_space<semaphore_mem>>) {add = true}
        %dma_wait3A_228 = arith.constant 0 : i32
        %dma_wait3A_229 = tpu.memref_slice %arg7[%mul3A_195, %dma_wait3A_228] : memref<40x128xi32, #tpu.memory_space<vmem>> -> memref<1x128xi32, #tpu.memory_space<vmem>>
        %dma_wait3A_230 = tpu.memref_squeeze %dma_wait3A_229 : memref<1x128xi32, #tpu.memory_space<vmem>> -> memref<128xi32, #tpu.memory_space<vmem>>
        %dma_wait3A_231 = arith.constant 0 : i32
        %dma_wait3A_232 = arith.constant 0 : i32
        %dma_wait3A_233 = tpu.memref_slice %arg10[%dma_wait3A_231, %dma_wait3A_232] : memref<10112x128xf32, #tpu.memory_space<vmem_shared>> -> memref<10112x128xf32, #tpu.memory_space<vmem_shared>>
        tpu.wait_indirect_dma semaphore(%run_scoped3A : memref<!tpu.dma_semaphore, #tpu.memory_space<semaphore_mem>>) src(%arg8 : memref<128x128xf32, #tpu.memory_space<vmem>>) dst(%dma_wait3A_233 : memref<10112x128xf32, #tpu.memory_space<vmem_shared>>)
        tpu.yield
      }) : () -> ()
      %dma_wait3A_216 = arith.constant 0 : i32
      %dma_wait3A_217 = tpu.memref_slice %arg6[%add3A_199, %dma_wait3A_216] : memref<40x128xi32, #tpu.memory_space<vmem>> -> memref<1x128xi32, #tpu.memory_space<vmem>>
      %dma_wait3A_218 = tpu.memref_squeeze %dma_wait3A_217 : memref<1x128xi32, #tpu.memory_space<vmem>> -> memref<128xi32, #tpu.memory_space<vmem>>
      %dma_wait3A_219 = arith.constant 0 : i32
      %dma_wait3A_220 = arith.constant 0 : i32
      %dma_wait3A_221 = tpu.memref_slice %arg2[%dma_wait3A_219, %dma_wait3A_220] : memref<10000x128xf32, #tpu.memory_space<hbm>> -> memref<10000x128xf32, #tpu.memory_space<hbm>>
      tpu.wait_indirect_dma semaphore(%arg12 : memref<!tpu.dma_semaphore, #tpu.memory_space<semaphore_mem>>) src(%dma_wait3A_221 : memref<10000x128xf32, #tpu.memory_space<hbm>>) dst(%arg9 : memref<128x128xf32, #tpu.memory_space<vmem>>)
      "tpu.region"() ({
        %run_scoped3A = tpu.sem_alloc : memref<!tpu.dma_semaphore, #tpu.memory_space<semaphore_mem>>
        %dma_start3A_222 = arith.constant 0 : i32
        %dma_start3A_223 = tpu.memref_slice %arg7[%add3A_199, %dma_start3A_222] : memref<40x128xi32, #tpu.memory_space<vmem>> -> memref<1x128xi32, #tpu.memory_space<vmem>>
        %dma_start3A_224 = tpu.memref_squeeze %dma_start3A_223 : memref<1x128xi32, #tpu.memory_space<vmem>> -> memref<128xi32, #tpu.memory_space<vmem>>
        %dma_start3A_225 = arith.constant 0 : i32
        %dma_start3A_226 = arith.constant 0 : i32
        %dma_start3A_227 = tpu.memref_slice %arg10[%dma_start3A_225, %dma_start3A_226] : memref<10112x128xf32, #tpu.memory_space<vmem_shared>> -> memref<10112x128xf32, #tpu.memory_space<vmem_shared>>
        tpu.enqueue_indirect_dma source(%arg9 : memref<128x128xf32, #tpu.memory_space<vmem>>) target(%dma_start3A_227 : memref<10112x128xf32, #tpu.memory_space<vmem_shared>>) offsets(%dma_start3A_224 : memref<128xi32, #tpu.memory_space<vmem>>) semaphore(%run_scoped3A : memref<!tpu.dma_semaphore, #tpu.memory_space<semaphore_mem>>) {add = true}
        %dma_wait3A_228 = arith.constant 0 : i32
        %dma_wait3A_229 = tpu.memref_slice %arg7[%add3A_199, %dma_wait3A_228] : memref<40x128xi32, #tpu.memory_space<vmem>> -> memref<1x128xi32, #tpu.memory_space<vmem>>
        %dma_wait3A_230 = tpu.memref_squeeze %dma_wait3A_229 : memref<1x128xi32, #tpu.memory_space<vmem>> -> memref<128xi32, #tpu.memory_space<vmem>>
        %dma_wait3A_231 = arith.constant 0 : i32
        %dma_wait3A_232 = arith.constant 0 : i32
        %dma_wait3A_233 = tpu.memref_slice %arg10[%dma_wait3A_231, %dma_wait3A_232] : memref<10112x128xf32, #tpu.memory_space<vmem_shared>> -> memref<10112x128xf32, #tpu.memory_space<vmem_shared>>
        tpu.wait_indirect_dma semaphore(%run_scoped3A : memref<!tpu.dma_semaphore, #tpu.memory_space<semaphore_mem>>) src(%arg9 : memref<128x128xf32, #tpu.memory_space<vmem>>) dst(%dma_wait3A_233 : memref<10112x128xf32, #tpu.memory_space<vmem_shared>>)
        tpu.yield
      }) : () -> ()
    }
    %while3A_59 = arith.constant 1 : i32
    scf.for %while3A_193 = %while3A_57 to %while3A_53 step %while3A_59  : i32 {
      %mul3A_194 = arith.constant 2 : i32
      %mul3A_195 = arith.muli %mul3A_194, %while3A_193 : i32
      %mul3A_196 = arith.constant 2 : i32
      %mul3A_197 = arith.muli %mul3A_196, %while3A_193 : i32
      %add3A_198 = arith.constant 1 : i32
      %add3A_199 = arith.addi %mul3A_197, %add3A_198 : i32
      %dma_start3A = arith.constant 0 : i32
      %dma_start3A_200 = tpu.memref_slice %arg6[%mul3A_195, %dma_start3A] : memref<40x128xi32, #tpu.memory_space<vmem>> -> memref<1x128xi32, #tpu.memory_space<vmem>>
      %dma_start3A_201 = tpu.memref_squeeze %dma_start3A_200 : memref<1x128xi32, #tpu.memory_space<vmem>> -> memref<128xi32, #tpu.memory_space<vmem>>
      %dma_start3A_202 = arith.constant 0 : i32
      %dma_start3A_203 = arith.constant 0 : i32
      %dma_start3A_204 = tpu.memref_slice %arg2[%dma_start3A_202, %dma_start3A_203] : memref<10000x128xf32, #tpu.memory_space<hbm>> -> memref<10000x128xf32, #tpu.memory_space<hbm>>
      tpu.enqueue_indirect_dma source(%dma_start3A_204 : memref<10000x128xf32, #tpu.memory_space<hbm>>) target(%arg8 : memref<128x128xf32, #tpu.memory_space<vmem>>) offsets(%dma_start3A_201 : memref<128xi32, #tpu.memory_space<vmem>>) semaphore(%arg11 : memref<!tpu.dma_semaphore, #tpu.memory_space<semaphore_mem>>)
      %dma_start3A_205 = arith.constant 0 : i32
      %dma_start3A_206 = tpu.memref_slice %arg6[%add3A_199, %dma_start3A_205] : memref<40x128xi32, #tpu.memory_space<vmem>> -> memref<1x128xi32, #tpu.memory_space<vmem>>
      %dma_start3A_207 = tpu.memref_squeeze %dma_start3A_206 : memref<1x128xi32, #tpu.memory_space<vmem>> -> memref<128xi32, #tpu.memory_space<vmem>>
      %dma_start3A_208 = arith.constant 0 : i32
      %dma_start3A_209 = arith.constant 0 : i32
      %dma_start3A_210 = tpu.memref_slice %arg2[%dma_start3A_208, %dma_start3A_209] : memref<10000x128xf32, #tpu.memory_space<hbm>> -> memref<10000x128xf32, #tpu.memory_space<hbm>>
      tpu.enqueue_indirect_dma source(%dma_start3A_210 : memref<10000x128xf32, #tpu.memory_space<hbm>>) target(%arg9 : memref<128x128xf32, #tpu.memory_space<vmem>>) offsets(%dma_start3A_207 : memref<128xi32, #tpu.memory_space<vmem>>) semaphore(%arg12 : memref<!tpu.dma_semaphore, #tpu.memory_space<semaphore_mem>>)
      %dma_wait3A = arith.constant 0 : i32
      %dma_wait3A_211 = tpu.memref_slice %arg6[%mul3A_195, %dma_wait3A] : memref<40x128xi32, #tpu.memory_space<vmem>> -> memref<1x128xi32, #tpu.memory_space<vmem>>
      %dma_wait3A_212 = tpu.memref_squeeze %dma_wait3A_211 : memref<1x128xi32, #tpu.memory_space<vmem>> -> memref<128xi32, #tpu.memory_space<vmem>>
      %dma_wait3A_213 = arith.constant 0 : i32
      %dma_wait3A_214 = arith.constant 0 : i32
      %dma_wait3A_215 = tpu.memref_slice %arg2[%dma_wait3A_213, %dma_wait3A_214] : memref<10000x128xf32, #tpu.memory_space<hbm>> -> memref<10000x128xf32, #tpu.memory_space<hbm>>
      tpu.wait_indirect_dma semaphore(%arg11 : memref<!tpu.dma_semaphore, #tpu.memory_space<semaphore_mem>>) src(%dma_wait3A_215 : memref<10000x128xf32, #tpu.memory_space<hbm>>) dst(%arg8 : memref<128x128xf32, #tpu.memory_space<vmem>>)
      "tpu.region"() ({
        %run_scoped3A = tpu.sem_alloc : memref<!tpu.dma_semaphore, #tpu.memory_space<semaphore_mem>>
        %dma_start3A_222 = arith.constant 0 : i32
        %dma_start3A_223 = tpu.memref_slice %arg7[%mul3A_195, %dma_start3A_222] : memref<40x128xi32, #tpu.memory_space<vmem>> -> memref<1x128xi32, #tpu.memory_space<vmem>>
        %dma_start3A_224 = tpu.memref_squeeze %dma_start3A_223 : memref<1x128xi32, #tpu.memory_space<vmem>> -> memref<128xi32, #tpu.memory_space<vmem>>
        %dma_start3A_225 = arith.constant 0 : i32
        %dma_start3A_226 = arith.constant 0 : i32
        %dma_start3A_227 = tpu.memref_slice %arg10[%dma_start3A_225, %dma_start3A_226] : memref<10112x128xf32, #tpu.memory_space<vmem_shared>> -> memref<10112x128xf32, #tpu.memory_space<vmem_shared>>
        tpu.enqueue_indirect_dma source(%arg8 : memref<128x128xf32, #tpu.memory_space<vmem>>) target(%dma_start3A_227 : memref<10112x128xf32, #tpu.memory_space<vmem_shared>>) offsets(%dma_start3A_224 : memref<128xi32, #tpu.memory_space<vmem>>) semaphore(%run_scoped3A : memref<!tpu.dma_semaphore, #tpu.memory_space<semaphore_mem>>) {add = true}
        %dma_wait3A_228 = arith.constant 0 : i32
        %dma_wait3A_229 = tpu.memref_slice %arg7[%mul3A_195, %dma_wait3A_228] : memref<40x128xi32, #tpu.memory_space<vmem>> -> memref<1x128xi32, #tpu.memory_space<vmem>>
        %dma_wait3A_230 = tpu.memref_squeeze %dma_wait3A_229 : memref<1x128xi32, #tpu.memory_space<vmem>> -> memref<128xi32, #tpu.memory_space<vmem>>
        %dma_wait3A_231 = arith.constant 0 : i32
        %dma_wait3A_232 = arith.constant 0 : i32
        %dma_wait3A_233 = tpu.memref_slice %arg10[%dma_wait3A_231, %dma_wait3A_232] : memref<10112x128xf32, #tpu.memory_space<vmem_shared>> -> memref<10112x128xf32, #tpu.memory_space<vmem_shared>>
        tpu.wait_indirect_dma semaphore(%run_scoped3A : memref<!tpu.dma_semaphore, #tpu.memory_space<semaphore_mem>>) src(%arg8 : memref<128x128xf32, #tpu.memory_space<vmem>>) dst(%dma_wait3A_233 : memref<10112x128xf32, #tpu.memory_space<vmem_shared>>)
        tpu.yield
      }) : () -> ()
      %dma_wait3A_216 = arith.constant 0 : i32
      %dma_wait3A_217 = tpu.memref_slice %arg6[%add3A_199, %dma_wait3A_216] : memref<40x128xi32, #tpu.memory_space<vmem>> -> memref<1x128xi32, #tpu.memory_space<vmem>>
      %dma_wait3A_218 = tpu.memref_squeeze %dma_wait3A_217 : memref<1x128xi32, #tpu.memory_space<vmem>> -> memref<128xi32, #tpu.memory_space<vmem>>
      %dma_wait3A_219 = arith.constant 0 : i32
      %dma_wait3A_220 = arith.constant 0 : i32
      %dma_wait3A_221 = tpu.memref_slice %arg2[%dma_wait3A_219, %dma_wait3A_220] : memref<10000x128xf32, #tpu.memory_space<hbm>> -> memref<10000x128xf32, #tpu.memory_space<hbm>>
      tpu.wait_indirect_dma semaphore(%arg12 : memref<!tpu.dma_semaphore, #tpu.memory_space<semaphore_mem>>) src(%dma_wait3A_221 : memref<10000x128xf32, #tpu.memory_space<hbm>>) dst(%arg9 : memref<128x128xf32, #tpu.memory_space<vmem>>)
      "tpu.region"() ({
        %run_scoped3A = tpu.sem_alloc : memref<!tpu.dma_semaphore, #tpu.memory_space<semaphore_mem>>
        %dma_start3A_222 = arith.constant 0 : i32
        %dma_start3A_223 = tpu.memref_slice %arg7[%add3A_199, %dma_start3A_222] : memref<40x128xi32, #tpu.memory_space<vmem>> -> memref<1x128xi32, #tpu.memory_space<vmem>>
        %dma_start3A_224 = tpu.memref_squeeze %dma_start3A_223 : memref<1x128xi32, #tpu.memory_space<vmem>> -> memref<128xi32, #tpu.memory_space<vmem>>
        %dma_start3A_225 = arith.constant 0 : i32
        %dma_start3A_226 = arith.constant 0 : i32
        %dma_start3A_227 = tpu.memref_slice %arg10[%dma_start3A_225, %dma_start3A_226] : memref<10112x128xf32, #tpu.memory_space<vmem_shared>> -> memref<10112x128xf32, #tpu.memory_space<vmem_shared>>
        tpu.enqueue_indirect_dma source(%arg9 : memref<128x128xf32, #tpu.memory_space<vmem>>) target(%dma_start3A_227 : memref<10112x128xf32, #tpu.memory_space<vmem_shared>>) offsets(%dma_start3A_224 : memref<128xi32, #tpu.memory_space<vmem>>) semaphore(%run_scoped3A : memref<!tpu.dma_semaphore, #tpu.memory_space<semaphore_mem>>) {add = true}
        %dma_wait3A_228 = arith.constant 0 : i32
        %dma_wait3A_229 = tpu.memref_slice %arg7[%add3A_199, %dma_wait3A_228] : memref<40x128xi32, #tpu.memory_space<vmem>> -> memref<1x128xi32, #tpu.memory_space<vmem>>
        %dma_wait3A_230 = tpu.memref_squeeze %dma_wait3A_229 : memref<1x128xi32, #tpu.memory_space<vmem>> -> memref<128xi32, #tpu.memory_space<vmem>>
        %dma_wait3A_231 = arith.constant 0 : i32
        %dma_wait3A_232 = arith.constant 0 : i32
        %dma_wait3A_233 = tpu.memref_slice %arg10[%dma_wait3A_231, %dma_wait3A_232] : memref<10112x128xf32, #tpu.memory_space<vmem_shared>> -> memref<10112x128xf32, #tpu.memory_space<vmem_shared>>
        tpu.wait_indirect_dma semaphore(%run_scoped3A : memref<!tpu.dma_semaphore, #tpu.memory_space<semaphore_mem>>) src(%arg9 : memref<128x128xf32, #tpu.memory_space<vmem>>) dst(%dma_wait3A_233 : memref<10112x128xf32, #tpu.memory_space<vmem_shared>>)
        tpu.yield
      }) : () -> ()
    }
    %sub3A_60 = arith.constant 40 : i32
    %sub3A_61 = arith.subi %select_n3A, %sub3A_60 : i32
    %jit3A_62 = arith.constant 0 : i32
    %jit3A_63 = arith.constant 40 : i32
    %max3A_64 = arith.maxsi %jit3A_62, %sub3A_61 : i32
    %min3A_65 = arith.minsi %jit3A_63, %max3A_64 : i32
    %add3A_66 = arith.constant 40 : i32
    %add3A_67 = arith.addi %select_n3A_6, %add3A_66 : i32
    "tpu.region"() ({
      %run_scoped3A = tpu.sem_alloc : memref<!tpu.dma_semaphore, #tpu.memory_space<semaphore_mem>>
      %dma_start3A = arith.constant 0 : i32
      %dma_start3A_193 = tpu.memref_slice %arg3[%add3A_67, %dma_start3A] : memref<2720x128xi32, #tpu.memory_space<hbm>> -> memref<40x128xi32, #tpu.memory_space<hbm>>
      %dma_start3A_194 = arith.constant 0 : i32
      %dma_start3A_195 = tpu.memref_slice %arg3[%add3A_67, %dma_start3A_194] : memref<2720x128xi32, #tpu.memory_space<hbm>> -> memref<40x128xi32, #tpu.memory_space<hbm>>
      tpu.enqueue_dma source(%dma_start3A_195 : memref<40x128xi32, #tpu.memory_space<hbm>>) target(%arg6 : memref<40x128xi32, #tpu.memory_space<vmem>>) target_semaphore(%run_scoped3A : memref<!tpu.dma_semaphore, #tpu.memory_space<semaphore_mem>>)
      %dma_wait3A = arith.constant 0 : i32
      %dma_wait3A_196 = tpu.memref_slice %arg3[%add3A_67, %dma_wait3A] : memref<2720x128xi32, #tpu.memory_space<hbm>> -> memref<40x128xi32, #tpu.memory_space<hbm>>
      %dma_wait3A_197 = arith.constant 0 : i32
      %dma_wait3A_198 = tpu.memref_slice %arg3[%add3A_67, %dma_wait3A_197] : memref<2720x128xi32, #tpu.memory_space<hbm>> -> memref<40x128xi32, #tpu.memory_space<hbm>>
      tpu.wait_dma2 semaphore(%run_scoped3A : memref<!tpu.dma_semaphore, #tpu.memory_space<semaphore_mem>>) src(%dma_wait3A_198 : memref<40x128xi32, #tpu.memory_space<hbm>>) dst(%arg6 : memref<40x128xi32, #tpu.memory_space<vmem>>)
      tpu.yield
    }) : () -> ()
    %add3A_68 = arith.constant 40 : i32
    %add3A_69 = arith.addi %select_n3A_6, %add3A_68 : i32
    "tpu.region"() ({
      %run_scoped3A = tpu.sem_alloc : memref<!tpu.dma_semaphore, #tpu.memory_space<semaphore_mem>>
      %dma_start3A = arith.constant 0 : i32
      %dma_start3A_193 = tpu.memref_slice %arg4[%add3A_69, %dma_start3A] : memref<2720x128xi32, #tpu.memory_space<hbm>> -> memref<40x128xi32, #tpu.memory_space<hbm>>
      %dma_start3A_194 = arith.constant 0 : i32
      %dma_start3A_195 = tpu.memref_slice %arg4[%add3A_69, %dma_start3A_194] : memref<2720x128xi32, #tpu.memory_space<hbm>> -> memref<40x128xi32, #tpu.memory_space<hbm>>
      tpu.enqueue_dma source(%dma_start3A_195 : memref<40x128xi32, #tpu.memory_space<hbm>>) target(%arg7 : memref<40x128xi32, #tpu.memory_space<vmem>>) target_semaphore(%run_scoped3A : memref<!tpu.dma_semaphore, #tpu.memory_space<semaphore_mem>>)
      %dma_wait3A = arith.constant 0 : i32
      %dma_wait3A_196 = tpu.memref_slice %arg4[%add3A_69, %dma_wait3A] : memref<2720x128xi32, #tpu.memory_space<hbm>> -> memref<40x128xi32, #tpu.memory_space<hbm>>
      %dma_wait3A_197 = arith.constant 0 : i32
      %dma_wait3A_198 = tpu.memref_slice %arg4[%add3A_69, %dma_wait3A_197] : memref<2720x128xi32, #tpu.memory_space<hbm>> -> memref<40x128xi32, #tpu.memory_space<hbm>>
      tpu.wait_dma2 semaphore(%run_scoped3A : memref<!tpu.dma_semaphore, #tpu.memory_space<semaphore_mem>>) src(%dma_wait3A_198 : memref<40x128xi32, #tpu.memory_space<hbm>>) dst(%arg7 : memref<40x128xi32, #tpu.memory_space<vmem>>)
      tpu.yield
    }) : () -> ()
    %jit3A_70 = arith.constant 2 : i32
    %div3A_71 = arith.divsi %min3A_65, %jit3A_70 : i32
    %sign3A_72 = arith.constant 0 : i32
    %sign3A_73 = arith.cmpi sgt, %min3A_65, %sign3A_72 : i32
    %sign3A_74 = arith.extui %sign3A_73 : i1 to i32
    %sign3A_75 = arith.constant 0 : i32
    %sign3A_76 = arith.cmpi slt, %min3A_65, %sign3A_75 : i32
    %sign3A_77 = arith.extui %sign3A_76 : i1 to i32
    %sign3A_78 = arith.subi %sign3A_74, %sign3A_77 : i32
    %sign3A_79 = arith.constant 0 : i32
    %sign3A_80 = arith.cmpi sgt, %jit3A_70, %sign3A_79 : i32
    %sign3A_81 = arith.extui %sign3A_80 : i1 to i32
    %sign3A_82 = arith.constant 0 : i32
    %sign3A_83 = arith.cmpi slt, %jit3A_70, %sign3A_82 : i32
    %sign3A_84 = arith.extui %sign3A_83 : i1 to i32
    %sign3A_85 = arith.subi %sign3A_81, %sign3A_84 : i32
    %ne3A_86 = arith.cmpi ne, %sign3A_78, %sign3A_85 : i32
    %rem3A_87 = arith.remsi %min3A_65, %jit3A_70 : i32
    %ne3A_88 = arith.constant 0 : i32
    %ne3A_89 = arith.cmpi ne, %rem3A_87, %ne3A_88 : i32
    %and3A_90 = arith.andi %ne3A_86, %ne3A_89 : i1
    %sub3A_91 = arith.constant 1 : i32
    %sub3A_92 = arith.subi %div3A_71, %sub3A_91 : i32
    %select_n3A_93 = arith.select %and3A_90, %sub3A_92, %div3A_71 : i32
    %while3A_94 = arith.constant 0 : i32
    %while3A_95 = arith.constant 0 : i32
    %while3A_96 = arith.subi %select_n3A_93, %while3A_95 : i32
    %while3A_97 = arith.addi %while3A_95, %while3A_96 : i32
    %while3A_98 = arith.constant 1 : i32
    %while3A_99 = arith.divsi %while3A_96, %while3A_98 : i32
    %while3A_100 = arith.muli %while3A_99, %while3A_98 : i32
    %while3A_101 = arith.addi %while3A_95, %while3A_100 : i32
    %while3A_102 = arith.constant 1 : i32
    scf.for %while3A_193 = %while3A_95 to %while3A_101 step %while3A_102  : i32 {
      %mul3A_194 = arith.constant 2 : i32
      %mul3A_195 = arith.muli %mul3A_194, %while3A_193 : i32
      %mul3A_196 = arith.constant 2 : i32
      %mul3A_197 = arith.muli %mul3A_196, %while3A_193 : i32
      %add3A_198 = arith.constant 1 : i32
      %add3A_199 = arith.addi %mul3A_197, %add3A_198 : i32
      %dma_start3A = arith.constant 0 : i32
      %dma_start3A_200 = tpu.memref_slice %arg6[%mul3A_195, %dma_start3A] : memref<40x128xi32, #tpu.memory_space<vmem>> -> memref<1x128xi32, #tpu.memory_space<vmem>>
      %dma_start3A_201 = tpu.memref_squeeze %dma_start3A_200 : memref<1x128xi32, #tpu.memory_space<vmem>> -> memref<128xi32, #tpu.memory_space<vmem>>
      %dma_start3A_202 = arith.constant 0 : i32
      %dma_start3A_203 = arith.constant 0 : i32
      %dma_start3A_204 = tpu.memref_slice %arg2[%dma_start3A_202, %dma_start3A_203] : memref<10000x128xf32, #tpu.memory_space<hbm>> -> memref<10000x128xf32, #tpu.memory_space<hbm>>
      tpu.enqueue_indirect_dma source(%dma_start3A_204 : memref<10000x128xf32, #tpu.memory_space<hbm>>) target(%arg8 : memref<128x128xf32, #tpu.memory_space<vmem>>) offsets(%dma_start3A_201 : memref<128xi32, #tpu.memory_space<vmem>>) semaphore(%arg11 : memref<!tpu.dma_semaphore, #tpu.memory_space<semaphore_mem>>)
      %dma_start3A_205 = arith.constant 0 : i32
      %dma_start3A_206 = tpu.memref_slice %arg6[%add3A_199, %dma_start3A_205] : memref<40x128xi32, #tpu.memory_space<vmem>> -> memref<1x128xi32, #tpu.memory_space<vmem>>
      %dma_start3A_207 = tpu.memref_squeeze %dma_start3A_206 : memref<1x128xi32, #tpu.memory_space<vmem>> -> memref<128xi32, #tpu.memory_space<vmem>>
      %dma_start3A_208 = arith.constant 0 : i32
      %dma_start3A_209 = arith.constant 0 : i32
      %dma_start3A_210 = tpu.memref_slice %arg2[%dma_start3A_208, %dma_start3A_209] : memref<10000x128xf32, #tpu.memory_space<hbm>> -> memref<10000x128xf32, #tpu.memory_space<hbm>>
      tpu.enqueue_indirect_dma source(%dma_start3A_210 : memref<10000x128xf32, #tpu.memory_space<hbm>>) target(%arg9 : memref<128x128xf32, #tpu.memory_space<vmem>>) offsets(%dma_start3A_207 : memref<128xi32, #tpu.memory_space<vmem>>) semaphore(%arg12 : memref<!tpu.dma_semaphore, #tpu.memory_space<semaphore_mem>>)
      %dma_wait3A = arith.constant 0 : i32
      %dma_wait3A_211 = tpu.memref_slice %arg6[%mul3A_195, %dma_wait3A] : memref<40x128xi32, #tpu.memory_space<vmem>> -> memref<1x128xi32, #tpu.memory_space<vmem>>
      %dma_wait3A_212 = tpu.memref_squeeze %dma_wait3A_211 : memref<1x128xi32, #tpu.memory_space<vmem>> -> memref<128xi32, #tpu.memory_space<vmem>>
      %dma_wait3A_213 = arith.constant 0 : i32
      %dma_wait3A_214 = arith.constant 0 : i32
      %dma_wait3A_215 = tpu.memref_slice %arg2[%dma_wait3A_213, %dma_wait3A_214] : memref<10000x128xf32, #tpu.memory_space<hbm>> -> memref<10000x128xf32, #tpu.memory_space<hbm>>
      tpu.wait_indirect_dma semaphore(%arg11 : memref<!tpu.dma_semaphore, #tpu.memory_space<semaphore_mem>>) src(%dma_wait3A_215 : memref<10000x128xf32, #tpu.memory_space<hbm>>) dst(%arg8 : memref<128x128xf32, #tpu.memory_space<vmem>>)
      "tpu.region"() ({
        %run_scoped3A = tpu.sem_alloc : memref<!tpu.dma_semaphore, #tpu.memory_space<semaphore_mem>>
        %dma_start3A_222 = arith.constant 0 : i32
        %dma_start3A_223 = tpu.memref_slice %arg7[%mul3A_195, %dma_start3A_222] : memref<40x128xi32, #tpu.memory_space<vmem>> -> memref<1x128xi32, #tpu.memory_space<vmem>>
        %dma_start3A_224 = tpu.memref_squeeze %dma_start3A_223 : memref<1x128xi32, #tpu.memory_space<vmem>> -> memref<128xi32, #tpu.memory_space<vmem>>
        %dma_start3A_225 = arith.constant 0 : i32
        %dma_start3A_226 = arith.constant 0 : i32
        %dma_start3A_227 = tpu.memref_slice %arg10[%dma_start3A_225, %dma_start3A_226] : memref<10112x128xf32, #tpu.memory_space<vmem_shared>> -> memref<10112x128xf32, #tpu.memory_space<vmem_shared>>
        tpu.enqueue_indirect_dma source(%arg8 : memref<128x128xf32, #tpu.memory_space<vmem>>) target(%dma_start3A_227 : memref<10112x128xf32, #tpu.memory_space<vmem_shared>>) offsets(%dma_start3A_224 : memref<128xi32, #tpu.memory_space<vmem>>) semaphore(%run_scoped3A : memref<!tpu.dma_semaphore, #tpu.memory_space<semaphore_mem>>) {add = true}
        %dma_wait3A_228 = arith.constant 0 : i32
        %dma_wait3A_229 = tpu.memref_slice %arg7[%mul3A_195, %dma_wait3A_228] : memref<40x128xi32, #tpu.memory_space<vmem>> -> memref<1x128xi32, #tpu.memory_space<vmem>>
        %dma_wait3A_230 = tpu.memref_squeeze %dma_wait3A_229 : memref<1x128xi32, #tpu.memory_space<vmem>> -> memref<128xi32, #tpu.memory_space<vmem>>
        %dma_wait3A_231 = arith.constant 0 : i32
        %dma_wait3A_232 = arith.constant 0 : i32
        %dma_wait3A_233 = tpu.memref_slice %arg10[%dma_wait3A_231, %dma_wait3A_232] : memref<10112x128xf32, #tpu.memory_space<vmem_shared>> -> memref<10112x128xf32, #tpu.memory_space<vmem_shared>>
        tpu.wait_indirect_dma semaphore(%run_scoped3A : memref<!tpu.dma_semaphore, #tpu.memory_space<semaphore_mem>>) src(%arg8 : memref<128x128xf32, #tpu.memory_space<vmem>>) dst(%dma_wait3A_233 : memref<10112x128xf32, #tpu.memory_space<vmem_shared>>)
        tpu.yield
      }) : () -> ()
      %dma_wait3A_216 = arith.constant 0 : i32
      %dma_wait3A_217 = tpu.memref_slice %arg6[%add3A_199, %dma_wait3A_216] : memref<40x128xi32, #tpu.memory_space<vmem>> -> memref<1x128xi32, #tpu.memory_space<vmem>>
      %dma_wait3A_218 = tpu.memref_squeeze %dma_wait3A_217 : memref<1x128xi32, #tpu.memory_space<vmem>> -> memref<128xi32, #tpu.memory_space<vmem>>
      %dma_wait3A_219 = arith.constant 0 : i32
      %dma_wait3A_220 = arith.constant 0 : i32
      %dma_wait3A_221 = tpu.memref_slice %arg2[%dma_wait3A_219, %dma_wait3A_220] : memref<10000x128xf32, #tpu.memory_space<hbm>> -> memref<10000x128xf32, #tpu.memory_space<hbm>>
      tpu.wait_indirect_dma semaphore(%arg12 : memref<!tpu.dma_semaphore, #tpu.memory_space<semaphore_mem>>) src(%dma_wait3A_221 : memref<10000x128xf32, #tpu.memory_space<hbm>>) dst(%arg9 : memref<128x128xf32, #tpu.memory_space<vmem>>)
      "tpu.region"() ({
        %run_scoped3A = tpu.sem_alloc : memref<!tpu.dma_semaphore, #tpu.memory_space<semaphore_mem>>
        %dma_start3A_222 = arith.constant 0 : i32
        %dma_start3A_223 = tpu.memref_slice %arg7[%add3A_199, %dma_start3A_222] : memref<40x128xi32, #tpu.memory_space<vmem>> -> memref<1x128xi32, #tpu.memory_space<vmem>>
        %dma_start3A_224 = tpu.memref_squeeze %dma_start3A_223 : memref<1x128xi32, #tpu.memory_space<vmem>> -> memref<128xi32, #tpu.memory_space<vmem>>
        %dma_start3A_225 = arith.constant 0 : i32
        %dma_start3A_226 = arith.constant 0 : i32
        %dma_start3A_227 = tpu.memref_slice %arg10[%dma_start3A_225, %dma_start3A_226] : memref<10112x128xf32, #tpu.memory_space<vmem_shared>> -> memref<10112x128xf32, #tpu.memory_space<vmem_shared>>
        tpu.enqueue_indirect_dma source(%arg9 : memref<128x128xf32, #tpu.memory_space<vmem>>) target(%dma_start3A_227 : memref<10112x128xf32, #tpu.memory_space<vmem_shared>>) offsets(%dma_start3A_224 : memref<128xi32, #tpu.memory_space<vmem>>) semaphore(%run_scoped3A : memref<!tpu.dma_semaphore, #tpu.memory_space<semaphore_mem>>) {add = true}
        %dma_wait3A_228 = arith.constant 0 : i32
        %dma_wait3A_229 = tpu.memref_slice %arg7[%add3A_199, %dma_wait3A_228] : memref<40x128xi32, #tpu.memory_space<vmem>> -> memref<1x128xi32, #tpu.memory_space<vmem>>
        %dma_wait3A_230 = tpu.memref_squeeze %dma_wait3A_229 : memref<1x128xi32, #tpu.memory_space<vmem>> -> memref<128xi32, #tpu.memory_space<vmem>>
        %dma_wait3A_231 = arith.constant 0 : i32
        %dma_wait3A_232 = arith.constant 0 : i32
        %dma_wait3A_233 = tpu.memref_slice %arg10[%dma_wait3A_231, %dma_wait3A_232] : memref<10112x128xf32, #tpu.memory_space<vmem_shared>> -> memref<10112x128xf32, #tpu.memory_space<vmem_shared>>
        tpu.wait_indirect_dma semaphore(%run_scoped3A : memref<!tpu.dma_semaphore, #tpu.memory_space<semaphore_mem>>) src(%arg9 : memref<128x128xf32, #tpu.memory_space<vmem>>) dst(%dma_wait3A_233 : memref<10112x128xf32, #tpu.memory_space<vmem_shared>>)
        tpu.yield
      }) : () -> ()
    }
    %while3A_103 = arith.constant 1 : i32
    scf.for %while3A_193 = %while3A_101 to %while3A_97 step %while3A_103  : i32 {
      %mul3A_194 = arith.constant 2 : i32
      %mul3A_195 = arith.muli %mul3A_194, %while3A_193 : i32
      %mul3A_196 = arith.constant 2 : i32
      %mul3A_197 = arith.muli %mul3A_196, %while3A_193 : i32
      %add3A_198 = arith.constant 1 : i32
      %add3A_199 = arith.addi %mul3A_197, %add3A_198 : i32
      %dma_start3A = arith.constant 0 : i32
      %dma_start3A_200 = tpu.memref_slice %arg6[%mul3A_195, %dma_start3A] : memref<40x128xi32, #tpu.memory_space<vmem>> -> memref<1x128xi32, #tpu.memory_space<vmem>>
      %dma_start3A_201 = tpu.memref_squeeze %dma_start3A_200 : memref<1x128xi32, #tpu.memory_space<vmem>> -> memref<128xi32, #tpu.memory_space<vmem>>
      %dma_start3A_202 = arith.constant 0 : i32
      %dma_start3A_203 = arith.constant 0 : i32
      %dma_start3A_204 = tpu.memref_slice %arg2[%dma_start3A_202, %dma_start3A_203] : memref<10000x128xf32, #tpu.memory_space<hbm>> -> memref<10000x128xf32, #tpu.memory_space<hbm>>
      tpu.enqueue_indirect_dma source(%dma_start3A_204 : memref<10000x128xf32, #tpu.memory_space<hbm>>) target(%arg8 : memref<128x128xf32, #tpu.memory_space<vmem>>) offsets(%dma_start3A_201 : memref<128xi32, #tpu.memory_space<vmem>>) semaphore(%arg11 : memref<!tpu.dma_semaphore, #tpu.memory_space<semaphore_mem>>)
      %dma_start3A_205 = arith.constant 0 : i32
      %dma_start3A_206 = tpu.memref_slice %arg6[%add3A_199, %dma_start3A_205] : memref<40x128xi32, #tpu.memory_space<vmem>> -> memref<1x128xi32, #tpu.memory_space<vmem>>
      %dma_start3A_207 = tpu.memref_squeeze %dma_start3A_206 : memref<1x128xi32, #tpu.memory_space<vmem>> -> memref<128xi32, #tpu.memory_space<vmem>>
      %dma_start3A_208 = arith.constant 0 : i32
      %dma_start3A_209 = arith.constant 0 : i32
      %dma_start3A_210 = tpu.memref_slice %arg2[%dma_start3A_208, %dma_start3A_209] : memref<10000x128xf32, #tpu.memory_space<hbm>> -> memref<10000x128xf32, #tpu.memory_space<hbm>>
      tpu.enqueue_indirect_dma source(%dma_start3A_210 : memref<10000x128xf32, #tpu.memory_space<hbm>>) target(%arg9 : memref<128x128xf32, #tpu.memory_space<vmem>>) offsets(%dma_start3A_207 : memref<128xi32, #tpu.memory_space<vmem>>) semaphore(%arg12 : memref<!tpu.dma_semaphore, #tpu.memory_space<semaphore_mem>>)
      %dma_wait3A = arith.constant 0 : i32
      %dma_wait3A_211 = tpu.memref_slice %arg6[%mul3A_195, %dma_wait3A] : memref<40x128xi32, #tpu.memory_space<vmem>> -> memref<1x128xi32, #tpu.memory_space<vmem>>
      %dma_wait3A_212 = tpu.memref_squeeze %dma_wait3A_211 : memref<1x128xi32, #tpu.memory_space<vmem>> -> memref<128xi32, #tpu.memory_space<vmem>>
      %dma_wait3A_213 = arith.constant 0 : i32
      %dma_wait3A_214 = arith.constant 0 : i32
      %dma_wait3A_215 = tpu.memref_slice %arg2[%dma_wait3A_213, %dma_wait3A_214] : memref<10000x128xf32, #tpu.memory_space<hbm>> -> memref<10000x128xf32, #tpu.memory_space<hbm>>
      tpu.wait_indirect_dma semaphore(%arg11 : memref<!tpu.dma_semaphore, #tpu.memory_space<semaphore_mem>>) src(%dma_wait3A_215 : memref<10000x128xf32, #tpu.memory_space<hbm>>) dst(%arg8 : memref<128x128xf32, #tpu.memory_space<vmem>>)
      "tpu.region"() ({
        %run_scoped3A = tpu.sem_alloc : memref<!tpu.dma_semaphore, #tpu.memory_space<semaphore_mem>>
        %dma_start3A_222 = arith.constant 0 : i32
        %dma_start3A_223 = tpu.memref_slice %arg7[%mul3A_195, %dma_start3A_222] : memref<40x128xi32, #tpu.memory_space<vmem>> -> memref<1x128xi32, #tpu.memory_space<vmem>>
        %dma_start3A_224 = tpu.memref_squeeze %dma_start3A_223 : memref<1x128xi32, #tpu.memory_space<vmem>> -> memref<128xi32, #tpu.memory_space<vmem>>
        %dma_start3A_225 = arith.constant 0 : i32
        %dma_start3A_226 = arith.constant 0 : i32
        %dma_start3A_227 = tpu.memref_slice %arg10[%dma_start3A_225, %dma_start3A_226] : memref<10112x128xf32, #tpu.memory_space<vmem_shared>> -> memref<10112x128xf32, #tpu.memory_space<vmem_shared>>
        tpu.enqueue_indirect_dma source(%arg8 : memref<128x128xf32, #tpu.memory_space<vmem>>) target(%dma_start3A_227 : memref<10112x128xf32, #tpu.memory_space<vmem_shared>>) offsets(%dma_start3A_224 : memref<128xi32, #tpu.memory_space<vmem>>) semaphore(%run_scoped3A : memref<!tpu.dma_semaphore, #tpu.memory_space<semaphore_mem>>) {add = true}
        %dma_wait3A_228 = arith.constant 0 : i32
        %dma_wait3A_229 = tpu.memref_slice %arg7[%mul3A_195, %dma_wait3A_228] : memref<40x128xi32, #tpu.memory_space<vmem>> -> memref<1x128xi32, #tpu.memory_space<vmem>>
        %dma_wait3A_230 = tpu.memref_squeeze %dma_wait3A_229 : memref<1x128xi32, #tpu.memory_space<vmem>> -> memref<128xi32, #tpu.memory_space<vmem>>
        %dma_wait3A_231 = arith.constant 0 : i32
        %dma_wait3A_232 = arith.constant 0 : i32
        %dma_wait3A_233 = tpu.memref_slice %arg10[%dma_wait3A_231, %dma_wait3A_232] : memref<10112x128xf32, #tpu.memory_space<vmem_shared>> -> memref<10112x128xf32, #tpu.memory_space<vmem_shared>>
        tpu.wait_indirect_dma semaphore(%run_scoped3A : memref<!tpu.dma_semaphore, #tpu.memory_space<semaphore_mem>>) src(%arg8 : memref<128x128xf32, #tpu.memory_space<vmem>>) dst(%dma_wait3A_233 : memref<10112x128xf32, #tpu.memory_space<vmem_shared>>)
        tpu.yield
      }) : () -> ()
      %dma_wait3A_216 = arith.constant 0 : i32
      %dma_wait3A_217 = tpu.memref_slice %arg6[%add3A_199, %dma_wait3A_216] : memref<40x128xi32, #tpu.memory_space<vmem>> -> memref<1x128xi32, #tpu.memory_space<vmem>>
      %dma_wait3A_218 = tpu.memref_squeeze %dma_wait3A_217 : memref<1x128xi32, #tpu.memory_space<vmem>> -> memref<128xi32, #tpu.memory_space<vmem>>
      %dma_wait3A_219 = arith.constant 0 : i32
      %dma_wait3A_220 = arith.constant 0 : i32
      %dma_wait3A_221 = tpu.memref_slice %arg2[%dma_wait3A_219, %dma_wait3A_220] : memref<10000x128xf32, #tpu.memory_space<hbm>> -> memref<10000x128xf32, #tpu.memory_space<hbm>>
      tpu.wait_indirect_dma semaphore(%arg12 : memref<!tpu.dma_semaphore, #tpu.memory_space<semaphore_mem>>) src(%dma_wait3A_221 : memref<10000x128xf32, #tpu.memory_space<hbm>>) dst(%arg9 : memref<128x128xf32, #tpu.memory_space<vmem>>)
      "tpu.region"() ({
        %run_scoped3A = tpu.sem_alloc : memref<!tpu.dma_semaphore, #tpu.memory_space<semaphore_mem>>
        %dma_start3A_222 = arith.constant 0 : i32
        %dma_start3A_223 = tpu.memref_slice %arg7[%add3A_199, %dma_start3A_222] : memref<40x128xi32, #tpu.memory_space<vmem>> -> memref<1x128xi32, #tpu.memory_space<vmem>>
        %dma_start3A_224 = tpu.memref_squeeze %dma_start3A_223 : memref<1x128xi32, #tpu.memory_space<vmem>> -> memref<128xi32, #tpu.memory_space<vmem>>
        %dma_start3A_225 = arith.constant 0 : i32
        %dma_start3A_226 = arith.constant 0 : i32
        %dma_start3A_227 = tpu.memref_slice %arg10[%dma_start3A_225, %dma_start3A_226] : memref<10112x128xf32, #tpu.memory_space<vmem_shared>> -> memref<10112x128xf32, #tpu.memory_space<vmem_shared>>
        tpu.enqueue_indirect_dma source(%arg9 : memref<128x128xf32, #tpu.memory_space<vmem>>) target(%dma_start3A_227 : memref<10112x128xf32, #tpu.memory_space<vmem_shared>>) offsets(%dma_start3A_224 : memref<128xi32, #tpu.memory_space<vmem>>) semaphore(%run_scoped3A : memref<!tpu.dma_semaphore, #tpu.memory_space<semaphore_mem>>) {add = true}
        %dma_wait3A_228 = arith.constant 0 : i32
        %dma_wait3A_229 = tpu.memref_slice %arg7[%add3A_199, %dma_wait3A_228] : memref<40x128xi32, #tpu.memory_space<vmem>> -> memref<1x128xi32, #tpu.memory_space<vmem>>
        %dma_wait3A_230 = tpu.memref_squeeze %dma_wait3A_229 : memref<1x128xi32, #tpu.memory_space<vmem>> -> memref<128xi32, #tpu.memory_space<vmem>>
        %dma_wait3A_231 = arith.constant 0 : i32
        %dma_wait3A_232 = arith.constant 0 : i32
        %dma_wait3A_233 = tpu.memref_slice %arg10[%dma_wait3A_231, %dma_wait3A_232] : memref<10112x128xf32, #tpu.memory_space<vmem_shared>> -> memref<10112x128xf32, #tpu.memory_space<vmem_shared>>
        tpu.wait_indirect_dma semaphore(%run_scoped3A : memref<!tpu.dma_semaphore, #tpu.memory_space<semaphore_mem>>) src(%arg9 : memref<128x128xf32, #tpu.memory_space<vmem>>) dst(%dma_wait3A_233 : memref<10112x128xf32, #tpu.memory_space<vmem_shared>>)
        tpu.yield
      }) : () -> ()
    }
    %sub3A_104 = arith.constant 80 : i32
    %sub3A_105 = arith.subi %select_n3A, %sub3A_104 : i32
    %jit3A_106 = arith.constant 0 : i32
    %jit3A_107 = arith.constant 40 : i32
    %max3A_108 = arith.maxsi %jit3A_106, %sub3A_105 : i32
    %min3A_109 = arith.minsi %jit3A_107, %max3A_108 : i32
    %add3A_110 = arith.constant 80 : i32
    %add3A_111 = arith.addi %select_n3A_6, %add3A_110 : i32
    "tpu.region"() ({
      %run_scoped3A = tpu.sem_alloc : memref<!tpu.dma_semaphore, #tpu.memory_space<semaphore_mem>>
      %dma_start3A = arith.constant 0 : i32
      %dma_start3A_193 = tpu.memref_slice %arg3[%add3A_111, %dma_start3A] : memref<2720x128xi32, #tpu.memory_space<hbm>> -> memref<40x128xi32, #tpu.memory_space<hbm>>
      %dma_start3A_194 = arith.constant 0 : i32
      %dma_start3A_195 = tpu.memref_slice %arg3[%add3A_111, %dma_start3A_194] : memref<2720x128xi32, #tpu.memory_space<hbm>> -> memref<40x128xi32, #tpu.memory_space<hbm>>
      tpu.enqueue_dma source(%dma_start3A_195 : memref<40x128xi32, #tpu.memory_space<hbm>>) target(%arg6 : memref<40x128xi32, #tpu.memory_space<vmem>>) target_semaphore(%run_scoped3A : memref<!tpu.dma_semaphore, #tpu.memory_space<semaphore_mem>>)
      %dma_wait3A = arith.constant 0 : i32
      %dma_wait3A_196 = tpu.memref_slice %arg3[%add3A_111, %dma_wait3A] : memref<2720x128xi32, #tpu.memory_space<hbm>> -> memref<40x128xi32, #tpu.memory_space<hbm>>
      %dma_wait3A_197 = arith.constant 0 : i32
      %dma_wait3A_198 = tpu.memref_slice %arg3[%add3A_111, %dma_wait3A_197] : memref<2720x128xi32, #tpu.memory_space<hbm>> -> memref<40x128xi32, #tpu.memory_space<hbm>>
      tpu.wait_dma2 semaphore(%run_scoped3A : memref<!tpu.dma_semaphore, #tpu.memory_space<semaphore_mem>>) src(%dma_wait3A_198 : memref<40x128xi32, #tpu.memory_space<hbm>>) dst(%arg6 : memref<40x128xi32, #tpu.memory_space<vmem>>)
      tpu.yield
    }) : () -> ()
    %add3A_112 = arith.constant 80 : i32
    %add3A_113 = arith.addi %select_n3A_6, %add3A_112 : i32
    "tpu.region"() ({
      %run_scoped3A = tpu.sem_alloc : memref<!tpu.dma_semaphore, #tpu.memory_space<semaphore_mem>>
      %dma_start3A = arith.constant 0 : i32
      %dma_start3A_193 = tpu.memref_slice %arg4[%add3A_113, %dma_start3A] : memref<2720x128xi32, #tpu.memory_space<hbm>> -> memref<40x128xi32, #tpu.memory_space<hbm>>
      %dma_start3A_194 = arith.constant 0 : i32
      %dma_start3A_195 = tpu.memref_slice %arg4[%add3A_113, %dma_start3A_194] : memref<2720x128xi32, #tpu.memory_space<hbm>> -> memref<40x128xi32, #tpu.memory_space<hbm>>
      tpu.enqueue_dma source(%dma_start3A_195 : memref<40x128xi32, #tpu.memory_space<hbm>>) target(%arg7 : memref<40x128xi32, #tpu.memory_space<vmem>>) target_semaphore(%run_scoped3A : memref<!tpu.dma_semaphore, #tpu.memory_space<semaphore_mem>>)
      %dma_wait3A = arith.constant 0 : i32
      %dma_wait3A_196 = tpu.memref_slice %arg4[%add3A_113, %dma_wait3A] : memref<2720x128xi32, #tpu.memory_space<hbm>> -> memref<40x128xi32, #tpu.memory_space<hbm>>
      %dma_wait3A_197 = arith.constant 0 : i32
      %dma_wait3A_198 = tpu.memref_slice %arg4[%add3A_113, %dma_wait3A_197] : memref<2720x128xi32, #tpu.memory_space<hbm>> -> memref<40x128xi32, #tpu.memory_space<hbm>>
      tpu.wait_dma2 semaphore(%run_scoped3A : memref<!tpu.dma_semaphore, #tpu.memory_space<semaphore_mem>>) src(%dma_wait3A_198 : memref<40x128xi32, #tpu.memory_space<hbm>>) dst(%arg7 : memref<40x128xi32, #tpu.memory_space<vmem>>)
      tpu.yield
    }) : () -> ()
    %jit3A_114 = arith.constant 2 : i32
    %div3A_115 = arith.divsi %min3A_109, %jit3A_114 : i32
    %sign3A_116 = arith.constant 0 : i32
    %sign3A_117 = arith.cmpi sgt, %min3A_109, %sign3A_116 : i32
    %sign3A_118 = arith.extui %sign3A_117 : i1 to i32
    %sign3A_119 = arith.constant 0 : i32
    %sign3A_120 = arith.cmpi slt, %min3A_109, %sign3A_119 : i32
    %sign3A_121 = arith.extui %sign3A_120 : i1 to i32
    %sign3A_122 = arith.subi %sign3A_118, %sign3A_121 : i32
    %sign3A_123 = arith.constant 0 : i32
    %sign3A_124 = arith.cmpi sgt, %jit3A_114, %sign3A_123 : i32
    %sign3A_125 = arith.extui %sign3A_124 : i1 to i32
    %sign3A_126 = arith.constant 0 : i32
    %sign3A_127 = arith.cmpi slt, %jit3A_114, %sign3A_126 : i32
    %sign3A_128 = arith.extui %sign3A_127 : i1 to i32
    %sign3A_129 = arith.subi %sign3A_125, %sign3A_128 : i32
    %ne3A_130 = arith.cmpi ne, %sign3A_122, %sign3A_129 : i32
    %rem3A_131 = arith.remsi %min3A_109, %jit3A_114 : i32
    %ne3A_132 = arith.constant 0 : i32
    %ne3A_133 = arith.cmpi ne, %rem3A_131, %ne3A_132 : i32
    %and3A_134 = arith.andi %ne3A_130, %ne3A_133 : i1
    %sub3A_135 = arith.constant 1 : i32
    %sub3A_136 = arith.subi %div3A_115, %sub3A_135 : i32
    %select_n3A_137 = arith.select %and3A_134, %sub3A_136, %div3A_115 : i32
    %while3A_138 = arith.constant 0 : i32
    %while3A_139 = arith.constant 0 : i32
    %while3A_140 = arith.subi %select_n3A_137, %while3A_139 : i32
    %while3A_141 = arith.addi %while3A_139, %while3A_140 : i32
    %while3A_142 = arith.constant 1 : i32
    %while3A_143 = arith.divsi %while3A_140, %while3A_142 : i32
    %while3A_144 = arith.muli %while3A_143, %while3A_142 : i32
    %while3A_145 = arith.addi %while3A_139, %while3A_144 : i32
    %while3A_146 = arith.constant 1 : i32
    scf.for %while3A_193 = %while3A_139 to %while3A_145 step %while3A_146  : i32 {
      %mul3A_194 = arith.constant 2 : i32
      %mul3A_195 = arith.muli %mul3A_194, %while3A_193 : i32
      %mul3A_196 = arith.constant 2 : i32
      %mul3A_197 = arith.muli %mul3A_196, %while3A_193 : i32
      %add3A_198 = arith.constant 1 : i32
      %add3A_199 = arith.addi %mul3A_197, %add3A_198 : i32
      %dma_start3A = arith.constant 0 : i32
      %dma_start3A_200 = tpu.memref_slice %arg6[%mul3A_195, %dma_start3A] : memref<40x128xi32, #tpu.memory_space<vmem>> -> memref<1x128xi32, #tpu.memory_space<vmem>>
      %dma_start3A_201 = tpu.memref_squeeze %dma_start3A_200 : memref<1x128xi32, #tpu.memory_space<vmem>> -> memref<128xi32, #tpu.memory_space<vmem>>
      %dma_start3A_202 = arith.constant 0 : i32
      %dma_start3A_203 = arith.constant 0 : i32
      %dma_start3A_204 = tpu.memref_slice %arg2[%dma_start3A_202, %dma_start3A_203] : memref<10000x128xf32, #tpu.memory_space<hbm>> -> memref<10000x128xf32, #tpu.memory_space<hbm>>
      tpu.enqueue_indirect_dma source(%dma_start3A_204 : memref<10000x128xf32, #tpu.memory_space<hbm>>) target(%arg8 : memref<128x128xf32, #tpu.memory_space<vmem>>) offsets(%dma_start3A_201 : memref<128xi32, #tpu.memory_space<vmem>>) semaphore(%arg11 : memref<!tpu.dma_semaphore, #tpu.memory_space<semaphore_mem>>)
      %dma_start3A_205 = arith.constant 0 : i32
      %dma_start3A_206 = tpu.memref_slice %arg6[%add3A_199, %dma_start3A_205] : memref<40x128xi32, #tpu.memory_space<vmem>> -> memref<1x128xi32, #tpu.memory_space<vmem>>
      %dma_start3A_207 = tpu.memref_squeeze %dma_start3A_206 : memref<1x128xi32, #tpu.memory_space<vmem>> -> memref<128xi32, #tpu.memory_space<vmem>>
      %dma_start3A_208 = arith.constant 0 : i32
      %dma_start3A_209 = arith.constant 0 : i32
      %dma_start3A_210 = tpu.memref_slice %arg2[%dma_start3A_208, %dma_start3A_209] : memref<10000x128xf32, #tpu.memory_space<hbm>> -> memref<10000x128xf32, #tpu.memory_space<hbm>>
      tpu.enqueue_indirect_dma source(%dma_start3A_210 : memref<10000x128xf32, #tpu.memory_space<hbm>>) target(%arg9 : memref<128x128xf32, #tpu.memory_space<vmem>>) offsets(%dma_start3A_207 : memref<128xi32, #tpu.memory_space<vmem>>) semaphore(%arg12 : memref<!tpu.dma_semaphore, #tpu.memory_space<semaphore_mem>>)
      %dma_wait3A = arith.constant 0 : i32
      %dma_wait3A_211 = tpu.memref_slice %arg6[%mul3A_195, %dma_wait3A] : memref<40x128xi32, #tpu.memory_space<vmem>> -> memref<1x128xi32, #tpu.memory_space<vmem>>
      %dma_wait3A_212 = tpu.memref_squeeze %dma_wait3A_211 : memref<1x128xi32, #tpu.memory_space<vmem>> -> memref<128xi32, #tpu.memory_space<vmem>>
      %dma_wait3A_213 = arith.constant 0 : i32
      %dma_wait3A_214 = arith.constant 0 : i32
      %dma_wait3A_215 = tpu.memref_slice %arg2[%dma_wait3A_213, %dma_wait3A_214] : memref<10000x128xf32, #tpu.memory_space<hbm>> -> memref<10000x128xf32, #tpu.memory_space<hbm>>
      tpu.wait_indirect_dma semaphore(%arg11 : memref<!tpu.dma_semaphore, #tpu.memory_space<semaphore_mem>>) src(%dma_wait3A_215 : memref<10000x128xf32, #tpu.memory_space<hbm>>) dst(%arg8 : memref<128x128xf32, #tpu.memory_space<vmem>>)
      "tpu.region"() ({
        %run_scoped3A = tpu.sem_alloc : memref<!tpu.dma_semaphore, #tpu.memory_space<semaphore_mem>>
        %dma_start3A_222 = arith.constant 0 : i32
        %dma_start3A_223 = tpu.memref_slice %arg7[%mul3A_195, %dma_start3A_222] : memref<40x128xi32, #tpu.memory_space<vmem>> -> memref<1x128xi32, #tpu.memory_space<vmem>>
        %dma_start3A_224 = tpu.memref_squeeze %dma_start3A_223 : memref<1x128xi32, #tpu.memory_space<vmem>> -> memref<128xi32, #tpu.memory_space<vmem>>
        %dma_start3A_225 = arith.constant 0 : i32
        %dma_start3A_226 = arith.constant 0 : i32
        %dma_start3A_227 = tpu.memref_slice %arg10[%dma_start3A_225, %dma_start3A_226] : memref<10112x128xf32, #tpu.memory_space<vmem_shared>> -> memref<10112x128xf32, #tpu.memory_space<vmem_shared>>
        tpu.enqueue_indirect_dma source(%arg8 : memref<128x128xf32, #tpu.memory_space<vmem>>) target(%dma_start3A_227 : memref<10112x128xf32, #tpu.memory_space<vmem_shared>>) offsets(%dma_start3A_224 : memref<128xi32, #tpu.memory_space<vmem>>) semaphore(%run_scoped3A : memref<!tpu.dma_semaphore, #tpu.memory_space<semaphore_mem>>) {add = true}
        %dma_wait3A_228 = arith.constant 0 : i32
        %dma_wait3A_229 = tpu.memref_slice %arg7[%mul3A_195, %dma_wait3A_228] : memref<40x128xi32, #tpu.memory_space<vmem>> -> memref<1x128xi32, #tpu.memory_space<vmem>>
        %dma_wait3A_230 = tpu.memref_squeeze %dma_wait3A_229 : memref<1x128xi32, #tpu.memory_space<vmem>> -> memref<128xi32, #tpu.memory_space<vmem>>
        %dma_wait3A_231 = arith.constant 0 : i32
        %dma_wait3A_232 = arith.constant 0 : i32
        %dma_wait3A_233 = tpu.memref_slice %arg10[%dma_wait3A_231, %dma_wait3A_232] : memref<10112x128xf32, #tpu.memory_space<vmem_shared>> -> memref<10112x128xf32, #tpu.memory_space<vmem_shared>>
        tpu.wait_indirect_dma semaphore(%run_scoped3A : memref<!tpu.dma_semaphore, #tpu.memory_space<semaphore_mem>>) src(%arg8 : memref<128x128xf32, #tpu.memory_space<vmem>>) dst(%dma_wait3A_233 : memref<10112x128xf32, #tpu.memory_space<vmem_shared>>)
        tpu.yield
      }) : () -> ()
      %dma_wait3A_216 = arith.constant 0 : i32
      %dma_wait3A_217 = tpu.memref_slice %arg6[%add3A_199, %dma_wait3A_216] : memref<40x128xi32, #tpu.memory_space<vmem>> -> memref<1x128xi32, #tpu.memory_space<vmem>>
      %dma_wait3A_218 = tpu.memref_squeeze %dma_wait3A_217 : memref<1x128xi32, #tpu.memory_space<vmem>> -> memref<128xi32, #tpu.memory_space<vmem>>
      %dma_wait3A_219 = arith.constant 0 : i32
      %dma_wait3A_220 = arith.constant 0 : i32
      %dma_wait3A_221 = tpu.memref_slice %arg2[%dma_wait3A_219, %dma_wait3A_220] : memref<10000x128xf32, #tpu.memory_space<hbm>> -> memref<10000x128xf32, #tpu.memory_space<hbm>>
      tpu.wait_indirect_dma semaphore(%arg12 : memref<!tpu.dma_semaphore, #tpu.memory_space<semaphore_mem>>) src(%dma_wait3A_221 : memref<10000x128xf32, #tpu.memory_space<hbm>>) dst(%arg9 : memref<128x128xf32, #tpu.memory_space<vmem>>)
      "tpu.region"() ({
        %run_scoped3A = tpu.sem_alloc : memref<!tpu.dma_semaphore, #tpu.memory_space<semaphore_mem>>
        %dma_start3A_222 = arith.constant 0 : i32
        %dma_start3A_223 = tpu.memref_slice %arg7[%add3A_199, %dma_start3A_222] : memref<40x128xi32, #tpu.memory_space<vmem>> -> memref<1x128xi32, #tpu.memory_space<vmem>>
        %dma_start3A_224 = tpu.memref_squeeze %dma_start3A_223 : memref<1x128xi32, #tpu.memory_space<vmem>> -> memref<128xi32, #tpu.memory_space<vmem>>
        %dma_start3A_225 = arith.constant 0 : i32
        %dma_start3A_226 = arith.constant 0 : i32
        %dma_start3A_227 = tpu.memref_slice %arg10[%dma_start3A_225, %dma_start3A_226] : memref<10112x128xf32, #tpu.memory_space<vmem_shared>> -> memref<10112x128xf32, #tpu.memory_space<vmem_shared>>
        tpu.enqueue_indirect_dma source(%arg9 : memref<128x128xf32, #tpu.memory_space<vmem>>) target(%dma_start3A_227 : memref<10112x128xf32, #tpu.memory_space<vmem_shared>>) offsets(%dma_start3A_224 : memref<128xi32, #tpu.memory_space<vmem>>) semaphore(%run_scoped3A : memref<!tpu.dma_semaphore, #tpu.memory_space<semaphore_mem>>) {add = true}
        %dma_wait3A_228 = arith.constant 0 : i32
        %dma_wait3A_229 = tpu.memref_slice %arg7[%add3A_199, %dma_wait3A_228] : memref<40x128xi32, #tpu.memory_space<vmem>> -> memref<1x128xi32, #tpu.memory_space<vmem>>
        %dma_wait3A_230 = tpu.memref_squeeze %dma_wait3A_229 : memref<1x128xi32, #tpu.memory_space<vmem>> -> memref<128xi32, #tpu.memory_space<vmem>>
        %dma_wait3A_231 = arith.constant 0 : i32
        %dma_wait3A_232 = arith.constant 0 : i32
        %dma_wait3A_233 = tpu.memref_slice %arg10[%dma_wait3A_231, %dma_wait3A_232] : memref<10112x128xf32, #tpu.memory_space<vmem_shared>> -> memref<10112x128xf32, #tpu.memory_space<vmem_shared>>
        tpu.wait_indirect_dma semaphore(%run_scoped3A : memref<!tpu.dma_semaphore, #tpu.memory_space<semaphore_mem>>) src(%arg9 : memref<128x128xf32, #tpu.memory_space<vmem>>) dst(%dma_wait3A_233 : memref<10112x128xf32, #tpu.memory_space<vmem_shared>>)
        tpu.yield
      }) : () -> ()
    }
    %while3A_147 = arith.constant 1 : i32
    scf.for %while3A_193 = %while3A_145 to %while3A_141 step %while3A_147  : i32 {
      %mul3A_194 = arith.constant 2 : i32
      %mul3A_195 = arith.muli %mul3A_194, %while3A_193 : i32
      %mul3A_196 = arith.constant 2 : i32
      %mul3A_197 = arith.muli %mul3A_196, %while3A_193 : i32
      %add3A_198 = arith.constant 1 : i32
      %add3A_199 = arith.addi %mul3A_197, %add3A_198 : i32
      %dma_start3A = arith.constant 0 : i32
      %dma_start3A_200 = tpu.memref_slice %arg6[%mul3A_195, %dma_start3A] : memref<40x128xi32, #tpu.memory_space<vmem>> -> memref<1x128xi32, #tpu.memory_space<vmem>>
      %dma_start3A_201 = tpu.memref_squeeze %dma_start3A_200 : memref<1x128xi32, #tpu.memory_space<vmem>> -> memref<128xi32, #tpu.memory_space<vmem>>
      %dma_start3A_202 = arith.constant 0 : i32
      %dma_start3A_203 = arith.constant 0 : i32
      %dma_start3A_204 = tpu.memref_slice %arg2[%dma_start3A_202, %dma_start3A_203] : memref<10000x128xf32, #tpu.memory_space<hbm>> -> memref<10000x128xf32, #tpu.memory_space<hbm>>
      tpu.enqueue_indirect_dma source(%dma_start3A_204 : memref<10000x128xf32, #tpu.memory_space<hbm>>) target(%arg8 : memref<128x128xf32, #tpu.memory_space<vmem>>) offsets(%dma_start3A_201 : memref<128xi32, #tpu.memory_space<vmem>>) semaphore(%arg11 : memref<!tpu.dma_semaphore, #tpu.memory_space<semaphore_mem>>)
      %dma_start3A_205 = arith.constant 0 : i32
      %dma_start3A_206 = tpu.memref_slice %arg6[%add3A_199, %dma_start3A_205] : memref<40x128xi32, #tpu.memory_space<vmem>> -> memref<1x128xi32, #tpu.memory_space<vmem>>
      %dma_start3A_207 = tpu.memref_squeeze %dma_start3A_206 : memref<1x128xi32, #tpu.memory_space<vmem>> -> memref<128xi32, #tpu.memory_space<vmem>>
      %dma_start3A_208 = arith.constant 0 : i32
      %dma_start3A_209 = arith.constant 0 : i32
      %dma_start3A_210 = tpu.memref_slice %arg2[%dma_start3A_208, %dma_start3A_209] : memref<10000x128xf32, #tpu.memory_space<hbm>> -> memref<10000x128xf32, #tpu.memory_space<hbm>>
      tpu.enqueue_indirect_dma source(%dma_start3A_210 : memref<10000x128xf32, #tpu.memory_space<hbm>>) target(%arg9 : memref<128x128xf32, #tpu.memory_space<vmem>>) offsets(%dma_start3A_207 : memref<128xi32, #tpu.memory_space<vmem>>) semaphore(%arg12 : memref<!tpu.dma_semaphore, #tpu.memory_space<semaphore_mem>>)
      %dma_wait3A = arith.constant 0 : i32
      %dma_wait3A_211 = tpu.memref_slice %arg6[%mul3A_195, %dma_wait3A] : memref<40x128xi32, #tpu.memory_space<vmem>> -> memref<1x128xi32, #tpu.memory_space<vmem>>
      %dma_wait3A_212 = tpu.memref_squeeze %dma_wait3A_211 : memref<1x128xi32, #tpu.memory_space<vmem>> -> memref<128xi32, #tpu.memory_space<vmem>>
      %dma_wait3A_213 = arith.constant 0 : i32
      %dma_wait3A_214 = arith.constant 0 : i32
      %dma_wait3A_215 = tpu.memref_slice %arg2[%dma_wait3A_213, %dma_wait3A_214] : memref<10000x128xf32, #tpu.memory_space<hbm>> -> memref<10000x128xf32, #tpu.memory_space<hbm>>
      tpu.wait_indirect_dma semaphore(%arg11 : memref<!tpu.dma_semaphore, #tpu.memory_space<semaphore_mem>>) src(%dma_wait3A_215 : memref<10000x128xf32, #tpu.memory_space<hbm>>) dst(%arg8 : memref<128x128xf32, #tpu.memory_space<vmem>>)
      "tpu.region"() ({
        %run_scoped3A = tpu.sem_alloc : memref<!tpu.dma_semaphore, #tpu.memory_space<semaphore_mem>>
        %dma_start3A_222 = arith.constant 0 : i32
        %dma_start3A_223 = tpu.memref_slice %arg7[%mul3A_195, %dma_start3A_222] : memref<40x128xi32, #tpu.memory_space<vmem>> -> memref<1x128xi32, #tpu.memory_space<vmem>>
        %dma_start3A_224 = tpu.memref_squeeze %dma_start3A_223 : memref<1x128xi32, #tpu.memory_space<vmem>> -> memref<128xi32, #tpu.memory_space<vmem>>
        %dma_start3A_225 = arith.constant 0 : i32
        %dma_start3A_226 = arith.constant 0 : i32
        %dma_start3A_227 = tpu.memref_slice %arg10[%dma_start3A_225, %dma_start3A_226] : memref<10112x128xf32, #tpu.memory_space<vmem_shared>> -> memref<10112x128xf32, #tpu.memory_space<vmem_shared>>
        tpu.enqueue_indirect_dma source(%arg8 : memref<128x128xf32, #tpu.memory_space<vmem>>) target(%dma_start3A_227 : memref<10112x128xf32, #tpu.memory_space<vmem_shared>>) offsets(%dma_start3A_224 : memref<128xi32, #tpu.memory_space<vmem>>) semaphore(%run_scoped3A : memref<!tpu.dma_semaphore, #tpu.memory_space<semaphore_mem>>) {add = true}
        %dma_wait3A_228 = arith.constant 0 : i32
        %dma_wait3A_229 = tpu.memref_slice %arg7[%mul3A_195, %dma_wait3A_228] : memref<40x128xi32, #tpu.memory_space<vmem>> -> memref<1x128xi32, #tpu.memory_space<vmem>>
        %dma_wait3A_230 = tpu.memref_squeeze %dma_wait3A_229 : memref<1x128xi32, #tpu.memory_space<vmem>> -> memref<128xi32, #tpu.memory_space<vmem>>
        %dma_wait3A_231 = arith.constant 0 : i32
        %dma_wait3A_232 = arith.constant 0 : i32
        %dma_wait3A_233 = tpu.memref_slice %arg10[%dma_wait3A_231, %dma_wait3A_232] : memref<10112x128xf32, #tpu.memory_space<vmem_shared>> -> memref<10112x128xf32, #tpu.memory_space<vmem_shared>>
        tpu.wait_indirect_dma semaphore(%run_scoped3A : memref<!tpu.dma_semaphore, #tpu.memory_space<semaphore_mem>>) src(%arg8 : memref<128x128xf32, #tpu.memory_space<vmem>>) dst(%dma_wait3A_233 : memref<10112x128xf32, #tpu.memory_space<vmem_shared>>)
        tpu.yield
      }) : () -> ()
      %dma_wait3A_216 = arith.constant 0 : i32
      %dma_wait3A_217 = tpu.memref_slice %arg6[%add3A_199, %dma_wait3A_216] : memref<40x128xi32, #tpu.memory_space<vmem>> -> memref<1x128xi32, #tpu.memory_space<vmem>>
      %dma_wait3A_218 = tpu.memref_squeeze %dma_wait3A_217 : memref<1x128xi32, #tpu.memory_space<vmem>> -> memref<128xi32, #tpu.memory_space<vmem>>
      %dma_wait3A_219 = arith.constant 0 : i32
      %dma_wait3A_220 = arith.constant 0 : i32
      %dma_wait3A_221 = tpu.memref_slice %arg2[%dma_wait3A_219, %dma_wait3A_220] : memref<10000x128xf32, #tpu.memory_space<hbm>> -> memref<10000x128xf32, #tpu.memory_space<hbm>>
      tpu.wait_indirect_dma semaphore(%arg12 : memref<!tpu.dma_semaphore, #tpu.memory_space<semaphore_mem>>) src(%dma_wait3A_221 : memref<10000x128xf32, #tpu.memory_space<hbm>>) dst(%arg9 : memref<128x128xf32, #tpu.memory_space<vmem>>)
      "tpu.region"() ({
        %run_scoped3A = tpu.sem_alloc : memref<!tpu.dma_semaphore, #tpu.memory_space<semaphore_mem>>
        %dma_start3A_222 = arith.constant 0 : i32
        %dma_start3A_223 = tpu.memref_slice %arg7[%add3A_199, %dma_start3A_222] : memref<40x128xi32, #tpu.memory_space<vmem>> -> memref<1x128xi32, #tpu.memory_space<vmem>>
        %dma_start3A_224 = tpu.memref_squeeze %dma_start3A_223 : memref<1x128xi32, #tpu.memory_space<vmem>> -> memref<128xi32, #tpu.memory_space<vmem>>
        %dma_start3A_225 = arith.constant 0 : i32
        %dma_start3A_226 = arith.constant 0 : i32
        %dma_start3A_227 = tpu.memref_slice %arg10[%dma_start3A_225, %dma_start3A_226] : memref<10112x128xf32, #tpu.memory_space<vmem_shared>> -> memref<10112x128xf32, #tpu.memory_space<vmem_shared>>
        tpu.enqueue_indirect_dma source(%arg9 : memref<128x128xf32, #tpu.memory_space<vmem>>) target(%dma_start3A_227 : memref<10112x128xf32, #tpu.memory_space<vmem_shared>>) offsets(%dma_start3A_224 : memref<128xi32, #tpu.memory_space<vmem>>) semaphore(%run_scoped3A : memref<!tpu.dma_semaphore, #tpu.memory_space<semaphore_mem>>) {add = true}
        %dma_wait3A_228 = arith.constant 0 : i32
        %dma_wait3A_229 = tpu.memref_slice %arg7[%add3A_199, %dma_wait3A_228] : memref<40x128xi32, #tpu.memory_space<vmem>> -> memref<1x128xi32, #tpu.memory_space<vmem>>
        %dma_wait3A_230 = tpu.memref_squeeze %dma_wait3A_229 : memref<1x128xi32, #tpu.memory_space<vmem>> -> memref<128xi32, #tpu.memory_space<vmem>>
        %dma_wait3A_231 = arith.constant 0 : i32
        %dma_wait3A_232 = arith.constant 0 : i32
        %dma_wait3A_233 = tpu.memref_slice %arg10[%dma_wait3A_231, %dma_wait3A_232] : memref<10112x128xf32, #tpu.memory_space<vmem_shared>> -> memref<10112x128xf32, #tpu.memory_space<vmem_shared>>
        tpu.wait_indirect_dma semaphore(%run_scoped3A : memref<!tpu.dma_semaphore, #tpu.memory_space<semaphore_mem>>) src(%arg9 : memref<128x128xf32, #tpu.memory_space<vmem>>) dst(%dma_wait3A_233 : memref<10112x128xf32, #tpu.memory_space<vmem_shared>>)
        tpu.yield
      }) : () -> ()
    }
    %sub3A_148 = arith.constant 120 : i32
    %sub3A_149 = arith.subi %select_n3A, %sub3A_148 : i32
    %jit3A_150 = arith.constant 0 : i32
    %jit3A_151 = arith.constant 40 : i32
    %max3A_152 = arith.maxsi %jit3A_150, %sub3A_149 : i32
    %min3A_153 = arith.minsi %jit3A_151, %max3A_152 : i32
    %add3A_154 = arith.constant 120 : i32
    %add3A_155 = arith.addi %select_n3A_6, %add3A_154 : i32
    "tpu.region"() ({
      %run_scoped3A = tpu.sem_alloc : memref<!tpu.dma_semaphore, #tpu.memory_space<semaphore_mem>>
      %dma_start3A = arith.constant 0 : i32
      %dma_start3A_193 = tpu.memref_slice %arg3[%add3A_155, %dma_start3A] : memref<2720x128xi32, #tpu.memory_space<hbm>> -> memref<40x128xi32, #tpu.memory_space<hbm>>
      %dma_start3A_194 = arith.constant 0 : i32
      %dma_start3A_195 = tpu.memref_slice %arg3[%add3A_155, %dma_start3A_194] : memref<2720x128xi32, #tpu.memory_space<hbm>> -> memref<40x128xi32, #tpu.memory_space<hbm>>
      tpu.enqueue_dma source(%dma_start3A_195 : memref<40x128xi32, #tpu.memory_space<hbm>>) target(%arg6 : memref<40x128xi32, #tpu.memory_space<vmem>>) target_semaphore(%run_scoped3A : memref<!tpu.dma_semaphore, #tpu.memory_space<semaphore_mem>>)
      %dma_wait3A = arith.constant 0 : i32
      %dma_wait3A_196 = tpu.memref_slice %arg3[%add3A_155, %dma_wait3A] : memref<2720x128xi32, #tpu.memory_space<hbm>> -> memref<40x128xi32, #tpu.memory_space<hbm>>
      %dma_wait3A_197 = arith.constant 0 : i32
      %dma_wait3A_198 = tpu.memref_slice %arg3[%add3A_155, %dma_wait3A_197] : memref<2720x128xi32, #tpu.memory_space<hbm>> -> memref<40x128xi32, #tpu.memory_space<hbm>>
      tpu.wait_dma2 semaphore(%run_scoped3A : memref<!tpu.dma_semaphore, #tpu.memory_space<semaphore_mem>>) src(%dma_wait3A_198 : memref<40x128xi32, #tpu.memory_space<hbm>>) dst(%arg6 : memref<40x128xi32, #tpu.memory_space<vmem>>)
      tpu.yield
    }) : () -> ()
    %add3A_156 = arith.constant 120 : i32
    %add3A_157 = arith.addi %select_n3A_6, %add3A_156 : i32
    "tpu.region"() ({
      %run_scoped3A = tpu.sem_alloc : memref<!tpu.dma_semaphore, #tpu.memory_space<semaphore_mem>>
      %dma_start3A = arith.constant 0 : i32
      %dma_start3A_193 = tpu.memref_slice %arg4[%add3A_157, %dma_start3A] : memref<2720x128xi32, #tpu.memory_space<hbm>> -> memref<40x128xi32, #tpu.memory_space<hbm>>
      %dma_start3A_194 = arith.constant 0 : i32
      %dma_start3A_195 = tpu.memref_slice %arg4[%add3A_157, %dma_start3A_194] : memref<2720x128xi32, #tpu.memory_space<hbm>> -> memref<40x128xi32, #tpu.memory_space<hbm>>
      tpu.enqueue_dma source(%dma_start3A_195 : memref<40x128xi32, #tpu.memory_space<hbm>>) target(%arg7 : memref<40x128xi32, #tpu.memory_space<vmem>>) target_semaphore(%run_scoped3A : memref<!tpu.dma_semaphore, #tpu.memory_space<semaphore_mem>>)
      %dma_wait3A = arith.constant 0 : i32
      %dma_wait3A_196 = tpu.memref_slice %arg4[%add3A_157, %dma_wait3A] : memref<2720x128xi32, #tpu.memory_space<hbm>> -> memref<40x128xi32, #tpu.memory_space<hbm>>
      %dma_wait3A_197 = arith.constant 0 : i32
      %dma_wait3A_198 = tpu.memref_slice %arg4[%add3A_157, %dma_wait3A_197] : memref<2720x128xi32, #tpu.memory_space<hbm>> -> memref<40x128xi32, #tpu.memory_space<hbm>>
      tpu.wait_dma2 semaphore(%run_scoped3A : memref<!tpu.dma_semaphore, #tpu.memory_space<semaphore_mem>>) src(%dma_wait3A_198 : memref<40x128xi32, #tpu.memory_space<hbm>>) dst(%arg7 : memref<40x128xi32, #tpu.memory_space<vmem>>)
      tpu.yield
    }) : () -> ()
    %jit3A_158 = arith.constant 2 : i32
    %div3A_159 = arith.divsi %min3A_153, %jit3A_158 : i32
    %sign3A_160 = arith.constant 0 : i32
    %sign3A_161 = arith.cmpi sgt, %min3A_153, %sign3A_160 : i32
    %sign3A_162 = arith.extui %sign3A_161 : i1 to i32
    %sign3A_163 = arith.constant 0 : i32
    %sign3A_164 = arith.cmpi slt, %min3A_153, %sign3A_163 : i32
    %sign3A_165 = arith.extui %sign3A_164 : i1 to i32
    %sign3A_166 = arith.subi %sign3A_162, %sign3A_165 : i32
    %sign3A_167 = arith.constant 0 : i32
    %sign3A_168 = arith.cmpi sgt, %jit3A_158, %sign3A_167 : i32
    %sign3A_169 = arith.extui %sign3A_168 : i1 to i32
    %sign3A_170 = arith.constant 0 : i32
    %sign3A_171 = arith.cmpi slt, %jit3A_158, %sign3A_170 : i32
    %sign3A_172 = arith.extui %sign3A_171 : i1 to i32
    %sign3A_173 = arith.subi %sign3A_169, %sign3A_172 : i32
    %ne3A_174 = arith.cmpi ne, %sign3A_166, %sign3A_173 : i32
    %rem3A_175 = arith.remsi %min3A_153, %jit3A_158 : i32
    %ne3A_176 = arith.constant 0 : i32
    %ne3A_177 = arith.cmpi ne, %rem3A_175, %ne3A_176 : i32
    %and3A_178 = arith.andi %ne3A_174, %ne3A_177 : i1
    %sub3A_179 = arith.constant 1 : i32
    %sub3A_180 = arith.subi %div3A_159, %sub3A_179 : i32
    %select_n3A_181 = arith.select %and3A_178, %sub3A_180, %div3A_159 : i32
    %while3A_182 = arith.constant 0 : i32
    %while3A_183 = arith.constant 0 : i32
    %while3A_184 = arith.subi %select_n3A_181, %while3A_183 : i32
    %while3A_185 = arith.addi %while3A_183, %while3A_184 : i32
    %while3A_186 = arith.constant 1 : i32
    %while3A_187 = arith.divsi %while3A_184, %while3A_186 : i32
    %while3A_188 = arith.muli %while3A_187, %while3A_186 : i32
    %while3A_189 = arith.addi %while3A_183, %while3A_188 : i32
    %while3A_190 = arith.constant 1 : i32
    scf.for %while3A_193 = %while3A_183 to %while3A_189 step %while3A_190  : i32 {
      %mul3A_194 = arith.constant 2 : i32
      %mul3A_195 = arith.muli %mul3A_194, %while3A_193 : i32
      %mul3A_196 = arith.constant 2 : i32
      %mul3A_197 = arith.muli %mul3A_196, %while3A_193 : i32
      %add3A_198 = arith.constant 1 : i32
      %add3A_199 = arith.addi %mul3A_197, %add3A_198 : i32
      %dma_start3A = arith.constant 0 : i32
      %dma_start3A_200 = tpu.memref_slice %arg6[%mul3A_195, %dma_start3A] : memref<40x128xi32, #tpu.memory_space<vmem>> -> memref<1x128xi32, #tpu.memory_space<vmem>>
      %dma_start3A_201 = tpu.memref_squeeze %dma_start3A_200 : memref<1x128xi32, #tpu.memory_space<vmem>> -> memref<128xi32, #tpu.memory_space<vmem>>
      %dma_start3A_202 = arith.constant 0 : i32
      %dma_start3A_203 = arith.constant 0 : i32
      %dma_start3A_204 = tpu.memref_slice %arg2[%dma_start3A_202, %dma_start3A_203] : memref<10000x128xf32, #tpu.memory_space<hbm>> -> memref<10000x128xf32, #tpu.memory_space<hbm>>
      tpu.enqueue_indirect_dma source(%dma_start3A_204 : memref<10000x128xf32, #tpu.memory_space<hbm>>) target(%arg8 : memref<128x128xf32, #tpu.memory_space<vmem>>) offsets(%dma_start3A_201 : memref<128xi32, #tpu.memory_space<vmem>>) semaphore(%arg11 : memref<!tpu.dma_semaphore, #tpu.memory_space<semaphore_mem>>)
      %dma_start3A_205 = arith.constant 0 : i32
      %dma_start3A_206 = tpu.memref_slice %arg6[%add3A_199, %dma_start3A_205] : memref<40x128xi32, #tpu.memory_space<vmem>> -> memref<1x128xi32, #tpu.memory_space<vmem>>
      %dma_start3A_207 = tpu.memref_squeeze %dma_start3A_206 : memref<1x128xi32, #tpu.memory_space<vmem>> -> memref<128xi32, #tpu.memory_space<vmem>>
      %dma_start3A_208 = arith.constant 0 : i32
      %dma_start3A_209 = arith.constant 0 : i32
      %dma_start3A_210 = tpu.memref_slice %arg2[%dma_start3A_208, %dma_start3A_209] : memref<10000x128xf32, #tpu.memory_space<hbm>> -> memref<10000x128xf32, #tpu.memory_space<hbm>>
      tpu.enqueue_indirect_dma source(%dma_start3A_210 : memref<10000x128xf32, #tpu.memory_space<hbm>>) target(%arg9 : memref<128x128xf32, #tpu.memory_space<vmem>>) offsets(%dma_start3A_207 : memref<128xi32, #tpu.memory_space<vmem>>) semaphore(%arg12 : memref<!tpu.dma_semaphore, #tpu.memory_space<semaphore_mem>>)
      %dma_wait3A = arith.constant 0 : i32
      %dma_wait3A_211 = tpu.memref_slice %arg6[%mul3A_195, %dma_wait3A] : memref<40x128xi32, #tpu.memory_space<vmem>> -> memref<1x128xi32, #tpu.memory_space<vmem>>
      %dma_wait3A_212 = tpu.memref_squeeze %dma_wait3A_211 : memref<1x128xi32, #tpu.memory_space<vmem>> -> memref<128xi32, #tpu.memory_space<vmem>>
      %dma_wait3A_213 = arith.constant 0 : i32
      %dma_wait3A_214 = arith.constant 0 : i32
      %dma_wait3A_215 = tpu.memref_slice %arg2[%dma_wait3A_213, %dma_wait3A_214] : memref<10000x128xf32, #tpu.memory_space<hbm>> -> memref<10000x128xf32, #tpu.memory_space<hbm>>
      tpu.wait_indirect_dma semaphore(%arg11 : memref<!tpu.dma_semaphore, #tpu.memory_space<semaphore_mem>>) src(%dma_wait3A_215 : memref<10000x128xf32, #tpu.memory_space<hbm>>) dst(%arg8 : memref<128x128xf32, #tpu.memory_space<vmem>>)
      "tpu.region"() ({
        %run_scoped3A = tpu.sem_alloc : memref<!tpu.dma_semaphore, #tpu.memory_space<semaphore_mem>>
        %dma_start3A_222 = arith.constant 0 : i32
        %dma_start3A_223 = tpu.memref_slice %arg7[%mul3A_195, %dma_start3A_222] : memref<40x128xi32, #tpu.memory_space<vmem>> -> memref<1x128xi32, #tpu.memory_space<vmem>>
        %dma_start3A_224 = tpu.memref_squeeze %dma_start3A_223 : memref<1x128xi32, #tpu.memory_space<vmem>> -> memref<128xi32, #tpu.memory_space<vmem>>
        %dma_start3A_225 = arith.constant 0 : i32
        %dma_start3A_226 = arith.constant 0 : i32
        %dma_start3A_227 = tpu.memref_slice %arg10[%dma_start3A_225, %dma_start3A_226] : memref<10112x128xf32, #tpu.memory_space<vmem_shared>> -> memref<10112x128xf32, #tpu.memory_space<vmem_shared>>
        tpu.enqueue_indirect_dma source(%arg8 : memref<128x128xf32, #tpu.memory_space<vmem>>) target(%dma_start3A_227 : memref<10112x128xf32, #tpu.memory_space<vmem_shared>>) offsets(%dma_start3A_224 : memref<128xi32, #tpu.memory_space<vmem>>) semaphore(%run_scoped3A : memref<!tpu.dma_semaphore, #tpu.memory_space<semaphore_mem>>) {add = true}
        %dma_wait3A_228 = arith.constant 0 : i32
        %dma_wait3A_229 = tpu.memref_slice %arg7[%mul3A_195, %dma_wait3A_228] : memref<40x128xi32, #tpu.memory_space<vmem>> -> memref<1x128xi32, #tpu.memory_space<vmem>>
        %dma_wait3A_230 = tpu.memref_squeeze %dma_wait3A_229 : memref<1x128xi32, #tpu.memory_space<vmem>> -> memref<128xi32, #tpu.memory_space<vmem>>
        %dma_wait3A_231 = arith.constant 0 : i32
        %dma_wait3A_232 = arith.constant 0 : i32
        %dma_wait3A_233 = tpu.memref_slice %arg10[%dma_wait3A_231, %dma_wait3A_232] : memref<10112x128xf32, #tpu.memory_space<vmem_shared>> -> memref<10112x128xf32, #tpu.memory_space<vmem_shared>>
        tpu.wait_indirect_dma semaphore(%run_scoped3A : memref<!tpu.dma_semaphore, #tpu.memory_space<semaphore_mem>>) src(%arg8 : memref<128x128xf32, #tpu.memory_space<vmem>>) dst(%dma_wait3A_233 : memref<10112x128xf32, #tpu.memory_space<vmem_shared>>)
        tpu.yield
      }) : () -> ()
      %dma_wait3A_216 = arith.constant 0 : i32
      %dma_wait3A_217 = tpu.memref_slice %arg6[%add3A_199, %dma_wait3A_216] : memref<40x128xi32, #tpu.memory_space<vmem>> -> memref<1x128xi32, #tpu.memory_space<vmem>>
      %dma_wait3A_218 = tpu.memref_squeeze %dma_wait3A_217 : memref<1x128xi32, #tpu.memory_space<vmem>> -> memref<128xi32, #tpu.memory_space<vmem>>
      %dma_wait3A_219 = arith.constant 0 : i32
      %dma_wait3A_220 = arith.constant 0 : i32
      %dma_wait3A_221 = tpu.memref_slice %arg2[%dma_wait3A_219, %dma_wait3A_220] : memref<10000x128xf32, #tpu.memory_space<hbm>> -> memref<10000x128xf32, #tpu.memory_space<hbm>>
      tpu.wait_indirect_dma semaphore(%arg12 : memref<!tpu.dma_semaphore, #tpu.memory_space<semaphore_mem>>) src(%dma_wait3A_221 : memref<10000x128xf32, #tpu.memory_space<hbm>>) dst(%arg9 : memref<128x128xf32, #tpu.memory_space<vmem>>)
      "tpu.region"() ({
        %run_scoped3A = tpu.sem_alloc : memref<!tpu.dma_semaphore, #tpu.memory_space<semaphore_mem>>
        %dma_start3A_222 = arith.constant 0 : i32
        %dma_start3A_223 = tpu.memref_slice %arg7[%add3A_199, %dma_start3A_222] : memref<40x128xi32, #tpu.memory_space<vmem>> -> memref<1x128xi32, #tpu.memory_space<vmem>>
        %dma_start3A_224 = tpu.memref_squeeze %dma_start3A_223 : memref<1x128xi32, #tpu.memory_space<vmem>> -> memref<128xi32, #tpu.memory_space<vmem>>
        %dma_start3A_225 = arith.constant 0 : i32
        %dma_start3A_226 = arith.constant 0 : i32
        %dma_start3A_227 = tpu.memref_slice %arg10[%dma_start3A_225, %dma_start3A_226] : memref<10112x128xf32, #tpu.memory_space<vmem_shared>> -> memref<10112x128xf32, #tpu.memory_space<vmem_shared>>
        tpu.enqueue_indirect_dma source(%arg9 : memref<128x128xf32, #tpu.memory_space<vmem>>) target(%dma_start3A_227 : memref<10112x128xf32, #tpu.memory_space<vmem_shared>>) offsets(%dma_start3A_224 : memref<128xi32, #tpu.memory_space<vmem>>) semaphore(%run_scoped3A : memref<!tpu.dma_semaphore, #tpu.memory_space<semaphore_mem>>) {add = true}
        %dma_wait3A_228 = arith.constant 0 : i32
        %dma_wait3A_229 = tpu.memref_slice %arg7[%add3A_199, %dma_wait3A_228] : memref<40x128xi32, #tpu.memory_space<vmem>> -> memref<1x128xi32, #tpu.memory_space<vmem>>
        %dma_wait3A_230 = tpu.memref_squeeze %dma_wait3A_229 : memref<1x128xi32, #tpu.memory_space<vmem>> -> memref<128xi32, #tpu.memory_space<vmem>>
        %dma_wait3A_231 = arith.constant 0 : i32
        %dma_wait3A_232 = arith.constant 0 : i32
        %dma_wait3A_233 = tpu.memref_slice %arg10[%dma_wait3A_231, %dma_wait3A_232] : memref<10112x128xf32, #tpu.memory_space<vmem_shared>> -> memref<10112x128xf32, #tpu.memory_space<vmem_shared>>
        tpu.wait_indirect_dma semaphore(%run_scoped3A : memref<!tpu.dma_semaphore, #tpu.memory_space<semaphore_mem>>) src(%arg9 : memref<128x128xf32, #tpu.memory_space<vmem>>) dst(%dma_wait3A_233 : memref<10112x128xf32, #tpu.memory_space<vmem_shared>>)
        tpu.yield
      }) : () -> ()
    }
    %while3A_191 = arith.constant 1 : i32
    scf.for %while3A_193 = %while3A_189 to %while3A_185 step %while3A_191  : i32 {
      %mul3A_194 = arith.constant 2 : i32
      %mul3A_195 = arith.muli %mul3A_194, %while3A_193 : i32
      %mul3A_196 = arith.constant 2 : i32
      %mul3A_197 = arith.muli %mul3A_196, %while3A_193 : i32
      %add3A_198 = arith.constant 1 : i32
      %add3A_199 = arith.addi %mul3A_197, %add3A_198 : i32
      %dma_start3A = arith.constant 0 : i32
      %dma_start3A_200 = tpu.memref_slice %arg6[%mul3A_195, %dma_start3A] : memref<40x128xi32, #tpu.memory_space<vmem>> -> memref<1x128xi32, #tpu.memory_space<vmem>>
      %dma_start3A_201 = tpu.memref_squeeze %dma_start3A_200 : memref<1x128xi32, #tpu.memory_space<vmem>> -> memref<128xi32, #tpu.memory_space<vmem>>
      %dma_start3A_202 = arith.constant 0 : i32
      %dma_start3A_203 = arith.constant 0 : i32
      %dma_start3A_204 = tpu.memref_slice %arg2[%dma_start3A_202, %dma_start3A_203] : memref<10000x128xf32, #tpu.memory_space<hbm>> -> memref<10000x128xf32, #tpu.memory_space<hbm>>
      tpu.enqueue_indirect_dma source(%dma_start3A_204 : memref<10000x128xf32, #tpu.memory_space<hbm>>) target(%arg8 : memref<128x128xf32, #tpu.memory_space<vmem>>) offsets(%dma_start3A_201 : memref<128xi32, #tpu.memory_space<vmem>>) semaphore(%arg11 : memref<!tpu.dma_semaphore, #tpu.memory_space<semaphore_mem>>)
      %dma_start3A_205 = arith.constant 0 : i32
      %dma_start3A_206 = tpu.memref_slice %arg6[%add3A_199, %dma_start3A_205] : memref<40x128xi32, #tpu.memory_space<vmem>> -> memref<1x128xi32, #tpu.memory_space<vmem>>
      %dma_start3A_207 = tpu.memref_squeeze %dma_start3A_206 : memref<1x128xi32, #tpu.memory_space<vmem>> -> memref<128xi32, #tpu.memory_space<vmem>>
      %dma_start3A_208 = arith.constant 0 : i32
      %dma_start3A_209 = arith.constant 0 : i32
      %dma_start3A_210 = tpu.memref_slice %arg2[%dma_start3A_208, %dma_start3A_209] : memref<10000x128xf32, #tpu.memory_space<hbm>> -> memref<10000x128xf32, #tpu.memory_space<hbm>>
      tpu.enqueue_indirect_dma source(%dma_start3A_210 : memref<10000x128xf32, #tpu.memory_space<hbm>>) target(%arg9 : memref<128x128xf32, #tpu.memory_space<vmem>>) offsets(%dma_start3A_207 : memref<128xi32, #tpu.memory_space<vmem>>) semaphore(%arg12 : memref<!tpu.dma_semaphore, #tpu.memory_space<semaphore_mem>>)
      %dma_wait3A = arith.constant 0 : i32
      %dma_wait3A_211 = tpu.memref_slice %arg6[%mul3A_195, %dma_wait3A] : memref<40x128xi32, #tpu.memory_space<vmem>> -> memref<1x128xi32, #tpu.memory_space<vmem>>
      %dma_wait3A_212 = tpu.memref_squeeze %dma_wait3A_211 : memref<1x128xi32, #tpu.memory_space<vmem>> -> memref<128xi32, #tpu.memory_space<vmem>>
      %dma_wait3A_213 = arith.constant 0 : i32
      %dma_wait3A_214 = arith.constant 0 : i32
      %dma_wait3A_215 = tpu.memref_slice %arg2[%dma_wait3A_213, %dma_wait3A_214] : memref<10000x128xf32, #tpu.memory_space<hbm>> -> memref<10000x128xf32, #tpu.memory_space<hbm>>
      tpu.wait_indirect_dma semaphore(%arg11 : memref<!tpu.dma_semaphore, #tpu.memory_space<semaphore_mem>>) src(%dma_wait3A_215 : memref<10000x128xf32, #tpu.memory_space<hbm>>) dst(%arg8 : memref<128x128xf32, #tpu.memory_space<vmem>>)
      "tpu.region"() ({
        %run_scoped3A = tpu.sem_alloc : memref<!tpu.dma_semaphore, #tpu.memory_space<semaphore_mem>>
        %dma_start3A_222 = arith.constant 0 : i32
        %dma_start3A_223 = tpu.memref_slice %arg7[%mul3A_195, %dma_start3A_222] : memref<40x128xi32, #tpu.memory_space<vmem>> -> memref<1x128xi32, #tpu.memory_space<vmem>>
        %dma_start3A_224 = tpu.memref_squeeze %dma_start3A_223 : memref<1x128xi32, #tpu.memory_space<vmem>> -> memref<128xi32, #tpu.memory_space<vmem>>
        %dma_start3A_225 = arith.constant 0 : i32
        %dma_start3A_226 = arith.constant 0 : i32
        %dma_start3A_227 = tpu.memref_slice %arg10[%dma_start3A_225, %dma_start3A_226] : memref<10112x128xf32, #tpu.memory_space<vmem_shared>> -> memref<10112x128xf32, #tpu.memory_space<vmem_shared>>
        tpu.enqueue_indirect_dma source(%arg8 : memref<128x128xf32, #tpu.memory_space<vmem>>) target(%dma_start3A_227 : memref<10112x128xf32, #tpu.memory_space<vmem_shared>>) offsets(%dma_start3A_224 : memref<128xi32, #tpu.memory_space<vmem>>) semaphore(%run_scoped3A : memref<!tpu.dma_semaphore, #tpu.memory_space<semaphore_mem>>) {add = true}
        %dma_wait3A_228 = arith.constant 0 : i32
        %dma_wait3A_229 = tpu.memref_slice %arg7[%mul3A_195, %dma_wait3A_228] : memref<40x128xi32, #tpu.memory_space<vmem>> -> memref<1x128xi32, #tpu.memory_space<vmem>>
        %dma_wait3A_230 = tpu.memref_squeeze %dma_wait3A_229 : memref<1x128xi32, #tpu.memory_space<vmem>> -> memref<128xi32, #tpu.memory_space<vmem>>
        %dma_wait3A_231 = arith.constant 0 : i32
        %dma_wait3A_232 = arith.constant 0 : i32
        %dma_wait3A_233 = tpu.memref_slice %arg10[%dma_wait3A_231, %dma_wait3A_232] : memref<10112x128xf32, #tpu.memory_space<vmem_shared>> -> memref<10112x128xf32, #tpu.memory_space<vmem_shared>>
        tpu.wait_indirect_dma semaphore(%run_scoped3A : memref<!tpu.dma_semaphore, #tpu.memory_space<semaphore_mem>>) src(%arg8 : memref<128x128xf32, #tpu.memory_space<vmem>>) dst(%dma_wait3A_233 : memref<10112x128xf32, #tpu.memory_space<vmem_shared>>)
        tpu.yield
      }) : () -> ()
      %dma_wait3A_216 = arith.constant 0 : i32
      %dma_wait3A_217 = tpu.memref_slice %arg6[%add3A_199, %dma_wait3A_216] : memref<40x128xi32, #tpu.memory_space<vmem>> -> memref<1x128xi32, #tpu.memory_space<vmem>>
      %dma_wait3A_218 = tpu.memref_squeeze %dma_wait3A_217 : memref<1x128xi32, #tpu.memory_space<vmem>> -> memref<128xi32, #tpu.memory_space<vmem>>
      %dma_wait3A_219 = arith.constant 0 : i32
      %dma_wait3A_220 = arith.constant 0 : i32
      %dma_wait3A_221 = tpu.memref_slice %arg2[%dma_wait3A_219, %dma_wait3A_220] : memref<10000x128xf32, #tpu.memory_space<hbm>> -> memref<10000x128xf32, #tpu.memory_space<hbm>>
      tpu.wait_indirect_dma semaphore(%arg12 : memref<!tpu.dma_semaphore, #tpu.memory_space<semaphore_mem>>) src(%dma_wait3A_221 : memref<10000x128xf32, #tpu.memory_space<hbm>>) dst(%arg9 : memref<128x128xf32, #tpu.memory_space<vmem>>)
      "tpu.region"() ({
        %run_scoped3A = tpu.sem_alloc : memref<!tpu.dma_semaphore, #tpu.memory_space<semaphore_mem>>
        %dma_start3A_222 = arith.constant 0 : i32
        %dma_start3A_223 = tpu.memref_slice %arg7[%add3A_199, %dma_start3A_222] : memref<40x128xi32, #tpu.memory_space<vmem>> -> memref<1x128xi32, #tpu.memory_space<vmem>>
        %dma_start3A_224 = tpu.memref_squeeze %dma_start3A_223 : memref<1x128xi32, #tpu.memory_space<vmem>> -> memref<128xi32, #tpu.memory_space<vmem>>
        %dma_start3A_225 = arith.constant 0 : i32
        %dma_start3A_226 = arith.constant 0 : i32
        %dma_start3A_227 = tpu.memref_slice %arg10[%dma_start3A_225, %dma_start3A_226] : memref<10112x128xf32, #tpu.memory_space<vmem_shared>> -> memref<10112x128xf32, #tpu.memory_space<vmem_shared>>
        tpu.enqueue_indirect_dma source(%arg9 : memref<128x128xf32, #tpu.memory_space<vmem>>) target(%dma_start3A_227 : memref<10112x128xf32, #tpu.memory_space<vmem_shared>>) offsets(%dma_start3A_224 : memref<128xi32, #tpu.memory_space<vmem>>) semaphore(%run_scoped3A : memref<!tpu.dma_semaphore, #tpu.memory_space<semaphore_mem>>) {add = true}
        %dma_wait3A_228 = arith.constant 0 : i32
        %dma_wait3A_229 = tpu.memref_slice %arg7[%add3A_199, %dma_wait3A_228] : memref<40x128xi32, #tpu.memory_space<vmem>> -> memref<1x128xi32, #tpu.memory_space<vmem>>
        %dma_wait3A_230 = tpu.memref_squeeze %dma_wait3A_229 : memref<1x128xi32, #tpu.memory_space<vmem>> -> memref<128xi32, #tpu.memory_space<vmem>>
        %dma_wait3A_231 = arith.constant 0 : i32
        %dma_wait3A_232 = arith.constant 0 : i32
        %dma_wait3A_233 = tpu.memref_slice %arg10[%dma_wait3A_231, %dma_wait3A_232] : memref<10112x128xf32, #tpu.memory_space<vmem_shared>> -> memref<10112x128xf32, #tpu.memory_space<vmem_shared>>
        tpu.wait_indirect_dma semaphore(%run_scoped3A : memref<!tpu.dma_semaphore, #tpu.memory_space<semaphore_mem>>) src(%arg9 : memref<128x128xf32, #tpu.memory_space<vmem>>) dst(%dma_wait3A_233 : memref<10112x128xf32, #tpu.memory_space<vmem_shared>>)
        tpu.yield
      }) : () -> ()
    }
    %barrier3A_192 = arith.constant 0 : index
    tpu.barrier barrier_id(%barrier3A_192)
    "tpu.region"() ({
      %run_scoped3A = tpu.sem_alloc : memref<!tpu.dma_semaphore, #tpu.memory_space<semaphore_mem>>
      %dma_start3A = arith.constant 0 : i32
      %dma_start3A_193 = tpu.memref_slice %arg5[%arg0, %mul3A_14, %dma_start3A] : memref<2x10112x128xf32, #tpu.memory_space<hbm>> -> memref<1x632x128xf32, #tpu.memory_space<hbm>>
      %dma_start3A_194 = tpu.memref_squeeze %dma_start3A_193 : memref<1x632x128xf32, #tpu.memory_space<hbm>> -> memref<632x128xf32, #tpu.memory_space<hbm>>
      %dma_start3A_195 = arith.constant 0 : i32
      %dma_start3A_196 = tpu.memref_slice %arg10[%mul3A_14, %dma_start3A_195] : memref<10112x128xf32, #tpu.memory_space<vmem_shared>> -> memref<632x128xf32, #tpu.memory_space<vmem_shared>>
      tpu.enqueue_dma source(%dma_start3A_196 : memref<632x128xf32, #tpu.memory_space<vmem_shared>>) target(%dma_start3A_194 : memref<632x128xf32, #tpu.memory_space<hbm>>) target_semaphore(%run_scoped3A : memref<!tpu.dma_semaphore, #tpu.memory_space<semaphore_mem>>)
      %dma_wait3A = arith.constant 0 : i32
      %dma_wait3A_197 = tpu.memref_slice %arg5[%arg0, %mul3A_14, %dma_wait3A] : memref<2x10112x128xf32, #tpu.memory_space<hbm>> -> memref<1x632x128xf32, #tpu.memory_space<hbm>>
      %dma_wait3A_198 = tpu.memref_squeeze %dma_wait3A_197 : memref<1x632x128xf32, #tpu.memory_space<hbm>> -> memref<632x128xf32, #tpu.memory_space<hbm>>
      %dma_wait3A_199 = arith.constant 0 : i32
      %dma_wait3A_200 = tpu.memref_slice %arg10[%mul3A_14, %dma_wait3A_199] : memref<10112x128xf32, #tpu.memory_space<vmem_shared>> -> memref<632x128xf32, #tpu.memory_space<vmem_shared>>
      tpu.wait_dma2 semaphore(%run_scoped3A : memref<!tpu.dma_semaphore, #tpu.memory_space<semaphore_mem>>) src(%dma_wait3A_200 : memref<632x128xf32, #tpu.memory_space<vmem_shared>>) dst(%dma_wait3A_198 : memref<632x128xf32, #tpu.memory_space<hbm>>)
      tpu.yield
    }) : () -> ()
    return
  }
}

module attributes {stable_mosaic.version = 14 : i64} {
  func.func @_layer_body(%arg0: i32, %arg1: memref<1000x128xf32, #tpu.memory_space<vmem>>, %arg2: memref<2x1000x128xf32, #tpu.memory_space<vmem>>, %arg3: memref<2x1000x128xf32, #tpu.memory_space<vmem>>, %arg4: memref<128x128xf32, #tpu.memory_space<vmem>>, %arg5: memref<128x128xf32, #tpu.memory_space<vmem>>, %arg6: memref<1x128xf32, #tpu.memory_space<vmem>>, %arg7: memref<1000x128xf32, #tpu.memory_space<vmem>>, %arg8: memref<8x128xf32, #tpu.memory_space<vmem>>, %arg9: memref<8x128xf32, #tpu.memory_space<vmem>>) attributes {dimension_semantics = [#tpu.dimension_semantics<arbitrary>], iteration_bounds = array<i64: 10>, scalar_prefetch = 0 : i64, scratch_operands = 0 : i64, tpu.core_type = #tpu.core_type<tc>, window_params = [{transform_indices = @transform_0, window_bounds = array<i64: 1000, 128>}, {transform_indices = @transform_1, window_bounds = array<i64: 2, 1000, 128>}, {transform_indices = @transform_2, window_bounds = array<i64: 2, 1000, 128>}, {pipeline_mode = #tpu.pipeline_mode<synchronous>, transform_indices = @transform_3, window_bounds = array<i64: 128, 128>}, {pipeline_mode = #tpu.pipeline_mode<synchronous>, transform_indices = @transform_4, window_bounds = array<i64: 128, 128>}, {pipeline_mode = #tpu.pipeline_mode<synchronous>, transform_indices = @transform_5, window_bounds = array<i64: 1, 128>}, {transform_indices = @transform_6, window_bounds = array<i64: 1000, 128>}, {pipeline_mode = #tpu.pipeline_mode<synchronous>, transform_indices = @transform_7, window_bounds = array<i64: 8, 128>}, {pipeline_mode = #tpu.pipeline_mode<synchronous>, transform_indices = @transform_8, window_bounds = array<i64: 8, 128>}]} {
    %get3A = arith.constant 0 : index
    %get3A_0 = arith.constant 0 : index
    %get3A_1 = vector.load %arg1[%get3A, %get3A_0] : memref<1000x128xf32, #tpu.memory_space<vmem>>, vector<1000x128xf32>
    %get3A_2 = arith.constant 0 : index
    %get3A_3 = arith.constant 0 : index
    %get3A_4 = arith.constant 0 : index
    %get3A_5 = vector.load %arg2[%get3A_2, %get3A_3, %get3A_4] : memref<2x1000x128xf32, #tpu.memory_space<vmem>>, vector<1x1000x128xf32>
    %get3A_6 = vector.shape_cast %get3A_5 : vector<1x1000x128xf32> to vector<1000x128xf32>
    %get3A_7 = arith.constant 1 : index
    %get3A_8 = arith.constant 0 : index
    %get3A_9 = arith.constant 0 : index
    %get3A_10 = vector.load %arg2[%get3A_7, %get3A_8, %get3A_9] : memref<2x1000x128xf32, #tpu.memory_space<vmem>>, vector<1x1000x128xf32>
    %get3A_11 = vector.shape_cast %get3A_10 : vector<1x1000x128xf32> to vector<1000x128xf32>
    %add3A = arith.addf %get3A_6, %get3A_11 : vector<1000x128xf32>
    %get3A_12 = arith.constant 0 : index
    %get3A_13 = arith.constant 0 : index
    %get3A_14 = arith.constant 0 : index
    %get3A_15 = vector.load %arg3[%get3A_12, %get3A_13, %get3A_14] : memref<2x1000x128xf32, #tpu.memory_space<vmem>>, vector<1x1000x1xf32>
    %get3A_16 = vector.shape_cast %get3A_15 : vector<1x1000x1xf32> to vector<1000x1xf32>
    %get3A_17 = arith.constant 1 : index
    %get3A_18 = arith.constant 0 : index
    %get3A_19 = arith.constant 0 : index
    %get3A_20 = vector.load %arg3[%get3A_17, %get3A_18, %get3A_19] : memref<2x1000x128xf32, #tpu.memory_space<vmem>>, vector<1x1000x1xf32>
    %get3A_21 = vector.shape_cast %get3A_20 : vector<1x1000x1xf32> to vector<1000x1xf32>
    %add3A_22 = arith.addf %get3A_16, %get3A_21 : vector<1000x1xf32>
    %max3A = arith.constant 1.000000e+00 : f32
    %max3A_23 = vector.broadcast %max3A : f32 to vector<1000x1xf32>
    %max3A_24 = arith.maximumf %add3A_22, %max3A_23 : vector<1000x1xf32>
    %div3A = arith.constant 1.000000e+00 : f32
    %div3A_25 = vector.broadcast %div3A : f32 to vector<1000x1xf32>
    %div3A_26 = arith.divf %div3A_25, %max3A_24 : vector<1000x1xf32>
    %mul3A = vector.broadcast %div3A_26 : vector<1000x1xf32> to vector<1000x128xf32>
    %mul3A_27 = arith.mulf %add3A, %mul3A : vector<1000x128xf32>
    %get3A_28 = arith.constant 0 : index
    %get3A_29 = arith.constant 0 : index
    %get3A_30 = vector.load %arg4[%get3A_28, %get3A_29] : memref<128x128xf32, #tpu.memory_space<vmem>>, vector<128x128xf32>
    %dot_general3A = arith.constant dense<0.000000e+00> : vector<1000x128xf32>
    %dot_general3A_31 = tpu.matmul %get3A_1, %get3A_30, %dot_general3A {dimension_numbers = #tpu.dot_dimension_numbers<[1], [0], [0], [1], [0, 0, 1, 1], [], []>, transpose_lhs_hint = false} : vector<1000x128xf32>, vector<128x128xf32>, vector<1000x128xf32> -> vector<1000x128xf32>
    %get3A_32 = arith.constant 0 : index
    %get3A_33 = arith.constant 0 : index
    %get3A_34 = vector.load %arg5[%get3A_32, %get3A_33] : memref<128x128xf32, #tpu.memory_space<vmem>>, vector<128x128xf32>
    %dot_general3A_35 = arith.constant dense<0.000000e+00> : vector<1000x128xf32>
    %dot_general3A_36 = tpu.matmul %mul3A_27, %get3A_34, %dot_general3A_35 {dimension_numbers = #tpu.dot_dimension_numbers<[1], [0], [0], [1], [0, 0, 1, 1], [], []>, transpose_lhs_hint = false} : vector<1000x128xf32>, vector<128x128xf32>, vector<1000x128xf32> -> vector<1000x128xf32>
    %add3A_37 = arith.addf %dot_general3A_31, %dot_general3A_36 : vector<1000x128xf32>
    %get3A_38 = arith.constant 0 : index
    %get3A_39 = arith.constant 0 : index
    %get3A_40 = vector.load %arg6[%get3A_38, %get3A_39] : memref<1x128xf32, #tpu.memory_space<vmem>>, vector<1x128xf32>
    %add3A_41 = vector.broadcast %get3A_40 : vector<1x128xf32> to vector<1000x128xf32>
    %add3A_42 = arith.addf %add3A_37, %add3A_41 : vector<1000x128xf32>
    %max3A_43 = arith.constant 0.000000e+00 : f32
    %max3A_44 = vector.broadcast %max3A_43 : f32 to vector<1000x128xf32>
    %max3A_45 = arith.maximumf %add3A_42, %max3A_44 : vector<1000x128xf32>
    %swap3A = arith.constant 0 : index
    %swap3A_46 = arith.constant 0 : index
    %swap3A_47 = vector.load %arg7[%swap3A, %swap3A_46] : memref<1000x128xf32, #tpu.memory_space<vmem>>, vector<1000x128xf32>
    tpu.vector_store %arg7[%swap3A, %swap3A_46], %max3A_45 {strides = array<i32>} : memref<1000x128xf32, #tpu.memory_space<vmem>>, vector<1000x128xf32>,
    %reduce_max3A = arith.constant dense<0xFF800000> : vector<128xf32>
    %reduce_max3A_48 = vector.multi_reduction <maximumf>, %max3A_45, %reduce_max3A [0] : vector<1000x128xf32> to vector<128xf32>
    %broadcast_in_dim3A = vector.shape_cast %reduce_max3A_48 : vector<128xf32> to vector<1x128xf32>
    %broadcast_in_dim3A_49 = vector.broadcast %broadcast_in_dim3A : vector<1x128xf32> to vector<8x128xf32>
    %reduce_sum3A = arith.constant dense<0.000000e+00> : vector<128xf32>
    %reduce_sum3A_50 = vector.multi_reduction <add>, %max3A_45, %reduce_sum3A [0] : vector<1000x128xf32> to vector<128xf32>
    %broadcast_in_dim3A_51 = vector.shape_cast %reduce_sum3A_50 : vector<128xf32> to vector<1x128xf32>
    %broadcast_in_dim3A_52 = vector.broadcast %broadcast_in_dim3A_51 : vector<1x128xf32> to vector<8x128xf32>
    %eq3A = arith.constant 0 : i32
    %eq3A_53 = arith.cmpi eq, %arg0, %eq3A : i32
    %convert_element_type3A = arith.extui %eq3A_53 : i1 to i32
    %cond3A = arith.constant 0 : i32
    %cond3A_54 = arith.cmpi ne, %convert_element_type3A, %cond3A : i32
    scf.if %cond3A_54 {
      %swap3A_59 = arith.constant 0 : index
      %swap3A_60 = arith.constant 0 : index
      %swap3A_61 = vector.load %arg8[%swap3A_59, %swap3A_60] : memref<8x128xf32, #tpu.memory_space<vmem>>, vector<8x128xf32>
      tpu.vector_store %arg8[%swap3A_59, %swap3A_60], %broadcast_in_dim3A_49 {strides = array<i32>} : memref<8x128xf32, #tpu.memory_space<vmem>>, vector<8x128xf32>,
      %swap3A_62 = arith.constant 0 : index
      %swap3A_63 = arith.constant 0 : index
      %swap3A_64 = vector.load %arg9[%swap3A_62, %swap3A_63] : memref<8x128xf32, #tpu.memory_space<vmem>>, vector<8x128xf32>
      tpu.vector_store %arg9[%swap3A_62, %swap3A_63], %broadcast_in_dim3A_52 {strides = array<i32>} : memref<8x128xf32, #tpu.memory_space<vmem>>, vector<8x128xf32>,
    } else {
    }
    %gt3A = arith.constant 0 : i32
    %gt3A_55 = arith.cmpi sgt, %arg0, %gt3A : i32
    %convert_element_type3A_56 = arith.extui %gt3A_55 : i1 to i32
    %cond3A_57 = arith.constant 0 : i32
    %cond3A_58 = arith.cmpi ne, %convert_element_type3A_56, %cond3A_57 : i32
    scf.if %cond3A_58 {
      %get3A_59 = arith.constant 0 : index
      %get3A_60 = arith.constant 0 : index
      %get3A_61 = vector.load %arg8[%get3A_59, %get3A_60] : memref<8x128xf32, #tpu.memory_space<vmem>>, vector<8x128xf32>
      %max3A_62 = arith.maximumf %get3A_61, %broadcast_in_dim3A_49 : vector<8x128xf32>
      %swap3A_63 = arith.constant 0 : index
      %swap3A_64 = arith.constant 0 : index
      %swap3A_65 = vector.load %arg8[%swap3A_63, %swap3A_64] : memref<8x128xf32, #tpu.memory_space<vmem>>, vector<8x128xf32>
      tpu.vector_store %arg8[%swap3A_63, %swap3A_64], %max3A_62 {strides = array<i32>} : memref<8x128xf32, #tpu.memory_space<vmem>>, vector<8x128xf32>,
      %get3A_66 = arith.constant 0 : index
      %get3A_67 = arith.constant 0 : index
      %get3A_68 = vector.load %arg9[%get3A_66, %get3A_67] : memref<8x128xf32, #tpu.memory_space<vmem>>, vector<8x128xf32>
      %add3A_69 = arith.addf %get3A_68, %broadcast_in_dim3A_52 : vector<8x128xf32>
      %swap3A_70 = arith.constant 0 : index
      %swap3A_71 = arith.constant 0 : index
      %swap3A_72 = vector.load %arg9[%swap3A_70, %swap3A_71] : memref<8x128xf32, #tpu.memory_space<vmem>>, vector<8x128xf32>
      tpu.vector_store %arg9[%swap3A_70, %swap3A_71], %add3A_69 {strides = array<i32>} : memref<8x128xf32, #tpu.memory_space<vmem>>, vector<8x128xf32>,
    } else {
    }
    return
  }
  func.func @transform_0(%arg0: i32) -> (i32, i32) {
    %c0_i32 = arith.constant 0 : i32
    %c0_i32_0 = arith.constant 0 : i32
    return %arg0, %c0_i32 : i32, i32
  }
  func.func @transform_1(%arg0: i32) -> (i32, i32, i32) {
    %c0_i32 = arith.constant 0 : i32
    %c0_i32_0 = arith.constant 0 : i32
    %c0_i32_1 = arith.constant 0 : i32
    return %c0_i32, %arg0, %c0_i32_0 : i32, i32, i32
  }
  func.func @transform_2(%arg0: i32) -> (i32, i32, i32) {
    %c0_i32 = arith.constant 0 : i32
    %c0_i32_0 = arith.constant 0 : i32
    %c0_i32_1 = arith.constant 0 : i32
    return %c0_i32, %arg0, %c0_i32_0 : i32, i32, i32
  }
  func.func @transform_3(%arg0: i32) -> (i32, i32) {
    %c0_i32 = arith.constant 0 : i32
    %c0_i32_0 = arith.constant 0 : i32
    %c0_i32_1 = arith.constant 0 : i32
    return %c0_i32, %c0_i32_0 : i32, i32
  }
  func.func @transform_4(%arg0: i32) -> (i32, i32) {
    %c0_i32 = arith.constant 0 : i32
    %c0_i32_0 = arith.constant 0 : i32
    %c0_i32_1 = arith.constant 0 : i32
    return %c0_i32, %c0_i32_0 : i32, i32
  }
  func.func @transform_5(%arg0: i32) -> (i32, i32) {
    %c0_i32 = arith.constant 0 : i32
    %c0_i32_0 = arith.constant 0 : i32
    %c0_i32_1 = arith.constant 0 : i32
    return %c0_i32, %c0_i32_0 : i32, i32
  }
  func.func @transform_6(%arg0: i32) -> (i32, i32) {
    %c0_i32 = arith.constant 0 : i32
    %c0_i32_0 = arith.constant 0 : i32
    return %arg0, %c0_i32 : i32, i32
  }
  func.func @transform_7(%arg0: i32) -> (i32, i32) {
    %c0_i32 = arith.constant 0 : i32
    %c0_i32_0 = arith.constant 0 : i32
    %c0_i32_1 = arith.constant 0 : i32
    return %c0_i32, %c0_i32_0 : i32, i32
  }
  func.func @transform_8(%arg0: i32) -> (i32, i32) {
    %c0_i32 = arith.constant 0 : i32
    %c0_i32_0 = arith.constant 0 : i32
    %c0_i32_1 = arith.constant 0 : i32
    return %c0_i32, %c0_i32_0 : i32, i32
  }
}

module attributes {stable_mosaic.version = 14 : i64} {
  func.func @_layer_body(%arg0: i32, %arg1: memref<1000x128xf32, #tpu.memory_space<vmem>>, %arg2: memref<2x1000x128xf32, #tpu.memory_space<vmem>>, %arg3: memref<2x1000x128xf32, #tpu.memory_space<vmem>>, %arg4: memref<128x128xf32, #tpu.memory_space<vmem>>, %arg5: memref<128x128xf32, #tpu.memory_space<vmem>>, %arg6: memref<1x128xf32, #tpu.memory_space<vmem>>, %arg7: memref<1000x128xf32, #tpu.memory_space<vmem>>, %arg8: memref<8x128xf32, #tpu.memory_space<vmem>>, %arg9: memref<8x128xf32, #tpu.memory_space<vmem>>) attributes {dimension_semantics = [#tpu.dimension_semantics<arbitrary>], iteration_bounds = array<i64: 10>, scalar_prefetch = 0 : i64, scratch_operands = 0 : i64, tpu.core_type = #tpu.core_type<tc>, window_params = [{transform_indices = @transform_0, window_bounds = array<i64: 1000, 128>}, {transform_indices = @transform_1, window_bounds = array<i64: 2, 1000, 128>}, {transform_indices = @transform_2, window_bounds = array<i64: 2, 1000, 128>}, {pipeline_mode = #tpu.pipeline_mode<synchronous>, transform_indices = @transform_3, window_bounds = array<i64: 128, 128>}, {pipeline_mode = #tpu.pipeline_mode<synchronous>, transform_indices = @transform_4, window_bounds = array<i64: 128, 128>}, {pipeline_mode = #tpu.pipeline_mode<synchronous>, transform_indices = @transform_5, window_bounds = array<i64: 1, 128>}, {transform_indices = @transform_6, window_bounds = array<i64: 1000, 128>}, {pipeline_mode = #tpu.pipeline_mode<synchronous>, transform_indices = @transform_7, window_bounds = array<i64: 8, 128>}, {pipeline_mode = #tpu.pipeline_mode<synchronous>, transform_indices = @transform_8, window_bounds = array<i64: 8, 128>}]} {
    %get3A = arith.constant 0 : index
    %get3A_0 = arith.constant 0 : index
    %get3A_1 = vector.load %arg1[%get3A, %get3A_0] : memref<1000x128xf32, #tpu.memory_space<vmem>>, vector<1000x128xf32>
    %get3A_2 = arith.constant 0 : index
    %get3A_3 = arith.constant 0 : index
    %get3A_4 = arith.constant 0 : index
    %get3A_5 = vector.load %arg2[%get3A_2, %get3A_3, %get3A_4] : memref<2x1000x128xf32, #tpu.memory_space<vmem>>, vector<1x1000x128xf32>
    %get3A_6 = vector.shape_cast %get3A_5 : vector<1x1000x128xf32> to vector<1000x128xf32>
    %get3A_7 = arith.constant 1 : index
    %get3A_8 = arith.constant 0 : index
    %get3A_9 = arith.constant 0 : index
    %get3A_10 = vector.load %arg2[%get3A_7, %get3A_8, %get3A_9] : memref<2x1000x128xf32, #tpu.memory_space<vmem>>, vector<1x1000x128xf32>
    %get3A_11 = vector.shape_cast %get3A_10 : vector<1x1000x128xf32> to vector<1000x128xf32>
    %add3A = arith.addf %get3A_6, %get3A_11 : vector<1000x128xf32>
    %get3A_12 = arith.constant 0 : index
    %get3A_13 = arith.constant 0 : index
    %get3A_14 = arith.constant 0 : index
    %get3A_15 = vector.load %arg3[%get3A_12, %get3A_13, %get3A_14] : memref<2x1000x128xf32, #tpu.memory_space<vmem>>, vector<1x1000x1xf32>
    %get3A_16 = vector.shape_cast %get3A_15 : vector<1x1000x1xf32> to vector<1000x1xf32>
    %get3A_17 = arith.constant 1 : index
    %get3A_18 = arith.constant 0 : index
    %get3A_19 = arith.constant 0 : index
    %get3A_20 = vector.load %arg3[%get3A_17, %get3A_18, %get3A_19] : memref<2x1000x128xf32, #tpu.memory_space<vmem>>, vector<1x1000x1xf32>
    %get3A_21 = vector.shape_cast %get3A_20 : vector<1x1000x1xf32> to vector<1000x1xf32>
    %add3A_22 = arith.addf %get3A_16, %get3A_21 : vector<1000x1xf32>
    %max3A = arith.constant 1.000000e+00 : f32
    %max3A_23 = vector.broadcast %max3A : f32 to vector<1000x1xf32>
    %max3A_24 = arith.maximumf %add3A_22, %max3A_23 : vector<1000x1xf32>
    %div3A = arith.constant 1.000000e+00 : f32
    %div3A_25 = vector.broadcast %div3A : f32 to vector<1000x1xf32>
    %div3A_26 = arith.divf %div3A_25, %max3A_24 : vector<1000x1xf32>
    %mul3A = vector.broadcast %div3A_26 : vector<1000x1xf32> to vector<1000x128xf32>
    %mul3A_27 = arith.mulf %add3A, %mul3A : vector<1000x128xf32>
    %get3A_28 = arith.constant 0 : index
    %get3A_29 = arith.constant 0 : index
    %get3A_30 = vector.load %arg4[%get3A_28, %get3A_29] : memref<128x128xf32, #tpu.memory_space<vmem>>, vector<128x128xf32>
    %dot_general3A = arith.constant dense<0.000000e+00> : vector<1000x128xf32>
    %dot_general3A_31 = tpu.matmul %get3A_1, %get3A_30, %dot_general3A {dimension_numbers = #tpu.dot_dimension_numbers<[1], [0], [0], [1], [0, 0, 1, 1], [], []>, transpose_lhs_hint = false} : vector<1000x128xf32>, vector<128x128xf32>, vector<1000x128xf32> -> vector<1000x128xf32>
    %get3A_32 = arith.constant 0 : index
    %get3A_33 = arith.constant 0 : index
    %get3A_34 = vector.load %arg5[%get3A_32, %get3A_33] : memref<128x128xf32, #tpu.memory_space<vmem>>, vector<128x128xf32>
    %dot_general3A_35 = arith.constant dense<0.000000e+00> : vector<1000x128xf32>
    %dot_general3A_36 = tpu.matmul %mul3A_27, %get3A_34, %dot_general3A_35 {dimension_numbers = #tpu.dot_dimension_numbers<[1], [0], [0], [1], [0, 0, 1, 1], [], []>, transpose_lhs_hint = false} : vector<1000x128xf32>, vector<128x128xf32>, vector<1000x128xf32> -> vector<1000x128xf32>
    %add3A_37 = arith.addf %dot_general3A_31, %dot_general3A_36 : vector<1000x128xf32>
    %get3A_38 = arith.constant 0 : index
    %get3A_39 = arith.constant 0 : index
    %get3A_40 = vector.load %arg6[%get3A_38, %get3A_39] : memref<1x128xf32, #tpu.memory_space<vmem>>, vector<1x128xf32>
    %add3A_41 = vector.broadcast %get3A_40 : vector<1x128xf32> to vector<1000x128xf32>
    %add3A_42 = arith.addf %add3A_37, %add3A_41 : vector<1000x128xf32>
    %max3A_43 = arith.constant 0.000000e+00 : f32
    %max3A_44 = vector.broadcast %max3A_43 : f32 to vector<1000x128xf32>
    %max3A_45 = arith.maximumf %add3A_42, %max3A_44 : vector<1000x128xf32>
    %swap3A = arith.constant 0 : index
    %swap3A_46 = arith.constant 0 : index
    %swap3A_47 = vector.load %arg7[%swap3A, %swap3A_46] : memref<1000x128xf32, #tpu.memory_space<vmem>>, vector<1000x128xf32>
    tpu.vector_store %arg7[%swap3A, %swap3A_46], %max3A_45 {strides = array<i32>} : memref<1000x128xf32, #tpu.memory_space<vmem>>, vector<1000x128xf32>,
    %reduce_max3A = arith.constant dense<0xFF800000> : vector<128xf32>
    %reduce_max3A_48 = vector.multi_reduction <maximumf>, %max3A_45, %reduce_max3A [0] : vector<1000x128xf32> to vector<128xf32>
    %broadcast_in_dim3A = vector.shape_cast %reduce_max3A_48 : vector<128xf32> to vector<1x128xf32>
    %broadcast_in_dim3A_49 = vector.broadcast %broadcast_in_dim3A : vector<1x128xf32> to vector<8x128xf32>
    %reduce_sum3A = arith.constant dense<0.000000e+00> : vector<128xf32>
    %reduce_sum3A_50 = vector.multi_reduction <add>, %max3A_45, %reduce_sum3A [0] : vector<1000x128xf32> to vector<128xf32>
    %broadcast_in_dim3A_51 = vector.shape_cast %reduce_sum3A_50 : vector<128xf32> to vector<1x128xf32>
    %broadcast_in_dim3A_52 = vector.broadcast %broadcast_in_dim3A_51 : vector<1x128xf32> to vector<8x128xf32>
    %eq3A = arith.constant 0 : i32
    %eq3A_53 = arith.cmpi eq, %arg0, %eq3A : i32
    %convert_element_type3A = arith.extui %eq3A_53 : i1 to i32
    %cond3A = arith.constant 0 : i32
    %cond3A_54 = arith.cmpi ne, %convert_element_type3A, %cond3A : i32
    scf.if %cond3A_54 {
      %swap3A_59 = arith.constant 0 : index
      %swap3A_60 = arith.constant 0 : index
      %swap3A_61 = vector.load %arg8[%swap3A_59, %swap3A_60] : memref<8x128xf32, #tpu.memory_space<vmem>>, vector<8x128xf32>
      tpu.vector_store %arg8[%swap3A_59, %swap3A_60], %broadcast_in_dim3A_49 {strides = array<i32>} : memref<8x128xf32, #tpu.memory_space<vmem>>, vector<8x128xf32>,
      %swap3A_62 = arith.constant 0 : index
      %swap3A_63 = arith.constant 0 : index
      %swap3A_64 = vector.load %arg9[%swap3A_62, %swap3A_63] : memref<8x128xf32, #tpu.memory_space<vmem>>, vector<8x128xf32>
      tpu.vector_store %arg9[%swap3A_62, %swap3A_63], %broadcast_in_dim3A_52 {strides = array<i32>} : memref<8x128xf32, #tpu.memory_space<vmem>>, vector<8x128xf32>,
    } else {
    }
    %gt3A = arith.constant 0 : i32
    %gt3A_55 = arith.cmpi sgt, %arg0, %gt3A : i32
    %convert_element_type3A_56 = arith.extui %gt3A_55 : i1 to i32
    %cond3A_57 = arith.constant 0 : i32
    %cond3A_58 = arith.cmpi ne, %convert_element_type3A_56, %cond3A_57 : i32
    scf.if %cond3A_58 {
      %get3A_59 = arith.constant 0 : index
      %get3A_60 = arith.constant 0 : index
      %get3A_61 = vector.load %arg8[%get3A_59, %get3A_60] : memref<8x128xf32, #tpu.memory_space<vmem>>, vector<8x128xf32>
      %max3A_62 = arith.maximumf %get3A_61, %broadcast_in_dim3A_49 : vector<8x128xf32>
      %swap3A_63 = arith.constant 0 : index
      %swap3A_64 = arith.constant 0 : index
      %swap3A_65 = vector.load %arg8[%swap3A_63, %swap3A_64] : memref<8x128xf32, #tpu.memory_space<vmem>>, vector<8x128xf32>
      tpu.vector_store %arg8[%swap3A_63, %swap3A_64], %max3A_62 {strides = array<i32>} : memref<8x128xf32, #tpu.memory_space<vmem>>, vector<8x128xf32>,
      %get3A_66 = arith.constant 0 : index
      %get3A_67 = arith.constant 0 : index
      %get3A_68 = vector.load %arg9[%get3A_66, %get3A_67] : memref<8x128xf32, #tpu.memory_space<vmem>>, vector<8x128xf32>
      %add3A_69 = arith.addf %get3A_68, %broadcast_in_dim3A_52 : vector<8x128xf32>
      %swap3A_70 = arith.constant 0 : index
      %swap3A_71 = arith.constant 0 : index
      %swap3A_72 = vector.load %arg9[%swap3A_70, %swap3A_71] : memref<8x128xf32, #tpu.memory_space<vmem>>, vector<8x128xf32>
      tpu.vector_store %arg9[%swap3A_70, %swap3A_71], %add3A_69 {strides = array<i32>} : memref<8x128xf32, #tpu.memory_space<vmem>>, vector<8x128xf32>,
    } else {
    }
    return
  }
  func.func @transform_0(%arg0: i32) -> (i32, i32) {
    %c0_i32 = arith.constant 0 : i32
    %c0_i32_0 = arith.constant 0 : i32
    return %arg0, %c0_i32 : i32, i32
  }
  func.func @transform_1(%arg0: i32) -> (i32, i32, i32) {
    %c0_i32 = arith.constant 0 : i32
    %c0_i32_0 = arith.constant 0 : i32
    %c0_i32_1 = arith.constant 0 : i32
    return %c0_i32, %arg0, %c0_i32_0 : i32, i32, i32
  }
  func.func @transform_2(%arg0: i32) -> (i32, i32, i32) {
    %c0_i32 = arith.constant 0 : i32
    %c0_i32_0 = arith.constant 0 : i32
    %c0_i32_1 = arith.constant 0 : i32
    return %c0_i32, %arg0, %c0_i32_0 : i32, i32, i32
  }
  func.func @transform_3(%arg0: i32) -> (i32, i32) {
    %c0_i32 = arith.constant 0 : i32
    %c0_i32_0 = arith.constant 0 : i32
    %c0_i32_1 = arith.constant 0 : i32
    return %c0_i32, %c0_i32_0 : i32, i32
  }
  func.func @transform_4(%arg0: i32) -> (i32, i32) {
    %c0_i32 = arith.constant 0 : i32
    %c0_i32_0 = arith.constant 0 : i32
    %c0_i32_1 = arith.constant 0 : i32
    return %c0_i32, %c0_i32_0 : i32, i32
  }
  func.func @transform_5(%arg0: i32) -> (i32, i32) {
    %c0_i32 = arith.constant 0 : i32
    %c0_i32_0 = arith.constant 0 : i32
    %c0_i32_1 = arith.constant 0 : i32
    return %c0_i32, %c0_i32_0 : i32, i32
  }
  func.func @transform_6(%arg0: i32) -> (i32, i32) {
    %c0_i32 = arith.constant 0 : i32
    %c0_i32_0 = arith.constant 0 : i32
    return %arg0, %c0_i32 : i32, i32
  }
  func.func @transform_7(%arg0: i32) -> (i32, i32) {
    %c0_i32 = arith.constant 0 : i32
    %c0_i32_0 = arith.constant 0 : i32
    %c0_i32_1 = arith.constant 0 : i32
    return %c0_i32, %c0_i32_0 : i32, i32
  }
  func.func @transform_8(%arg0: i32) -> (i32, i32) {
    %c0_i32 = arith.constant 0 : i32
    %c0_i32_0 = arith.constant 0 : i32
    %c0_i32_1 = arith.constant 0 : i32
    return %c0_i32, %c0_i32_0 : i32, i32
  }
}

module attributes {stable_mosaic.version = 14 : i64} {
  func.func @_head_body(%arg0: memref<8x128xf32, #tpu.memory_space<vmem>>, %arg1: memref<8x128xf32, #tpu.memory_space<vmem>>, %arg2: memref<8x128xf32, #tpu.memory_space<vmem>>, %arg3: memref<8x128xf32, #tpu.memory_space<vmem>>, %arg4: memref<8x128xf32, #tpu.memory_space<vmem>>, %arg5: memref<8x128xf32, #tpu.memory_space<vmem>>, %arg6: memref<256x128xf32, #tpu.memory_space<vmem>>, %arg7: memref<1x128xf32, #tpu.memory_space<vmem>>, %arg8: memref<128x32xf32, #tpu.memory_space<vmem>>, %arg9: memref<1x32xf32, #tpu.memory_space<vmem>>, %arg10: memref<1x32xf32, #tpu.memory_space<vmem>>) attributes {dimension_semantics = [], scalar_prefetch = 0 : i64, scratch_operands = 0 : i64, tpu.core_type = #tpu.core_type<tc>} {
    %get3A = arith.constant 0 : index
    %get3A_0 = arith.constant 0 : index
    %get3A_1 = vector.load %arg0[%get3A, %get3A_0] : memref<8x128xf32, #tpu.memory_space<vmem>>, vector<1x128xf32>
    %get3A_2 = arith.constant 0 : index
    %get3A_3 = arith.constant 0 : index
    %get3A_4 = vector.load %arg2[%get3A_2, %get3A_3] : memref<8x128xf32, #tpu.memory_space<vmem>>, vector<1x128xf32>
    %add3A = arith.addf %get3A_1, %get3A_4 : vector<1x128xf32>
    %get3A_5 = arith.constant 0 : index
    %get3A_6 = arith.constant 0 : index
    %get3A_7 = vector.load %arg4[%get3A_5, %get3A_6] : memref<8x128xf32, #tpu.memory_space<vmem>>, vector<1x128xf32>
    %add3A_8 = arith.addf %add3A, %get3A_7 : vector<1x128xf32>
    %get3A_9 = arith.constant 0 : index
    %get3A_10 = arith.constant 0 : index
    %get3A_11 = vector.load %arg1[%get3A_9, %get3A_10] : memref<8x128xf32, #tpu.memory_space<vmem>>, vector<1x128xf32>
    %get3A_12 = arith.constant 0 : index
    %get3A_13 = arith.constant 0 : index
    %get3A_14 = vector.load %arg3[%get3A_12, %get3A_13] : memref<8x128xf32, #tpu.memory_space<vmem>>, vector<1x128xf32>
    %add3A_15 = arith.addf %get3A_11, %get3A_14 : vector<1x128xf32>
    %get3A_16 = arith.constant 0 : index
    %get3A_17 = arith.constant 0 : index
    %get3A_18 = vector.load %arg5[%get3A_16, %get3A_17] : memref<8x128xf32, #tpu.memory_space<vmem>>, vector<1x128xf32>
    %add3A_19 = arith.addf %add3A_15, %get3A_18 : vector<1x128xf32>
    %mul3A = arith.constant 9.99999974E-5 : f32
    %mul3A_20 = vector.broadcast %mul3A : f32 to vector<1x128xf32>
    %mul3A_21 = arith.mulf %add3A_19, %mul3A_20 : vector<1x128xf32>
    %concatenate3A = tpu.concatenate %add3A_8, %mul3A_21 in 1 : vector<1x128xf32>, vector<1x128xf32> -> vector<1x256xf32>
    %get3A_22 = arith.constant 0 : index
    %get3A_23 = arith.constant 0 : index
    %get3A_24 = vector.load %arg6[%get3A_22, %get3A_23] : memref<256x128xf32, #tpu.memory_space<vmem>>, vector<256x128xf32>
    %dot_general3A = arith.constant dense<0.000000e+00> : vector<1x128xf32>
    %dot_general3A_25 = tpu.matmul %concatenate3A, %get3A_24, %dot_general3A {dimension_numbers = #tpu.dot_dimension_numbers<[1], [0], [0], [1], [0, 0, 1, 1], [], []>, transpose_lhs_hint = false} : vector<1x256xf32>, vector<256x128xf32>, vector<1x128xf32> -> vector<1x128xf32>
    %get3A_26 = arith.constant 0 : index
    %get3A_27 = arith.constant 0 : index
    %get3A_28 = vector.load %arg7[%get3A_26, %get3A_27] : memref<1x128xf32, #tpu.memory_space<vmem>>, vector<1x128xf32>
    %add3A_29 = arith.addf %dot_general3A_25, %get3A_28 : vector<1x128xf32>
    %max3A = arith.constant 0.000000e+00 : f32
    %max3A_30 = vector.broadcast %max3A : f32 to vector<1x128xf32>
    %max3A_31 = arith.maximumf %add3A_29, %max3A_30 : vector<1x128xf32>
    %get3A_32 = arith.constant 0 : index
    %get3A_33 = arith.constant 0 : index
    %get3A_34 = vector.load %arg8[%get3A_32, %get3A_33] : memref<128x32xf32, #tpu.memory_space<vmem>>, vector<128x32xf32>
    %dot_general3A_35 = arith.constant dense<0.000000e+00> : vector<1x32xf32>
    %dot_general3A_36 = tpu.matmul %max3A_31, %get3A_34, %dot_general3A_35 {dimension_numbers = #tpu.dot_dimension_numbers<[1], [0], [0], [1], [0, 0, 1, 1], [], []>, transpose_lhs_hint = false} : vector<1x128xf32>, vector<128x32xf32>, vector<1x32xf32> -> vector<1x32xf32>
    %get3A_37 = arith.constant 0 : index
    %get3A_38 = arith.constant 0 : index
    %get3A_39 = vector.load %arg9[%get3A_37, %get3A_38] : memref<1x32xf32, #tpu.memory_space<vmem>>, vector<1x32xf32>
    %add3A_40 = arith.addf %dot_general3A_36, %get3A_39 : vector<1x32xf32>
    %max3A_41 = arith.constant 0.000000e+00 : f32
    %max3A_42 = vector.broadcast %max3A_41 : f32 to vector<1x32xf32>
    %max3A_43 = arith.maximumf %add3A_40, %max3A_42 : vector<1x32xf32>
    %swap3A = arith.constant 0 : index
    %swap3A_44 = arith.constant 0 : index
    %swap3A_45 = vector.load %arg10[%swap3A, %swap3A_44] : memref<1x32xf32, #tpu.memory_space<vmem>>, vector<1x32xf32>
    tpu.vector_store %arg10[%swap3A, %swap3A_44], %max3A_43 {strides = array<i32>} : memref<1x32xf32, #tpu.memory_space<vmem>>, vector<1x32xf32>,
    return
  }
}

</mosaic_0001>

<sc_bundles>
// kernel: kernel.10.cloned.1.call-start
scs
__scs_entry_jumppad:
0x0: {  	(pc) =	sbr.rel $0x88, $3  }
0x1: {  	(tag) =	ssettag $0x0;
	lr =	simm.s32 $0x1  }
0x2: {  	[smem:$0x3F92] =	sst lr;
	_ =	strace $0xD0000000  }
0x3: {  	_ = 	snop  }
0x4: {  	_ = 	snop  }
0x5: {  	_ = 	snop  }
0x6: {  	_ = 	snop  }
0x7: {  	_ = 	snop  }
__scs_overlays_trampoline_lowered:
0x8: {  	[smem:$0x3FA1] =	sst s0  }
0x9: {  	[smem:$0x3FA2] =	sst s1  }
0xa: {  	[smem:$0x3FA3] =	sst s2  }
0xb: {  	[smem:$0x3FA4] =	sst s3  }
0xc: {  	[smem:$0x3FA5] =	sst s4  }
0xd: {  	[smem:$0x3FA6] =	sst s5  }
0xe: {  	[smem:$0x3FA7] =	sst s6  }
0xf: {  	[smem:$0x3FA8] =	sst s7  }
0x10: {  	[smem:$0x3FA9] =	sst s8  }
0x11: {  	[smem:$0x3FAA] =	sst s9;
	s0 =	simm.s32 @!p0 $0x0  }
0x12: {  	s1 =	sld [smem:$0x3F90];
	s0 =	simm.s32 @p0 $0x1  }
0x13: {  	[smem:$0x3FAB] =	sst s0;
	s0 =	simm.s32 @!p1 $0x0  }
0x14: {  	s2 =	sld [smem:$0x3F8F];
	s0 =	simm.s32 @p1 $0x1  }
0x15: {  	[smem:$0x3FAC] =	sst s0;
	s0 =	simm.s32 @!p2 $0x0  }
0x16: {  	s3 =	sld [smem:$0x3FDB];
	s0 =	simm.s32 @p2 $0x1  }
0x17: {  	s4 =	simm.s32 $0x1BF5;
	[smem:$0x3FAE] =	sst s0  }
0x18: {  	s0 =	sld [smem:$0x3F91];
	_ =	swait.ge [sflag:s4], $0x0  }
0x19: {  	s7 =	sld [smem:$0x3F92]  }
0x1a: {  	s8 =	sadd.s32 $0xFFFFE003, lr  }
0x1b: {  	s9 =	sadd.s32 $0xFFFFFEF7, lr;
	s5 =	simm.s32 $0xFFFFFFFF;
	p2 =	slt.u32 s8, $0xFFFFF086  }
0x1c: {  	p1 =	slt.u32 s9, $0xF7A;
	s5 =	simm.s32 @!p2 $0x0  }
0x1d: {  	s5 =	simm.s32 @p1 $0x1;
	p0 =	seq.s32 s7, s2  }
0x1e: {  	s7 =	smul.u32 @!p0 $0xF7A, s2;
	p2 =	seq.s32 @!p0 s5, $0x0  }
0x1f: {  	s9 =	smul.u32 $0xF7A, s1;
	s8 =	simm.s32 @!p0 $0x1BF5;
	p2 =	por !p2, p0  }
0x20: {  	[sflag:s8] =	ssyncset.s32 @!p0 $0xFFFFF086;
	s6 =	sadd.s32 @!p0 s3, s7;
	s7 =	simm.s32 @!p0 $0x108  }
0x21: {  	s3 =	sadd.s32 s3, s9;
	s6 =	sadd.s32 @!p0 $0x88, s6;
	s7 =	simm.s32 @p2 $0x1082  }
0x22: {  	[simem:s7], [sflag:s8] =	dma.local @!p0 [hbm:s6], $0xF7A  }
0x23: {  	s9 =	sor.u32 $0xD0000000, s2;
	s6 =	simm.s32 $0x108;
	_ =	swait.ge @!p0 [sflag:s8], $0x0  }
0x24: {  	s3 =	sadd.s32 $0x88, s3;
	s6 =	simm.s32 @!p1 $0x1082;
	[sflag:s4] =	ssyncset.s32 $0xFFFFF086  }
0x25: {  	[simem:s6], [sflag:s4] =	dma.local [hbm:s3], $0xF7A  }
0x26: {  	[smem:$0x3F92] =	sst s1;
	(tag) =	ssettag s2;
	_ =	strace s9  }
0x27: {  	s1 =	sld [smem:$0x3FA2]  }
0x28: {  	s2 =	sld [smem:$0x3FA3]  }
0x29: {  	s4 =	sld [smem:$0x3FA5]  }
0x2a: {  	p0 =	seq.s32 s5, $0x0;
	s5 =	sld [smem:$0x3FA6]  }
0x2b: {  	s6 =	sld [smem:$0x3FA7]  }
0x2c: {  	s7 =	sld [smem:$0x3FA8]  }
0x2d: {  	s3 =	simm.s32 $0x108;
	s8 =	sld [smem:$0x3FA9]  }
0x2e: {  	s3 =	simm.s32 @!p0 $0x1082;
	s9 =	sld [smem:$0x3FAA]  }
0x2f: {  	lr =	sadd.s32 s0, s3;
	s0 =	sld [smem:$0x3FA1]  }
0x30: {  	s3 =	sld [smem:$0x3FA4]  }
0x31: {  	[smem:$0x3FAD] =	sst s10  }
0x32: {  	s10 =	sld [smem:$0x3FAB];
	_ =	sdelay $0x3  }
0x33: {  	p0 =	seq.s32 s10, $0x1;
	s10 =	sld [smem:$0x3FAD];
	_ =	sdelay $0x3  }
0x34: {  	[smem:$0x3FAD] =	sst s10  }
0x35: {  	s10 =	sld [smem:$0x3FAC];
	_ =	sdelay $0x3  }
0x36: {  	p1 =	seq.s32 s10, $0x1;
	s10 =	sld [smem:$0x3FAD];
	_ =	sdelay $0x3  }
0x37: {  	[smem:$0x3FAD] =	sst s10  }
0x38: {  	s10 =	sld [smem:$0x3FAE]  }
0x39: {  	_ = 	snop;
	(pc) =	sbr.ind lr, $3  }
0x3a: {  	_ = 	snop  }
0x3b: {  	_ = 	snop  }
0x3c: {  	p2 =	seq.s32 s10, $0x1;
	s10 =	sld [smem:$0x3FAD]  }
0x3d: {  	_ =	shalt  }
0x3e: {  	_ =	shalt  }
0x3f: {  	_ =	shalt  }
0x40: {  	_ =	shalt  }
0x41: {  	_ =	shalt  }
0x42: {  	_ =	shalt  }
0x43: {  	_ =	shalt  }
0x44: {  	_ =	shalt  }
0x45: {  	_ =	shalt  }
0x46: {  	_ =	shalt  }
0x47: {  	_ =	shalt  }
0x48: {  	_ =	shalt  }
0x49: {  	_ =	shalt  }
0x4a: {  	_ =	shalt  }
0x4b: {  	_ =	shalt  }
0x4c: {  	_ =	shalt  }
0x4d: {  	_ =	shalt  }
0x4e: {  	_ =	shalt  }
0x4f: {  	_ =	shalt  }
0x50: {  	_ =	shalt  }
0x51: {  	_ =	shalt  }
0x52: {  	_ =	shalt  }
0x53: {  	_ =	shalt  }
0x54: {  	_ =	shalt  }
0x55: {  	_ =	shalt  }
0x56: {  	_ =	shalt  }
0x57: {  	_ =	shalt  }
0x58: {  	_ =	shalt  }
0x59: {  	_ =	shalt  }
0x5a: {  	_ =	shalt  }
0x5b: {  	_ =	shalt  }
0x5c: {  	_ =	shalt  }
0x5d: {  	_ =	shalt  }
0x5e: {  	_ =	shalt  }
0x5f: {  	_ =	shalt  }
0x60: {  	_ =	shalt  }
0x61: {  	_ =	shalt  }
0x62: {  	_ =	shalt  }
0x63: {  	_ =	shalt  }
0x64: {  	_ =	shalt  }
0x65: {  	_ =	shalt  }
0x66: {  	_ =	shalt  }
0x67: {  	_ =	shalt  }
0x68: {  	_ =	shalt  }
0x69: {  	_ =	shalt  }
0x6a: {  	_ =	shalt  }
0x6b: {  	_ =	shalt  }
0x6c: {  	_ =	shalt  }
0x6d: {  	_ =	shalt  }
0x6e: {  	_ =	shalt  }
0x6f: {  	_ =	shalt  }
0x70: {  	_ =	shalt  }
0x71: {  	_ =	shalt  }
0x72: {  	_ =	shalt  }
0x73: {  	_ =	shalt  }
0x74: {  	_ =	shalt  }
0x75: {  	_ =	shalt  }
0x76: {  	_ =	shalt  }
0x77: {  	_ =	shalt  }
0x78: {  	_ =	shalt  }
0x79: {  	_ =	shalt  }
0x7a: {  	_ =	shalt  }
0x7b: {  	_ =	shalt  }
0x7c: {  	_ =	shalt  }
0x7d: {  	_ =	shalt  }
0x7e: {  	_ =	shalt  }
0x7f: {  	_ =	shalt  }
0x80: {  	_ =	shalt  }
0x81: {  	_ =	shalt  }
0x82: {  	_ =	shalt  }
0x83: {  	_ =	shalt  }
0x84: {  	_ =	shalt  }
0x85: {  	_ =	shalt  }
0x86: {  	_ =	shalt  }
0x87: {  	_ =	shalt  }
.Lfunc_end0:
.L_simem_size_0:
called_computation_lowered:
.L_overlay_start_0:
0x88: {  	s2 =	sld [smem:$0x3FD9]  }
0x89: {  	s3 =	sld [smem:$0x3FFE];
	_ =	sdelay $0x1  }
0x8a: {  	s1 =	srdreg.scid  }
0x8b: {  	s0 =	sand.u32 $0x1, s1  }
0x8c: {  	s17 =	sshll.u32 s0, $0xA;
	s2 =	sadd.s32 s3, s2  }
0x8d: {  	s2 =	sadd.s32 s2, s17  }
0x8e: {  	[smem:$0x3FB9] =	sst s2  }
0x8f: {  	_ = 	snop  }
0x90: {  	(tm) =	ssettm $0x1  }
0x91: {  	s18 =	sld [smem:$0x3FFB];
	_ =	sdelay $0x3  }
0x92: {  	_ =	strace s18  }
0x93: {  	s2 =	sld [smem:$0x3FFC];
	_ =	sdelay $0x3  }
0x94: {  	_ =	strace s2  }
0x95: {  	s2 =	sld [smem:$0x3FFD];
	_ =	sdelay $0x3  }
0x96: {  	_ =	strace s2  }
0x97: {  	_ =	strace $0x8FFFFFFF  }
0x98: {  	s19 =	sld [smem:$0x3FDB];
	_ =	sdelay $0x1  }
0x99: {  	s20 =	simm.s32 $_scs_section_size  }
0x9a: {  	s4 =	simm.s32 $_size__tile_overlayer_lowered;
	s5 =	simm.s32 $_tile_overlayer_lowered  }
0x9b: {  	s6 =	simm.s32 $0x1BFF;
	s21 =	sshll.u32 s5, $0x1;
	s3 =	sadd.s32 s20, s19  }
0x9c: {  	s22 =	simm.s32 $0x0;
	s4 =	sshll.u32 s4, $0x1;
	s5 =	sadd.s32 s21, s3  }
0x9d: {  	[timem:s22], [sflag:s6] =	dma.local [hbm:s5], s4  }
0x9e: {  	_ =	swait.ge [sflag:s6], s4  }
0x9f: {  	s4 =	ssub.s32 $0x0, s4;
	[sflag:s6] =	ssyncset.done $0x0  }
0xa0: {  	[sflag:s6] =	ssyncadd.s32 s4;
	_ =	sdelay $0x1  }
0xa1: {  	s23 =	simm.s32 $0x1B8B  }
0xa2: {  	_ =	swait.ge [sflag:s23], $0x1  }
0xa3: {  	[sflag:s23] =	ssyncset.done $0x0  }
0xa4: {  	[sflag:s23] =	ssyncadd.s32 $0xFFFFFFFF  }
0xa5: {  	s4 =	sld [smem:$0x0]  }
0xa6: {  	s5 =	sand.u32 $0xFFFFFFFE, s1  }
0xa7: {  	p0 =	sne.s32 s1, s5  }
0xa8: {  	s5 =	sshll.u32 @p0 s5, $0xE  }
0xa9: {  	s5 =	sadd.s32 @p0 $0x11B8D, s5;
	s6 =	sshll.u32 @p0 s4, $0x11  }
0xaa: {  	s5 =	sor.u32 @p0 s6, s5  }
0xab: {  	[sflag:s5] =	ssyncadd.remote.s32 @p0 $0x1;
	_ =	sdelay $0x1  }
0xac: {  	s5 =	simm.s32 @p0 $0x1B8D  }
0xad: {  	_ =	swait.eq @p0 [sflag:s5], $0x1  }
0xae: {  	[sflag:s5] =	ssyncadd.s32 @p0 $0xFFFFFFFF  }
0xaf: {  	s6 =	sshll.u32 @!p0 s1, $0xE  }
0xb0: {  	s6 =	sor.u32 @!p0 $0x4000, s6;
	s5 =	simm.s32 @!p0 $0x1B8D  }
0xb1: {  	s4 =	sshll.u32 @!p0 s4, $0x11;
	s6 =	sadd.s32 @!p0 $0x11B8D, s6;
	_ =	swait.eq @!p0 [sflag:s5], $0x1  }
0xb2: {  	s4 =	sor.u32 @!p0 s4, s6;
	[sflag:s5] =	ssyncadd.s32 @!p0 $0xFFFFFFFF  }
0xb3: {  	s25 =	simm.s32 $0x1B8E;
	s24 =	sld [smem:$0x3FFE];
	[sflag:s4] =	ssyncadd.remote.s32 @!p0 $0x1  }
0xb4: {  	s26 =	simm.s32 $execute0_lowered;
	[smem:$0x3FD2] =	sst s25  }
0xb5: {  	s5 =	sshll.u32 s26, $0x1;
	_ =	strace $0x80000049;
	[dreg:$0x1] =	wrdreg $0xFFFFFFFF  }
0xb6: {  	s28 =	simm.s32 $_size_execute0_lowered;
	s3 =	sadd.s32 s3, s5;
	[dreg:$0x0] =	wrdreg $0x0  }
0xb7: {  	s5 =	sshll.u32 s28, $0x1;
	[dreg:$0x2] =	wrdreg s3  }
0xb8: {  	[dreg:$0x3] =	wrdreg s5  }
0xb9: {  	[dreg:$0x4] =	wrdreg $0xC0  }
0xba: {  	_ =	task [dreg:s22], $0x5FFFF  }
0xbb: {  	[dreg:$0x1] =	wrdreg $0xFFFFFFFF  }
0xbc: {  	[dreg:$0x0] =	wrdreg $0x60  }
0xbd: {  	[dreg:$0x2] =	wrdreg s24  }
0xbe: {  	[dreg:$0x3] =	wrdreg $0xA8000  }
0xbf: {  	[dreg:$0x4] =	wrdreg $0x9  }
0xc0: {  	_ =	task.clear_ibuf [dreg:s22], $0x5FFFF;
	_ =	strace $0x90000049  }
0xc1: {  	s29 =	simm.s32 $0x9;
	_ =	strace $0x8000004B  }
0xc2: {  	_ =	swait.ge [sflag:s29], $0x1  }
0xc3: {  	[sflag:s29] =	ssyncadd.s32 $0xFFFFFFFF  }
0xc4: {  	_ =	strace $0x9000004B  }
0xc5: {  	_ =	sfence  }
0xc6: {  	s30 =	sld [smem:$0x0];
	_ =	sdelay $0x2  }
0xc7: {  	s31 =	sshll.u32 s1, $0xD;
	s1 =	sshrl.u32 s1, $0x2  }
0xc8: {  	s4 =	sand.u32 $0x4000, s31;
	s1 =	sadd.s32 s1, s30  }
0xc9: {  	s0 =	sor.u32 s4, s0;
	s1 =	sshll.u32 s1, $0x11  }
0xca: {  	s0 =	sor.u32 s1, s0  }
0xcb: {  	s0 =	sadd.s32 $0x8F2B, s0  }
0xcc: {  	[sflag:s0] =	ssyncadd.remote.s32 $0x1  }
0xcd: {  	_ =	sfence.sel $0xFFFF  }
0xce: {  	[dreg:$0x0] =	wrdreg $0xFFFFFFFF;
	(pc) =	sbr.abs _section_cstart, $3  }
0xcf: {  	[dreg:$0x1] =	wrdreg $0xFFFFFFFF  }
0xd0: {  	_ =	task.clear_ibuf [dreg:s22], $0x2FFFF;
	_ =	strace $0x9FFFFFFF  }
0xd1: {  	(tm) =	ssettm $0x7FFFFFFF  }
tec
execute0_lowered:
.L_overlay_start_1:
0x0: {  	(tag) =	ssettag $0x1  }
0x1: {  	s5 =	rddreg [dreg:$0x0]  }
0x2: {  	s0 =	srdreg.scid;
	s2 =	rddreg [dreg:$0x1]  }
0x3: {  	s3 =	simm.s32 $0x0;
	s12 =	simm.s32 $0x1;
	s13 =	simm.s32 $0x6800  }
0x4: {  	s14 =	simm.s32 $0x80;
	s15 =	simm.s32 $0x2800;
	s4 =	sand.u32 $0x1, s0  }
0x5: {  	s18 =	simm.s32 $0x0;
	s0 =	stileid.u32;
	s7 =	smul.u32 $0x13C000, s4  }
0x6: {  	[smem:$0x7FF] =	sst s3;
	s1 =	sshll.u32 s4, $0x4;
	s8 =	smul.u32 $0x13C00, s0  }
0x7: {  	s9 =	smul.u32 $0x4F000, s0;
	s4 =	ssub.s32 $0x2, s4;
	s16 =	sshll.u32 s0, $0x6  }
0x8: {  	s1 =	sor.u32 s0, s1;
	s31 =	sshrl.u32 s4, $0x1;
	s16 =	sor.u32 $0x1C01, s16  }
0x9: {  	s6 =	smul.u32 $0x500, s1;
	s1 =	rddreg [dreg:$0x2];
	_ =	strace $0x8000004A  }
0xa: {  	s7 =	sadd.s32 s8, s7;
	s9 =	sshrl.u32 s9, $0x2;
	s11 =	ssub.s32 s4, s31  }
0xb: {  	s7 =	sshrl.u32 s7, $0x3;
	s4 =	sadd.s32 s9, s2;
	s11 =	smax.u32 s11, $0x1  }
0xc: {  	s6 =	sadd.s32 s6, s5;
	s10 =	sadd.s32 s7, s5;
	s7 =	sadd.s32 $0x8000, s4  }
0xd: {  	s8 =	sadd.s32 $0xC000, s4;
	s9 =	sadd.s32 $0x10000, s4;
	s17 =	sshrl.u32 s4, $0x3  }
0xe: {  	v0 =	vimm.f32 $1.000000000e+00;
	v1 =	vimm.f32 $0.0e+00;
	s5 =	sadd.s32 $0x4C00, s6;
	s6 =	sadd.s32 $0x4000, s4;
	s10 =	sadd.s32 $0x69000, s10  }
.LBB2_1:
0xf: {  	[tilespmem:s3], [sflag:$0x1] =	stream.linear.gather [hbm4b:s5+s3], $0x2800, $0x38;
	[tilespmem:$0x1E400] =	vst v63  }
0x10: {  	_ =	swait.ge [sflag:s12], $0x2800  }
0x11: {  	[sflag:s12] =	ssyncset.done $0x0  }
0x12: {  	s19 =	simm.s32 $0x0;
	s20 =	simm.s32 $0x200;
	[sflag:s12] =	ssyncadd.s32 $0xFFFFD800  }
.LBB2_2:
0x13: {  	p0 =	sne.s32 s20, $0xFE00;
	[tilespmem:s19+$0x6870] =	vst v1  }
0x14: {  	[tilespmem:s19+$0x2800] =	vst v0  }
0x15: {  	[tilespmem:s19+$0x6800] =	vst v1  }
0x16: {  	[tilespmem:s19+$0x2810] =	vst v0  }
0x17: {  	[tilespmem:s19+$0x6810] =	vst v1  }
0x18: {  	[tilespmem:s19+$0x2820] =	vst v0  }
0x19: {  	[tilespmem:s19+$0x6820] =	vst v1  }
0x1a: {  	[tilespmem:s19+$0x2830] =	vst v0  }
0x1b: {  	[tilespmem:s19+$0x6830] =	vst v1  }
0x1c: {  	[tilespmem:s19+$0x2840] =	vst v0  }
0x1d: {  	[tilespmem:s19+$0x6840] =	vst v1  }
.Ltmp0:
0x1e: {  	[tilespmem:s19+$0x2850] =	vst v0;
	(pc) =	sbr.rel @p0 .LBB2_2-.Ltmp0, $4  }
0x1f: {  	[tilespmem:s19+$0x6850] =	vst v1  }
0x20: {  	[tilespmem:s19+$0x2860] =	vst v0  }
0x21: {  	[tilespmem:s19+$0x6860] =	vst v1  }
0x22: {  	[tilespmem:s19+$0x2870] =	vst v0;
	s19 =	sshra.s32 s20, $0x2;
	s20 =	sadd.s32 $0x200, s20  }
0x23: {  	[tilespmem:s19+$0x6870] =	vst v1  }
0x24: {  	[tilespmem:s19+$0x2800] =	vst v0  }
0x25: {  	[tilespmem:s19+$0x6800] =	vst v1  }
0x26: {  	[tilespmem:s19+$0x2810] =	vst v0  }
0x27: {  	[tilespmem:s19+$0x6810] =	vst v1  }
0x28: {  	[tilespmem:s19+$0x2820] =	vst v0  }
0x29: {  	[tilespmem:s19+$0x6820] =	vst v1  }
0x2a: {  	[tilespmem:s19+$0x2830] =	vst v0  }
0x2b: {  	[tilespmem:s19+$0x6830] =	vst v1  }
0x2c: {  	[tilespmem:s19+$0x2840] =	vst v0  }
0x2d: {  	[tilespmem:s19+$0x6840] =	vst v1  }
0x2e: {  	[tilespmem:s19+$0x2850] =	vst v0  }
0x2f: {  	[tilespmem:s19+$0x6850] =	vst v1  }
0x30: {  	[tilespmem:s19+$0x2860] =	vst v0  }
0x31: {  	[tilespmem:s19+$0x6860] =	vst v1  }
0x32: {  	[tilespmem:s19+$0x2870] =	vst v0  }
0x33: {  	[spmem:s4] =	stream.linear.scatter [tilespmem:s13], [sflag:$0x1], $0x4000, $0x38;
	[tilespmem:$0x1E400] =	vst v63  }
0x34: {  	_ =	swait.ge [sflag:s12], $0x4000  }
0x35: {  	[sflag:s12] =	ssyncset.done $0x0  }
0x36: {  	[sflag:s12] =	ssyncadd.s32 $0xFFFFC000  }
0x37: {  	[spmem:s6] =	stream.linear.scatter [tilespmem:s13], [sflag:$0x1], $0x4000, $0x38;
	[tilespmem:$0x1E400] =	vst v63  }
0x38: {  	_ =	swait.ge [sflag:s12], $0x4000  }
0x39: {  	[sflag:s12] =	ssyncset.done $0x0  }
0x3a: {  	[sflag:s12] =	ssyncadd.s32 $0xFFFFC000  }
0x3b: {  	[spmem:s7] =	stream.linear.scatter [tilespmem:s13], [sflag:$0x1], $0x4000, $0x38;
	[tilespmem:$0x1E400] =	vst v63  }
0x3c: {  	_ =	swait.ge [sflag:s12], $0x4000  }
0x3d: {  	[sflag:s12] =	ssyncset.done $0x0  }
0x3e: {  	[sflag:s12] =	ssyncadd.s32 $0xFFFFC000  }
0x3f: {  	[spmem:s8] =	stream.linear.scatter [tilespmem:s13], [sflag:$0x1], $0x4000, $0x38;
	[tilespmem:$0x1E400] =	vst v63  }
0x40: {  	_ =	swait.ge [sflag:s12], $0x4000  }
0x41: {  	[sflag:s12] =	ssyncset.done $0x0  }
0x42: {  	[sflag:s12] =	ssyncadd.s32 $0xFFFFC000  }
0x43: {  	[spmem:s9] =	stream.linear.scatter [tilespmem:s13], [sflag:$0x1], $0x3C00, $0x38;
	[tilespmem:$0x1E400] =	vst v63  }
0x44: {  	_ =	swait.ge [sflag:s12], $0x3C00  }
0x45: {  	[sflag:s12] =	ssyncset.done $0x0  }
0x46: {  	[sflag:s12] =	ssyncadd.s32 $0xFFFFC400  }
0x47: {  	s31 =	simm.s32 $0x0;
	[bflag:$0x0] =	sbarrier.arrive $0xFFFF  }
0x48: {  	[spmem:s2] =	stream.indirect.scatter.add.f32 [tilespmem:s15], [sflag:$0x1], $0x80, s31, s14, $0xb8;
	[tilespmem:$0x1E400] =	vst v63  }
0x49: {  	_ =	swait.ge [sflag:s12], $0x4000  }
0x4a: {  	s19 =	simm.s32 $0x200;
	[sflag:s12] =	ssyncset.done $0x0  }
.LBB2_4:
0x4b: {  	s20 =	sshra.s32 s19, $0x2;
	[sflag:s12] =	ssyncadd.s32 $0xFFFFC000;
	p0 =	sne.s32 s19, $0x9E00  }
0x4c: {  	[spmem:s2] =	stream.indirect.scatter.add.f32 [tilespmem:s15], [sflag:$0x1], $0x80, s20, s14, $0xb8;
	[tilespmem:$0x1E400] =	vst v63  }
.Ltmp1:
0x4d: {  	_ = 	snop;
	(pc) =	sbr.rel @p0 .LBB2_4-.Ltmp1, $4  }
0x4e: {  	_ = 	snop  }
0x4f: {  	s19 =	sadd.s32 $0x200, s19  }
0x50: {  	_ =	swait.ge [sflag:s12], $0x4000  }
0x51: {  	[sflag:s12] =	ssyncset.done $0x0  }
0x52: {  	s18 =	sadd.s32 $0x1, s18  }
0x53: {  	[sflag:s12] =	ssyncadd.s32 $0xFFFFC000;
	p0 =	sne.s32 s18, s11  }
.Ltmp2:
0x54: {  	[bflag:$0x0] =	sbarrier.arrive $0xFFFF;
	(pc) =	sbr.rel @p0 .LBB2_1-.Ltmp2, $4  }
0x55: {  	[hbm:s10], [sflag:s16] =	dma.local [spmem:s17], $0x2780  }
0x56: {  	_ =	swait.ge [sflag:s12], $0x2780  }
0x57: {  	[sflag:s12] =	ssyncset.done $0x0  }
0x58: {  	[sflag:s12] =	ssyncadd.s32 $0xFFFFD880  }
0x59: {  	_ =	sfence.sel $0x180000  }
0x5a: {  	[bflag:$0x0] =	sbarrier.arrive $0xFFFF  }
0x5b: {  	p0 =	sne.s32 s0, $0x0;
	_ =	strace $0x9000004A  }
0x5c: {  	s0 =	sadd.s32 @!p0 $0x100000, s1;
	[bflag:$0x2] =	sbarrier.arrive $0xFFFF  }
0x5d: {  	[sflag:s0] =	ssyncadd.tile.s32 @!p0 $0x1;
	_ =	shalt  }
.Lfunc_end2:
_tile_overlayer_lowered:
.L_overlay_start_2:
0x5e: {  	(tag) =	ssettag $0x2  }
0x5f: {  	s0 =	rddreg [dreg:$0x0];
	s2 =	stileid.u32  }
0x60: {  	s1 =	rddreg [dreg:$0x1];
	p0 =	sne.s32 s2, $0x0  }
0x61: {  	s3 =	rddreg [dreg:$0x2];
	[bflag:$0x3] =	sbarrier.arrive $0xFFFF;
	s2 =	simm.s32 @!p0 $0x1C01  }
0x62: {  	[timem:s3], [sflag:s2] =	dma.local @!p0 [hbm:s0], s1  }
0x63: {  	s0 =	simm.s32 @!p0 $0x1  }
0x64: {  	_ =	swait.ge @!p0 [sflag:s0], s1  }
0x65: {  	s1 =	ssub.s32 @!p0 $0x0, s1;
	[sflag:s0] =	ssyncset.done @!p0 $0x0  }
0x66: {  	[sflag:s0] =	ssyncadd.s32 @!p0 s1  }
0x67: {  	[bflag:$0x3] =	sbarrier.arrive $0xFFFF  }
0x68: {  	_ =	shalt  }

// kernel: kernel.13.cloned.1.call-start
scs
__scs_entry_jumppad:
0x0: {  	(pc) =	sbr.rel $0x88, $3  }
0x1: {  	(tag) =	ssettag $0x0;
	lr =	simm.s32 $0x1  }
0x2: {  	[smem:$0x3F92] =	sst lr;
	_ =	strace $0xD0000000  }
0x3: {  	_ = 	snop  }
0x4: {  	_ = 	snop  }
0x5: {  	_ = 	snop  }
0x6: {  	_ = 	snop  }
0x7: {  	_ = 	snop  }
__scs_overlays_trampoline_lowered:
0x8: {  	[smem:$0x3FA1] =	sst s0  }
0x9: {  	[smem:$0x3FA2] =	sst s1  }
0xa: {  	[smem:$0x3FA3] =	sst s2  }
0xb: {  	[smem:$0x3FA4] =	sst s3  }
0xc: {  	[smem:$0x3FA5] =	sst s4  }
0xd: {  	[smem:$0x3FA6] =	sst s5  }
0xe: {  	[smem:$0x3FA7] =	sst s6  }
0xf: {  	[smem:$0x3FA8] =	sst s7  }
0x10: {  	[smem:$0x3FA9] =	sst s8  }
0x11: {  	[smem:$0x3FAA] =	sst s9;
	s0 =	simm.s32 @!p0 $0x0  }
0x12: {  	s1 =	sld [smem:$0x3F90];
	s0 =	simm.s32 @p0 $0x1  }
0x13: {  	[smem:$0x3FAB] =	sst s0;
	s0 =	simm.s32 @!p1 $0x0  }
0x14: {  	s2 =	sld [smem:$0x3F8F];
	s0 =	simm.s32 @p1 $0x1  }
0x15: {  	[smem:$0x3FAC] =	sst s0;
	s0 =	simm.s32 @!p2 $0x0  }
0x16: {  	s3 =	sld [smem:$0x3FDB];
	s0 =	simm.s32 @p2 $0x1  }
0x17: {  	s4 =	simm.s32 $0x1BF5;
	[smem:$0x3FAE] =	sst s0  }
0x18: {  	s0 =	sld [smem:$0x3F91];
	_ =	swait.ge [sflag:s4], $0x0  }
0x19: {  	s7 =	sld [smem:$0x3F92]  }
0x1a: {  	s8 =	sadd.s32 $0xFFFFE003, lr  }
0x1b: {  	s9 =	sadd.s32 $0xFFFFFEF7, lr;
	s5 =	simm.s32 $0xFFFFFFFF;
	p2 =	slt.u32 s8, $0xFFFFF086  }
0x1c: {  	p1 =	slt.u32 s9, $0xF7A;
	s5 =	simm.s32 @!p2 $0x0  }
0x1d: {  	s5 =	simm.s32 @p1 $0x1;
	p0 =	seq.s32 s7, s2  }
0x1e: {  	s7 =	smul.u32 @!p0 $0xF7A, s2;
	p2 =	seq.s32 @!p0 s5, $0x0  }
0x1f: {  	s9 =	smul.u32 $0xF7A, s1;
	s8 =	simm.s32 @!p0 $0x1BF5;
	p2 =	por !p2, p0  }
0x20: {  	[sflag:s8] =	ssyncset.s32 @!p0 $0xFFFFF086;
	s6 =	sadd.s32 @!p0 s3, s7;
	s7 =	simm.s32 @!p0 $0x108  }
0x21: {  	s3 =	sadd.s32 s3, s9;
	s6 =	sadd.s32 @!p0 $0x88, s6;
	s7 =	simm.s32 @p2 $0x1082  }
0x22: {  	[simem:s7], [sflag:s8] =	dma.local @!p0 [hbm:s6], $0xF7A  }
0x23: {  	s9 =	sor.u32 $0xD0000000, s2;
	s6 =	simm.s32 $0x108;
	_ =	swait.ge @!p0 [sflag:s8], $0x0  }
0x24: {  	s3 =	sadd.s32 $0x88, s3;
	s6 =	simm.s32 @!p1 $0x1082;
	[sflag:s4] =	ssyncset.s32 $0xFFFFF086  }
0x25: {  	[simem:s6], [sflag:s4] =	dma.local [hbm:s3], $0xF7A  }
0x26: {  	[smem:$0x3F92] =	sst s1;
	(tag) =	ssettag s2;
	_ =	strace s9  }
0x27: {  	s1 =	sld [smem:$0x3FA2]  }
0x28: {  	s2 =	sld [smem:$0x3FA3]  }
0x29: {  	s4 =	sld [smem:$0x3FA5]  }
0x2a: {  	p0 =	seq.s32 s5, $0x0;
	s5 =	sld [smem:$0x3FA6]  }
0x2b: {  	s6 =	sld [smem:$0x3FA7]  }
0x2c: {  	s7 =	sld [smem:$0x3FA8]  }
0x2d: {  	s3 =	simm.s32 $0x108;
	s8 =	sld [smem:$0x3FA9]  }
0x2e: {  	s3 =	simm.s32 @!p0 $0x1082;
	s9 =	sld [smem:$0x3FAA]  }
0x2f: {  	lr =	sadd.s32 s0, s3;
	s0 =	sld [smem:$0x3FA1]  }
0x30: {  	s3 =	sld [smem:$0x3FA4]  }
0x31: {  	[smem:$0x3FAD] =	sst s10  }
0x32: {  	s10 =	sld [smem:$0x3FAB];
	_ =	sdelay $0x3  }
0x33: {  	p0 =	seq.s32 s10, $0x1;
	s10 =	sld [smem:$0x3FAD];
	_ =	sdelay $0x3  }
0x34: {  	[smem:$0x3FAD] =	sst s10  }
0x35: {  	s10 =	sld [smem:$0x3FAC];
	_ =	sdelay $0x3  }
0x36: {  	p1 =	seq.s32 s10, $0x1;
	s10 =	sld [smem:$0x3FAD];
	_ =	sdelay $0x3  }
0x37: {  	[smem:$0x3FAD] =	sst s10  }
0x38: {  	s10 =	sld [smem:$0x3FAE]  }
0x39: {  	_ = 	snop;
	(pc) =	sbr.ind lr, $3  }
0x3a: {  	_ = 	snop  }
0x3b: {  	_ = 	snop  }
0x3c: {  	p2 =	seq.s32 s10, $0x1;
	s10 =	sld [smem:$0x3FAD]  }
0x3d: {  	_ =	shalt  }
0x3e: {  	_ =	shalt  }
0x3f: {  	_ =	shalt  }
0x40: {  	_ =	shalt  }
0x41: {  	_ =	shalt  }
0x42: {  	_ =	shalt  }
0x43: {  	_ =	shalt  }
0x44: {  	_ =	shalt  }
0x45: {  	_ =	shalt  }
0x46: {  	_ =	shalt  }
0x47: {  	_ =	shalt  }
0x48: {  	_ =	shalt  }
0x49: {  	_ =	shalt  }
0x4a: {  	_ =	shalt  }
0x4b: {  	_ =	shalt  }
0x4c: {  	_ =	shalt  }
0x4d: {  	_ =	shalt  }
0x4e: {  	_ =	shalt  }
0x4f: {  	_ =	shalt  }
0x50: {  	_ =	shalt  }
0x51: {  	_ =	shalt  }
0x52: {  	_ =	shalt  }
0x53: {  	_ =	shalt  }
0x54: {  	_ =	shalt  }
0x55: {  	_ =	shalt  }
0x56: {  	_ =	shalt  }
0x57: {  	_ =	shalt  }
0x58: {  	_ =	shalt  }
0x59: {  	_ =	shalt  }
0x5a: {  	_ =	shalt  }
0x5b: {  	_ =	shalt  }
0x5c: {  	_ =	shalt  }
0x5d: {  	_ =	shalt  }
0x5e: {  	_ =	shalt  }
0x5f: {  	_ =	shalt  }
0x60: {  	_ =	shalt  }
0x61: {  	_ =	shalt  }
0x62: {  	_ =	shalt  }
0x63: {  	_ =	shalt  }
0x64: {  	_ =	shalt  }
0x65: {  	_ =	shalt  }
0x66: {  	_ =	shalt  }
0x67: {  	_ =	shalt  }
0x68: {  	_ =	shalt  }
0x69: {  	_ =	shalt  }
0x6a: {  	_ =	shalt  }
0x6b: {  	_ =	shalt  }
0x6c: {  	_ =	shalt  }
0x6d: {  	_ =	shalt  }
0x6e: {  	_ =	shalt  }
0x6f: {  	_ =	shalt  }
0x70: {  	_ =	shalt  }
0x71: {  	_ =	shalt  }
0x72: {  	_ =	shalt  }
0x73: {  	_ =	shalt  }
0x74: {  	_ =	shalt  }
0x75: {  	_ =	shalt  }
0x76: {  	_ =	shalt  }
0x77: {  	_ =	shalt  }
0x78: {  	_ =	shalt  }
0x79: {  	_ =	shalt  }
0x7a: {  	_ =	shalt  }
0x7b: {  	_ =	shalt  }
0x7c: {  	_ =	shalt  }
0x7d: {  	_ =	shalt  }
0x7e: {  	_ =	shalt  }
0x7f: {  	_ =	shalt  }
0x80: {  	_ =	shalt  }
0x81: {  	_ =	shalt  }
0x82: {  	_ =	shalt  }
0x83: {  	_ =	shalt  }
0x84: {  	_ =	shalt  }
0x85: {  	_ =	shalt  }
0x86: {  	_ =	shalt  }
0x87: {  	_ =	shalt  }
.Lfunc_end0:
.L_simem_size_0:
called_computation.1_lowered:
.L_overlay_start_0:
0x88: {  	s2 =	sld [smem:$0x3FD9]  }
0x89: {  	s3 =	sld [smem:$0x3FFE];
	_ =	sdelay $0x1  }
0x8a: {  	s1 =	srdreg.scid  }
0x8b: {  	s0 =	sand.u32 $0x1, s1  }
0x8c: {  	s17 =	sshll.u32 s0, $0xA;
	s2 =	sadd.s32 s3, s2  }
0x8d: {  	s2 =	sadd.s32 s2, s17  }
0x8e: {  	[smem:$0x3FB9] =	sst s2  }
0x8f: {  	_ = 	snop  }
0x90: {  	s2 =	sld [smem:$0x3FC9];
	(tm) =	ssettm $0x1  }
0x91: {  	s18 =	sld [smem:$0x3FFB];
	_ =	sdelay $0x3  }
0x92: {  	_ =	strace s18  }
0x93: {  	s3 =	sld [smem:$0x3FFC];
	_ =	sdelay $0x3  }
0x94: {  	_ =	strace s3  }
0x95: {  	s3 =	sld [smem:$0x3FFD];
	_ =	sdelay $0x3  }
0x96: {  	_ =	strace s3  }
0x97: {  	_ =	strace $0x8FFFFFFF  }
0x98: {  	s19 =	sld [smem:$0x3FDB];
	_ =	sdelay $0x1  }
0x99: {  	s4 =	simm.s32 $_scs_section_size  }
0x9a: {  	s5 =	simm.s32 $_size__tile_overlayer_lowered;
	s6 =	simm.s32 $_tile_overlayer_lowered  }
0x9b: {  	s22 =	simm.s32 $0x1BFF;
	s21 =	sshll.u32 s6, $0x1;
	s3 =	sadd.s32 s4, s19  }
0x9c: {  	s7 =	simm.s32 $0x0;
	s20 =	sshll.u32 s5, $0x1;
	s5 =	sadd.s32 s21, s3  }
0x9d: {  	[timem:s7], [sflag:s22] =	dma.local [hbm:s5], s20  }
0x9e: {  	_ =	swait.ge [sflag:s22], s20  }
0x9f: {  	s4 =	ssub.s32 $0x0, s20;
	[sflag:s22] =	ssyncset.done $0x0  }
0xa0: {  	[sflag:s22] =	ssyncadd.s32 s4;
	_ =	sdelay $0x1  }
0xa1: {  	s23 =	simm.s32 $0x1B8B  }
0xa2: {  	_ =	swait.ge [sflag:s23], $0x1  }
0xa3: {  	[sflag:s23] =	ssyncset.done $0x0  }
0xa4: {  	s25 =	simm.s32 $0x1B8E;
	s24 =	sld [smem:$0x3FFE];
	[sflag:s23] =	ssyncadd.s32 $0xFFFFFFFF  }
0xa5: {  	s26 =	simm.s32 $execute0_lowered;
	[smem:$0x3FD2] =	sst s25  }
0xa6: {  	s5 =	sshll.u32 s26, $0x1;
	_ =	strace $0x80000046;
	[dreg:$0x1] =	wrdreg $0xFFFFFFFF  }
0xa7: {  	s28 =	simm.s32 $_size_execute0_lowered;
	s3 =	sadd.s32 s3, s5;
	[dreg:$0x0] =	wrdreg $0x0  }
0xa8: {  	s5 =	sshll.u32 s28, $0x1;
	[dreg:$0x2] =	wrdreg s3  }
0xa9: {  	[dreg:$0x3] =	wrdreg s5  }
0xaa: {  	[dreg:$0x4] =	wrdreg $0xC0  }
0xab: {  	_ =	task [dreg:s7], $0x5FFFF  }
0xac: {  	[dreg:$0x1] =	wrdreg $0xFFFFFFFF  }
0xad: {  	[dreg:$0x0] =	wrdreg $0x60  }
0xae: {  	[dreg:$0x2] =	wrdreg s2  }
0xaf: {  	[dreg:$0x3] =	wrdreg s24  }
0xb0: {  	[dreg:$0x4] =	wrdreg $0xA8000  }
0xb1: {  	[dreg:$0x5] =	wrdreg $0xA  }
0xb2: {  	_ =	task.clear_ibuf [dreg:s7], $0x6FFFF;
	_ =	strace $0x90000046  }
0xb3: {  	s29 =	simm.s32 $0xA;
	_ =	strace $0x80000048  }
0xb4: {  	_ =	swait.ge [sflag:s29], $0x1  }
0xb5: {  	[sflag:s29] =	ssyncadd.s32 $0xFFFFFFFF  }
0xb6: {  	_ =	strace $0x90000048  }
0xb7: {  	_ =	sfence  }
0xb8: {  	s30 =	sld [smem:$0x0];
	_ =	sdelay $0x2  }
0xb9: {  	s31 =	sshll.u32 s1, $0xD;
	s1 =	sshrl.u32 s1, $0x2  }
0xba: {  	s3 =	sand.u32 $0x4000, s31;
	s1 =	sadd.s32 s1, s30  }
0xbb: {  	s0 =	sor.u32 s3, s0;
	s1 =	sshll.u32 s1, $0x11  }
0xbc: {  	s0 =	sor.u32 s1, s0  }
0xbd: {  	s0 =	sadd.s32 $0x8F2B, s0  }
0xbe: {  	[sflag:s0] =	ssyncadd.remote.s32 $0x1  }
0xbf: {  	_ =	sfence.sel $0xFFFF  }
0xc0: {  	[dreg:$0x0] =	wrdreg $0xFFFFFFFF;
	(pc) =	sbr.abs _section_cstart, $3  }
0xc1: {  	[dreg:$0x1] =	wrdreg $0xFFFFFFFF  }
0xc2: {  	_ =	task.clear_ibuf [dreg:s7], $0x2FFFF;
	_ =	strace $0x9FFFFFFF  }
0xc3: {  	(tm) =	ssettm $0x7FFFFFFF  }
tec
execute0_lowered:
.L_overlay_start_1:
0x0: {  	(tag) =	ssettag $0x1  }
0x1: {  	s1 =	rddreg [dreg:$0x0]  }
0x2: {  	s0 =	rddreg [dreg:$0x1]  }
0x3: {  	s2 =	rddreg [dreg:$0x2]  }
0x4: {  	s3 =	srdreg.scid;
	s4 =	simm.s32 $0x0;
	s9 =	stileid.u32  }
0x5: {  	s17 =	simm.s32 $0x8;
	s28 =	simm.s32 $0x6800;
	s29 =	simm.s32 $0x1  }
0x6: {  	s30 =	simm.s32 $0x2;
	s3 =	sand.u32 $0x1, s3;
	s6 =	smul.u32 $0x13C00, s9  }
0x7: {  	[smem:$0x7FF] =	sst s4;
	s7 =	sadd.s32 $0xF600, s0;
	s21 =	smul.u32 $0x4F000, s9  }
0x8: {  	s18 =	sadd.s32 $0x4C00, s0;
	s22 =	sshll.u32 s9, $0x3;
	s5 =	smul.u32 $0x13C000, s3  }
0x9: {  	_ =	strace $0x80000047;
	s20 =	ssub.s32 $0x2, s3;
	p0 =	seq.s32 s3, $0x1  }
0xa: {  	s3 =	smul.u32 $0x98, s9;
	s8 =	sshrl.u32 s20, $0x1;
	s17 =	simm.s32 @!p0 $0x98  }
0xb: {  	s5 =	sadd.s32 s6, s5;
	s6 =	ssub.s32 s20, s8;
	s8 =	sor.u32 $0x980, s22  }
0xc: {  	s12 =	smin.u32 s17, $0x28;
	s13 =	smax.u32 s17, $0x28;
	s15 =	smax.u32 s17, $0x50  }
0xd: {  	s17 =	smax.u32 s17, $0x78;
	s5 =	sshrl.u32 s5, $0x3;
	s3 =	smov.u32 @p0 s8  }
0xe: {  	s12 =	sshrl.u32 s12, $0x1;
	s13 =	smin.u32 s13, $0x50;
	s15 =	smin.u32 s15, $0x78  }
0xf: {  	s19 =	sadd.s32 $0xFFFFFF88, s17;
	s0 =	sadd.s32 s5, s0;
	s5 =	sshrl.u32 s21, $0x2  }
0x10: {  	s3 =	sshll.u32 s3, $0x4;
	s31 =	sshrl.u32 s19, $0x1;
	s5 =	sadd.s32 s5, s2  }
0x11: {  	s10 =	sadd.s32 s7, s3;
	s11 =	sadd.s32 s18, s3;
	s14 =	sadd.s32 $0x280, s3  }
0x12: {  	s16 =	sadd.s32 $0x500, s3;
	s3 =	sadd.s32 $0x780, s3;
	s23 =	sadd.s32 $0x4000, s5  }
0x13: {  	s19 =	sadd.s32 $0x1A000, s0;
	s24 =	sadd.s32 $0x8000, s5;
	[dreg:$0x4] =	wrdreg s23  }
0x14: {  	s22 =	smax.u32 s31, $0x1;
	s25 =	sadd.s32 $0xC000, s5;
	[dreg:$0x5] =	wrdreg s24  }
0x15: {  	s9 =	sadd.s32 $0x10000, s5;
	s17 =	sadd.s32 s7, s3;
	[dreg:$0x6] =	wrdreg s25  }
0x16: {  	s24 =	sadd.s32 $0xFFFFFFD8, s13;
	s13 =	sadd.s32 s7, s14;
	s14 =	sadd.s32 s18, s14  }
.Ltmp0:
0x17: {  	s25 =	sadd.s32 $0xFFFFFFB0, s15;
	s15 =	sadd.s32 s7, s16;
	(pc) =	sbr.rel .LBB2_1-.Ltmp0, $4  }
0x18: {  	s16 =	sadd.s32 s18, s16;
	s18 =	sadd.s32 s18, s3;
	s23 =	smax.u32 s6, $0x1  }
0x19: {  	s20 =	sshrl.u32 s24, $0x1;
	s26 =	sshrl.u32 s25, $0x1;
	p1 =	seq.s32 s24, $0x0  }
0x1a: {  	s24 =	simm.s32 $0x2800;
	p2 =	seq.s32 s25, $0x0;
	s25 =	simm.s32 $0x3  }
0x1b: {  	v0 =	vimm.f32 $0.0e+00;
	s20 =	smax.u32 s20, $0x1;
	s21 =	smax.u32 s26, $0x1;
	s26 =	simm.s32 $0x80  }
.LBB2_16:
0x1c: {  	[sflag:s25] =	ssyncadd.s32 $0xFFFFC000  }
.LBB2_17:
0x1d: {  	s0 =	stileid.u32;
	s4 =	sadd.s32 $0x1, s4  }
0x1e: {  	[bflag:$0x0] =	sbarrier.arrive $0xFFFF;
	s0 =	sshll.u32 s0, $0x6;
	p3 =	sne.s32 s4, s23  }
.Ltmp1:
0x1f: {  	s3 =	sshrl.u32 s5, $0x3;
	s0 =	sor.u32 $0x1C03, s0;
	(pc) =	sbr.rel @!p3 .LBB2_18-.Ltmp1, $4  }
0x20: {  	[hbm:s19], [sflag:s0] =	dma.local [spmem:s3], $0x2780  }
0x21: {  	_ =	swait.ge [sflag:s25], $0x2780  }
0x22: {  	[sflag:s25] =	ssyncset.done $0x0  }
0x23: {  	[sflag:s25] =	ssyncadd.s32 $0xFFFFD880  }
.LBB2_1:
0x24: {  	s0 =	simm.s32 $0x0;
	s3 =	simm.s32 $0x200  }
.LBB2_2:
0x25: {  	p3 =	sne.s32 s3, $0xFE00;
	[tilespmem:s0+$0x2870] =	vst v0  }
0x26: {  	[tilespmem:s0+$0x2800] =	vst v0  }
0x27: {  	[tilespmem:s0+$0x2810] =	vst v0  }
.Ltmp2:
0x28: {  	[tilespmem:s0+$0x2820] =	vst v0;
	(pc) =	sbr.rel @p3 .LBB2_2-.Ltmp2, $4  }
0x29: {  	[tilespmem:s0+$0x2830] =	vst v0  }
0x2a: {  	[tilespmem:s0+$0x2840] =	vst v0  }
0x2b: {  	[tilespmem:s0+$0x2850] =	vst v0  }
0x2c: {  	[tilespmem:s0+$0x2860] =	vst v0;
	s0 =	sshra.s32 s3, $0x2;
	s3 =	sadd.s32 $0x200, s3  }
0x2d: {  	[tilespmem:s0+$0x2870] =	vst v0  }
0x2e: {  	[tilespmem:s0+$0x2800] =	vst v0  }
0x2f: {  	[tilespmem:s0+$0x2810] =	vst v0  }
0x30: {  	[tilespmem:s0+$0x2820] =	vst v0  }
0x31: {  	[tilespmem:s0+$0x2830] =	vst v0  }
0x32: {  	[tilespmem:s0+$0x2840] =	vst v0  }
0x33: {  	[tilespmem:s0+$0x2850] =	vst v0  }
0x34: {  	[tilespmem:s0+$0x2860] =	vst v0  }
0x35: {  	[spmem:s5] =	stream.linear.scatter [tilespmem:s24], [sflag:$0x3], $0x4000, $0x38;
	[tilespmem:$0x1E400] =	vst v63  }
0x36: {  	_ =	swait.ge [sflag:s25], $0x4000  }
0x37: {  	[sflag:s25] =	ssyncset.done $0x0  }
0x38: {  	s3 =	rddreg [dreg:$0x4];
	[sflag:s25] =	ssyncadd.s32 $0xFFFFC000  }
0x39: {  	[spmem:s3] =	stream.linear.scatter [tilespmem:s24], [sflag:$0x3], $0x4000, $0x38;
	[tilespmem:$0x1E400] =	vst v63  }
0x3a: {  	_ =	swait.ge [sflag:s25], $0x4000  }
0x3b: {  	[sflag:s25] =	ssyncset.done $0x0  }
0x3c: {  	s6 =	rddreg [dreg:$0x5];
	[sflag:s25] =	ssyncadd.s32 $0xFFFFC000  }
0x3d: {  	[spmem:s6] =	stream.linear.scatter [tilespmem:s24], [sflag:$0x3], $0x4000, $0x38;
	[tilespmem:$0x1E400] =	vst v63  }
0x3e: {  	_ =	swait.ge [sflag:s25], $0x4000  }
0x3f: {  	[sflag:s25] =	ssyncset.done $0x0  }
0x40: {  	s7 =	rddreg [dreg:$0x6];
	[sflag:s25] =	ssyncadd.s32 $0xFFFFC000  }
0x41: {  	[spmem:s7] =	stream.linear.scatter [tilespmem:s24], [sflag:$0x3], $0x4000, $0x38;
	[tilespmem:$0x1E400] =	vst v63  }
0x42: {  	_ =	swait.ge [sflag:s25], $0x4000  }
0x43: {  	[sflag:s25] =	ssyncset.done $0x0  }
0x44: {  	[sflag:s25] =	ssyncadd.s32 $0xFFFFC000  }
0x45: {  	[spmem:s9] =	stream.linear.scatter [tilespmem:s24], [sflag:$0x3], $0x3C00, $0x38;
	[tilespmem:$0x1E400] =	vst v63  }
0x46: {  	_ =	swait.ge [sflag:s25], $0x3C00  }
0x47: {  	[sflag:s25] =	ssyncset.done $0x0  }
0x48: {  	[sflag:s25] =	ssyncadd.s32 $0xFFFFC400  }
0x49: {  	s31 =	simm.s32 $0x0;
	[bflag:$0x0] =	sbarrier.arrive $0xFFFF  }
0x4a: {  	[tilespmem:s31], [sflag:$0x3] =	stream.linear.gather [hbm4b:s10+s31], $0x1400, $0x38;
	[tilespmem:$0x1E400] =	vst v63  }
0x4b: {  	_ =	swait.ge [sflag:s25], $0x1400  }
0x4c: {  	[sflag:s25] =	ssyncset.done $0x0  }
0x4d: {  	s0 =	simm.s32 $0x1400;
	[sflag:s25] =	ssyncadd.s32 $0xFFFFEC00  }
0x4e: {  	[tilespmem:s0], [sflag:$0x3] =	stream.linear.gather [hbm4b:s11+s31], $0x1400, $0x38;
	[tilespmem:$0x1E400] =	vst v63  }
0x4f: {  	_ =	swait.ge [sflag:s25], $0x1400  }
0x50: {  	[sflag:s25] =	ssyncset.done $0x0  }
0x51: {  	[sflag:s25] =	ssyncadd.s32 $0xFFFFEC00  }
0x52: {  	[tilespmem:s24], [sflag:$0x1] =	stream.indirect.gather [hbm4b:s1+s26], $0x80, s31, s26, $0xb8;
	[tilespmem:$0x1E400] =	vst v63  }
0x53: {  	s3 =	simm.s32 $0x80  }
0x54: {  	[tilespmem:s28], [sflag:$0x2] =	stream.indirect.gather [hbm4b:s1+s26], $0x80, s3, s26, $0xb8;
	[tilespmem:$0x1E400] =	vst v63  }
0x55: {  	_ =	swait.ge [sflag:s29], $0x4000  }
0x56: {  	[sflag:s29] =	ssyncset.done $0x0  }
0x57: {  	[sflag:s29] =	ssyncadd.s32 $0xFFFFC000  }
0x58: {  	[spmem:s2] =	stream.indirect.scatter.add.f32 [tilespmem:s24], [sflag:$0x3], $0x80, s0, s26, $0xb8;
	[tilespmem:$0x1E400] =	vst v63  }
0x59: {  	_ =	swait.ge [sflag:s25], $0x4000  }
0x5a: {  	[sflag:s25] =	ssyncset.done $0x0  }
0x5b: {  	[sflag:s25] =	ssyncadd.s32 $0xFFFFC000  }
0x5c: {  	p3 =	sne.s32 s12, $0x1;
	_ =	swait.ge [sflag:s30], $0x4000  }
.Ltmp3:
0x5d: {  	[sflag:s30] =	ssyncset.done $0x0;
	(pc) =	sbr.rel @!p3 .LBB2_5-.Ltmp3, $4  }
0x5e: {  	s8 =	simm.s32 $0x1480;
	[sflag:s30] =	ssyncadd.s32 $0xFFFFC000  }
0x5f: {  	[spmem:s2] =	stream.indirect.scatter.add.f32 [tilespmem:s28], [sflag:$0x3], $0x80, s8, s26, $0xb8;
	[tilespmem:$0x1E400] =	vst v63  }
0x60: {  	s6 =	simm.s32 $0x0;
	_ =	swait.ge [sflag:s25], $0x4000  }
0x61: {  	s7 =	simm.s32 $0x1400;
	s3 =	sadd.s32 $0xFFFFFFFF, s12;
	[sflag:s25] =	ssyncset.done $0x0  }
.LBB2_4:
0x62: {  	[sflag:s25] =	ssyncadd.s32 $0xFFFFC000;
	s6 =	sadd.s32 $0x100, s6;
	s7 =	sadd.s32 $0x100, s7  }
0x63: {  	[tilespmem:s24], [sflag:$0x1] =	stream.indirect.gather [hbm4b:s1+s26], $0x80, s6, s26, $0xb8;
	[tilespmem:$0x1E400] =	vst v63  }
0x64: {  	p3 =	sne.s32 s3, $0x1;
	s3 =	sadd.s32 $0xFFFFFFFF, s3;
	s8 =	sadd.s32 $0x80, s6  }
0x65: {  	[tilespmem:s28], [sflag:$0x2] =	stream.indirect.gather [hbm4b:s1+s26], $0x80, s8, s26, $0xb8;
	[tilespmem:$0x1E400] =	vst v63  }
0x66: {  	_ =	swait.ge [sflag:s29], $0x4000  }
0x67: {  	[sflag:s29] =	ssyncset.done $0x0  }
0x68: {  	[sflag:s29] =	ssyncadd.s32 $0xFFFFC000  }
0x69: {  	[spmem:s2] =	stream.indirect.scatter.add.f32 [tilespmem:s24], [sflag:$0x3], $0x80, s7, s26, $0xb8;
	[tilespmem:$0x1E400] =	vst v63  }
0x6a: {  	_ =	swait.ge [sflag:s25], $0x4000  }
0x6b: {  	[sflag:s25] =	ssyncset.done $0x0  }
0x6c: {  	[sflag:s25] =	ssyncadd.s32 $0xFFFFC000  }
0x6d: {  	_ =	swait.ge [sflag:s30], $0x4000  }
.Ltmp4:
0x6e: {  	[sflag:s30] =	ssyncset.done $0x0;
	(pc) =	sbr.rel @p3 .LBB2_4-.Ltmp4, $4  }
0x6f: {  	s8 =	sadd.s32 $0x80, s7;
	[sflag:s30] =	ssyncadd.s32 $0xFFFFC000  }
0x70: {  	[spmem:s2] =	stream.indirect.scatter.add.f32 [tilespmem:s28], [sflag:$0x3], $0x80, s8, s26, $0xb8;
	[tilespmem:$0x1E400] =	vst v63  }
0x71: {  	_ =	swait.ge [sflag:s25], $0x4000  }
0x72: {  	[sflag:s25] =	ssyncset.done $0x0  }
.LBB2_5:
0x73: {  	[sflag:s25] =	ssyncadd.s32 $0xFFFFC000  }
0x74: {  	[tilespmem:s31], [sflag:$0x3] =	stream.linear.gather [hbm4b:s13+s31], $0x1400, $0x38;
	[tilespmem:$0x1E400] =	vst v63  }
0x75: {  	_ =	swait.ge [sflag:s25], $0x1400  }
0x76: {  	[sflag:s25] =	ssyncset.done $0x0  }
.Ltmp5:
0x77: {  	[sflag:s25] =	ssyncadd.s32 $0xFFFFEC00;
	(pc) =	sbr.rel @p1 .LBB2_9-.Ltmp5, $4  }
0x78: {  	[tilespmem:s0], [sflag:$0x3] =	stream.linear.gather [hbm4b:s14+s31], $0x1400, $0x38;
	[tilespmem:$0x1E400] =	vst v63  }
0x79: {  	_ =	swait.ge [sflag:s25], $0x1400  }
0x7a: {  	[sflag:s25] =	ssyncset.done $0x0  }
0x7b: {  	[sflag:s25] =	ssyncadd.s32 $0xFFFFEC00  }
0x7c: {  	[tilespmem:s24], [sflag:$0x1] =	stream.indirect.gather [hbm4b:s1+s26], $0x80, s31, s26, $0xb8;
	[tilespmem:$0x1E400] =	vst v63  }
0x7d: {  	s3 =	sadd.s32 $0x80, s31  }
0x7e: {  	[tilespmem:s28], [sflag:$0x2] =	stream.indirect.gather [hbm4b:s1+s26], $0x80, s3, s26, $0xb8;
	[tilespmem:$0x1E400] =	vst v63  }
0x7f: {  	_ =	swait.ge [sflag:s29], $0x4000  }
0x80: {  	[sflag:s29] =	ssyncset.done $0x0  }
0x81: {  	[sflag:s29] =	ssyncadd.s32 $0xFFFFC000  }
0x82: {  	[spmem:s2] =	stream.indirect.scatter.add.f32 [tilespmem:s24], [sflag:$0x3], $0x80, s0, s26, $0xb8;
	[tilespmem:$0x1E400] =	vst v63  }
0x83: {  	_ =	swait.ge [sflag:s25], $0x4000  }
0x84: {  	[sflag:s25] =	ssyncset.done $0x0  }
0x85: {  	[sflag:s25] =	ssyncadd.s32 $0xFFFFC000  }
0x86: {  	p3 =	sne.s32 s20, $0x1;
	_ =	swait.ge [sflag:s30], $0x4000  }
.Ltmp6:
0x87: {  	[sflag:s30] =	ssyncset.done $0x0;
	(pc) =	sbr.rel @!p3 .LBB2_8-.Ltmp6, $4  }
0x88: {  	s8 =	sadd.s32 $0x80, s0;
	[sflag:s30] =	ssyncadd.s32 $0xFFFFC000  }
0x89: {  	[spmem:s2] =	stream.indirect.scatter.add.f32 [tilespmem:s28], [sflag:$0x3], $0x80, s8, s26, $0xb8;
	[tilespmem:$0x1E400] =	vst v63  }
0x8a: {  	_ =	swait.ge [sflag:s25], $0x4000  }
0x8b: {  	s3 =	sadd.s32 $0xFFFFFFFF, s20;
	[sflag:s25] =	ssyncset.done $0x0  }
.LBB2_7:
0x8c: {  	[sflag:s25] =	ssyncadd.s32 $0xFFFFC000;
	s31 =	sadd.s32 $0x100, s31;
	s0 =	sadd.s32 $0x100, s0  }
0x8d: {  	[tilespmem:s24], [sflag:$0x1] =	stream.indirect.gather [hbm4b:s1+s26], $0x80, s31, s26, $0xb8;
	[tilespmem:$0x1E400] =	vst v63  }
0x8e: {  	p3 =	sne.s32 s3, $0x1;
	s3 =	sadd.s32 $0xFFFFFFFF, s3;
	s6 =	sadd.s32 $0x80, s31  }
0x8f: {  	[tilespmem:s28], [sflag:$0x2] =	stream.indirect.gather [hbm4b:s1+s26], $0x80, s6, s26, $0xb8;
	[tilespmem:$0x1E400] =	vst v63  }
0x90: {  	_ =	swait.ge [sflag:s29], $0x4000  }
0x91: {  	[sflag:s29] =	ssyncset.done $0x0  }
0x92: {  	[sflag:s29] =	ssyncadd.s32 $0xFFFFC000  }
0x93: {  	[spmem:s2] =	stream.indirect.scatter.add.f32 [tilespmem:s24], [sflag:$0x3], $0x80, s0, s26, $0xb8;
	[tilespmem:$0x1E400] =	vst v63  }
0x94: {  	_ =	swait.ge [sflag:s25], $0x4000  }
0x95: {  	[sflag:s25] =	ssyncset.done $0x0  }
0x96: {  	[sflag:s25] =	ssyncadd.s32 $0xFFFFC000  }
0x97: {  	_ =	swait.ge [sflag:s30], $0x4000  }
.Ltmp7:
0x98: {  	[sflag:s30] =	ssyncset.done $0x0;
	(pc) =	sbr.rel @p3 .LBB2_7-.Ltmp7, $4  }
0x99: {  	s6 =	sadd.s32 $0x80, s0;
	[sflag:s30] =	ssyncadd.s32 $0xFFFFC000  }
0x9a: {  	[spmem:s2] =	stream.indirect.scatter.add.f32 [tilespmem:s28], [sflag:$0x3], $0x80, s6, s26, $0xb8;
	[tilespmem:$0x1E400] =	vst v63  }
0x9b: {  	_ =	swait.ge [sflag:s25], $0x4000  }
0x9c: {  	[sflag:s25] =	ssyncset.done $0x0  }
.LBB2_8:
0x9d: {  	[sflag:s25] =	ssyncadd.s32 $0xFFFFC000  }
.LBB2_9:
0x9e: {  	s0 =	simm.s32 $0x0  }
0x9f: {  	[tilespmem:s0], [sflag:$0x3] =	stream.linear.gather [hbm4b:s15+s0], $0x1400, $0x38;
	[tilespmem:$0x1E400] =	vst v63  }
0xa0: {  	_ =	swait.ge [sflag:s25], $0x1400  }
0xa1: {  	[sflag:s25] =	ssyncset.done $0x0  }
.Ltmp8:
0xa2: {  	s31 =	simm.s32 $0x1400;
	[sflag:s25] =	ssyncadd.s32 $0xFFFFEC00;
	(pc) =	sbr.rel @p2 .LBB2_13-.Ltmp8, $4  }
0xa3: {  	[tilespmem:s31], [sflag:$0x3] =	stream.linear.gather [hbm4b:s16+s0], $0x1400, $0x38;
	[tilespmem:$0x1E400] =	vst v63  }
0xa4: {  	_ =	swait.ge [sflag:s25], $0x1400  }
0xa5: {  	[sflag:s25] =	ssyncset.done $0x0  }
0xa6: {  	[sflag:s25] =	ssyncadd.s32 $0xFFFFEC00  }
0xa7: {  	[tilespmem:s24], [sflag:$0x1] =	stream.indirect.gather [hbm4b:s1+s26], $0x80, s0, s26, $0xb8;
	[tilespmem:$0x1E400] =	vst v63  }
0xa8: {  	s3 =	sadd.s32 $0x80, s0  }
0xa9: {  	[tilespmem:s28], [sflag:$0x2] =	stream.indirect.gather [hbm4b:s1+s26], $0x80, s3, s26, $0xb8;
	[tilespmem:$0x1E400] =	vst v63  }
0xaa: {  	_ =	swait.ge [sflag:s29], $0x4000  }
0xab: {  	[sflag:s29] =	ssyncset.done $0x0  }
0xac: {  	[sflag:s29] =	ssyncadd.s32 $0xFFFFC000  }
0xad: {  	[spmem:s2] =	stream.indirect.scatter.add.f32 [tilespmem:s24], [sflag:$0x3], $0x80, s31, s26, $0xb8;
	[tilespmem:$0x1E400] =	vst v63  }
0xae: {  	_ =	swait.ge [sflag:s25], $0x4000  }
0xaf: {  	[sflag:s25] =	ssyncset.done $0x0  }
0xb0: {  	[sflag:s25] =	ssyncadd.s32 $0xFFFFC000  }
0xb1: {  	p3 =	sne.s32 s21, $0x1;
	_ =	swait.ge [sflag:s30], $0x4000  }
.Ltmp9:
0xb2: {  	[sflag:s30] =	ssyncset.done $0x0;
	(pc) =	sbr.rel @!p3 .LBB2_12-.Ltmp9, $4  }
0xb3: {  	s8 =	sadd.s32 $0x80, s31;
	[sflag:s30] =	ssyncadd.s32 $0xFFFFC000  }
0xb4: {  	[spmem:s2] =	stream.indirect.scatter.add.f32 [tilespmem:s28], [sflag:$0x3], $0x80, s8, s26, $0xb8;
	[tilespmem:$0x1E400] =	vst v63  }
0xb5: {  	_ =	swait.ge [sflag:s25], $0x4000  }
0xb6: {  	s3 =	sadd.s32 $0xFFFFFFFF, s21;
	[sflag:s25] =	ssyncset.done $0x0  }
.LBB2_11:
0xb7: {  	[sflag:s25] =	ssyncadd.s32 $0xFFFFC000;
	s0 =	sadd.s32 $0x100, s0;
	s31 =	sadd.s32 $0x100, s31  }
0xb8: {  	[tilespmem:s24], [sflag:$0x1] =	stream.indirect.gather [hbm4b:s1+s26], $0x80, s0, s26, $0xb8;
	[tilespmem:$0x1E400] =	vst v63  }
0xb9: {  	p3 =	sne.s32 s3, $0x1;
	s3 =	sadd.s32 $0xFFFFFFFF, s3;
	s6 =	sadd.s32 $0x80, s0  }
0xba: {  	[tilespmem:s28], [sflag:$0x2] =	stream.indirect.gather [hbm4b:s1+s26], $0x80, s6, s26, $0xb8;
	[tilespmem:$0x1E400] =	vst v63  }
0xbb: {  	_ =	swait.ge [sflag:s29], $0x4000  }
0xbc: {  	[sflag:s29] =	ssyncset.done $0x0  }
0xbd: {  	[sflag:s29] =	ssyncadd.s32 $0xFFFFC000  }
0xbe: {  	[spmem:s2] =	stream.indirect.scatter.add.f32 [tilespmem:s24], [sflag:$0x3], $0x80, s31, s26, $0xb8;
	[tilespmem:$0x1E400] =	vst v63  }
0xbf: {  	_ =	swait.ge [sflag:s25], $0x4000  }
0xc0: {  	[sflag:s25] =	ssyncset.done $0x0  }
0xc1: {  	[sflag:s25] =	ssyncadd.s32 $0xFFFFC000  }
0xc2: {  	_ =	swait.ge [sflag:s30], $0x4000  }
.Ltmp10:
0xc3: {  	[sflag:s30] =	ssyncset.done $0x0;
	(pc) =	sbr.rel @p3 .LBB2_11-.Ltmp10, $4  }
0xc4: {  	s6 =	sadd.s32 $0x80, s31;
	[sflag:s30] =	ssyncadd.s32 $0xFFFFC000  }
0xc5: {  	[spmem:s2] =	stream.indirect.scatter.add.f32 [tilespmem:s28], [sflag:$0x3], $0x80, s6, s26, $0xb8;
	[tilespmem:$0x1E400] =	vst v63  }
0xc6: {  	_ =	swait.ge [sflag:s25], $0x4000  }
0xc7: {  	[sflag:s25] =	ssyncset.done $0x0  }
.LBB2_12:
0xc8: {  	[sflag:s25] =	ssyncadd.s32 $0xFFFFC000  }
.LBB2_13:
0xc9: {  	s0 =	simm.s32 $0x0  }
0xca: {  	[tilespmem:s0], [sflag:$0x3] =	stream.linear.gather [hbm4b:s17+s0], $0x1400, $0x38;
	[tilespmem:$0x1E400] =	vst v63  }
0xcb: {  	_ =	swait.ge [sflag:s25], $0x1400  }
0xcc: {  	[sflag:s25] =	ssyncset.done $0x0  }
.Ltmp11:
0xcd: {  	s31 =	simm.s32 $0x1400;
	[sflag:s25] =	ssyncadd.s32 $0xFFFFEC00;
	(pc) =	sbr.rel @p0 .LBB2_17-.Ltmp11, $4  }
0xce: {  	[tilespmem:s31], [sflag:$0x3] =	stream.linear.gather [hbm4b:s18+s0], $0x1400, $0x38;
	[tilespmem:$0x1E400] =	vst v63  }
0xcf: {  	_ =	swait.ge [sflag:s25], $0x1400  }
0xd0: {  	[sflag:s25] =	ssyncset.done $0x0  }
0xd1: {  	[sflag:s25] =	ssyncadd.s32 $0xFFFFEC00  }
0xd2: {  	[tilespmem:s24], [sflag:$0x1] =	stream.indirect.gather [hbm4b:s1+s26], $0x80, s0, s26, $0xb8;
	[tilespmem:$0x1E400] =	vst v63  }
0xd3: {  	s3 =	sadd.s32 $0x80, s0  }
0xd4: {  	[tilespmem:s28], [sflag:$0x2] =	stream.indirect.gather [hbm4b:s1+s26], $0x80, s3, s26, $0xb8;
	[tilespmem:$0x1E400] =	vst v63  }
0xd5: {  	_ =	swait.ge [sflag:s29], $0x4000  }
0xd6: {  	[sflag:s29] =	ssyncset.done $0x0  }
0xd7: {  	[sflag:s29] =	ssyncadd.s32 $0xFFFFC000  }
0xd8: {  	[spmem:s2] =	stream.indirect.scatter.add.f32 [tilespmem:s24], [sflag:$0x3], $0x80, s31, s26, $0xb8;
	[tilespmem:$0x1E400] =	vst v63  }
0xd9: {  	_ =	swait.ge [sflag:s25], $0x4000  }
0xda: {  	[sflag:s25] =	ssyncset.done $0x0  }
0xdb: {  	[sflag:s25] =	ssyncadd.s32 $0xFFFFC000  }
0xdc: {  	p3 =	sne.s32 s22, $0x1;
	_ =	swait.ge [sflag:s30], $0x4000  }
.Ltmp12:
0xdd: {  	[sflag:s30] =	ssyncset.done $0x0;
	(pc) =	sbr.rel @!p3 .LBB2_16-.Ltmp12, $4  }
0xde: {  	s8 =	sadd.s32 $0x80, s31;
	[sflag:s30] =	ssyncadd.s32 $0xFFFFC000  }
0xdf: {  	[spmem:s2] =	stream.indirect.scatter.add.f32 [tilespmem:s28], [sflag:$0x3], $0x80, s8, s26, $0xb8;
	[tilespmem:$0x1E400] =	vst v63  }
0xe0: {  	_ =	swait.ge [sflag:s25], $0x4000  }
0xe1: {  	s3 =	sadd.s32 $0xFFFFFFFF, s22;
	[sflag:s25] =	ssyncset.done $0x0  }
.LBB2_15:
0xe2: {  	[sflag:s25] =	ssyncadd.s32 $0xFFFFC000;
	s0 =	sadd.s32 $0x100, s0;
	s31 =	sadd.s32 $0x100, s31  }
0xe3: {  	[tilespmem:s24], [sflag:$0x1] =	stream.indirect.gather [hbm4b:s1+s26], $0x80, s0, s26, $0xb8;
	[tilespmem:$0x1E400] =	vst v63  }
0xe4: {  	p3 =	sne.s32 s3, $0x1;
	s3 =	sadd.s32 $0xFFFFFFFF, s3;
	s6 =	sadd.s32 $0x80, s0  }
0xe5: {  	[tilespmem:s28], [sflag:$0x2] =	stream.indirect.gather [hbm4b:s1+s26], $0x80, s6, s26, $0xb8;
	[tilespmem:$0x1E400] =	vst v63  }
0xe6: {  	_ =	swait.ge [sflag:s29], $0x4000  }
0xe7: {  	[sflag:s29] =	ssyncset.done $0x0  }
0xe8: {  	[sflag:s29] =	ssyncadd.s32 $0xFFFFC000  }
0xe9: {  	[spmem:s2] =	stream.indirect.scatter.add.f32 [tilespmem:s24], [sflag:$0x3], $0x80, s31, s26, $0xb8;
	[tilespmem:$0x1E400] =	vst v63  }
0xea: {  	_ =	swait.ge [sflag:s25], $0x4000  }
0xeb: {  	[sflag:s25] =	ssyncset.done $0x0  }
0xec: {  	[sflag:s25] =	ssyncadd.s32 $0xFFFFC000  }
0xed: {  	_ =	swait.ge [sflag:s30], $0x4000  }
.Ltmp13:
0xee: {  	[sflag:s30] =	ssyncset.done $0x0;
	(pc) =	sbr.rel @p3 .LBB2_15-.Ltmp13, $4  }
0xef: {  	s6 =	sadd.s32 $0x80, s31;
	[sflag:s30] =	ssyncadd.s32 $0xFFFFC000  }
0xf0: {  	[spmem:s2] =	stream.indirect.scatter.add.f32 [tilespmem:s28], [sflag:$0x3], $0x80, s6, s26, $0xb8;
	[tilespmem:$0x1E400] =	vst v63  }
0xf1: {  	_ =	swait.ge [sflag:s25], $0x4000  }
0xf2: {  	[sflag:s25] =	ssyncset.done $0x0  }
.Ltmp14:
0xf3: {  	_ = 	snop;
	(pc) =	sbr.rel .LBB2_16-.Ltmp14, $1  }
0xf4: {  	_ =	sdelay $0x3  }
.LBB2_18:
0xf5: {  	_ =	sfence.sel $0x180000  }
0xf6: {  	[bflag:$0x0] =	sbarrier.arrive $0xFFFF  }
0xf7: {  	_ =	strace $0x90000047  }
0xf8: {  	s0 =	stileid.u32;
	[bflag:$0x2] =	sbarrier.arrive $0xFFFF  }
0xf9: {  	p0 =	sne.s32 s0, $0x0;
	s0 =	rddreg [dreg:$0x3]  }
0xfa: {  	s0 =	sadd.s32 @!p0 $0x100000, s0  }
0xfb: {  	[sflag:s0] =	ssyncadd.tile.s32 @!p0 $0x1;
	_ =	shalt  }
.Lfunc_end2:
_tile_overlayer_lowered:
.L_overlay_start_2:
0xfc: {  	(tag) =	ssettag $0x2  }
0xfd: {  	s0 =	rddreg [dreg:$0x0];
	s2 =	stileid.u32  }
0xfe: {  	s1 =	rddreg [dreg:$0x1];
	p0 =	sne.s32 s2, $0x0  }
0xff: {  	s3 =	rddreg [dreg:$0x2];
	[bflag:$0x3] =	sbarrier.arrive $0xFFFF;
	s2 =	simm.s32 @!p0 $0x1C03  }
0x100: {  	[timem:s3], [sflag:s2] =	dma.local @!p0 [hbm:s0], s1  }
0x101: {  	s0 =	simm.s32 @!p0 $0x3  }
0x102: {  	_ =	swait.ge @!p0 [sflag:s0], s1  }
0x103: {  	s1 =	ssub.s32 @!p0 $0x0, s1;
	[sflag:s0] =	ssyncset.done @!p0 $0x0  }
0x104: {  	[sflag:s0] =	ssyncadd.s32 @!p0 s1  }
0x105: {  	[bflag:$0x3] =	sbarrier.arrive $0xFFFF  }
0x106: {  	_ =	shalt  }

// kernel: kernel.16.cloned.1.call-start
scs
__scs_entry_jumppad:
0x0: {  	(pc) =	sbr.rel $0x88, $3  }
0x1: {  	(tag) =	ssettag $0x0;
	lr =	simm.s32 $0x1  }
0x2: {  	[smem:$0x3F92] =	sst lr;
	_ =	strace $0xD0000000  }
0x3: {  	_ = 	snop  }
0x4: {  	_ = 	snop  }
0x5: {  	_ = 	snop  }
0x6: {  	_ = 	snop  }
0x7: {  	_ = 	snop  }
__scs_overlays_trampoline_lowered:
0x8: {  	[smem:$0x3FA1] =	sst s0  }
0x9: {  	[smem:$0x3FA2] =	sst s1  }
0xa: {  	[smem:$0x3FA3] =	sst s2  }
0xb: {  	[smem:$0x3FA4] =	sst s3  }
0xc: {  	[smem:$0x3FA5] =	sst s4  }
0xd: {  	[smem:$0x3FA6] =	sst s5  }
0xe: {  	[smem:$0x3FA7] =	sst s6  }
0xf: {  	[smem:$0x3FA8] =	sst s7  }
0x10: {  	[smem:$0x3FA9] =	sst s8  }
0x11: {  	[smem:$0x3FAA] =	sst s9;
	s0 =	simm.s32 @!p0 $0x0  }
0x12: {  	s1 =	sld [smem:$0x3F90];
	s0 =	simm.s32 @p0 $0x1  }
0x13: {  	[smem:$0x3FAB] =	sst s0;
	s0 =	simm.s32 @!p1 $0x0  }
0x14: {  	s2 =	sld [smem:$0x3F8F];
	s0 =	simm.s32 @p1 $0x1  }
0x15: {  	[smem:$0x3FAC] =	sst s0;
	s0 =	simm.s32 @!p2 $0x0  }
0x16: {  	s3 =	sld [smem:$0x3FDB];
	s0 =	simm.s32 @p2 $0x1  }
0x17: {  	s4 =	simm.s32 $0x1BF5;
	[smem:$0x3FAE] =	sst s0  }
0x18: {  	s0 =	sld [smem:$0x3F91];
	_ =	swait.ge [sflag:s4], $0x0  }
0x19: {  	s7 =	sld [smem:$0x3F92]  }
0x1a: {  	s8 =	sadd.s32 $0xFFFFE003, lr  }
0x1b: {  	s9 =	sadd.s32 $0xFFFFFEF7, lr;
	s5 =	simm.s32 $0xFFFFFFFF;
	p2 =	slt.u32 s8, $0xFFFFF086  }
0x1c: {  	p1 =	slt.u32 s9, $0xF7A;
	s5 =	simm.s32 @!p2 $0x0  }
0x1d: {  	s5 =	simm.s32 @p1 $0x1;
	p0 =	seq.s32 s7, s2  }
0x1e: {  	s7 =	smul.u32 @!p0 $0xF7A, s2;
	p2 =	seq.s32 @!p0 s5, $0x0  }
0x1f: {  	s9 =	smul.u32 $0xF7A, s1;
	s8 =	simm.s32 @!p0 $0x1BF5;
	p2 =	por !p2, p0  }
0x20: {  	[sflag:s8] =	ssyncset.s32 @!p0 $0xFFFFF086;
	s6 =	sadd.s32 @!p0 s3, s7;
	s7 =	simm.s32 @!p0 $0x108  }
0x21: {  	s3 =	sadd.s32 s3, s9;
	s6 =	sadd.s32 @!p0 $0x88, s6;
	s7 =	simm.s32 @p2 $0x1082  }
0x22: {  	[simem:s7], [sflag:s8] =	dma.local @!p0 [hbm:s6], $0xF7A  }
0x23: {  	s9 =	sor.u32 $0xD0000000, s2;
	s6 =	simm.s32 $0x108;
	_ =	swait.ge @!p0 [sflag:s8], $0x0  }
0x24: {  	s3 =	sadd.s32 $0x88, s3;
	s6 =	simm.s32 @!p1 $0x1082;
	[sflag:s4] =	ssyncset.s32 $0xFFFFF086  }
0x25: {  	[simem:s6], [sflag:s4] =	dma.local [hbm:s3], $0xF7A  }
0x26: {  	[smem:$0x3F92] =	sst s1;
	(tag) =	ssettag s2;
	_ =	strace s9  }
0x27: {  	s1 =	sld [smem:$0x3FA2]  }
0x28: {  	s2 =	sld [smem:$0x3FA3]  }
0x29: {  	s4 =	sld [smem:$0x3FA5]  }
0x2a: {  	p0 =	seq.s32 s5, $0x0;
	s5 =	sld [smem:$0x3FA6]  }
0x2b: {  	s6 =	sld [smem:$0x3FA7]  }
0x2c: {  	s7 =	sld [smem:$0x3FA8]  }
0x2d: {  	s3 =	simm.s32 $0x108;
	s8 =	sld [smem:$0x3FA9]  }
0x2e: {  	s3 =	simm.s32 @!p0 $0x1082;
	s9 =	sld [smem:$0x3FAA]  }
0x2f: {  	lr =	sadd.s32 s0, s3;
	s0 =	sld [smem:$0x3FA1]  }
0x30: {  	s3 =	sld [smem:$0x3FA4]  }
0x31: {  	[smem:$0x3FAD] =	sst s10  }
0x32: {  	s10 =	sld [smem:$0x3FAB];
	_ =	sdelay $0x3  }
0x33: {  	p0 =	seq.s32 s10, $0x1;
	s10 =	sld [smem:$0x3FAD];
	_ =	sdelay $0x3  }
0x34: {  	[smem:$0x3FAD] =	sst s10  }
0x35: {  	s10 =	sld [smem:$0x3FAC];
	_ =	sdelay $0x3  }
0x36: {  	p1 =	seq.s32 s10, $0x1;
	s10 =	sld [smem:$0x3FAD];
	_ =	sdelay $0x3  }
0x37: {  	[smem:$0x3FAD] =	sst s10  }
0x38: {  	s10 =	sld [smem:$0x3FAE]  }
0x39: {  	_ = 	snop;
	(pc) =	sbr.ind lr, $3  }
0x3a: {  	_ = 	snop  }
0x3b: {  	_ = 	snop  }
0x3c: {  	p2 =	seq.s32 s10, $0x1;
	s10 =	sld [smem:$0x3FAD]  }
0x3d: {  	_ =	shalt  }
0x3e: {  	_ =	shalt  }
0x3f: {  	_ =	shalt  }
0x40: {  	_ =	shalt  }
0x41: {  	_ =	shalt  }
0x42: {  	_ =	shalt  }
0x43: {  	_ =	shalt  }
0x44: {  	_ =	shalt  }
0x45: {  	_ =	shalt  }
0x46: {  	_ =	shalt  }
0x47: {  	_ =	shalt  }
0x48: {  	_ =	shalt  }
0x49: {  	_ =	shalt  }
0x4a: {  	_ =	shalt  }
0x4b: {  	_ =	shalt  }
0x4c: {  	_ =	shalt  }
0x4d: {  	_ =	shalt  }
0x4e: {  	_ =	shalt  }
0x4f: {  	_ =	shalt  }
0x50: {  	_ =	shalt  }
0x51: {  	_ =	shalt  }
0x52: {  	_ =	shalt  }
0x53: {  	_ =	shalt  }
0x54: {  	_ =	shalt  }
0x55: {  	_ =	shalt  }
0x56: {  	_ =	shalt  }
0x57: {  	_ =	shalt  }
0x58: {  	_ =	shalt  }
0x59: {  	_ =	shalt  }
0x5a: {  	_ =	shalt  }
0x5b: {  	_ =	shalt  }
0x5c: {  	_ =	shalt  }
0x5d: {  	_ =	shalt  }
0x5e: {  	_ =	shalt  }
0x5f: {  	_ =	shalt  }
0x60: {  	_ =	shalt  }
0x61: {  	_ =	shalt  }
0x62: {  	_ =	shalt  }
0x63: {  	_ =	shalt  }
0x64: {  	_ =	shalt  }
0x65: {  	_ =	shalt  }
0x66: {  	_ =	shalt  }
0x67: {  	_ =	shalt  }
0x68: {  	_ =	shalt  }
0x69: {  	_ =	shalt  }
0x6a: {  	_ =	shalt  }
0x6b: {  	_ =	shalt  }
0x6c: {  	_ =	shalt  }
0x6d: {  	_ =	shalt  }
0x6e: {  	_ =	shalt  }
0x6f: {  	_ =	shalt  }
0x70: {  	_ =	shalt  }
0x71: {  	_ =	shalt  }
0x72: {  	_ =	shalt  }
0x73: {  	_ =	shalt  }
0x74: {  	_ =	shalt  }
0x75: {  	_ =	shalt  }
0x76: {  	_ =	shalt  }
0x77: {  	_ =	shalt  }
0x78: {  	_ =	shalt  }
0x79: {  	_ =	shalt  }
0x7a: {  	_ =	shalt  }
0x7b: {  	_ =	shalt  }
0x7c: {  	_ =	shalt  }
0x7d: {  	_ =	shalt  }
0x7e: {  	_ =	shalt  }
0x7f: {  	_ =	shalt  }
0x80: {  	_ =	shalt  }
0x81: {  	_ =	shalt  }
0x82: {  	_ =	shalt  }
0x83: {  	_ =	shalt  }
0x84: {  	_ =	shalt  }
0x85: {  	_ =	shalt  }
0x86: {  	_ =	shalt  }
0x87: {  	_ =	shalt  }
.Lfunc_end0:
.L_simem_size_0:
called_computation.2_lowered:
.L_overlay_start_0:
0x88: {  	s2 =	sld [smem:$0x3FD9]  }
0x89: {  	s3 =	sld [smem:$0x3FFE];
	_ =	sdelay $0x1  }
0x8a: {  	s1 =	srdreg.scid  }
0x8b: {  	s0 =	sand.u32 $0x1, s1  }
0x8c: {  	s16 =	sshll.u32 s0, $0xA;
	s2 =	sadd.s32 s3, s2  }
0x8d: {  	s2 =	sadd.s32 s2, s16  }
0x8e: {  	[smem:$0x3FB9] =	sst s2  }
0x8f: {  	_ = 	snop  }
0x90: {  	(tm) =	ssettm $0x1  }
0x91: {  	s17 =	sld [smem:$0x3FFB];
	_ =	sdelay $0x3  }
0x92: {  	_ =	strace s17  }
0x93: {  	s2 =	sld [smem:$0x3FFC];
	_ =	sdelay $0x3  }
0x94: {  	_ =	strace s2  }
0x95: {  	s2 =	sld [smem:$0x3FFD];
	_ =	sdelay $0x3  }
0x96: {  	_ =	strace s2  }
0x97: {  	_ =	strace $0x8FFFFFFF  }
0x98: {  	s18 =	sld [smem:$0x3FDB];
	_ =	sdelay $0x1  }
0x99: {  	s19 =	simm.s32 $_scs_section_size  }
0x9a: {  	s4 =	simm.s32 $_size__tile_overlayer_lowered;
	s5 =	simm.s32 $_tile_overlayer_lowered  }
0x9b: {  	s22 =	simm.s32 $0x1BFF;
	s21 =	sshll.u32 s5, $0x1;
	s2 =	sadd.s32 s19, s18  }
0x9c: {  	s6 =	simm.s32 $0x0;
	s20 =	sshll.u32 s4, $0x1;
	s4 =	sadd.s32 s21, s2  }
0x9d: {  	[timem:s6], [sflag:s22] =	dma.local [hbm:s4], s20  }
0x9e: {  	_ =	swait.ge [sflag:s22], s20  }
0x9f: {  	s3 =	ssub.s32 $0x0, s20;
	[sflag:s22] =	ssyncset.done $0x0  }
0xa0: {  	[sflag:s22] =	ssyncadd.s32 s3;
	_ =	sdelay $0x1  }
0xa1: {  	s23 =	simm.s32 $0x1B8B  }
0xa2: {  	_ =	swait.ge [sflag:s23], $0x1  }
0xa3: {  	[sflag:s23] =	ssyncset.done $0x0  }
0xa4: {  	s25 =	simm.s32 $0x1B8E;
	s24 =	sld [smem:$0x3FFE];
	[sflag:s23] =	ssyncadd.s32 $0xFFFFFFFF  }
0xa5: {  	s26 =	simm.s32 $execute0_lowered;
	[smem:$0x3FD2] =	sst s25  }
0xa6: {  	s4 =	sshll.u32 s26, $0x1;
	_ =	strace $0x8000004C;
	[dreg:$0x1] =	wrdreg $0xFFFFFFFF  }
0xa7: {  	s28 =	simm.s32 $_size_execute0_lowered;
	s2 =	sadd.s32 s2, s4;
	[dreg:$0x0] =	wrdreg $0x0  }
0xa8: {  	s4 =	sshll.u32 s28, $0x1;
	[dreg:$0x2] =	wrdreg s2  }
0xa9: {  	[dreg:$0x3] =	wrdreg s4  }
0xaa: {  	[dreg:$0x4] =	wrdreg $0xC0  }
0xab: {  	_ =	task [dreg:s6], $0x5FFFF  }
0xac: {  	[dreg:$0x1] =	wrdreg $0xFFFFFFFF  }
0xad: {  	[dreg:$0x0] =	wrdreg $0x60  }
0xae: {  	[dreg:$0x2] =	wrdreg s24  }
0xaf: {  	[dreg:$0x3] =	wrdreg $0xA8000  }
0xb0: {  	[dreg:$0x4] =	wrdreg $0x9  }
0xb1: {  	_ =	task.clear_ibuf [dreg:s6], $0x5FFFF;
	_ =	strace $0x9000004C  }
0xb2: {  	s29 =	simm.s32 $0x9;
	_ =	strace $0x8000004E  }
0xb3: {  	_ =	swait.ge [sflag:s29], $0x1  }
0xb4: {  	[sflag:s29] =	ssyncadd.s32 $0xFFFFFFFF  }
0xb5: {  	_ =	strace $0x9000004E  }
0xb6: {  	_ =	sfence  }
0xb7: {  	s30 =	sld [smem:$0x0];
	_ =	sdelay $0x2  }
0xb8: {  	s31 =	sshll.u32 s1, $0xD;
	s1 =	sshrl.u32 s1, $0x2  }
0xb9: {  	s3 =	sand.u32 $0x4000, s31;
	s1 =	sadd.s32 s1, s30  }
0xba: {  	s0 =	sor.u32 s3, s0;
	s1 =	sshll.u32 s1, $0x11  }
0xbb: {  	s0 =	sor.u32 s1, s0  }
0xbc: {  	s0 =	sadd.s32 $0x8F2B, s0  }
0xbd: {  	[sflag:s0] =	ssyncadd.remote.s32 $0x1  }
0xbe: {  	_ =	sfence.sel $0xFFFF  }
0xbf: {  	[dreg:$0x0] =	wrdreg $0xFFFFFFFF;
	(pc) =	sbr.abs _section_cstart, $3  }
0xc0: {  	[dreg:$0x1] =	wrdreg $0xFFFFFFFF  }
0xc1: {  	_ =	task.clear_ibuf [dreg:s6], $0x2FFFF;
	_ =	strace $0x9FFFFFFF  }
0xc2: {  	(tm) =	ssettm $0x7FFFFFFF  }
0xc3: {  	_ =	shalt  }
tec
execute0_lowered:
.L_overlay_start_1:
0x0: {  	(tag) =	ssettag $0x1  }
0x1: {  	s0 =	rddreg [dreg:$0x0]  }
0x2: {  	s1 =	rddreg [dreg:$0x1];
	s2 =	srdreg.scid  }
0x3: {  	s3 =	simm.s32 $0x0;
	s9 =	stileid.u32;
	s17 =	simm.s32 $0x8  }
0x4: {  	s28 =	simm.s32 $0x6800;
	s29 =	simm.s32 $0x1;
	s30 =	simm.s32 $0x2  }
0x5: {  	s2 =	sand.u32 $0x1, s2;
	[smem:$0x7FF] =	sst s3;
	s6 =	smul.u32 $0x13C00, s9  }
0x6: {  	s4 =	sadd.s32 $0x1A000, s0;
	s7 =	sadd.s32 $0xF600, s0;
	s21 =	smul.u32 $0x4F000, s9  }
0x7: {  	s18 =	sadd.s32 $0x4C00, s0;
	s22 =	sshll.u32 s9, $0x3;
	s5 =	smul.u32 $0x13C000, s2  }
0x8: {  	_ =	strace $0x8000004D;
	s20 =	ssub.s32 $0x2, s2;
	p0 =	seq.s32 s2, $0x1  }
0x9: {  	s2 =	smul.u32 $0x98, s9;
	s8 =	sshrl.u32 s20, $0x1;
	s17 =	simm.s32 @!p0 $0x98  }
0xa: {  	s5 =	sadd.s32 s6, s5;
	s6 =	ssub.s32 s20, s8;
	s8 =	sor.u32 $0x980, s22  }
0xb: {  	s12 =	smin.u32 s17, $0x28;
	s13 =	smax.u32 s17, $0x28;
	s15 =	smax.u32 s17, $0x50  }
0xc: {  	s17 =	smax.u32 s17, $0x78;
	s5 =	sshrl.u32 s5, $0x3;
	s2 =	smov.u32 @p0 s8  }
0xd: {  	s12 =	sshrl.u32 s12, $0x1;
	s13 =	smin.u32 s13, $0x50;
	s15 =	smin.u32 s15, $0x78  }
0xe: {  	s19 =	sadd.s32 $0xFFFFFF88, s17;
	s0 =	sadd.s32 s5, s0;
	s5 =	sshrl.u32 s21, $0x2  }
0xf: {  	s2 =	sshll.u32 s2, $0x4;
	s31 =	sshrl.u32 s19, $0x1;
	s5 =	sadd.s32 s5, s1  }
0x10: {  	s10 =	sadd.s32 s7, s2;
	s11 =	sadd.s32 s18, s2;
	s14 =	sadd.s32 $0x280, s2  }
0x11: {  	s16 =	sadd.s32 $0x500, s2;
	s2 =	sadd.s32 $0x780, s2;
	s23 =	sadd.s32 $0x4000, s5  }
0x12: {  	s19 =	sadd.s32 $0xB8000, s0;
	s24 =	sadd.s32 $0x8000, s5;
	[dreg:$0x3] =	wrdreg s23  }
0x13: {  	s22 =	smax.u32 s31, $0x1;
	s25 =	sadd.s32 $0xC000, s5;
	[dreg:$0x4] =	wrdreg s24  }
0x14: {  	s9 =	sadd.s32 $0x10000, s5;
	s17 =	sadd.s32 s7, s2;
	[dreg:$0x5] =	wrdreg s25  }
0x15: {  	s24 =	sadd.s32 $0xFFFFFFD8, s13;
	s13 =	sadd.s32 s7, s14;
	s14 =	sadd.s32 s18, s14  }
.Ltmp0:
0x16: {  	s25 =	sadd.s32 $0xFFFFFFB0, s15;
	s15 =	sadd.s32 s7, s16;
	(pc) =	sbr.rel .LBB2_1-.Ltmp0, $4  }
0x17: {  	s16 =	sadd.s32 s18, s16;
	s18 =	sadd.s32 s18, s2;
	s23 =	smax.u32 s6, $0x1  }
0x18: {  	s20 =	sshrl.u32 s24, $0x1;
	s26 =	sshrl.u32 s25, $0x1;
	p1 =	seq.s32 s24, $0x0  }
0x19: {  	s24 =	simm.s32 $0x2800;
	p2 =	seq.s32 s25, $0x0;
	s25 =	simm.s32 $0x3  }
0x1a: {  	v0 =	vimm.f32 $0.0e+00;
	s20 =	smax.u32 s20, $0x1;
	s21 =	smax.u32 s26, $0x1;
	s26 =	simm.s32 $0x80  }
.LBB2_16:
0x1b: {  	[sflag:s25] =	ssyncadd.s32 $0xFFFFC000  }
.LBB2_17:
0x1c: {  	s0 =	stileid.u32;
	s3 =	sadd.s32 $0x1, s3  }
0x1d: {  	[bflag:$0x0] =	sbarrier.arrive $0xFFFF;
	s0 =	sshll.u32 s0, $0x6;
	p3 =	sne.s32 s3, s23  }
.Ltmp1:
0x1e: {  	s2 =	sshrl.u32 s5, $0x3;
	s0 =	sor.u32 $0x1C03, s0;
	(pc) =	sbr.rel @!p3 .LBB2_18-.Ltmp1, $4  }
0x1f: {  	[hbm:s19], [sflag:s0] =	dma.local [spmem:s2], $0x2780  }
0x20: {  	_ =	swait.ge [sflag:s25], $0x2780  }
0x21: {  	[sflag:s25] =	ssyncset.done $0x0  }
0x22: {  	[sflag:s25] =	ssyncadd.s32 $0xFFFFD880  }
.LBB2_1:
0x23: {  	s0 =	simm.s32 $0x0;
	s2 =	simm.s32 $0x200  }
.LBB2_2:
0x24: {  	p3 =	sne.s32 s2, $0xFE00;
	[tilespmem:s0+$0x2870] =	vst v0  }
0x25: {  	[tilespmem:s0+$0x2800] =	vst v0  }
0x26: {  	[tilespmem:s0+$0x2810] =	vst v0  }
.Ltmp2:
0x27: {  	[tilespmem:s0+$0x2820] =	vst v0;
	(pc) =	sbr.rel @p3 .LBB2_2-.Ltmp2, $4  }
0x28: {  	[tilespmem:s0+$0x2830] =	vst v0  }
0x29: {  	[tilespmem:s0+$0x2840] =	vst v0  }
0x2a: {  	[tilespmem:s0+$0x2850] =	vst v0  }
0x2b: {  	[tilespmem:s0+$0x2860] =	vst v0;
	s0 =	sshra.s32 s2, $0x2;
	s2 =	sadd.s32 $0x200, s2  }
0x2c: {  	[tilespmem:s0+$0x2870] =	vst v0  }
0x2d: {  	[tilespmem:s0+$0x2800] =	vst v0  }
0x2e: {  	[tilespmem:s0+$0x2810] =	vst v0  }
0x2f: {  	[tilespmem:s0+$0x2820] =	vst v0  }
0x30: {  	[tilespmem:s0+$0x2830] =	vst v0  }
0x31: {  	[tilespmem:s0+$0x2840] =	vst v0  }
0x32: {  	[tilespmem:s0+$0x2850] =	vst v0  }
0x33: {  	[tilespmem:s0+$0x2860] =	vst v0  }
0x34: {  	[spmem:s5] =	stream.linear.scatter [tilespmem:s24], [sflag:$0x3], $0x4000, $0x38;
	[tilespmem:$0x1E400] =	vst v63  }
0x35: {  	_ =	swait.ge [sflag:s25], $0x4000  }
0x36: {  	[sflag:s25] =	ssyncset.done $0x0  }
0x37: {  	s2 =	rddreg [dreg:$0x3];
	[sflag:s25] =	ssyncadd.s32 $0xFFFFC000  }
0x38: {  	[spmem:s2] =	stream.linear.scatter [tilespmem:s24], [sflag:$0x3], $0x4000, $0x38;
	[tilespmem:$0x1E400] =	vst v63  }
0x39: {  	_ =	swait.ge [sflag:s25], $0x4000  }
0x3a: {  	[sflag:s25] =	ssyncset.done $0x0  }
0x3b: {  	s6 =	rddreg [dreg:$0x4];
	[sflag:s25] =	ssyncadd.s32 $0xFFFFC000  }
0x3c: {  	[spmem:s6] =	stream.linear.scatter [tilespmem:s24], [sflag:$0x3], $0x4000, $0x38;
	[tilespmem:$0x1E400] =	vst v63  }
0x3d: {  	_ =	swait.ge [sflag:s25], $0x4000  }
0x3e: {  	[sflag:s25] =	ssyncset.done $0x0  }
0x3f: {  	s7 =	rddreg [dreg:$0x5];
	[sflag:s25] =	ssyncadd.s32 $0xFFFFC000  }
0x40: {  	[spmem:s7] =	stream.linear.scatter [tilespmem:s24], [sflag:$0x3], $0x4000, $0x38;
	[tilespmem:$0x1E400] =	vst v63  }
0x41: {  	_ =	swait.ge [sflag:s25], $0x4000  }
0x42: {  	[sflag:s25] =	ssyncset.done $0x0  }
0x43: {  	[sflag:s25] =	ssyncadd.s32 $0xFFFFC000  }
0x44: {  	[spmem:s9] =	stream.linear.scatter [tilespmem:s24], [sflag:$0x3], $0x3C00, $0x38;
	[tilespmem:$0x1E400] =	vst v63  }
0x45: {  	_ =	swait.ge [sflag:s25], $0x3C00  }
0x46: {  	[sflag:s25] =	ssyncset.done $0x0  }
0x47: {  	[sflag:s25] =	ssyncadd.s32 $0xFFFFC400  }
0x48: {  	s31 =	simm.s32 $0x0;
	[bflag:$0x0] =	sbarrier.arrive $0xFFFF  }
0x49: {  	[tilespmem:s31], [sflag:$0x3] =	stream.linear.gather [hbm4b:s10+s31], $0x1400, $0x38;
	[tilespmem:$0x1E400] =	vst v63  }
0x4a: {  	_ =	swait.ge [sflag:s25], $0x1400  }
0x4b: {  	[sflag:s25] =	ssyncset.done $0x0  }
0x4c: {  	s0 =	simm.s32 $0x1400;
	[sflag:s25] =	ssyncadd.s32 $0xFFFFEC00  }
0x4d: {  	[tilespmem:s0], [sflag:$0x3] =	stream.linear.gather [hbm4b:s11+s31], $0x1400, $0x38;
	[tilespmem:$0x1E400] =	vst v63  }
0x4e: {  	_ =	swait.ge [sflag:s25], $0x1400  }
0x4f: {  	[sflag:s25] =	ssyncset.done $0x0  }
0x50: {  	[sflag:s25] =	ssyncadd.s32 $0xFFFFEC00  }
0x51: {  	[tilespmem:s24], [sflag:$0x1] =	stream.indirect.gather [hbm4b:s4+s26], $0x80, s31, s26, $0xb8;
	[tilespmem:$0x1E400] =	vst v63  }
0x52: {  	s2 =	simm.s32 $0x80  }
0x53: {  	[tilespmem:s28], [sflag:$0x2] =	stream.indirect.gather [hbm4b:s4+s26], $0x80, s2, s26, $0xb8;
	[tilespmem:$0x1E400] =	vst v63  }
0x54: {  	_ =	swait.ge [sflag:s29], $0x4000  }
0x55: {  	[sflag:s29] =	ssyncset.done $0x0  }
0x56: {  	[sflag:s29] =	ssyncadd.s32 $0xFFFFC000  }
0x57: {  	[spmem:s1] =	stream.indirect.scatter.add.f32 [tilespmem:s24], [sflag:$0x3], $0x80, s0, s26, $0xb8;
	[tilespmem:$0x1E400] =	vst v63  }
0x58: {  	_ =	swait.ge [sflag:s25], $0x4000  }
0x59: {  	[sflag:s25] =	ssyncset.done $0x0  }
0x5a: {  	[sflag:s25] =	ssyncadd.s32 $0xFFFFC000  }
0x5b: {  	p3 =	sne.s32 s12, $0x1;
	_ =	swait.ge [sflag:s30], $0x4000  }
.Ltmp3:
0x5c: {  	[sflag:s30] =	ssyncset.done $0x0;
	(pc) =	sbr.rel @!p3 .LBB2_5-.Ltmp3, $4  }
0x5d: {  	s8 =	simm.s32 $0x1480;
	[sflag:s30] =	ssyncadd.s32 $0xFFFFC000  }
0x5e: {  	[spmem:s1] =	stream.indirect.scatter.add.f32 [tilespmem:s28], [sflag:$0x3], $0x80, s8, s26, $0xb8;
	[tilespmem:$0x1E400] =	vst v63  }
0x5f: {  	s6 =	simm.s32 $0x0;
	_ =	swait.ge [sflag:s25], $0x4000  }
0x60: {  	s7 =	simm.s32 $0x1400;
	s2 =	sadd.s32 $0xFFFFFFFF, s12;
	[sflag:s25] =	ssyncset.done $0x0  }
.LBB2_4:
0x61: {  	[sflag:s25] =	ssyncadd.s32 $0xFFFFC000;
	s6 =	sadd.s32 $0x100, s6;
	s7 =	sadd.s32 $0x100, s7  }
0x62: {  	[tilespmem:s24], [sflag:$0x1] =	stream.indirect.gather [hbm4b:s4+s26], $0x80, s6, s26, $0xb8;
	[tilespmem:$0x1E400] =	vst v63  }
0x63: {  	p3 =	sne.s32 s2, $0x1;
	s2 =	sadd.s32 $0xFFFFFFFF, s2;
	s8 =	sadd.s32 $0x80, s6  }
0x64: {  	[tilespmem:s28], [sflag:$0x2] =	stream.indirect.gather [hbm4b:s4+s26], $0x80, s8, s26, $0xb8;
	[tilespmem:$0x1E400] =	vst v63  }
0x65: {  	_ =	swait.ge [sflag:s29], $0x4000  }
0x66: {  	[sflag:s29] =	ssyncset.done $0x0  }
0x67: {  	[sflag:s29] =	ssyncadd.s32 $0xFFFFC000  }
0x68: {  	[spmem:s1] =	stream.indirect.scatter.add.f32 [tilespmem:s24], [sflag:$0x3], $0x80, s7, s26, $0xb8;
	[tilespmem:$0x1E400] =	vst v63  }
0x69: {  	_ =	swait.ge [sflag:s25], $0x4000  }
0x6a: {  	[sflag:s25] =	ssyncset.done $0x0  }
0x6b: {  	[sflag:s25] =	ssyncadd.s32 $0xFFFFC000  }
0x6c: {  	_ =	swait.ge [sflag:s30], $0x4000  }
.Ltmp4:
0x6d: {  	[sflag:s30] =	ssyncset.done $0x0;
	(pc) =	sbr.rel @p3 .LBB2_4-.Ltmp4, $4  }
0x6e: {  	s8 =	sadd.s32 $0x80, s7;
	[sflag:s30] =	ssyncadd.s32 $0xFFFFC000  }
0x6f: {  	[spmem:s1] =	stream.indirect.scatter.add.f32 [tilespmem:s28], [sflag:$0x3], $0x80, s8, s26, $0xb8;
	[tilespmem:$0x1E400] =	vst v63  }
0x70: {  	_ =	swait.ge [sflag:s25], $0x4000  }
0x71: {  	[sflag:s25] =	ssyncset.done $0x0  }
.LBB2_5:
0x72: {  	[sflag:s25] =	ssyncadd.s32 $0xFFFFC000  }
0x73: {  	[tilespmem:s31], [sflag:$0x3] =	stream.linear.gather [hbm4b:s13+s31], $0x1400, $0x38;
	[tilespmem:$0x1E400] =	vst v63  }
0x74: {  	_ =	swait.ge [sflag:s25], $0x1400  }
0x75: {  	[sflag:s25] =	ssyncset.done $0x0  }
.Ltmp5:
0x76: {  	[sflag:s25] =	ssyncadd.s32 $0xFFFFEC00;
	(pc) =	sbr.rel @p1 .LBB2_9-.Ltmp5, $4  }
0x77: {  	[tilespmem:s0], [sflag:$0x3] =	stream.linear.gather [hbm4b:s14+s31], $0x1400, $0x38;
	[tilespmem:$0x1E400] =	vst v63  }
0x78: {  	_ =	swait.ge [sflag:s25], $0x1400  }
0x79: {  	[sflag:s25] =	ssyncset.done $0x0  }
0x7a: {  	[sflag:s25] =	ssyncadd.s32 $0xFFFFEC00  }
0x7b: {  	[tilespmem:s24], [sflag:$0x1] =	stream.indirect.gather [hbm4b:s4+s26], $0x80, s31, s26, $0xb8;
	[tilespmem:$0x1E400] =	vst v63  }
0x7c: {  	s2 =	sadd.s32 $0x80, s31  }
0x7d: {  	[tilespmem:s28], [sflag:$0x2] =	stream.indirect.gather [hbm4b:s4+s26], $0x80, s2, s26, $0xb8;
	[tilespmem:$0x1E400] =	vst v63  }
0x7e: {  	_ =	swait.ge [sflag:s29], $0x4000  }
0x7f: {  	[sflag:s29] =	ssyncset.done $0x0  }
0x80: {  	[sflag:s29] =	ssyncadd.s32 $0xFFFFC000  }
0x81: {  	[spmem:s1] =	stream.indirect.scatter.add.f32 [tilespmem:s24], [sflag:$0x3], $0x80, s0, s26, $0xb8;
	[tilespmem:$0x1E400] =	vst v63  }
0x82: {  	_ =	swait.ge [sflag:s25], $0x4000  }
0x83: {  	[sflag:s25] =	ssyncset.done $0x0  }
0x84: {  	[sflag:s25] =	ssyncadd.s32 $0xFFFFC000  }
0x85: {  	p3 =	sne.s32 s20, $0x1;
	_ =	swait.ge [sflag:s30], $0x4000  }
.Ltmp6:
0x86: {  	[sflag:s30] =	ssyncset.done $0x0;
	(pc) =	sbr.rel @!p3 .LBB2_8-.Ltmp6, $4  }
0x87: {  	s8 =	sadd.s32 $0x80, s0;
	[sflag:s30] =	ssyncadd.s32 $0xFFFFC000  }
0x88: {  	[spmem:s1] =	stream.indirect.scatter.add.f32 [tilespmem:s28], [sflag:$0x3], $0x80, s8, s26, $0xb8;
	[tilespmem:$0x1E400] =	vst v63  }
0x89: {  	_ =	swait.ge [sflag:s25], $0x4000  }
0x8a: {  	s2 =	sadd.s32 $0xFFFFFFFF, s20;
	[sflag:s25] =	ssyncset.done $0x0  }
.LBB2_7:
0x8b: {  	[sflag:s25] =	ssyncadd.s32 $0xFFFFC000;
	s31 =	sadd.s32 $0x100, s31;
	s0 =	sadd.s32 $0x100, s0  }
0x8c: {  	[tilespmem:s24], [sflag:$0x1] =	stream.indirect.gather [hbm4b:s4+s26], $0x80, s31, s26, $0xb8;
	[tilespmem:$0x1E400] =	vst v63  }
0x8d: {  	p3 =	sne.s32 s2, $0x1;
	s2 =	sadd.s32 $0xFFFFFFFF, s2;
	s6 =	sadd.s32 $0x80, s31  }
0x8e: {  	[tilespmem:s28], [sflag:$0x2] =	stream.indirect.gather [hbm4b:s4+s26], $0x80, s6, s26, $0xb8;
	[tilespmem:$0x1E400] =	vst v63  }
0x8f: {  	_ =	swait.ge [sflag:s29], $0x4000  }
0x90: {  	[sflag:s29] =	ssyncset.done $0x0  }
0x91: {  	[sflag:s29] =	ssyncadd.s32 $0xFFFFC000  }
0x92: {  	[spmem:s1] =	stream.indirect.scatter.add.f32 [tilespmem:s24], [sflag:$0x3], $0x80, s0, s26, $0xb8;
	[tilespmem:$0x1E400] =	vst v63  }
0x93: {  	_ =	swait.ge [sflag:s25], $0x4000  }
0x94: {  	[sflag:s25] =	ssyncset.done $0x0  }
0x95: {  	[sflag:s25] =	ssyncadd.s32 $0xFFFFC000  }
0x96: {  	_ =	swait.ge [sflag:s30], $0x4000  }
.Ltmp7:
0x97: {  	[sflag:s30] =	ssyncset.done $0x0;
	(pc) =	sbr.rel @p3 .LBB2_7-.Ltmp7, $4  }
0x98: {  	s6 =	sadd.s32 $0x80, s0;
	[sflag:s30] =	ssyncadd.s32 $0xFFFFC000  }
0x99: {  	[spmem:s1] =	stream.indirect.scatter.add.f32 [tilespmem:s28], [sflag:$0x3], $0x80, s6, s26, $0xb8;
	[tilespmem:$0x1E400] =	vst v63  }
0x9a: {  	_ =	swait.ge [sflag:s25], $0x4000  }
0x9b: {  	[sflag:s25] =	ssyncset.done $0x0  }
.LBB2_8:
0x9c: {  	[sflag:s25] =	ssyncadd.s32 $0xFFFFC000  }
.LBB2_9:
0x9d: {  	s0 =	simm.s32 $0x0  }
0x9e: {  	[tilespmem:s0], [sflag:$0x3] =	stream.linear.gather [hbm4b:s15+s0], $0x1400, $0x38;
	[tilespmem:$0x1E400] =	vst v63  }
0x9f: {  	_ =	swait.ge [sflag:s25], $0x1400  }
0xa0: {  	[sflag:s25] =	ssyncset.done $0x0  }
.Ltmp8:
0xa1: {  	s31 =	simm.s32 $0x1400;
	[sflag:s25] =	ssyncadd.s32 $0xFFFFEC00;
	(pc) =	sbr.rel @p2 .LBB2_13-.Ltmp8, $4  }
0xa2: {  	[tilespmem:s31], [sflag:$0x3] =	stream.linear.gather [hbm4b:s16+s0], $0x1400, $0x38;
	[tilespmem:$0x1E400] =	vst v63  }
0xa3: {  	_ =	swait.ge [sflag:s25], $0x1400  }
0xa4: {  	[sflag:s25] =	ssyncset.done $0x0  }
0xa5: {  	[sflag:s25] =	ssyncadd.s32 $0xFFFFEC00  }
0xa6: {  	[tilespmem:s24], [sflag:$0x1] =	stream.indirect.gather [hbm4b:s4+s26], $0x80, s0, s26, $0xb8;
	[tilespmem:$0x1E400] =	vst v63  }
0xa7: {  	s2 =	sadd.s32 $0x80, s0  }
0xa8: {  	[tilespmem:s28], [sflag:$0x2] =	stream.indirect.gather [hbm4b:s4+s26], $0x80, s2, s26, $0xb8;
	[tilespmem:$0x1E400] =	vst v63  }
0xa9: {  	_ =	swait.ge [sflag:s29], $0x4000  }
0xaa: {  	[sflag:s29] =	ssyncset.done $0x0  }
0xab: {  	[sflag:s29] =	ssyncadd.s32 $0xFFFFC000  }
0xac: {  	[spmem:s1] =	stream.indirect.scatter.add.f32 [tilespmem:s24], [sflag:$0x3], $0x80, s31, s26, $0xb8;
	[tilespmem:$0x1E400] =	vst v63  }
0xad: {  	_ =	swait.ge [sflag:s25], $0x4000  }
0xae: {  	[sflag:s25] =	ssyncset.done $0x0  }
0xaf: {  	[sflag:s25] =	ssyncadd.s32 $0xFFFFC000  }
0xb0: {  	p3 =	sne.s32 s21, $0x1;
	_ =	swait.ge [sflag:s30], $0x4000  }
.Ltmp9:
0xb1: {  	[sflag:s30] =	ssyncset.done $0x0;
	(pc) =	sbr.rel @!p3 .LBB2_12-.Ltmp9, $4  }
0xb2: {  	s8 =	sadd.s32 $0x80, s31;
	[sflag:s30] =	ssyncadd.s32 $0xFFFFC000  }
0xb3: {  	[spmem:s1] =	stream.indirect.scatter.add.f32 [tilespmem:s28], [sflag:$0x3], $0x80, s8, s26, $0xb8;
	[tilespmem:$0x1E400] =	vst v63  }
0xb4: {  	_ =	swait.ge [sflag:s25], $0x4000  }
0xb5: {  	s2 =	sadd.s32 $0xFFFFFFFF, s21;
	[sflag:s25] =	ssyncset.done $0x0  }
.LBB2_11:
0xb6: {  	[sflag:s25] =	ssyncadd.s32 $0xFFFFC000;
	s0 =	sadd.s32 $0x100, s0;
	s31 =	sadd.s32 $0x100, s31  }
0xb7: {  	[tilespmem:s24], [sflag:$0x1] =	stream.indirect.gather [hbm4b:s4+s26], $0x80, s0, s26, $0xb8;
	[tilespmem:$0x1E400] =	vst v63  }
0xb8: {  	p3 =	sne.s32 s2, $0x1;
	s2 =	sadd.s32 $0xFFFFFFFF, s2;
	s6 =	sadd.s32 $0x80, s0  }
0xb9: {  	[tilespmem:s28], [sflag:$0x2] =	stream.indirect.gather [hbm4b:s4+s26], $0x80, s6, s26, $0xb8;
	[tilespmem:$0x1E400] =	vst v63  }
0xba: {  	_ =	swait.ge [sflag:s29], $0x4000  }
0xbb: {  	[sflag:s29] =	ssyncset.done $0x0  }
0xbc: {  	[sflag:s29] =	ssyncadd.s32 $0xFFFFC000  }
0xbd: {  	[spmem:s1] =	stream.indirect.scatter.add.f32 [tilespmem:s24], [sflag:$0x3], $0x80, s31, s26, $0xb8;
	[tilespmem:$0x1E400] =	vst v63  }
0xbe: {  	_ =	swait.ge [sflag:s25], $0x4000  }
0xbf: {  	[sflag:s25] =	ssyncset.done $0x0  }
0xc0: {  	[sflag:s25] =	ssyncadd.s32 $0xFFFFC000  }
0xc1: {  	_ =	swait.ge [sflag:s30], $0x4000  }
.Ltmp10:
0xc2: {  	[sflag:s30] =	ssyncset.done $0x0;
	(pc) =	sbr.rel @p3 .LBB2_11-.Ltmp10, $4  }
0xc3: {  	s6 =	sadd.s32 $0x80, s31;
	[sflag:s30] =	ssyncadd.s32 $0xFFFFC000  }
0xc4: {  	[spmem:s1] =	stream.indirect.scatter.add.f32 [tilespmem:s28], [sflag:$0x3], $0x80, s6, s26, $0xb8;
	[tilespmem:$0x1E400] =	vst v63  }
0xc5: {  	_ =	swait.ge [sflag:s25], $0x4000  }
0xc6: {  	[sflag:s25] =	ssyncset.done $0x0  }
.LBB2_12:
0xc7: {  	[sflag:s25] =	ssyncadd.s32 $0xFFFFC000  }
.LBB2_13:
0xc8: {  	s0 =	simm.s32 $0x0  }
0xc9: {  	[tilespmem:s0], [sflag:$0x3] =	stream.linear.gather [hbm4b:s17+s0], $0x1400, $0x38;
	[tilespmem:$0x1E400] =	vst v63  }
0xca: {  	_ =	swait.ge [sflag:s25], $0x1400  }
0xcb: {  	[sflag:s25] =	ssyncset.done $0x0  }
.Ltmp11:
0xcc: {  	s31 =	simm.s32 $0x1400;
	[sflag:s25] =	ssyncadd.s32 $0xFFFFEC00;
	(pc) =	sbr.rel @p0 .LBB2_17-.Ltmp11, $4  }
0xcd: {  	[tilespmem:s31], [sflag:$0x3] =	stream.linear.gather [hbm4b:s18+s0], $0x1400, $0x38;
	[tilespmem:$0x1E400] =	vst v63  }
0xce: {  	_ =	swait.ge [sflag:s25], $0x1400  }
0xcf: {  	[sflag:s25] =	ssyncset.done $0x0  }
0xd0: {  	[sflag:s25] =	ssyncadd.s32 $0xFFFFEC00  }
0xd1: {  	[tilespmem:s24], [sflag:$0x1] =	stream.indirect.gather [hbm4b:s4+s26], $0x80, s0, s26, $0xb8;
	[tilespmem:$0x1E400] =	vst v63  }
0xd2: {  	s2 =	sadd.s32 $0x80, s0  }
0xd3: {  	[tilespmem:s28], [sflag:$0x2] =	stream.indirect.gather [hbm4b:s4+s26], $0x80, s2, s26, $0xb8;
	[tilespmem:$0x1E400] =	vst v63  }
0xd4: {  	_ =	swait.ge [sflag:s29], $0x4000  }
0xd5: {  	[sflag:s29] =	ssyncset.done $0x0  }
0xd6: {  	[sflag:s29] =	ssyncadd.s32 $0xFFFFC000  }
0xd7: {  	[spmem:s1] =	stream.indirect.scatter.add.f32 [tilespmem:s24], [sflag:$0x3], $0x80, s31, s26, $0xb8;
	[tilespmem:$0x1E400] =	vst v63  }
0xd8: {  	_ =	swait.ge [sflag:s25], $0x4000  }
0xd9: {  	[sflag:s25] =	ssyncset.done $0x0  }
0xda: {  	[sflag:s25] =	ssyncadd.s32 $0xFFFFC000  }
0xdb: {  	p3 =	sne.s32 s22, $0x1;
	_ =	swait.ge [sflag:s30], $0x4000  }
.Ltmp12:
0xdc: {  	[sflag:s30] =	ssyncset.done $0x0;
	(pc) =	sbr.rel @!p3 .LBB2_16-.Ltmp12, $4  }
0xdd: {  	s8 =	sadd.s32 $0x80, s31;
	[sflag:s30] =	ssyncadd.s32 $0xFFFFC000  }
0xde: {  	[spmem:s1] =	stream.indirect.scatter.add.f32 [tilespmem:s28], [sflag:$0x3], $0x80, s8, s26, $0xb8;
	[tilespmem:$0x1E400] =	vst v63  }
0xdf: {  	_ =	swait.ge [sflag:s25], $0x4000  }
0xe0: {  	s2 =	sadd.s32 $0xFFFFFFFF, s22;
	[sflag:s25] =	ssyncset.done $0x0  }
.LBB2_15:
0xe1: {  	[sflag:s25] =	ssyncadd.s32 $0xFFFFC000;
	s0 =	sadd.s32 $0x100, s0;
	s31 =	sadd.s32 $0x100, s31  }
0xe2: {  	[tilespmem:s24], [sflag:$0x1] =	stream.indirect.gather [hbm4b:s4+s26], $0x80, s0, s26, $0xb8;
	[tilespmem:$0x1E400] =	vst v63  }
0xe3: {  	p3 =	sne.s32 s2, $0x1;
	s2 =	sadd.s32 $0xFFFFFFFF, s2;
	s6 =	sadd.s32 $0x80, s0  }
0xe4: {  	[tilespmem:s28], [sflag:$0x2] =	stream.indirect.gather [hbm4b:s4+s26], $0x80, s6, s26, $0xb8;
	[tilespmem:$0x1E400] =	vst v63  }
0xe5: {  	_ =	swait.ge [sflag:s29], $0x4000  }
0xe6: {  	[sflag:s29] =	ssyncset.done $0x0  }
0xe7: {  	[sflag:s29] =	ssyncadd.s32 $0xFFFFC000  }
0xe8: {  	[spmem:s1] =	stream.indirect.scatter.add.f32 [tilespmem:s24], [sflag:$0x3], $0x80, s31, s26, $0xb8;
	[tilespmem:$0x1E400] =	vst v63  }
0xe9: {  	_ =	swait.ge [sflag:s25], $0x4000  }
0xea: {  	[sflag:s25] =	ssyncset.done $0x0  }
0xeb: {  	[sflag:s25] =	ssyncadd.s32 $0xFFFFC000  }
0xec: {  	_ =	swait.ge [sflag:s30], $0x4000  }
.Ltmp13:
0xed: {  	[sflag:s30] =	ssyncset.done $0x0;
	(pc) =	sbr.rel @p3 .LBB2_15-.Ltmp13, $4  }
0xee: {  	s6 =	sadd.s32 $0x80, s31;
	[sflag:s30] =	ssyncadd.s32 $0xFFFFC000  }
0xef: {  	[spmem:s1] =	stream.indirect.scatter.add.f32 [tilespmem:s28], [sflag:$0x3], $0x80, s6, s26, $0xb8;
	[tilespmem:$0x1E400] =	vst v63  }
0xf0: {  	_ =	swait.ge [sflag:s25], $0x4000  }
0xf1: {  	[sflag:s25] =	ssyncset.done $0x0  }
.Ltmp14:
0xf2: {  	_ = 	snop;
	(pc) =	sbr.rel .LBB2_16-.Ltmp14, $1  }
0xf3: {  	_ =	sdelay $0x3  }
.LBB2_18:
0xf4: {  	_ =	sfence.sel $0x180000  }
0xf5: {  	[bflag:$0x0] =	sbarrier.arrive $0xFFFF  }
0xf6: {  	_ =	strace $0x9000004D  }
0xf7: {  	s0 =	stileid.u32;
	[bflag:$0x2] =	sbarrier.arrive $0xFFFF  }
0xf8: {  	p0 =	sne.s32 s0, $0x0;
	s0 =	rddreg [dreg:$0x2]  }
0xf9: {  	s0 =	sadd.s32 @!p0 $0x100000, s0  }
0xfa: {  	[sflag:s0] =	ssyncadd.tile.s32 @!p0 $0x1;
	_ =	shalt  }
.Lfunc_end2:
_tile_overlayer_lowered:
.L_overlay_start_2:
0xfb: {  	(tag) =	ssettag $0x2  }
0xfc: {  	s0 =	rddreg [dreg:$0x0];
	s2 =	stileid.u32  }
0xfd: {  	s1 =	rddreg [dreg:$0x1];
	p0 =	sne.s32 s2, $0x0  }
0xfe: {  	s3 =	rddreg [dreg:$0x2];
	[bflag:$0x3] =	sbarrier.arrive $0xFFFF;
	s2 =	simm.s32 @!p0 $0x1C03  }
0xff: {  	[timem:s3], [sflag:s2] =	dma.local @!p0 [hbm:s0], s1  }
0x100: {  	s0 =	simm.s32 @!p0 $0x3  }
0x101: {  	_ =	swait.ge @!p0 [sflag:s0], s1  }
0x102: {  	s1 =	ssub.s32 @!p0 $0x0, s1;
	[sflag:s0] =	ssyncset.done @!p0 $0x0  }
0x103: {  	[sflag:s0] =	ssyncadd.s32 @!p0 s1  }
0x104: {  	[bflag:$0x3] =	sbarrier.arrive $0xFFFF  }
0x105: {  	_ =	shalt  }

// kernel: kernel.19.cloned.1.call-start
scs
__scs_entry_jumppad:
0x0: {  	(pc) =	sbr.rel $0x88, $3  }
0x1: {  	(tag) =	ssettag $0x0;
	lr =	simm.s32 $0x1  }
0x2: {  	[smem:$0x3F92] =	sst lr;
	_ =	strace $0xD0000000  }
0x3: {  	_ = 	snop  }
0x4: {  	_ = 	snop  }
0x5: {  	_ = 	snop  }
0x6: {  	_ = 	snop  }
0x7: {  	_ = 	snop  }
__scs_overlays_trampoline_lowered:
0x8: {  	[smem:$0x3FA1] =	sst s0  }
0x9: {  	[smem:$0x3FA2] =	sst s1  }
0xa: {  	[smem:$0x3FA3] =	sst s2  }
0xb: {  	[smem:$0x3FA4] =	sst s3  }
0xc: {  	[smem:$0x3FA5] =	sst s4  }
0xd: {  	[smem:$0x3FA6] =	sst s5  }
0xe: {  	[smem:$0x3FA7] =	sst s6  }
0xf: {  	[smem:$0x3FA8] =	sst s7  }
0x10: {  	[smem:$0x3FA9] =	sst s8  }
0x11: {  	[smem:$0x3FAA] =	sst s9;
	s0 =	simm.s32 @!p0 $0x0  }
0x12: {  	s1 =	sld [smem:$0x3F90];
	s0 =	simm.s32 @p0 $0x1  }
0x13: {  	[smem:$0x3FAB] =	sst s0;
	s0 =	simm.s32 @!p1 $0x0  }
0x14: {  	s2 =	sld [smem:$0x3F8F];
	s0 =	simm.s32 @p1 $0x1  }
0x15: {  	[smem:$0x3FAC] =	sst s0;
	s0 =	simm.s32 @!p2 $0x0  }
0x16: {  	s3 =	sld [smem:$0x3FDB];
	s0 =	simm.s32 @p2 $0x1  }
0x17: {  	s4 =	simm.s32 $0x1BF5;
	[smem:$0x3FAE] =	sst s0  }
0x18: {  	s0 =	sld [smem:$0x3F91];
	_ =	swait.ge [sflag:s4], $0x0  }
0x19: {  	s7 =	sld [smem:$0x3F92]  }
0x1a: {  	s8 =	sadd.s32 $0xFFFFE003, lr  }
0x1b: {  	s9 =	sadd.s32 $0xFFFFFEF7, lr;
	s5 =	simm.s32 $0xFFFFFFFF;
	p2 =	slt.u32 s8, $0xFFFFF086  }
0x1c: {  	p1 =	slt.u32 s9, $0xF7A;
	s5 =	simm.s32 @!p2 $0x0  }
0x1d: {  	s5 =	simm.s32 @p1 $0x1;
	p0 =	seq.s32 s7, s2  }
0x1e: {  	s7 =	smul.u32 @!p0 $0xF7A, s2;
	p2 =	seq.s32 @!p0 s5, $0x0  }
0x1f: {  	s9 =	smul.u32 $0xF7A, s1;
	s8 =	simm.s32 @!p0 $0x1BF5;
	p2 =	por !p2, p0  }
0x20: {  	[sflag:s8] =	ssyncset.s32 @!p0 $0xFFFFF086;
	s6 =	sadd.s32 @!p0 s3, s7;
	s7 =	simm.s32 @!p0 $0x108  }
0x21: {  	s3 =	sadd.s32 s3, s9;
	s6 =	sadd.s32 @!p0 $0x88, s6;
	s7 =	simm.s32 @p2 $0x1082  }
0x22: {  	[simem:s7], [sflag:s8] =	dma.local @!p0 [hbm:s6], $0xF7A  }
0x23: {  	s9 =	sor.u32 $0xD0000000, s2;
	s6 =	simm.s32 $0x108;
	_ =	swait.ge @!p0 [sflag:s8], $0x0  }
0x24: {  	s3 =	sadd.s32 $0x88, s3;
	s6 =	simm.s32 @!p1 $0x1082;
	[sflag:s4] =	ssyncset.s32 $0xFFFFF086  }
0x25: {  	[simem:s6], [sflag:s4] =	dma.local [hbm:s3], $0xF7A  }
0x26: {  	[smem:$0x3F92] =	sst s1;
	(tag) =	ssettag s2;
	_ =	strace s9  }
0x27: {  	s1 =	sld [smem:$0x3FA2]  }
0x28: {  	s2 =	sld [smem:$0x3FA3]  }
0x29: {  	s4 =	sld [smem:$0x3FA5]  }
0x2a: {  	p0 =	seq.s32 s5, $0x0;
	s5 =	sld [smem:$0x3FA6]  }
0x2b: {  	s6 =	sld [smem:$0x3FA7]  }
0x2c: {  	s7 =	sld [smem:$0x3FA8]  }
0x2d: {  	s3 =	simm.s32 $0x108;
	s8 =	sld [smem:$0x3FA9]  }
0x2e: {  	s3 =	simm.s32 @!p0 $0x1082;
	s9 =	sld [smem:$0x3FAA]  }
0x2f: {  	lr =	sadd.s32 s0, s3;
	s0 =	sld [smem:$0x3FA1]  }
0x30: {  	s3 =	sld [smem:$0x3FA4]  }
0x31: {  	[smem:$0x3FAD] =	sst s10  }
0x32: {  	s10 =	sld [smem:$0x3FAB];
	_ =	sdelay $0x3  }
0x33: {  	p0 =	seq.s32 s10, $0x1;
	s10 =	sld [smem:$0x3FAD];
	_ =	sdelay $0x3  }
0x34: {  	[smem:$0x3FAD] =	sst s10  }
0x35: {  	s10 =	sld [smem:$0x3FAC];
	_ =	sdelay $0x3  }
0x36: {  	p1 =	seq.s32 s10, $0x1;
	s10 =	sld [smem:$0x3FAD];
	_ =	sdelay $0x3  }
0x37: {  	[smem:$0x3FAD] =	sst s10  }
0x38: {  	s10 =	sld [smem:$0x3FAE]  }
0x39: {  	_ = 	snop;
	(pc) =	sbr.ind lr, $3  }
0x3a: {  	_ = 	snop  }
0x3b: {  	_ = 	snop  }
0x3c: {  	p2 =	seq.s32 s10, $0x1;
	s10 =	sld [smem:$0x3FAD]  }
0x3d: {  	_ =	shalt  }
0x3e: {  	_ =	shalt  }
0x3f: {  	_ =	shalt  }
0x40: {  	_ =	shalt  }
0x41: {  	_ =	shalt  }
0x42: {  	_ =	shalt  }
0x43: {  	_ =	shalt  }
0x44: {  	_ =	shalt  }
0x45: {  	_ =	shalt  }
0x46: {  	_ =	shalt  }
0x47: {  	_ =	shalt  }
0x48: {  	_ =	shalt  }
0x49: {  	_ =	shalt  }
0x4a: {  	_ =	shalt  }
0x4b: {  	_ =	shalt  }
0x4c: {  	_ =	shalt  }
0x4d: {  	_ =	shalt  }
0x4e: {  	_ =	shalt  }
0x4f: {  	_ =	shalt  }
0x50: {  	_ =	shalt  }
0x51: {  	_ =	shalt  }
0x52: {  	_ =	shalt  }
0x53: {  	_ =	shalt  }
0x54: {  	_ =	shalt  }
0x55: {  	_ =	shalt  }
0x56: {  	_ =	shalt  }
0x57: {  	_ =	shalt  }
0x58: {  	_ =	shalt  }
0x59: {  	_ =	shalt  }
0x5a: {  	_ =	shalt  }
0x5b: {  	_ =	shalt  }
0x5c: {  	_ =	shalt  }
0x5d: {  	_ =	shalt  }
0x5e: {  	_ =	shalt  }
0x5f: {  	_ =	shalt  }
0x60: {  	_ =	shalt  }
0x61: {  	_ =	shalt  }
0x62: {  	_ =	shalt  }
0x63: {  	_ =	shalt  }
0x64: {  	_ =	shalt  }
0x65: {  	_ =	shalt  }
0x66: {  	_ =	shalt  }
0x67: {  	_ =	shalt  }
0x68: {  	_ =	shalt  }
0x69: {  	_ =	shalt  }
0x6a: {  	_ =	shalt  }
0x6b: {  	_ =	shalt  }
0x6c: {  	_ =	shalt  }
0x6d: {  	_ =	shalt  }
0x6e: {  	_ =	shalt  }
0x6f: {  	_ =	shalt  }
0x70: {  	_ =	shalt  }
0x71: {  	_ =	shalt  }
0x72: {  	_ =	shalt  }
0x73: {  	_ =	shalt  }
0x74: {  	_ =	shalt  }
0x75: {  	_ =	shalt  }
0x76: {  	_ =	shalt  }
0x77: {  	_ =	shalt  }
0x78: {  	_ =	shalt  }
0x79: {  	_ =	shalt  }
0x7a: {  	_ =	shalt  }
0x7b: {  	_ =	shalt  }
0x7c: {  	_ =	shalt  }
0x7d: {  	_ =	shalt  }
0x7e: {  	_ =	shalt  }
0x7f: {  	_ =	shalt  }
0x80: {  	_ =	shalt  }
0x81: {  	_ =	shalt  }
0x82: {  	_ =	shalt  }
0x83: {  	_ =	shalt  }
0x84: {  	_ =	shalt  }
0x85: {  	_ =	shalt  }
0x86: {  	_ =	shalt  }
0x87: {  	_ =	shalt  }
.Lfunc_end0:
.L_simem_size_0:
called_computation.3_lowered:
.L_overlay_start_0:
0x88: {  	s2 =	sld [smem:$0x3FD9]  }
0x89: {  	s3 =	sld [smem:$0x3FFE];
	_ =	sdelay $0x1  }
0x8a: {  	s1 =	srdreg.scid  }
0x8b: {  	s0 =	sand.u32 $0x1, s1  }
0x8c: {  	s16 =	sshll.u32 s0, $0xA;
	s2 =	sadd.s32 s3, s2  }
0x8d: {  	s2 =	sadd.s32 s2, s16  }
0x8e: {  	[smem:$0x3FB9] =	sst s2  }
0x8f: {  	_ = 	snop  }
0x90: {  	(tm) =	ssettm $0x1  }
0x91: {  	s17 =	sld [smem:$0x3FFB];
	_ =	sdelay $0x3  }
0x92: {  	_ =	strace s17  }
0x93: {  	s2 =	sld [smem:$0x3FFC];
	_ =	sdelay $0x3  }
0x94: {  	_ =	strace s2  }
0x95: {  	s2 =	sld [smem:$0x3FFD];
	_ =	sdelay $0x3  }
0x96: {  	_ =	strace s2  }
0x97: {  	_ =	strace $0x8FFFFFFF  }
0x98: {  	s18 =	sld [smem:$0x3FDB];
	_ =	sdelay $0x1  }
0x99: {  	s19 =	simm.s32 $_scs_section_size  }
0x9a: {  	s4 =	simm.s32 $_size__tile_overlayer_lowered;
	s5 =	simm.s32 $_tile_overlayer_lowered  }
0x9b: {  	s22 =	simm.s32 $0x1BFF;
	s21 =	sshll.u32 s5, $0x1;
	s2 =	sadd.s32 s19, s18  }
0x9c: {  	s6 =	simm.s32 $0x0;
	s20 =	sshll.u32 s4, $0x1;
	s4 =	sadd.s32 s21, s2  }
0x9d: {  	[timem:s6], [sflag:s22] =	dma.local [hbm:s4], s20  }
0x9e: {  	_ =	swait.ge [sflag:s22], s20  }
0x9f: {  	s3 =	ssub.s32 $0x0, s20;
	[sflag:s22] =	ssyncset.done $0x0  }
0xa0: {  	[sflag:s22] =	ssyncadd.s32 s3;
	_ =	sdelay $0x1  }
0xa1: {  	s23 =	simm.s32 $0x1B8B  }
0xa2: {  	_ =	swait.ge [sflag:s23], $0x1  }
0xa3: {  	[sflag:s23] =	ssyncset.done $0x0  }
0xa4: {  	s25 =	simm.s32 $0x1B8E;
	s24 =	sld [smem:$0x3FFE];
	[sflag:s23] =	ssyncadd.s32 $0xFFFFFFFF  }
0xa5: {  	s26 =	simm.s32 $execute0_lowered;
	[smem:$0x3FD2] =	sst s25  }
0xa6: {  	s4 =	sshll.u32 s26, $0x1;
	_ =	strace $0x8000004F;
	[dreg:$0x1] =	wrdreg $0xFFFFFFFF  }
0xa7: {  	s28 =	simm.s32 $_size_execute0_lowered;
	s2 =	sadd.s32 s2, s4;
	[dreg:$0x0] =	wrdreg $0x0  }
0xa8: {  	s4 =	sshll.u32 s28, $0x1;
	[dreg:$0x2] =	wrdreg s2  }
0xa9: {  	[dreg:$0x3] =	wrdreg s4  }
0xaa: {  	[dreg:$0x4] =	wrdreg $0xC0  }
0xab: {  	_ =	task [dreg:s6], $0x5FFFF  }
0xac: {  	[dreg:$0x1] =	wrdreg $0xFFFFFFFF  }
0xad: {  	[dreg:$0x0] =	wrdreg $0x60  }
0xae: {  	[dreg:$0x2] =	wrdreg s24  }
0xaf: {  	[dreg:$0x3] =	wrdreg $0xA8000  }
0xb0: {  	[dreg:$0x4] =	wrdreg $0x9  }
0xb1: {  	_ =	task.clear_ibuf [dreg:s6], $0x5FFFF;
	_ =	strace $0x9000004F  }
0xb2: {  	s29 =	simm.s32 $0x9;
	_ =	strace $0x80000051  }
0xb3: {  	_ =	swait.ge [sflag:s29], $0x1  }
0xb4: {  	[sflag:s29] =	ssyncadd.s32 $0xFFFFFFFF  }
0xb5: {  	_ =	strace $0x90000051  }
0xb6: {  	_ =	sfence  }
0xb7: {  	s30 =	sld [smem:$0x0];
	_ =	sdelay $0x2  }
0xb8: {  	s31 =	sshll.u32 s1, $0xD;
	s1 =	sshrl.u32 s1, $0x2  }
0xb9: {  	s3 =	sand.u32 $0x4000, s31;
	s1 =	sadd.s32 s1, s30  }
0xba: {  	s0 =	sor.u32 s3, s0;
	s1 =	sshll.u32 s1, $0x11  }
0xbb: {  	s0 =	sor.u32 s1, s0  }
0xbc: {  	s0 =	sadd.s32 $0x8F2B, s0  }
0xbd: {  	[sflag:s0] =	ssyncadd.remote.s32 $0x1  }
0xbe: {  	_ =	sfence.sel $0xFFFF  }
0xbf: {  	[dreg:$0x0] =	wrdreg $0xFFFFFFFF;
	(pc) =	sbr.abs _section_cstart, $3  }
0xc0: {  	[dreg:$0x1] =	wrdreg $0xFFFFFFFF  }
0xc1: {  	_ =	task.clear_ibuf [dreg:s6], $0x2FFFF;
	_ =	strace $0x9FFFFFFF  }
0xc2: {  	(tm) =	ssettm $0x7FFFFFFF  }
0xc3: {  	_ =	shalt  }
tec
execute0_lowered:
.L_overlay_start_1:
0x0: {  	(tag) =	ssettag $0x1  }
0x1: {  	s0 =	rddreg [dreg:$0x0]  }
0x2: {  	s1 =	rddreg [dreg:$0x1];
	s2 =	srdreg.scid  }
0x3: {  	s3 =	simm.s32 $0x0;
	s9 =	stileid.u32;
	s17 =	simm.s32 $0x8  }
0x4: {  	s28 =	simm.s32 $0x6800;
	s29 =	simm.s32 $0x1;
	s30 =	simm.s32 $0x2  }
0x5: {  	s2 =	sand.u32 $0x1, s2;
	[smem:$0x7FF] =	sst s3;
	s6 =	smul.u32 $0x13C00, s9  }
0x6: {  	s4 =	sadd.s32 $0x1A000, s0;
	s7 =	sadd.s32 $0xF600, s0;
	s21 =	smul.u32 $0x4F000, s9  }
0x7: {  	s18 =	sadd.s32 $0x4C00, s0;
	s22 =	sshll.u32 s9, $0x3;
	s5 =	smul.u32 $0x13C000, s2  }
0x8: {  	_ =	strace $0x80000050;
	s20 =	ssub.s32 $0x2, s2;
	p0 =	seq.s32 s2, $0x1  }
0x9: {  	s2 =	smul.u32 $0x98, s9;
	s8 =	sshrl.u32 s20, $0x1;
	s17 =	simm.s32 @!p0 $0x98  }
0xa: {  	s5 =	sadd.s32 s6, s5;
	s6 =	ssub.s32 s20, s8;
	s8 =	sor.u32 $0x980, s22  }
0xb: {  	s12 =	smin.u32 s17, $0x28;
	s13 =	smax.u32 s17, $0x28;
	s15 =	smax.u32 s17, $0x50  }
0xc: {  	s17 =	smax.u32 s17, $0x78;
	s5 =	sshrl.u32 s5, $0x3;
	s2 =	smov.u32 @p0 s8  }
0xd: {  	s12 =	sshrl.u32 s12, $0x1;
	s13 =	smin.u32 s13, $0x50;
	s15 =	smin.u32 s15, $0x78  }
0xe: {  	s19 =	sadd.s32 $0xFFFFFF88, s17;
	s0 =	sadd.s32 s5, s0;
	s5 =	sshrl.u32 s21, $0x2  }
0xf: {  	s2 =	sshll.u32 s2, $0x4;
	s31 =	sshrl.u32 s19, $0x1;
	s5 =	sadd.s32 s5, s1  }
0x10: {  	s10 =	sadd.s32 s7, s2;
	s11 =	sadd.s32 s18, s2;
	s14 =	sadd.s32 $0x280, s2  }
0x11: {  	s16 =	sadd.s32 $0x500, s2;
	s2 =	sadd.s32 $0x780, s2;
	s23 =	sadd.s32 $0x4000, s5  }
0x12: {  	s19 =	sadd.s32 $0xB8000, s0;
	s24 =	sadd.s32 $0x8000, s5;
	[dreg:$0x3] =	wrdreg s23  }
0x13: {  	s22 =	smax.u32 s31, $0x1;
	s25 =	sadd.s32 $0xC000, s5;
	[dreg:$0x4] =	wrdreg s24  }
0x14: {  	s9 =	sadd.s32 $0x10000, s5;
	s17 =	sadd.s32 s7, s2;
	[dreg:$0x5] =	wrdreg s25  }
0x15: {  	s24 =	sadd.s32 $0xFFFFFFD8, s13;
	s13 =	sadd.s32 s7, s14;
	s14 =	sadd.s32 s18, s14  }
.Ltmp0:
0x16: {  	s25 =	sadd.s32 $0xFFFFFFB0, s15;
	s15 =	sadd.s32 s7, s16;
	(pc) =	sbr.rel .LBB2_1-.Ltmp0, $4  }
0x17: {  	s16 =	sadd.s32 s18, s16;
	s18 =	sadd.s32 s18, s2;
	s23 =	smax.u32 s6, $0x1  }
0x18: {  	s20 =	sshrl.u32 s24, $0x1;
	s26 =	sshrl.u32 s25, $0x1;
	p1 =	seq.s32 s24, $0x0  }
0x19: {  	s24 =	simm.s32 $0x2800;
	p2 =	seq.s32 s25, $0x0;
	s25 =	simm.s32 $0x3  }
0x1a: {  	v0 =	vimm.f32 $0.0e+00;
	s20 =	smax.u32 s20, $0x1;
	s21 =	smax.u32 s26, $0x1;
	s26 =	simm.s32 $0x80  }
.LBB2_16:
0x1b: {  	[sflag:s25] =	ssyncadd.s32 $0xFFFFC000  }
.LBB2_17:
0x1c: {  	s0 =	stileid.u32;
	s3 =	sadd.s32 $0x1, s3  }
0x1d: {  	[bflag:$0x0] =	sbarrier.arrive $0xFFFF;
	s0 =	sshll.u32 s0, $0x6;
	p3 =	sne.s32 s3, s23  }
.Ltmp1:
0x1e: {  	s2 =	sshrl.u32 s5, $0x3;
	s0 =	sor.u32 $0x1C03, s0;
	(pc) =	sbr.rel @!p3 .LBB2_18-.Ltmp1, $4  }
0x1f: {  	[hbm:s19], [sflag:s0] =	dma.local [spmem:s2], $0x2780  }
0x20: {  	_ =	swait.ge [sflag:s25], $0x2780  }
0x21: {  	[sflag:s25] =	ssyncset.done $0x0  }
0x22: {  	[sflag:s25] =	ssyncadd.s32 $0xFFFFD880  }
.LBB2_1:
0x23: {  	s0 =	simm.s32 $0x0;
	s2 =	simm.s32 $0x200  }
.LBB2_2:
0x24: {  	p3 =	sne.s32 s2, $0xFE00;
	[tilespmem:s0+$0x2870] =	vst v0  }
0x25: {  	[tilespmem:s0+$0x2800] =	vst v0  }
0x26: {  	[tilespmem:s0+$0x2810] =	vst v0  }
.Ltmp2:
0x27: {  	[tilespmem:s0+$0x2820] =	vst v0;
	(pc) =	sbr.rel @p3 .LBB2_2-.Ltmp2, $4  }
0x28: {  	[tilespmem:s0+$0x2830] =	vst v0  }
0x29: {  	[tilespmem:s0+$0x2840] =	vst v0  }
0x2a: {  	[tilespmem:s0+$0x2850] =	vst v0  }
0x2b: {  	[tilespmem:s0+$0x2860] =	vst v0;
	s0 =	sshra.s32 s2, $0x2;
	s2 =	sadd.s32 $0x200, s2  }
0x2c: {  	[tilespmem:s0+$0x2870] =	vst v0  }
0x2d: {  	[tilespmem:s0+$0x2800] =	vst v0  }
0x2e: {  	[tilespmem:s0+$0x2810] =	vst v0  }
0x2f: {  	[tilespmem:s0+$0x2820] =	vst v0  }
0x30: {  	[tilespmem:s0+$0x2830] =	vst v0  }
0x31: {  	[tilespmem:s0+$0x2840] =	vst v0  }
0x32: {  	[tilespmem:s0+$0x2850] =	vst v0  }
0x33: {  	[tilespmem:s0+$0x2860] =	vst v0  }
0x34: {  	[spmem:s5] =	stream.linear.scatter [tilespmem:s24], [sflag:$0x3], $0x4000, $0x38;
	[tilespmem:$0x1E400] =	vst v63  }
0x35: {  	_ =	swait.ge [sflag:s25], $0x4000  }
0x36: {  	[sflag:s25] =	ssyncset.done $0x0  }
0x37: {  	s2 =	rddreg [dreg:$0x3];
	[sflag:s25] =	ssyncadd.s32 $0xFFFFC000  }
0x38: {  	[spmem:s2] =	stream.linear.scatter [tilespmem:s24], [sflag:$0x3], $0x4000, $0x38;
	[tilespmem:$0x1E400] =	vst v63  }
0x39: {  	_ =	swait.ge [sflag:s25], $0x4000  }
0x3a: {  	[sflag:s25] =	ssyncset.done $0x0  }
0x3b: {  	s6 =	rddreg [dreg:$0x4];
	[sflag:s25] =	ssyncadd.s32 $0xFFFFC000  }
0x3c: {  	[spmem:s6] =	stream.linear.scatter [tilespmem:s24], [sflag:$0x3], $0x4000, $0x38;
	[tilespmem:$0x1E400] =	vst v63  }
0x3d: {  	_ =	swait.ge [sflag:s25], $0x4000  }
0x3e: {  	[sflag:s25] =	ssyncset.done $0x0  }
0x3f: {  	s7 =	rddreg [dreg:$0x5];
	[sflag:s25] =	ssyncadd.s32 $0xFFFFC000  }
0x40: {  	[spmem:s7] =	stream.linear.scatter [tilespmem:s24], [sflag:$0x3], $0x4000, $0x38;
	[tilespmem:$0x1E400] =	vst v63  }
0x41: {  	_ =	swait.ge [sflag:s25], $0x4000  }
0x42: {  	[sflag:s25] =	ssyncset.done $0x0  }
0x43: {  	[sflag:s25] =	ssyncadd.s32 $0xFFFFC000  }
0x44: {  	[spmem:s9] =	stream.linear.scatter [tilespmem:s24], [sflag:$0x3], $0x3C00, $0x38;
	[tilespmem:$0x1E400] =	vst v63  }
0x45: {  	_ =	swait.ge [sflag:s25], $0x3C00  }
0x46: {  	[sflag:s25] =	ssyncset.done $0x0  }
0x47: {  	[sflag:s25] =	ssyncadd.s32 $0xFFFFC400  }
0x48: {  	s31 =	simm.s32 $0x0;
	[bflag:$0x0] =	sbarrier.arrive $0xFFFF  }
0x49: {  	[tilespmem:s31], [sflag:$0x3] =	stream.linear.gather [hbm4b:s10+s31], $0x1400, $0x38;
	[tilespmem:$0x1E400] =	vst v63  }
0x4a: {  	_ =	swait.ge [sflag:s25], $0x1400  }
0x4b: {  	[sflag:s25] =	ssyncset.done $0x0  }
0x4c: {  	s0 =	simm.s32 $0x1400;
	[sflag:s25] =	ssyncadd.s32 $0xFFFFEC00  }
0x4d: {  	[tilespmem:s0], [sflag:$0x3] =	stream.linear.gather [hbm4b:s11+s31], $0x1400, $0x38;
	[tilespmem:$0x1E400] =	vst v63  }
0x4e: {  	_ =	swait.ge [sflag:s25], $0x1400  }
0x4f: {  	[sflag:s25] =	ssyncset.done $0x0  }
0x50: {  	[sflag:s25] =	ssyncadd.s32 $0xFFFFEC00  }
0x51: {  	[tilespmem:s24], [sflag:$0x1] =	stream.indirect.gather [hbm4b:s4+s26], $0x80, s31, s26, $0xb8;
	[tilespmem:$0x1E400] =	vst v63  }
0x52: {  	s2 =	simm.s32 $0x80  }
0x53: {  	[tilespmem:s28], [sflag:$0x2] =	stream.indirect.gather [hbm4b:s4+s26], $0x80, s2, s26, $0xb8;
	[tilespmem:$0x1E400] =	vst v63  }
0x54: {  	_ =	swait.ge [sflag:s29], $0x4000  }
0x55: {  	[sflag:s29] =	ssyncset.done $0x0  }
0x56: {  	[sflag:s29] =	ssyncadd.s32 $0xFFFFC000  }
0x57: {  	[spmem:s1] =	stream.indirect.scatter.add.f32 [tilespmem:s24], [sflag:$0x3], $0x80, s0, s26, $0xb8;
	[tilespmem:$0x1E400] =	vst v63  }
0x58: {  	_ =	swait.ge [sflag:s25], $0x4000  }
0x59: {  	[sflag:s25] =	ssyncset.done $0x0  }
0x5a: {  	[sflag:s25] =	ssyncadd.s32 $0xFFFFC000  }
0x5b: {  	p3 =	sne.s32 s12, $0x1;
	_ =	swait.ge [sflag:s30], $0x4000  }
.Ltmp3:
0x5c: {  	[sflag:s30] =	ssyncset.done $0x0;
	(pc) =	sbr.rel @!p3 .LBB2_5-.Ltmp3, $4  }
0x5d: {  	s8 =	simm.s32 $0x1480;
	[sflag:s30] =	ssyncadd.s32 $0xFFFFC000  }
0x5e: {  	[spmem:s1] =	stream.indirect.scatter.add.f32 [tilespmem:s28], [sflag:$0x3], $0x80, s8, s26, $0xb8;
	[tilespmem:$0x1E400] =	vst v63  }
0x5f: {  	s6 =	simm.s32 $0x0;
	_ =	swait.ge [sflag:s25], $0x4000  }
0x60: {  	s7 =	simm.s32 $0x1400;
	s2 =	sadd.s32 $0xFFFFFFFF, s12;
	[sflag:s25] =	ssyncset.done $0x0  }
.LBB2_4:
0x61: {  	[sflag:s25] =	ssyncadd.s32 $0xFFFFC000;
	s6 =	sadd.s32 $0x100, s6;
	s7 =	sadd.s32 $0x100, s7  }
0x62: {  	[tilespmem:s24], [sflag:$0x1] =	stream.indirect.gather [hbm4b:s4+s26], $0x80, s6, s26, $0xb8;
	[tilespmem:$0x1E400] =	vst v63  }
0x63: {  	p3 =	sne.s32 s2, $0x1;
	s2 =	sadd.s32 $0xFFFFFFFF, s2;
	s8 =	sadd.s32 $0x80, s6  }
0x64: {  	[tilespmem:s28], [sflag:$0x2] =	stream.indirect.gather [hbm4b:s4+s26], $0x80, s8, s26, $0xb8;
	[tilespmem:$0x1E400] =	vst v63  }
0x65: {  	_ =	swait.ge [sflag:s29], $0x4000  }
0x66: {  	[sflag:s29] =	ssyncset.done $0x0  }
0x67: {  	[sflag:s29] =	ssyncadd.s32 $0xFFFFC000  }
0x68: {  	[spmem:s1] =	stream.indirect.scatter.add.f32 [tilespmem:s24], [sflag:$0x3], $0x80, s7, s26, $0xb8;
	[tilespmem:$0x1E400] =	vst v63  }
0x69: {  	_ =	swait.ge [sflag:s25], $0x4000  }
0x6a: {  	[sflag:s25] =	ssyncset.done $0x0  }
0x6b: {  	[sflag:s25] =	ssyncadd.s32 $0xFFFFC000  }
0x6c: {  	_ =	swait.ge [sflag:s30], $0x4000  }
.Ltmp4:
0x6d: {  	[sflag:s30] =	ssyncset.done $0x0;
	(pc) =	sbr.rel @p3 .LBB2_4-.Ltmp4, $4  }
0x6e: {  	s8 =	sadd.s32 $0x80, s7;
	[sflag:s30] =	ssyncadd.s32 $0xFFFFC000  }
0x6f: {  	[spmem:s1] =	stream.indirect.scatter.add.f32 [tilespmem:s28], [sflag:$0x3], $0x80, s8, s26, $0xb8;
	[tilespmem:$0x1E400] =	vst v63  }
0x70: {  	_ =	swait.ge [sflag:s25], $0x4000  }
0x71: {  	[sflag:s25] =	ssyncset.done $0x0  }
.LBB2_5:
0x72: {  	[sflag:s25] =	ssyncadd.s32 $0xFFFFC000  }
0x73: {  	[tilespmem:s31], [sflag:$0x3] =	stream.linear.gather [hbm4b:s13+s31], $0x1400, $0x38;
	[tilespmem:$0x1E400] =	vst v63  }
0x74: {  	_ =	swait.ge [sflag:s25], $0x1400  }
0x75: {  	[sflag:s25] =	ssyncset.done $0x0  }
.Ltmp5:
0x76: {  	[sflag:s25] =	ssyncadd.s32 $0xFFFFEC00;
	(pc) =	sbr.rel @p1 .LBB2_9-.Ltmp5, $4  }
0x77: {  	[tilespmem:s0], [sflag:$0x3] =	stream.linear.gather [hbm4b:s14+s31], $0x1400, $0x38;
	[tilespmem:$0x1E400] =	vst v63  }
0x78: {  	_ =	swait.ge [sflag:s25], $0x1400  }
0x79: {  	[sflag:s25] =	ssyncset.done $0x0  }
0x7a: {  	[sflag:s25] =	ssyncadd.s32 $0xFFFFEC00  }
0x7b: {  	[tilespmem:s24], [sflag:$0x1] =	stream.indirect.gather [hbm4b:s4+s26], $0x80, s31, s26, $0xb8;
	[tilespmem:$0x1E400] =	vst v63  }
0x7c: {  	s2 =	sadd.s32 $0x80, s31  }
0x7d: {  	[tilespmem:s28], [sflag:$0x2] =	stream.indirect.gather [hbm4b:s4+s26], $0x80, s2, s26, $0xb8;
	[tilespmem:$0x1E400] =	vst v63  }
0x7e: {  	_ =	swait.ge [sflag:s29], $0x4000  }
0x7f: {  	[sflag:s29] =	ssyncset.done $0x0  }
0x80: {  	[sflag:s29] =	ssyncadd.s32 $0xFFFFC000  }
0x81: {  	[spmem:s1] =	stream.indirect.scatter.add.f32 [tilespmem:s24], [sflag:$0x3], $0x80, s0, s26, $0xb8;
	[tilespmem:$0x1E400] =	vst v63  }
0x82: {  	_ =	swait.ge [sflag:s25], $0x4000  }
0x83: {  	[sflag:s25] =	ssyncset.done $0x0  }
0x84: {  	[sflag:s25] =	ssyncadd.s32 $0xFFFFC000  }
0x85: {  	p3 =	sne.s32 s20, $0x1;
	_ =	swait.ge [sflag:s30], $0x4000  }
.Ltmp6:
0x86: {  	[sflag:s30] =	ssyncset.done $0x0;
	(pc) =	sbr.rel @!p3 .LBB2_8-.Ltmp6, $4  }
0x87: {  	s8 =	sadd.s32 $0x80, s0;
	[sflag:s30] =	ssyncadd.s32 $0xFFFFC000  }
0x88: {  	[spmem:s1] =	stream.indirect.scatter.add.f32 [tilespmem:s28], [sflag:$0x3], $0x80, s8, s26, $0xb8;
	[tilespmem:$0x1E400] =	vst v63  }
0x89: {  	_ =	swait.ge [sflag:s25], $0x4000  }
0x8a: {  	s2 =	sadd.s32 $0xFFFFFFFF, s20;
	[sflag:s25] =	ssyncset.done $0x0  }
.LBB2_7:
0x8b: {  	[sflag:s25] =	ssyncadd.s32 $0xFFFFC000;
	s31 =	sadd.s32 $0x100, s31;
	s0 =	sadd.s32 $0x100, s0  }
0x8c: {  	[tilespmem:s24], [sflag:$0x1] =	stream.indirect.gather [hbm4b:s4+s26], $0x80, s31, s26, $0xb8;
	[tilespmem:$0x1E400] =	vst v63  }
0x8d: {  	p3 =	sne.s32 s2, $0x1;
	s2 =	sadd.s32 $0xFFFFFFFF, s2;
	s6 =	sadd.s32 $0x80, s31  }
0x8e: {  	[tilespmem:s28], [sflag:$0x2] =	stream.indirect.gather [hbm4b:s4+s26], $0x80, s6, s26, $0xb8;
	[tilespmem:$0x1E400] =	vst v63  }
0x8f: {  	_ =	swait.ge [sflag:s29], $0x4000  }
0x90: {  	[sflag:s29] =	ssyncset.done $0x0  }
0x91: {  	[sflag:s29] =	ssyncadd.s32 $0xFFFFC000  }
0x92: {  	[spmem:s1] =	stream.indirect.scatter.add.f32 [tilespmem:s24], [sflag:$0x3], $0x80, s0, s26, $0xb8;
	[tilespmem:$0x1E400] =	vst v63  }
0x93: {  	_ =	swait.ge [sflag:s25], $0x4000  }
0x94: {  	[sflag:s25] =	ssyncset.done $0x0  }
0x95: {  	[sflag:s25] =	ssyncadd.s32 $0xFFFFC000  }
0x96: {  	_ =	swait.ge [sflag:s30], $0x4000  }
.Ltmp7:
0x97: {  	[sflag:s30] =	ssyncset.done $0x0;
	(pc) =	sbr.rel @p3 .LBB2_7-.Ltmp7, $4  }
0x98: {  	s6 =	sadd.s32 $0x80, s0;
	[sflag:s30] =	ssyncadd.s32 $0xFFFFC000  }
0x99: {  	[spmem:s1] =	stream.indirect.scatter.add.f32 [tilespmem:s28], [sflag:$0x3], $0x80, s6, s26, $0xb8;
	[tilespmem:$0x1E400] =	vst v63  }
0x9a: {  	_ =	swait.ge [sflag:s25], $0x4000  }
0x9b: {  	[sflag:s25] =	ssyncset.done $0x0  }
.LBB2_8:
0x9c: {  	[sflag:s25] =	ssyncadd.s32 $0xFFFFC000  }
.LBB2_9:
0x9d: {  	s0 =	simm.s32 $0x0  }
0x9e: {  	[tilespmem:s0], [sflag:$0x3] =	stream.linear.gather [hbm4b:s15+s0], $0x1400, $0x38;
	[tilespmem:$0x1E400] =	vst v63  }
0x9f: {  	_ =	swait.ge [sflag:s25], $0x1400  }
0xa0: {  	[sflag:s25] =	ssyncset.done $0x0  }
.Ltmp8:
0xa1: {  	s31 =	simm.s32 $0x1400;
	[sflag:s25] =	ssyncadd.s32 $0xFFFFEC00;
	(pc) =	sbr.rel @p2 .LBB2_13-.Ltmp8, $4  }
0xa2: {  	[tilespmem:s31], [sflag:$0x3] =	stream.linear.gather [hbm4b:s16+s0], $0x1400, $0x38;
	[tilespmem:$0x1E400] =	vst v63  }
0xa3: {  	_ =	swait.ge [sflag:s25], $0x1400  }
0xa4: {  	[sflag:s25] =	ssyncset.done $0x0  }
0xa5: {  	[sflag:s25] =	ssyncadd.s32 $0xFFFFEC00  }
0xa6: {  	[tilespmem:s24], [sflag:$0x1] =	stream.indirect.gather [hbm4b:s4+s26], $0x80, s0, s26, $0xb8;
	[tilespmem:$0x1E400] =	vst v63  }
0xa7: {  	s2 =	sadd.s32 $0x80, s0  }
0xa8: {  	[tilespmem:s28], [sflag:$0x2] =	stream.indirect.gather [hbm4b:s4+s26], $0x80, s2, s26, $0xb8;
	[tilespmem:$0x1E400] =	vst v63  }
0xa9: {  	_ =	swait.ge [sflag:s29], $0x4000  }
0xaa: {  	[sflag:s29] =	ssyncset.done $0x0  }
0xab: {  	[sflag:s29] =	ssyncadd.s32 $0xFFFFC000  }
0xac: {  	[spmem:s1] =	stream.indirect.scatter.add.f32 [tilespmem:s24], [sflag:$0x3], $0x80, s31, s26, $0xb8;
	[tilespmem:$0x1E400] =	vst v63  }
0xad: {  	_ =	swait.ge [sflag:s25], $0x4000  }
0xae: {  	[sflag:s25] =	ssyncset.done $0x0  }
0xaf: {  	[sflag:s25] =	ssyncadd.s32 $0xFFFFC000  }
0xb0: {  	p3 =	sne.s32 s21, $0x1;
	_ =	swait.ge [sflag:s30], $0x4000  }
.Ltmp9:
0xb1: {  	[sflag:s30] =	ssyncset.done $0x0;
	(pc) =	sbr.rel @!p3 .LBB2_12-.Ltmp9, $4  }
0xb2: {  	s8 =	sadd.s32 $0x80, s31;
	[sflag:s30] =	ssyncadd.s32 $0xFFFFC000  }
0xb3: {  	[spmem:s1] =	stream.indirect.scatter.add.f32 [tilespmem:s28], [sflag:$0x3], $0x80, s8, s26, $0xb8;
	[tilespmem:$0x1E400] =	vst v63  }
0xb4: {  	_ =	swait.ge [sflag:s25], $0x4000  }
0xb5: {  	s2 =	sadd.s32 $0xFFFFFFFF, s21;
	[sflag:s25] =	ssyncset.done $0x0  }
.LBB2_11:
0xb6: {  	[sflag:s25] =	ssyncadd.s32 $0xFFFFC000;
	s0 =	sadd.s32 $0x100, s0;
	s31 =	sadd.s32 $0x100, s31  }
0xb7: {  	[tilespmem:s24], [sflag:$0x1] =	stream.indirect.gather [hbm4b:s4+s26], $0x80, s0, s26, $0xb8;
	[tilespmem:$0x1E400] =	vst v63  }
0xb8: {  	p3 =	sne.s32 s2, $0x1;
	s2 =	sadd.s32 $0xFFFFFFFF, s2;
	s6 =	sadd.s32 $0x80, s0  }
0xb9: {  	[tilespmem:s28], [sflag:$0x2] =	stream.indirect.gather [hbm4b:s4+s26], $0x80, s6, s26, $0xb8;
	[tilespmem:$0x1E400] =	vst v63  }
0xba: {  	_ =	swait.ge [sflag:s29], $0x4000  }
0xbb: {  	[sflag:s29] =	ssyncset.done $0x0  }
0xbc: {  	[sflag:s29] =	ssyncadd.s32 $0xFFFFC000  }
0xbd: {  	[spmem:s1] =	stream.indirect.scatter.add.f32 [tilespmem:s24], [sflag:$0x3], $0x80, s31, s26, $0xb8;
	[tilespmem:$0x1E400] =	vst v63  }
0xbe: {  	_ =	swait.ge [sflag:s25], $0x4000  }
0xbf: {  	[sflag:s25] =	ssyncset.done $0x0  }
0xc0: {  	[sflag:s25] =	ssyncadd.s32 $0xFFFFC000  }
0xc1: {  	_ =	swait.ge [sflag:s30], $0x4000  }
.Ltmp10:
0xc2: {  	[sflag:s30] =	ssyncset.done $0x0;
	(pc) =	sbr.rel @p3 .LBB2_11-.Ltmp10, $4  }
0xc3: {  	s6 =	sadd.s32 $0x80, s31;
	[sflag:s30] =	ssyncadd.s32 $0xFFFFC000  }
0xc4: {  	[spmem:s1] =	stream.indirect.scatter.add.f32 [tilespmem:s28], [sflag:$0x3], $0x80, s6, s26, $0xb8;
	[tilespmem:$0x1E400] =	vst v63  }
0xc5: {  	_ =	swait.ge [sflag:s25], $0x4000  }
0xc6: {  	[sflag:s25] =	ssyncset.done $0x0  }
.LBB2_12:
0xc7: {  	[sflag:s25] =	ssyncadd.s32 $0xFFFFC000  }
.LBB2_13:
0xc8: {  	s0 =	simm.s32 $0x0  }
0xc9: {  	[tilespmem:s0], [sflag:$0x3] =	stream.linear.gather [hbm4b:s17+s0], $0x1400, $0x38;
	[tilespmem:$0x1E400] =	vst v63  }
0xca: {  	_ =	swait.ge [sflag:s25], $0x1400  }
0xcb: {  	[sflag:s25] =	ssyncset.done $0x0  }
.Ltmp11:
0xcc: {  	s31 =	simm.s32 $0x1400;
	[sflag:s25] =	ssyncadd.s32 $0xFFFFEC00;
	(pc) =	sbr.rel @p0 .LBB2_17-.Ltmp11, $4  }
0xcd: {  	[tilespmem:s31], [sflag:$0x3] =	stream.linear.gather [hbm4b:s18+s0], $0x1400, $0x38;
	[tilespmem:$0x1E400] =	vst v63  }
0xce: {  	_ =	swait.ge [sflag:s25], $0x1400  }
0xcf: {  	[sflag:s25] =	ssyncset.done $0x0  }
0xd0: {  	[sflag:s25] =	ssyncadd.s32 $0xFFFFEC00  }
0xd1: {  	[tilespmem:s24], [sflag:$0x1] =	stream.indirect.gather [hbm4b:s4+s26], $0x80, s0, s26, $0xb8;
	[tilespmem:$0x1E400] =	vst v63  }
0xd2: {  	s2 =	sadd.s32 $0x80, s0  }
0xd3: {  	[tilespmem:s28], [sflag:$0x2] =	stream.indirect.gather [hbm4b:s4+s26], $0x80, s2, s26, $0xb8;
	[tilespmem:$0x1E400] =	vst v63  }
0xd4: {  	_ =	swait.ge [sflag:s29], $0x4000  }
0xd5: {  	[sflag:s29] =	ssyncset.done $0x0  }
0xd6: {  	[sflag:s29] =	ssyncadd.s32 $0xFFFFC000  }
0xd7: {  	[spmem:s1] =	stream.indirect.scatter.add.f32 [tilespmem:s24], [sflag:$0x3], $0x80, s31, s26, $0xb8;
	[tilespmem:$0x1E400] =	vst v63  }
0xd8: {  	_ =	swait.ge [sflag:s25], $0x4000  }
0xd9: {  	[sflag:s25] =	ssyncset.done $0x0  }
0xda: {  	[sflag:s25] =	ssyncadd.s32 $0xFFFFC000  }
0xdb: {  	p3 =	sne.s32 s22, $0x1;
	_ =	swait.ge [sflag:s30], $0x4000  }
.Ltmp12:
0xdc: {  	[sflag:s30] =	ssyncset.done $0x0;
	(pc) =	sbr.rel @!p3 .LBB2_16-.Ltmp12, $4  }
0xdd: {  	s8 =	sadd.s32 $0x80, s31;
	[sflag:s30] =	ssyncadd.s32 $0xFFFFC000  }
0xde: {  	[spmem:s1] =	stream.indirect.scatter.add.f32 [tilespmem:s28], [sflag:$0x3], $0x80, s8, s26, $0xb8;
	[tilespmem:$0x1E400] =	vst v63  }
0xdf: {  	_ =	swait.ge [sflag:s25], $0x4000  }
0xe0: {  	s2 =	sadd.s32 $0xFFFFFFFF, s22;
	[sflag:s25] =	ssyncset.done $0x0  }
.LBB2_15:
0xe1: {  	[sflag:s25] =	ssyncadd.s32 $0xFFFFC000;
	s0 =	sadd.s32 $0x100, s0;
	s31 =	sadd.s32 $0x100, s31  }
0xe2: {  	[tilespmem:s24], [sflag:$0x1] =	stream.indirect.gather [hbm4b:s4+s26], $0x80, s0, s26, $0xb8;
	[tilespmem:$0x1E400] =	vst v63  }
0xe3: {  	p3 =	sne.s32 s2, $0x1;
	s2 =	sadd.s32 $0xFFFFFFFF, s2;
	s6 =	sadd.s32 $0x80, s0  }
0xe4: {  	[tilespmem:s28], [sflag:$0x2] =	stream.indirect.gather [hbm4b:s4+s26], $0x80, s6, s26, $0xb8;
	[tilespmem:$0x1E400] =	vst v63  }
0xe5: {  	_ =	swait.ge [sflag:s29], $0x4000  }
0xe6: {  	[sflag:s29] =	ssyncset.done $0x0  }
0xe7: {  	[sflag:s29] =	ssyncadd.s32 $0xFFFFC000  }
0xe8: {  	[spmem:s1] =	stream.indirect.scatter.add.f32 [tilespmem:s24], [sflag:$0x3], $0x80, s31, s26, $0xb8;
	[tilespmem:$0x1E400] =	vst v63  }
0xe9: {  	_ =	swait.ge [sflag:s25], $0x4000  }
0xea: {  	[sflag:s25] =	ssyncset.done $0x0  }
0xeb: {  	[sflag:s25] =	ssyncadd.s32 $0xFFFFC000  }
0xec: {  	_ =	swait.ge [sflag:s30], $0x4000  }
.Ltmp13:
0xed: {  	[sflag:s30] =	ssyncset.done $0x0;
	(pc) =	sbr.rel @p3 .LBB2_15-.Ltmp13, $4  }
0xee: {  	s6 =	sadd.s32 $0x80, s31;
	[sflag:s30] =	ssyncadd.s32 $0xFFFFC000  }
0xef: {  	[spmem:s1] =	stream.indirect.scatter.add.f32 [tilespmem:s28], [sflag:$0x3], $0x80, s6, s26, $0xb8;
	[tilespmem:$0x1E400] =	vst v63  }
0xf0: {  	_ =	swait.ge [sflag:s25], $0x4000  }
0xf1: {  	[sflag:s25] =	ssyncset.done $0x0  }
.Ltmp14:
0xf2: {  	_ = 	snop;
	(pc) =	sbr.rel .LBB2_16-.Ltmp14, $1  }
0xf3: {  	_ =	sdelay $0x3  }
.LBB2_18:
0xf4: {  	_ =	sfence.sel $0x180000  }
0xf5: {  	[bflag:$0x0] =	sbarrier.arrive $0xFFFF  }
0xf6: {  	_ =	strace $0x90000050  }
0xf7: {  	s0 =	stileid.u32;
	[bflag:$0x2] =	sbarrier.arrive $0xFFFF  }
0xf8: {  	p0 =	sne.s32 s0, $0x0;
	s0 =	rddreg [dreg:$0x2]  }
0xf9: {  	s0 =	sadd.s32 @!p0 $0x100000, s0  }
0xfa: {  	[sflag:s0] =	ssyncadd.tile.s32 @!p0 $0x1;
	_ =	shalt  }
.Lfunc_end2:
_tile_overlayer_lowered:
.L_overlay_start_2:
0xfb: {  	(tag) =	ssettag $0x2  }
0xfc: {  	s0 =	rddreg [dreg:$0x0];
	s2 =	stileid.u32  }
0xfd: {  	s1 =	rddreg [dreg:$0x1];
	p0 =	sne.s32 s2, $0x0  }
0xfe: {  	s3 =	rddreg [dreg:$0x2];
	[bflag:$0x3] =	sbarrier.arrive $0xFFFF;
	s2 =	simm.s32 @!p0 $0x1C03  }
0xff: {  	[timem:s3], [sflag:s2] =	dma.local @!p0 [hbm:s0], s1  }
0x100: {  	s0 =	simm.s32 @!p0 $0x3  }
0x101: {  	_ =	swait.ge @!p0 [sflag:s0], s1  }
0x102: {  	s1 =	ssub.s32 @!p0 $0x0, s1;
	[sflag:s0] =	ssyncset.done @!p0 $0x0  }
0x103: {  	[sflag:s0] =	ssyncadd.s32 @!p0 s1  }
0x104: {  	[bflag:$0x3] =	sbarrier.arrive $0xFFFF  }
0x105: {  	_ =	shalt  }

</sc_bundles>
